<compile_context>
chip_gen: v7x
topology: tpu7x:2x2x1
jax: 0.10.2.dev20260603
libtpu: 0.0.44.dev20260713+nightly
codegen_flags: <defaults>
</compile_context>

<pallas_src>
import functools

import jax
import jax.numpy as jnp
from jax import lax
from jax.experimental import pallas as pl
from jax.experimental.pallas import tpu as pltpu
from jax.experimental.pallas import tpu_sc as plsc

_NC = 2
_NS = 16
_NW = _NC * _NS
_CPAD = 32


_CB = 8192


def _repack_body(ut_ref, it_ref, uo_ref, io_ref):
    def pack(t_ref, o_ref):
        t = jnp.transpose(t_ref[...])
        t3 = t.reshape(_CB // 128, 128, 64)
        o_ref[:, 0:64] = t3[:, 0:64, :].reshape(-1, 64)
        o_ref[:, 64:128] = t3[:, 64:128, :].reshape(-1, 64)

    pack(ut_ref, uo_ref)
    pack(it_ref, io_ref)


def _repack(ut_t, it_t):
    N = ut_t.shape[1]
    G = (N + _CB - 1) // _CB
    grid = (G,)
    spec_in = pl.BlockSpec((64, _CB), lambda j: (0, j))
    spec_out = pl.BlockSpec((_CB // 2, 128), lambda j: (j, 0))
    return pl.pallas_call(
        _repack_body,
        grid=grid,
        in_specs=[spec_in, spec_in],
        out_specs=[spec_out, spec_out],
        out_shape=[jax.ShapeDtypeStruct((G * (_CB // 2), 128), jnp.float32)] * 2,
    )(ut_t, it_t)


def _sc_gather_and_histogram(user_table, item_table, user_idx, item_idx,
                             genre_flat):
    B = user_idx.shape[0]
    EMB = user_table.shape[1]
    NG = genre_flat.shape[0] // B
    BPW = B // _NW

    mesh = plsc.VectorSubcoreMesh(core_axis_name="c", subcore_axis_name="s")

    @functools.partial(
        pl.kernel,
        out_type=(
            jax.ShapeDtypeStruct((B, EMB), jnp.float32),
            jax.ShapeDtypeStruct((B, EMB), jnp.float32),
            jax.ShapeDtypeStruct((B * _CPAD,), jnp.float32),
        ),
        mesh=mesh,
        scratch_types=[
            pltpu.VMEM((BPW,), jnp.int32),
            pltpu.VMEM((BPW,), jnp.int32),
            pltpu.VMEM((BPW * NG,), jnp.int32),
            pltpu.VMEM((BPW, EMB), jnp.float32),
            pltpu.VMEM((BPW, EMB), jnp.float32),
            pltpu.VMEM((BPW * _CPAD,), jnp.float32),
            pltpu.SemaphoreType.DMA,
            pltpu.SemaphoreType.DMA,
        ],
        compiler_params=pltpu.CompilerParams(needs_layout_passes=False,
                                             use_tc_tiling_on_sc=False),
    )
    def k(ut_hbm, it_hbm, ui_hbm, ii_hbm, gi_hbm,
          u_out, i_out, c_out,
          ui_v, ii_v, gi_v, ur_v, ir_v, cnt_v, sem_u, sem_i):
        wid = lax.axis_index("s") * _NC + lax.axis_index("c")
        base = wid * BPW
        pltpu.sync_copy(ui_hbm.at[pl.ds(base, BPW)], ui_v)
        pltpu.sync_copy(ii_hbm.at[pl.ds(base, BPW)], ii_v)

        def lin_row(r):
            hi = jax.lax.shift_left(jax.lax.shift_right_logical(r, 7), 6)
            low = jnp.bitwise_and(r, 63)
            par = jnp.bitwise_and(jax.lax.shift_right_logical(r, 6), 1)
            return jax.lax.shift_left(hi + low, 1) + par

        for t in range(BPW // 16):
            sl = pl.ds(t * 16, 16)
            ui_v[sl] = lin_row(ui_v[sl])
            ii_v[sl] = lin_row(ii_v[sl])
        cu = pltpu.async_copy(ut_hbm.at[ui_v], ur_v, sem_u)
        ci = pltpu.async_copy(it_hbm.at[ii_v], ir_v, sem_i)
        pltpu.sync_copy(gi_hbm.at[pl.ds(base * NG, BPW * NG)], gi_v)
        zeros16 = jnp.zeros((16,), jnp.float32)
        for z in range(BPW * _CPAD // 16):
            cnt_v[pl.ds(z * 16, 16)] = zeros16
        ones16 = jnp.ones((16,), jnp.float32)
        iota16 = lax.broadcasted_iota(jnp.int32, (16,), 0)
        for g0 in range(BPW // 16):
            rows = g0 * 16 + iota16
            rowbase = rows * _CPAD
            gidx_base = rows * NG
            for j in range(NG):
                gj = plsc.load_gather(gi_v, [gidx_base + j])
                plsc.addupdate_scatter(cnt_v, [rowbase + gj], ones16)
        pltpu.sync_copy(cnt_v, c_out.at[pl.ds(base * _CPAD, BPW * _CPAD)])
        cu.wait()
        pltpu.sync_copy(ur_v, u_out.at[pl.ds(base, BPW)])
        ci.wait()
        pltpu.sync_copy(ir_v, i_out.at[pl.ds(base, BPW)])

    return k(user_table, item_table, user_idx, item_idx, genre_flat)


def _mlp_body(u, i_, c, y, gpad, w1, b1, gamma, beta, w2, b2, w3, b3, o):
    f32 = jnp.float32
    g_vec = jnp.dot(c[...], gpad[...], preferred_element_type=f32,
                    precision=jax.lax.Precision.HIGHEST) * (1.0 / 20.0)
    vector = jnp.concatenate([u[...], i_[...], g_vec, y[...]], axis=1)
    h = jnp.dot(vector, w1[...], preferred_element_type=f32) + b1[...]
    h = h / jnp.sqrt(1.0 + 1e-5) * gamma[...] + beta[...]
    h = jnp.maximum(h, 0.0)
    h2 = jnp.dot(h, w2[...], preferred_element_type=f32) + b2[...]
    h2 = jnp.maximum(h2, 0.0)
    o[...] = jnp.dot(h2, w3[...], preferred_element_type=f32) + b3[...]


def _mlp(u_rows, i_rows, counts, year2d, gpad, w1, b1, gamma, beta,
         w2, b2, w3, b3):
    B = u_rows.shape[0]
    NB = 4096
    grid = (B // NB,)
    rep = lambda s: pl.BlockSpec(s, lambda i: (0, 0))
    return pl.pallas_call(
        _mlp_body,
        grid=grid,
        in_specs=[
            pl.BlockSpec((NB, u_rows.shape[1]), lambda i: (i, 0)),
            pl.BlockSpec((NB, i_rows.shape[1]), lambda i: (i, 0)),
            pl.BlockSpec((NB, _CPAD), lambda i: (i, 0)),
            pl.BlockSpec((NB, 1), lambda i: (i, 0)),
            rep(gpad.shape), rep(w1.shape),
            rep(b1.shape), rep(gamma.shape), rep(beta.shape),
            rep(w2.shape), rep(b2.shape), rep(w3.shape), rep(b3.shape),
        ],
        out_specs=pl.BlockSpec((NB, 1), lambda i: (i, 0)),
        out_shape=jax.ShapeDtypeStruct((B, 1), jnp.float32),
    )(u_rows, i_rows, counts, year2d, gpad, w1, b1, gamma, beta,
      w2, b2, w3, b3)


def kernel(user_idx, item_idx, genre_indices, year, user_table, item_table,
           genre_table, W1, b1, gamma, beta, W2, b2, W3, b3):
    B = user_idx.shape[0]
    EMB = user_table.shape[1]

    packed_u, packed_i = _repack(user_table.T, item_table.T)
    lin_u = packed_u.reshape(-1, EMB)
    lin_i = packed_i.reshape(-1, EMB)

    u_rows, i_rows, counts_flat = _sc_gather_and_histogram(
        lin_u, lin_i,
        user_idx.astype(jnp.int32), item_idx.astype(jnp.int32),
        genre_indices.astype(jnp.int32).reshape(-1))
    counts = counts_flat.reshape(B, _CPAD)

    gpad = jnp.zeros((_CPAD, EMB), jnp.float32).at[:genre_table.shape[0]].set(
        genre_table)

    pred = _mlp(u_rows, i_rows, counts, year.reshape(B, 1), gpad, W1,
                b1.reshape(1, -1), gamma.reshape(1, -1), beta.reshape(1, -1),
                W2, b2.reshape(1, -1), W3, b3.reshape(1, 1))
    return pred.reshape(B)

# --- scband reference (transcript-rebuilt; emitter-appended) ---
"""Pipeline reference for scband-hybrid-recommender-81844896793097 (READ-ONLY COPY).

The authoritative reference and input builder live on the scoring server;
editing this copy changes nothing except your own understanding.
"""

import jax, jax.numpy as jnp
import numpy as np

NUM_USERS = 100000
NUM_ITEMS = 100000
NUM_GENRES = 26
EMB = 64
HID = 128
B = 4096
NG = 20

def setup_inputs(seed: int = 0) -> dict:
    key = jax.random.key(seed)
    ks = jax.random.split(key, 16)
    user_idx = jax.random.randint(ks[0], (B,), 0, NUM_USERS)
    item_idx = jax.random.randint(ks[1], (B,), 0, NUM_ITEMS)
    genre_indices = jax.random.randint(ks[2], (B, NG), 0, NUM_GENRES)
    year = jax.random.uniform(ks[3], (B,), dtype=jnp.float32)
    user_table = jax.random.normal(ks[4], (NUM_USERS, EMB), dtype=jnp.float32) * 0.02
    item_table = jax.random.normal(ks[5], (NUM_ITEMS, EMB), dtype=jnp.float32) * 0.02
    genre_table = jax.random.normal(ks[6], (NUM_GENRES, EMB), dtype=jnp.float32) * 0.02
    in_dim = 3 * EMB + 1
    W1 = jax.random.normal(ks[7], (in_dim, HID), dtype=jnp.float32) * (1.0 / np.sqrt(in_dim))
    b1 = jnp.zeros((HID,), dtype=jnp.float32)
    gamma = jnp.ones((HID,), dtype=jnp.float32)
    beta = jnp.zeros((HID,), dtype=jnp.float32)
    W2 = jax.random.normal(ks[8], (HID, HID // 2), dtype=jnp.float32) * (1.0 / np.sqrt(HID))
    b2 = jnp.zeros((HID // 2,), dtype=jnp.float32)
    W3 = jax.random.normal(ks[9], (HID // 2, 1), dtype=jnp.float32) * (1.0 / np.sqrt(HID // 2))
    b3 = jnp.zeros((1,), dtype=jnp.float32)
    return {"user_idx": user_idx, "item_idx": item_idx, "genre_indices": genre_indices, "year": year,
            "user_table": user_table, "item_table": item_table, "genre_table": genre_table,
            "W1": W1, "b1": b1, "gamma": gamma, "beta": beta, "W2": W2, "b2": b2, "W3": W3, "b3": b3}

def reference(user_idx, item_idx, genre_indices, year, user_table, item_table, genre_table, W1, b1, gamma, beta, W2, b2, W3, b3):
    # embedding lookups (SparseCore gathers)
    u_vec = jnp.take(user_table, user_idx, axis=0)
    i_vec = jnp.take(item_table, item_idx, axis=0)
    g_vecs = jnp.take(genre_table, genre_indices, axis=0)  # [B, NG, EMB]
    g_vec = g_vecs.mean(axis=1)
    y_vec = year[:, None]
    vector = jnp.concatenate([u_vec, i_vec, g_vec, y_vec], axis=1)
    # Linear 1 + BatchNorm1d (eval mode: running_mean=0, running_var=1) + ReLU (dropout = identity in eval)
    h = vector @ W1 + b1
    h = (h - 0.0) / jnp.sqrt(1.0 + 1e-5) * gamma + beta
    h = jax.nn.relu(h)
    h = h @ W2 + b2
    h = jax.nn.relu(h)
    pred = h @ W3 + b3
    return pred.squeeze()

if __name__ == "__main__":
    import jax
    _d = setup_inputs()
    print(jax.jit(kernel)(*tuple(_d.values())))

</pallas_src>

<mosaic_0001>
#map = affine_map<(d0, d1) -> (0, 0)>
#map1 = affine_map<(d0, d1) -> (0)>
module attributes {stable_mosaic.version = 14 : i64} {
  func.func @k(%arg0: i32, %arg1: i32, %arg2: memref<106496x64xf32, #tpu.memory_space<hbm>>, %arg3: memref<106496x64xf32, #tpu.memory_space<hbm>>, %arg4: memref<4096xi32, #tpu.memory_space<hbm>>, %arg5: memref<4096xi32, #tpu.memory_space<hbm>>, %arg6: memref<81920xi32, #tpu.memory_space<hbm>>, %arg7: memref<4096x64xf32, #tpu.memory_space<hbm>>, %arg8: memref<4096x64xf32, #tpu.memory_space<hbm>>, %arg9: memref<131072xf32, #tpu.memory_space<hbm>>, %arg10: memref<128xi32, #tpu.memory_space<vmem>>, %arg11: memref<128xi32, #tpu.memory_space<vmem>>, %arg12: memref<2560xi32, #tpu.memory_space<vmem>>, %arg13: memref<128x64xf32, #tpu.memory_space<vmem>>, %arg14: memref<128x64xf32, #tpu.memory_space<vmem>>, %arg15: memref<4096xf32, #tpu.memory_space<vmem>>, %arg16: memref<!tpu.dma_semaphore, #tpu.memory_space<semaphore_mem>>, %arg17: memref<!tpu.dma_semaphore, #tpu.memory_space<semaphore_mem>>) attributes {dimension_semantics = [#tpu.dimension_semantics<core_parallel>, #tpu.dimension_semantics<subcore_parallel>], iteration_bounds = array<i64: 2, 16>, scalar_prefetch = 0 : i64, scratch_operands = 8 : i64, tpu.core_type = #tpu.core_type<sc_vector_subcore>, window_params = [{transform_indices = #map}, {transform_indices = #map}, {transform_indices = #map1}, {transform_indices = #map1}, {transform_indices = #map1}, {transform_indices = #map}, {transform_indices = #map}, {transform_indices = #map1}]} {
    %mul3A = arith.constant 2 : i32
    %mul3A_0 = arith.muli %arg1, %mul3A : i32
    %add3A = arith.addi %mul3A_0, %arg0 : i32
    %mul3A_1 = arith.constant 128 : i32
    %mul3A_2 = arith.muli %add3A, %mul3A_1 : i32
    "tpu.region"() ({
      %run_scoped3A = tpu.sem_alloc : memref<!tpu.dma_semaphore, #tpu.memory_space<semaphore_mem>>
      %dma_start3A_1782 = tpu.memref_slice %arg4[%mul3A_2] : memref<4096xi32, #tpu.memory_space<hbm>> -> memref<128xi32, #tpu.memory_space<hbm>>
      %dma_start3A_1783 = tpu.memref_slice %arg4[%mul3A_2] : memref<4096xi32, #tpu.memory_space<hbm>> -> memref<128xi32, #tpu.memory_space<hbm>>
      tpu.enqueue_dma source(%dma_start3A_1783 : memref<128xi32, #tpu.memory_space<hbm>>) target(%arg10 : memref<128xi32, #tpu.memory_space<vmem>>) target_semaphore(%run_scoped3A : memref<!tpu.dma_semaphore, #tpu.memory_space<semaphore_mem>>)
      %dma_wait3A_1784 = tpu.memref_slice %arg4[%mul3A_2] : memref<4096xi32, #tpu.memory_space<hbm>> -> memref<128xi32, #tpu.memory_space<hbm>>
      %dma_wait3A_1785 = tpu.memref_slice %arg4[%mul3A_2] : memref<4096xi32, #tpu.memory_space<hbm>> -> memref<128xi32, #tpu.memory_space<hbm>>
      tpu.wait_dma2 semaphore(%run_scoped3A : memref<!tpu.dma_semaphore, #tpu.memory_space<semaphore_mem>>) src(%dma_wait3A_1785 : memref<128xi32, #tpu.memory_space<hbm>>) dst(%arg10 : memref<128xi32, #tpu.memory_space<vmem>>)
      tpu.yield
    }) : () -> ()
    "tpu.region"() ({
      %run_scoped3A = tpu.sem_alloc : memref<!tpu.dma_semaphore, #tpu.memory_space<semaphore_mem>>
      %dma_start3A_1782 = tpu.memref_slice %arg5[%mul3A_2] : memref<4096xi32, #tpu.memory_space<hbm>> -> memref<128xi32, #tpu.memory_space<hbm>>
      %dma_start3A_1783 = tpu.memref_slice %arg5[%mul3A_2] : memref<4096xi32, #tpu.memory_space<hbm>> -> memref<128xi32, #tpu.memory_space<hbm>>
      tpu.enqueue_dma source(%dma_start3A_1783 : memref<128xi32, #tpu.memory_space<hbm>>) target(%arg11 : memref<128xi32, #tpu.memory_space<vmem>>) target_semaphore(%run_scoped3A : memref<!tpu.dma_semaphore, #tpu.memory_space<semaphore_mem>>)
      %dma_wait3A_1784 = tpu.memref_slice %arg5[%mul3A_2] : memref<4096xi32, #tpu.memory_space<hbm>> -> memref<128xi32, #tpu.memory_space<hbm>>
      %dma_wait3A_1785 = tpu.memref_slice %arg5[%mul3A_2] : memref<4096xi32, #tpu.memory_space<hbm>> -> memref<128xi32, #tpu.memory_space<hbm>>
      tpu.wait_dma2 semaphore(%run_scoped3A : memref<!tpu.dma_semaphore, #tpu.memory_space<semaphore_mem>>) src(%dma_wait3A_1785 : memref<128xi32, #tpu.memory_space<hbm>>) dst(%arg11 : memref<128xi32, #tpu.memory_space<vmem>>)
      tpu.yield
    }) : () -> ()
    %get3A = arith.constant 0 : index
    %get3A_3 = tpu.vector_load %arg10[%get3A] {strides = array<i32>} : memref<128xi32, #tpu.memory_space<vmem>>, vector<16xi32>,
    %shift_right_logical3A = arith.constant 7 : i32
    %shift_right_logical3A_4 = vector.broadcast %shift_right_logical3A : i32 to vector<16xi32>
    %shift_right_logical3A_5 = arith.shrui %get3A_3, %shift_right_logical3A_4 : vector<16xi32>
    %shift_left3A = arith.constant 6 : i32
    %shift_left3A_6 = vector.broadcast %shift_left3A : i32 to vector<16xi32>
    %shift_left3A_7 = arith.shli %shift_right_logical3A_5, %shift_left3A_6 : vector<16xi32>
    %and3A = arith.constant 63 : i32
    %and3A_8 = vector.broadcast %and3A : i32 to vector<16xi32>
    %and3A_9 = arith.andi %get3A_3, %and3A_8 : vector<16xi32>
    %shift_right_logical3A_10 = arith.constant 6 : i32
    %shift_right_logical3A_11 = vector.broadcast %shift_right_logical3A_10 : i32 to vector<16xi32>
    %shift_right_logical3A_12 = arith.shrui %get3A_3, %shift_right_logical3A_11 : vector<16xi32>
    %and3A_13 = arith.constant 1 : i32
    %and3A_14 = vector.broadcast %and3A_13 : i32 to vector<16xi32>
    %and3A_15 = arith.andi %shift_right_logical3A_12, %and3A_14 : vector<16xi32>
    %add3A_16 = arith.addi %shift_left3A_7, %and3A_9 : vector<16xi32>
    %shift_left3A_17 = arith.constant 1 : i32
    %shift_left3A_18 = vector.broadcast %shift_left3A_17 : i32 to vector<16xi32>
    %shift_left3A_19 = arith.shli %add3A_16, %shift_left3A_18 : vector<16xi32>
    %add3A_20 = arith.addi %shift_left3A_19, %and3A_15 : vector<16xi32>
    %swap3A = arith.constant 0 : index
    %swap3A_21 = tpu.vector_load %arg10[%swap3A] {strides = array<i32>} : memref<128xi32, #tpu.memory_space<vmem>>, vector<16xi32>,
    tpu.vector_store %arg10[%swap3A], %add3A_20 {strides = array<i32>} : memref<128xi32, #tpu.memory_space<vmem>>, vector<16xi32>,
    %get3A_22 = arith.constant 0 : index
    %get3A_23 = tpu.vector_load %arg11[%get3A_22] {strides = array<i32>} : memref<128xi32, #tpu.memory_space<vmem>>, vector<16xi32>,
    %shift_right_logical3A_24 = arith.constant 7 : i32
    %shift_right_logical3A_25 = vector.broadcast %shift_right_logical3A_24 : i32 to vector<16xi32>
    %shift_right_logical3A_26 = arith.shrui %get3A_23, %shift_right_logical3A_25 : vector<16xi32>
    %shift_left3A_27 = arith.constant 6 : i32
    %shift_left3A_28 = vector.broadcast %shift_left3A_27 : i32 to vector<16xi32>
    %shift_left3A_29 = arith.shli %shift_right_logical3A_26, %shift_left3A_28 : vector<16xi32>
    %and3A_30 = arith.constant 63 : i32
    %and3A_31 = vector.broadcast %and3A_30 : i32 to vector<16xi32>
    %and3A_32 = arith.andi %get3A_23, %and3A_31 : vector<16xi32>
    %shift_right_logical3A_33 = arith.constant 6 : i32
    %shift_right_logical3A_34 = vector.broadcast %shift_right_logical3A_33 : i32 to vector<16xi32>
    %shift_right_logical3A_35 = arith.shrui %get3A_23, %shift_right_logical3A_34 : vector<16xi32>
    %and3A_36 = arith.constant 1 : i32
    %and3A_37 = vector.broadcast %and3A_36 : i32 to vector<16xi32>
    %and3A_38 = arith.andi %shift_right_logical3A_35, %and3A_37 : vector<16xi32>
    %add3A_39 = arith.addi %shift_left3A_29, %and3A_32 : vector<16xi32>
    %shift_left3A_40 = arith.constant 1 : i32
    %shift_left3A_41 = vector.broadcast %shift_left3A_40 : i32 to vector<16xi32>
    %shift_left3A_42 = arith.shli %add3A_39, %shift_left3A_41 : vector<16xi32>
    %add3A_43 = arith.addi %shift_left3A_42, %and3A_38 : vector<16xi32>
    %swap3A_44 = arith.constant 0 : index
    %swap3A_45 = tpu.vector_load %arg11[%swap3A_44] {strides = array<i32>} : memref<128xi32, #tpu.memory_space<vmem>>, vector<16xi32>,
    tpu.vector_store %arg11[%swap3A_44], %add3A_43 {strides = array<i32>} : memref<128xi32, #tpu.memory_space<vmem>>, vector<16xi32>,
    %get3A_46 = arith.constant 16 : index
    %get3A_47 = tpu.vector_load %arg10[%get3A_46] {strides = array<i32>} : memref<128xi32, #tpu.memory_space<vmem>>, vector<16xi32>,
    %shift_right_logical3A_48 = arith.constant 7 : i32
    %shift_right_logical3A_49 = vector.broadcast %shift_right_logical3A_48 : i32 to vector<16xi32>
    %shift_right_logical3A_50 = arith.shrui %get3A_47, %shift_right_logical3A_49 : vector<16xi32>
    %shift_left3A_51 = arith.constant 6 : i32
    %shift_left3A_52 = vector.broadcast %shift_left3A_51 : i32 to vector<16xi32>
    %shift_left3A_53 = arith.shli %shift_right_logical3A_50, %shift_left3A_52 : vector<16xi32>
    %and3A_54 = arith.constant 63 : i32
    %and3A_55 = vector.broadcast %and3A_54 : i32 to vector<16xi32>
    %and3A_56 = arith.andi %get3A_47, %and3A_55 : vector<16xi32>
    %shift_right_logical3A_57 = arith.constant 6 : i32
    %shift_right_logical3A_58 = vector.broadcast %shift_right_logical3A_57 : i32 to vector<16xi32>
    %shift_right_logical3A_59 = arith.shrui %get3A_47, %shift_right_logical3A_58 : vector<16xi32>
    %and3A_60 = arith.constant 1 : i32
    %and3A_61 = vector.broadcast %and3A_60 : i32 to vector<16xi32>
    %and3A_62 = arith.andi %shift_right_logical3A_59, %and3A_61 : vector<16xi32>
    %add3A_63 = arith.addi %shift_left3A_53, %and3A_56 : vector<16xi32>
    %shift_left3A_64 = arith.constant 1 : i32
    %shift_left3A_65 = vector.broadcast %shift_left3A_64 : i32 to vector<16xi32>
    %shift_left3A_66 = arith.shli %add3A_63, %shift_left3A_65 : vector<16xi32>
    %add3A_67 = arith.addi %shift_left3A_66, %and3A_62 : vector<16xi32>
    %swap3A_68 = arith.constant 16 : index
    %swap3A_69 = tpu.vector_load %arg10[%swap3A_68] {strides = array<i32>} : memref<128xi32, #tpu.memory_space<vmem>>, vector<16xi32>,
    tpu.vector_store %arg10[%swap3A_68], %add3A_67 {strides = array<i32>} : memref<128xi32, #tpu.memory_space<vmem>>, vector<16xi32>,
    %get3A_70 = arith.constant 16 : index
    %get3A_71 = tpu.vector_load %arg11[%get3A_70] {strides = array<i32>} : memref<128xi32, #tpu.memory_space<vmem>>, vector<16xi32>,
    %shift_right_logical3A_72 = arith.constant 7 : i32
    %shift_right_logical3A_73 = vector.broadcast %shift_right_logical3A_72 : i32 to vector<16xi32>
    %shift_right_logical3A_74 = arith.shrui %get3A_71, %shift_right_logical3A_73 : vector<16xi32>
    %shift_left3A_75 = arith.constant 6 : i32
    %shift_left3A_76 = vector.broadcast %shift_left3A_75 : i32 to vector<16xi32>
    %shift_left3A_77 = arith.shli %shift_right_logical3A_74, %shift_left3A_76 : vector<16xi32>
    %and3A_78 = arith.constant 63 : i32
    %and3A_79 = vector.broadcast %and3A_78 : i32 to vector<16xi32>
    %and3A_80 = arith.andi %get3A_71, %and3A_79 : vector<16xi32>
    %shift_right_logical3A_81 = arith.constant 6 : i32
    %shift_right_logical3A_82 = vector.broadcast %shift_right_logical3A_81 : i32 to vector<16xi32>
    %shift_right_logical3A_83 = arith.shrui %get3A_71, %shift_right_logical3A_82 : vector<16xi32>
    %and3A_84 = arith.constant 1 : i32
    %and3A_85 = vector.broadcast %and3A_84 : i32 to vector<16xi32>
    %and3A_86 = arith.andi %shift_right_logical3A_83, %and3A_85 : vector<16xi32>
    %add3A_87 = arith.addi %shift_left3A_77, %and3A_80 : vector<16xi32>
    %shift_left3A_88 = arith.constant 1 : i32
    %shift_left3A_89 = vector.broadcast %shift_left3A_88 : i32 to vector<16xi32>
    %shift_left3A_90 = arith.shli %add3A_87, %shift_left3A_89 : vector<16xi32>
    %add3A_91 = arith.addi %shift_left3A_90, %and3A_86 : vector<16xi32>
    %swap3A_92 = arith.constant 16 : index
    %swap3A_93 = tpu.vector_load %arg11[%swap3A_92] {strides = array<i32>} : memref<128xi32, #tpu.memory_space<vmem>>, vector<16xi32>,
    tpu.vector_store %arg11[%swap3A_92], %add3A_91 {strides = array<i32>} : memref<128xi32, #tpu.memory_space<vmem>>, vector<16xi32>,
    %get3A_94 = arith.constant 32 : index
    %get3A_95 = tpu.vector_load %arg10[%get3A_94] {strides = array<i32>} : memref<128xi32, #tpu.memory_space<vmem>>, vector<16xi32>,
    %shift_right_logical3A_96 = arith.constant 7 : i32
    %shift_right_logical3A_97 = vector.broadcast %shift_right_logical3A_96 : i32 to vector<16xi32>
    %shift_right_logical3A_98 = arith.shrui %get3A_95, %shift_right_logical3A_97 : vector<16xi32>
    %shift_left3A_99 = arith.constant 6 : i32
    %shift_left3A_100 = vector.broadcast %shift_left3A_99 : i32 to vector<16xi32>
    %shift_left3A_101 = arith.shli %shift_right_logical3A_98, %shift_left3A_100 : vector<16xi32>
    %and3A_102 = arith.constant 63 : i32
    %and3A_103 = vector.broadcast %and3A_102 : i32 to vector<16xi32>
    %and3A_104 = arith.andi %get3A_95, %and3A_103 : vector<16xi32>
    %shift_right_logical3A_105 = arith.constant 6 : i32
    %shift_right_logical3A_106 = vector.broadcast %shift_right_logical3A_105 : i32 to vector<16xi32>
    %shift_right_logical3A_107 = arith.shrui %get3A_95, %shift_right_logical3A_106 : vector<16xi32>
    %and3A_108 = arith.constant 1 : i32
    %and3A_109 = vector.broadcast %and3A_108 : i32 to vector<16xi32>
    %and3A_110 = arith.andi %shift_right_logical3A_107, %and3A_109 : vector<16xi32>
    %add3A_111 = arith.addi %shift_left3A_101, %and3A_104 : vector<16xi32>
    %shift_left3A_112 = arith.constant 1 : i32
    %shift_left3A_113 = vector.broadcast %shift_left3A_112 : i32 to vector<16xi32>
    %shift_left3A_114 = arith.shli %add3A_111, %shift_left3A_113 : vector<16xi32>
    %add3A_115 = arith.addi %shift_left3A_114, %and3A_110 : vector<16xi32>
    %swap3A_116 = arith.constant 32 : index
    %swap3A_117 = tpu.vector_load %arg10[%swap3A_116] {strides = array<i32>} : memref<128xi32, #tpu.memory_space<vmem>>, vector<16xi32>,
    tpu.vector_store %arg10[%swap3A_116], %add3A_115 {strides = array<i32>} : memref<128xi32, #tpu.memory_space<vmem>>, vector<16xi32>,
    %get3A_118 = arith.constant 32 : index
    %get3A_119 = tpu.vector_load %arg11[%get3A_118] {strides = array<i32>} : memref<128xi32, #tpu.memory_space<vmem>>, vector<16xi32>,
    %shift_right_logical3A_120 = arith.constant 7 : i32
    %shift_right_logical3A_121 = vector.broadcast %shift_right_logical3A_120 : i32 to vector<16xi32>
    %shift_right_logical3A_122 = arith.shrui %get3A_119, %shift_right_logical3A_121 : vector<16xi32>
    %shift_left3A_123 = arith.constant 6 : i32
    %shift_left3A_124 = vector.broadcast %shift_left3A_123 : i32 to vector<16xi32>
    %shift_left3A_125 = arith.shli %shift_right_logical3A_122, %shift_left3A_124 : vector<16xi32>
    %and3A_126 = arith.constant 63 : i32
    %and3A_127 = vector.broadcast %and3A_126 : i32 to vector<16xi32>
    %and3A_128 = arith.andi %get3A_119, %and3A_127 : vector<16xi32>
    %shift_right_logical3A_129 = arith.constant 6 : i32
    %shift_right_logical3A_130 = vector.broadcast %shift_right_logical3A_129 : i32 to vector<16xi32>
    %shift_right_logical3A_131 = arith.shrui %get3A_119, %shift_right_logical3A_130 : vector<16xi32>
    %and3A_132 = arith.constant 1 : i32
    %and3A_133 = vector.broadcast %and3A_132 : i32 to vector<16xi32>
    %and3A_134 = arith.andi %shift_right_logical3A_131, %and3A_133 : vector<16xi32>
    %add3A_135 = arith.addi %shift_left3A_125, %and3A_128 : vector<16xi32>
    %shift_left3A_136 = arith.constant 1 : i32
    %shift_left3A_137 = vector.broadcast %shift_left3A_136 : i32 to vector<16xi32>
    %shift_left3A_138 = arith.shli %add3A_135, %shift_left3A_137 : vector<16xi32>
    %add3A_139 = arith.addi %shift_left3A_138, %and3A_134 : vector<16xi32>
    %swap3A_140 = arith.constant 32 : index
    %swap3A_141 = tpu.vector_load %arg11[%swap3A_140] {strides = array<i32>} : memref<128xi32, #tpu.memory_space<vmem>>, vector<16xi32>,
    tpu.vector_store %arg11[%swap3A_140], %add3A_139 {strides = array<i32>} : memref<128xi32, #tpu.memory_space<vmem>>, vector<16xi32>,
    %get3A_142 = arith.constant 48 : index
    %get3A_143 = tpu.vector_load %arg10[%get3A_142] {strides = array<i32>} : memref<128xi32, #tpu.memory_space<vmem>>, vector<16xi32>,
    %shift_right_logical3A_144 = arith.constant 7 : i32
    %shift_right_logical3A_145 = vector.broadcast %shift_right_logical3A_144 : i32 to vector<16xi32>
    %shift_right_logical3A_146 = arith.shrui %get3A_143, %shift_right_logical3A_145 : vector<16xi32>
    %shift_left3A_147 = arith.constant 6 : i32
    %shift_left3A_148 = vector.broadcast %shift_left3A_147 : i32 to vector<16xi32>
    %shift_left3A_149 = arith.shli %shift_right_logical3A_146, %shift_left3A_148 : vector<16xi32>
    %and3A_150 = arith.constant 63 : i32
    %and3A_151 = vector.broadcast %and3A_150 : i32 to vector<16xi32>
    %and3A_152 = arith.andi %get3A_143, %and3A_151 : vector<16xi32>
    %shift_right_logical3A_153 = arith.constant 6 : i32
    %shift_right_logical3A_154 = vector.broadcast %shift_right_logical3A_153 : i32 to vector<16xi32>
    %shift_right_logical3A_155 = arith.shrui %get3A_143, %shift_right_logical3A_154 : vector<16xi32>
    %and3A_156 = arith.constant 1 : i32
    %and3A_157 = vector.broadcast %and3A_156 : i32 to vector<16xi32>
    %and3A_158 = arith.andi %shift_right_logical3A_155, %and3A_157 : vector<16xi32>
    %add3A_159 = arith.addi %shift_left3A_149, %and3A_152 : vector<16xi32>
    %shift_left3A_160 = arith.constant 1 : i32
    %shift_left3A_161 = vector.broadcast %shift_left3A_160 : i32 to vector<16xi32>
    %shift_left3A_162 = arith.shli %add3A_159, %shift_left3A_161 : vector<16xi32>
    %add3A_163 = arith.addi %shift_left3A_162, %and3A_158 : vector<16xi32>
    %swap3A_164 = arith.constant 48 : index
    %swap3A_165 = tpu.vector_load %arg10[%swap3A_164] {strides = array<i32>} : memref<128xi32, #tpu.memory_space<vmem>>, vector<16xi32>,
    tpu.vector_store %arg10[%swap3A_164], %add3A_163 {strides = array<i32>} : memref<128xi32, #tpu.memory_space<vmem>>, vector<16xi32>,
    %get3A_166 = arith.constant 48 : index
    %get3A_167 = tpu.vector_load %arg11[%get3A_166] {strides = array<i32>} : memref<128xi32, #tpu.memory_space<vmem>>, vector<16xi32>,
    %shift_right_logical3A_168 = arith.constant 7 : i32
    %shift_right_logical3A_169 = vector.broadcast %shift_right_logical3A_168 : i32 to vector<16xi32>
    %shift_right_logical3A_170 = arith.shrui %get3A_167, %shift_right_logical3A_169 : vector<16xi32>
    %shift_left3A_171 = arith.constant 6 : i32
    %shift_left3A_172 = vector.broadcast %shift_left3A_171 : i32 to vector<16xi32>
    %shift_left3A_173 = arith.shli %shift_right_logical3A_170, %shift_left3A_172 : vector<16xi32>
    %and3A_174 = arith.constant 63 : i32
    %and3A_175 = vector.broadcast %and3A_174 : i32 to vector<16xi32>
    %and3A_176 = arith.andi %get3A_167, %and3A_175 : vector<16xi32>
    %shift_right_logical3A_177 = arith.constant 6 : i32
    %shift_right_logical3A_178 = vector.broadcast %shift_right_logical3A_177 : i32 to vector<16xi32>
    %shift_right_logical3A_179 = arith.shrui %get3A_167, %shift_right_logical3A_178 : vector<16xi32>
    %and3A_180 = arith.constant 1 : i32
    %and3A_181 = vector.broadcast %and3A_180 : i32 to vector<16xi32>
    %and3A_182 = arith.andi %shift_right_logical3A_179, %and3A_181 : vector<16xi32>
    %add3A_183 = arith.addi %shift_left3A_173, %and3A_176 : vector<16xi32>
    %shift_left3A_184 = arith.constant 1 : i32
    %shift_left3A_185 = vector.broadcast %shift_left3A_184 : i32 to vector<16xi32>
    %shift_left3A_186 = arith.shli %add3A_183, %shift_left3A_185 : vector<16xi32>
    %add3A_187 = arith.addi %shift_left3A_186, %and3A_182 : vector<16xi32>
    %swap3A_188 = arith.constant 48 : index
    %swap3A_189 = tpu.vector_load %arg11[%swap3A_188] {strides = array<i32>} : memref<128xi32, #tpu.memory_space<vmem>>, vector<16xi32>,
    tpu.vector_store %arg11[%swap3A_188], %add3A_187 {strides = array<i32>} : memref<128xi32, #tpu.memory_space<vmem>>, vector<16xi32>,
    %get3A_190 = arith.constant 64 : index
    %get3A_191 = tpu.vector_load %arg10[%get3A_190] {strides = array<i32>} : memref<128xi32, #tpu.memory_space<vmem>>, vector<16xi32>,
    %shift_right_logical3A_192 = arith.constant 7 : i32
    %shift_right_logical3A_193 = vector.broadcast %shift_right_logical3A_192 : i32 to vector<16xi32>
    %shift_right_logical3A_194 = arith.shrui %get3A_191, %shift_right_logical3A_193 : vector<16xi32>
    %shift_left3A_195 = arith.constant 6 : i32
    %shift_left3A_196 = vector.broadcast %shift_left3A_195 : i32 to vector<16xi32>
    %shift_left3A_197 = arith.shli %shift_right_logical3A_194, %shift_left3A_196 : vector<16xi32>
    %and3A_198 = arith.constant 63 : i32
    %and3A_199 = vector.broadcast %and3A_198 : i32 to vector<16xi32>
    %and3A_200 = arith.andi %get3A_191, %and3A_199 : vector<16xi32>
    %shift_right_logical3A_201 = arith.constant 6 : i32
    %shift_right_logical3A_202 = vector.broadcast %shift_right_logical3A_201 : i32 to vector<16xi32>
    %shift_right_logical3A_203 = arith.shrui %get3A_191, %shift_right_logical3A_202 : vector<16xi32>
    %and3A_204 = arith.constant 1 : i32
    %and3A_205 = vector.broadcast %and3A_204 : i32 to vector<16xi32>
    %and3A_206 = arith.andi %shift_right_logical3A_203, %and3A_205 : vector<16xi32>
    %add3A_207 = arith.addi %shift_left3A_197, %and3A_200 : vector<16xi32>
    %shift_left3A_208 = arith.constant 1 : i32
    %shift_left3A_209 = vector.broadcast %shift_left3A_208 : i32 to vector<16xi32>
    %shift_left3A_210 = arith.shli %add3A_207, %shift_left3A_209 : vector<16xi32>
    %add3A_211 = arith.addi %shift_left3A_210, %and3A_206 : vector<16xi32>
    %swap3A_212 = arith.constant 64 : index
    %swap3A_213 = tpu.vector_load %arg10[%swap3A_212] {strides = array<i32>} : memref<128xi32, #tpu.memory_space<vmem>>, vector<16xi32>,
    tpu.vector_store %arg10[%swap3A_212], %add3A_211 {strides = array<i32>} : memref<128xi32, #tpu.memory_space<vmem>>, vector<16xi32>,
    %get3A_214 = arith.constant 64 : index
    %get3A_215 = tpu.vector_load %arg11[%get3A_214] {strides = array<i32>} : memref<128xi32, #tpu.memory_space<vmem>>, vector<16xi32>,
    %shift_right_logical3A_216 = arith.constant 7 : i32
    %shift_right_logical3A_217 = vector.broadcast %shift_right_logical3A_216 : i32 to vector<16xi32>
    %shift_right_logical3A_218 = arith.shrui %get3A_215, %shift_right_logical3A_217 : vector<16xi32>
    %shift_left3A_219 = arith.constant 6 : i32
    %shift_left3A_220 = vector.broadcast %shift_left3A_219 : i32 to vector<16xi32>
    %shift_left3A_221 = arith.shli %shift_right_logical3A_218, %shift_left3A_220 : vector<16xi32>
    %and3A_222 = arith.constant 63 : i32
    %and3A_223 = vector.broadcast %and3A_222 : i32 to vector<16xi32>
    %and3A_224 = arith.andi %get3A_215, %and3A_223 : vector<16xi32>
    %shift_right_logical3A_225 = arith.constant 6 : i32
    %shift_right_logical3A_226 = vector.broadcast %shift_right_logical3A_225 : i32 to vector<16xi32>
    %shift_right_logical3A_227 = arith.shrui %get3A_215, %shift_right_logical3A_226 : vector<16xi32>
    %and3A_228 = arith.constant 1 : i32
    %and3A_229 = vector.broadcast %and3A_228 : i32 to vector<16xi32>
    %and3A_230 = arith.andi %shift_right_logical3A_227, %and3A_229 : vector<16xi32>
    %add3A_231 = arith.addi %shift_left3A_221, %and3A_224 : vector<16xi32>
    %shift_left3A_232 = arith.constant 1 : i32
    %shift_left3A_233 = vector.broadcast %shift_left3A_232 : i32 to vector<16xi32>
    %shift_left3A_234 = arith.shli %add3A_231, %shift_left3A_233 : vector<16xi32>
    %add3A_235 = arith.addi %shift_left3A_234, %and3A_230 : vector<16xi32>
    %swap3A_236 = arith.constant 64 : index
    %swap3A_237 = tpu.vector_load %arg11[%swap3A_236] {strides = array<i32>} : memref<128xi32, #tpu.memory_space<vmem>>, vector<16xi32>,
    tpu.vector_store %arg11[%swap3A_236], %add3A_235 {strides = array<i32>} : memref<128xi32, #tpu.memory_space<vmem>>, vector<16xi32>,
    %get3A_238 = arith.constant 80 : index
    %get3A_239 = tpu.vector_load %arg10[%get3A_238] {strides = array<i32>} : memref<128xi32, #tpu.memory_space<vmem>>, vector<16xi32>,
    %shift_right_logical3A_240 = arith.constant 7 : i32
    %shift_right_logical3A_241 = vector.broadcast %shift_right_logical3A_240 : i32 to vector<16xi32>
    %shift_right_logical3A_242 = arith.shrui %get3A_239, %shift_right_logical3A_241 : vector<16xi32>
    %shift_left3A_243 = arith.constant 6 : i32
    %shift_left3A_244 = vector.broadcast %shift_left3A_243 : i32 to vector<16xi32>
    %shift_left3A_245 = arith.shli %shift_right_logical3A_242, %shift_left3A_244 : vector<16xi32>
    %and3A_246 = arith.constant 63 : i32
    %and3A_247 = vector.broadcast %and3A_246 : i32 to vector<16xi32>
    %and3A_248 = arith.andi %get3A_239, %and3A_247 : vector<16xi32>
    %shift_right_logical3A_249 = arith.constant 6 : i32
    %shift_right_logical3A_250 = vector.broadcast %shift_right_logical3A_249 : i32 to vector<16xi32>
    %shift_right_logical3A_251 = arith.shrui %get3A_239, %shift_right_logical3A_250 : vector<16xi32>
    %and3A_252 = arith.constant 1 : i32
    %and3A_253 = vector.broadcast %and3A_252 : i32 to vector<16xi32>
    %and3A_254 = arith.andi %shift_right_logical3A_251, %and3A_253 : vector<16xi32>
    %add3A_255 = arith.addi %shift_left3A_245, %and3A_248 : vector<16xi32>
    %shift_left3A_256 = arith.constant 1 : i32
    %shift_left3A_257 = vector.broadcast %shift_left3A_256 : i32 to vector<16xi32>
    %shift_left3A_258 = arith.shli %add3A_255, %shift_left3A_257 : vector<16xi32>
    %add3A_259 = arith.addi %shift_left3A_258, %and3A_254 : vector<16xi32>
    %swap3A_260 = arith.constant 80 : index
    %swap3A_261 = tpu.vector_load %arg10[%swap3A_260] {strides = array<i32>} : memref<128xi32, #tpu.memory_space<vmem>>, vector<16xi32>,
    tpu.vector_store %arg10[%swap3A_260], %add3A_259 {strides = array<i32>} : memref<128xi32, #tpu.memory_space<vmem>>, vector<16xi32>,
    %get3A_262 = arith.constant 80 : index
    %get3A_263 = tpu.vector_load %arg11[%get3A_262] {strides = array<i32>} : memref<128xi32, #tpu.memory_space<vmem>>, vector<16xi32>,
    %shift_right_logical3A_264 = arith.constant 7 : i32
    %shift_right_logical3A_265 = vector.broadcast %shift_right_logical3A_264 : i32 to vector<16xi32>
    %shift_right_logical3A_266 = arith.shrui %get3A_263, %shift_right_logical3A_265 : vector<16xi32>
    %shift_left3A_267 = arith.constant 6 : i32
    %shift_left3A_268 = vector.broadcast %shift_left3A_267 : i32 to vector<16xi32>
    %shift_left3A_269 = arith.shli %shift_right_logical3A_266, %shift_left3A_268 : vector<16xi32>
    %and3A_270 = arith.constant 63 : i32
    %and3A_271 = vector.broadcast %and3A_270 : i32 to vector<16xi32>
    %and3A_272 = arith.andi %get3A_263, %and3A_271 : vector<16xi32>
    %shift_right_logical3A_273 = arith.constant 6 : i32
    %shift_right_logical3A_274 = vector.broadcast %shift_right_logical3A_273 : i32 to vector<16xi32>
    %shift_right_logical3A_275 = arith.shrui %get3A_263, %shift_right_logical3A_274 : vector<16xi32>
    %and3A_276 = arith.constant 1 : i32
    %and3A_277 = vector.broadcast %and3A_276 : i32 to vector<16xi32>
    %and3A_278 = arith.andi %shift_right_logical3A_275, %and3A_277 : vector<16xi32>
    %add3A_279 = arith.addi %shift_left3A_269, %and3A_272 : vector<16xi32>
    %shift_left3A_280 = arith.constant 1 : i32
    %shift_left3A_281 = vector.broadcast %shift_left3A_280 : i32 to vector<16xi32>
    %shift_left3A_282 = arith.shli %add3A_279, %shift_left3A_281 : vector<16xi32>
    %add3A_283 = arith.addi %shift_left3A_282, %and3A_278 : vector<16xi32>
    %swap3A_284 = arith.constant 80 : index
    %swap3A_285 = tpu.vector_load %arg11[%swap3A_284] {strides = array<i32>} : memref<128xi32, #tpu.memory_space<vmem>>, vector<16xi32>,
    tpu.vector_store %arg11[%swap3A_284], %add3A_283 {strides = array<i32>} : memref<128xi32, #tpu.memory_space<vmem>>, vector<16xi32>,
    %get3A_286 = arith.constant 96 : index
    %get3A_287 = tpu.vector_load %arg10[%get3A_286] {strides = array<i32>} : memref<128xi32, #tpu.memory_space<vmem>>, vector<16xi32>,
    %shift_right_logical3A_288 = arith.constant 7 : i32
    %shift_right_logical3A_289 = vector.broadcast %shift_right_logical3A_288 : i32 to vector<16xi32>
    %shift_right_logical3A_290 = arith.shrui %get3A_287, %shift_right_logical3A_289 : vector<16xi32>
    %shift_left3A_291 = arith.constant 6 : i32
    %shift_left3A_292 = vector.broadcast %shift_left3A_291 : i32 to vector<16xi32>
    %shift_left3A_293 = arith.shli %shift_right_logical3A_290, %shift_left3A_292 : vector<16xi32>
    %and3A_294 = arith.constant 63 : i32
    %and3A_295 = vector.broadcast %and3A_294 : i32 to vector<16xi32>
    %and3A_296 = arith.andi %get3A_287, %and3A_295 : vector<16xi32>
    %shift_right_logical3A_297 = arith.constant 6 : i32
    %shift_right_logical3A_298 = vector.broadcast %shift_right_logical3A_297 : i32 to vector<16xi32>
    %shift_right_logical3A_299 = arith.shrui %get3A_287, %shift_right_logical3A_298 : vector<16xi32>
    %and3A_300 = arith.constant 1 : i32
    %and3A_301 = vector.broadcast %and3A_300 : i32 to vector<16xi32>
    %and3A_302 = arith.andi %shift_right_logical3A_299, %and3A_301 : vector<16xi32>
    %add3A_303 = arith.addi %shift_left3A_293, %and3A_296 : vector<16xi32>
    %shift_left3A_304 = arith.constant 1 : i32
    %shift_left3A_305 = vector.broadcast %shift_left3A_304 : i32 to vector<16xi32>
    %shift_left3A_306 = arith.shli %add3A_303, %shift_left3A_305 : vector<16xi32>
    %add3A_307 = arith.addi %shift_left3A_306, %and3A_302 : vector<16xi32>
    %swap3A_308 = arith.constant 96 : index
    %swap3A_309 = tpu.vector_load %arg10[%swap3A_308] {strides = array<i32>} : memref<128xi32, #tpu.memory_space<vmem>>, vector<16xi32>,
    tpu.vector_store %arg10[%swap3A_308], %add3A_307 {strides = array<i32>} : memref<128xi32, #tpu.memory_space<vmem>>, vector<16xi32>,
    %get3A_310 = arith.constant 96 : index
    %get3A_311 = tpu.vector_load %arg11[%get3A_310] {strides = array<i32>} : memref<128xi32, #tpu.memory_space<vmem>>, vector<16xi32>,
    %shift_right_logical3A_312 = arith.constant 7 : i32
    %shift_right_logical3A_313 = vector.broadcast %shift_right_logical3A_312 : i32 to vector<16xi32>
    %shift_right_logical3A_314 = arith.shrui %get3A_311, %shift_right_logical3A_313 : vector<16xi32>
    %shift_left3A_315 = arith.constant 6 : i32
    %shift_left3A_316 = vector.broadcast %shift_left3A_315 : i32 to vector<16xi32>
    %shift_left3A_317 = arith.shli %shift_right_logical3A_314, %shift_left3A_316 : vector<16xi32>
    %and3A_318 = arith.constant 63 : i32
    %and3A_319 = vector.broadcast %and3A_318 : i32 to vector<16xi32>
    %and3A_320 = arith.andi %get3A_311, %and3A_319 : vector<16xi32>
    %shift_right_logical3A_321 = arith.constant 6 : i32
    %shift_right_logical3A_322 = vector.broadcast %shift_right_logical3A_321 : i32 to vector<16xi32>
    %shift_right_logical3A_323 = arith.shrui %get3A_311, %shift_right_logical3A_322 : vector<16xi32>
    %and3A_324 = arith.constant 1 : i32
    %and3A_325 = vector.broadcast %and3A_324 : i32 to vector<16xi32>
    %and3A_326 = arith.andi %shift_right_logical3A_323, %and3A_325 : vector<16xi32>
    %add3A_327 = arith.addi %shift_left3A_317, %and3A_320 : vector<16xi32>
    %shift_left3A_328 = arith.constant 1 : i32
    %shift_left3A_329 = vector.broadcast %shift_left3A_328 : i32 to vector<16xi32>
    %shift_left3A_330 = arith.shli %add3A_327, %shift_left3A_329 : vector<16xi32>
    %add3A_331 = arith.addi %shift_left3A_330, %and3A_326 : vector<16xi32>
    %swap3A_332 = arith.constant 96 : index
    %swap3A_333 = tpu.vector_load %arg11[%swap3A_332] {strides = array<i32>} : memref<128xi32, #tpu.memory_space<vmem>>, vector<16xi32>,
    tpu.vector_store %arg11[%swap3A_332], %add3A_331 {strides = array<i32>} : memref<128xi32, #tpu.memory_space<vmem>>, vector<16xi32>,
    %get3A_334 = arith.constant 112 : index
    %get3A_335 = tpu.vector_load %arg10[%get3A_334] {strides = array<i32>} : memref<128xi32, #tpu.memory_space<vmem>>, vector<16xi32>,
    %shift_right_logical3A_336 = arith.constant 7 : i32
    %shift_right_logical3A_337 = vector.broadcast %shift_right_logical3A_336 : i32 to vector<16xi32>
    %shift_right_logical3A_338 = arith.shrui %get3A_335, %shift_right_logical3A_337 : vector<16xi32>
    %shift_left3A_339 = arith.constant 6 : i32
    %shift_left3A_340 = vector.broadcast %shift_left3A_339 : i32 to vector<16xi32>
    %shift_left3A_341 = arith.shli %shift_right_logical3A_338, %shift_left3A_340 : vector<16xi32>
    %and3A_342 = arith.constant 63 : i32
    %and3A_343 = vector.broadcast %and3A_342 : i32 to vector<16xi32>
    %and3A_344 = arith.andi %get3A_335, %and3A_343 : vector<16xi32>
    %shift_right_logical3A_345 = arith.constant 6 : i32
    %shift_right_logical3A_346 = vector.broadcast %shift_right_logical3A_345 : i32 to vector<16xi32>
    %shift_right_logical3A_347 = arith.shrui %get3A_335, %shift_right_logical3A_346 : vector<16xi32>
    %and3A_348 = arith.constant 1 : i32
    %and3A_349 = vector.broadcast %and3A_348 : i32 to vector<16xi32>
    %and3A_350 = arith.andi %shift_right_logical3A_347, %and3A_349 : vector<16xi32>
    %add3A_351 = arith.addi %shift_left3A_341, %and3A_344 : vector<16xi32>
    %shift_left3A_352 = arith.constant 1 : i32
    %shift_left3A_353 = vector.broadcast %shift_left3A_352 : i32 to vector<16xi32>
    %shift_left3A_354 = arith.shli %add3A_351, %shift_left3A_353 : vector<16xi32>
    %add3A_355 = arith.addi %shift_left3A_354, %and3A_350 : vector<16xi32>
    %swap3A_356 = arith.constant 112 : index
    %swap3A_357 = tpu.vector_load %arg10[%swap3A_356] {strides = array<i32>} : memref<128xi32, #tpu.memory_space<vmem>>, vector<16xi32>,
    tpu.vector_store %arg10[%swap3A_356], %add3A_355 {strides = array<i32>} : memref<128xi32, #tpu.memory_space<vmem>>, vector<16xi32>,
    %get3A_358 = arith.constant 112 : index
    %get3A_359 = tpu.vector_load %arg11[%get3A_358] {strides = array<i32>} : memref<128xi32, #tpu.memory_space<vmem>>, vector<16xi32>,
    %shift_right_logical3A_360 = arith.constant 7 : i32
    %shift_right_logical3A_361 = vector.broadcast %shift_right_logical3A_360 : i32 to vector<16xi32>
    %shift_right_logical3A_362 = arith.shrui %get3A_359, %shift_right_logical3A_361 : vector<16xi32>
    %shift_left3A_363 = arith.constant 6 : i32
    %shift_left3A_364 = vector.broadcast %shift_left3A_363 : i32 to vector<16xi32>
    %shift_left3A_365 = arith.shli %shift_right_logical3A_362, %shift_left3A_364 : vector<16xi32>
    %and3A_366 = arith.constant 63 : i32
    %and3A_367 = vector.broadcast %and3A_366 : i32 to vector<16xi32>
    %and3A_368 = arith.andi %get3A_359, %and3A_367 : vector<16xi32>
    %shift_right_logical3A_369 = arith.constant 6 : i32
    %shift_right_logical3A_370 = vector.broadcast %shift_right_logical3A_369 : i32 to vector<16xi32>
    %shift_right_logical3A_371 = arith.shrui %get3A_359, %shift_right_logical3A_370 : vector<16xi32>
    %and3A_372 = arith.constant 1 : i32
    %and3A_373 = vector.broadcast %and3A_372 : i32 to vector<16xi32>
    %and3A_374 = arith.andi %shift_right_logical3A_371, %and3A_373 : vector<16xi32>
    %add3A_375 = arith.addi %shift_left3A_365, %and3A_368 : vector<16xi32>
    %shift_left3A_376 = arith.constant 1 : i32
    %shift_left3A_377 = vector.broadcast %shift_left3A_376 : i32 to vector<16xi32>
    %shift_left3A_378 = arith.shli %add3A_375, %shift_left3A_377 : vector<16xi32>
    %add3A_379 = arith.addi %shift_left3A_378, %and3A_374 : vector<16xi32>
    %swap3A_380 = arith.constant 112 : index
    %swap3A_381 = tpu.vector_load %arg11[%swap3A_380] {strides = array<i32>} : memref<128xi32, #tpu.memory_space<vmem>>, vector<16xi32>,
    tpu.vector_store %arg11[%swap3A_380], %add3A_379 {strides = array<i32>} : memref<128xi32, #tpu.memory_space<vmem>>, vector<16xi32>,
    %dma_start3A = arith.constant 0 : i32
    %dma_start3A_382 = arith.constant 0 : i32
    %dma_start3A_383 = tpu.memref_slice %arg2[%dma_start3A, %dma_start3A_382] : memref<106496x64xf32, #tpu.memory_space<hbm>> -> memref<106496x64xf32, #tpu.memory_space<hbm>>
    tpu.enqueue_indirect_dma source(%dma_start3A_383 : memref<106496x64xf32, #tpu.memory_space<hbm>>) target(%arg13 : memref<128x64xf32, #tpu.memory_space<vmem>>) offsets(%arg10 : memref<128xi32, #tpu.memory_space<vmem>>) semaphore(%arg16 : memref<!tpu.dma_semaphore, #tpu.memory_space<semaphore_mem>>)
    %dma_start3A_384 = arith.constant 0 : i32
    %dma_start3A_385 = arith.constant 0 : i32
    %dma_start3A_386 = tpu.memref_slice %arg3[%dma_start3A_384, %dma_start3A_385] : memref<106496x64xf32, #tpu.memory_space<hbm>> -> memref<106496x64xf32, #tpu.memory_space<hbm>>
    tpu.enqueue_indirect_dma source(%dma_start3A_386 : memref<106496x64xf32, #tpu.memory_space<hbm>>) target(%arg14 : memref<128x64xf32, #tpu.memory_space<vmem>>) offsets(%arg11 : memref<128xi32, #tpu.memory_space<vmem>>) semaphore(%arg17 : memref<!tpu.dma_semaphore, #tpu.memory_space<semaphore_mem>>)
    %mul3A_387 = arith.constant 20 : i32
    %mul3A_388 = arith.muli %mul3A_2, %mul3A_387 : i32
    "tpu.region"() ({
      %run_scoped3A = tpu.sem_alloc : memref<!tpu.dma_semaphore, #tpu.memory_space<semaphore_mem>>
      %dma_start3A_1782 = tpu.memref_slice %arg6[%mul3A_388] : memref<81920xi32, #tpu.memory_space<hbm>> -> memref<2560xi32, #tpu.memory_space<hbm>>
      %dma_start3A_1783 = tpu.memref_slice %arg6[%mul3A_388] : memref<81920xi32, #tpu.memory_space<hbm>> -> memref<2560xi32, #tpu.memory_space<hbm>>
      tpu.enqueue_dma source(%dma_start3A_1783 : memref<2560xi32, #tpu.memory_space<hbm>>) target(%arg12 : memref<2560xi32, #tpu.memory_space<vmem>>) target_semaphore(%run_scoped3A : memref<!tpu.dma_semaphore, #tpu.memory_space<semaphore_mem>>)
      %dma_wait3A_1784 = tpu.memref_slice %arg6[%mul3A_388] : memref<81920xi32, #tpu.memory_space<hbm>> -> memref<2560xi32, #tpu.memory_space<hbm>>
      %dma_wait3A_1785 = tpu.memref_slice %arg6[%mul3A_388] : memref<81920xi32, #tpu.memory_space<hbm>> -> memref<2560xi32, #tpu.memory_space<hbm>>
      tpu.wait_dma2 semaphore(%run_scoped3A : memref<!tpu.dma_semaphore, #tpu.memory_space<semaphore_mem>>) src(%dma_wait3A_1785 : memref<2560xi32, #tpu.memory_space<hbm>>) dst(%arg12 : memref<2560xi32, #tpu.memory_space<vmem>>)
      tpu.yield
    }) : () -> ()
    %broadcast_in_dim3A = arith.constant 0.000000e+00 : f32
    %broadcast_in_dim3A_389 = vector.broadcast %broadcast_in_dim3A : f32 to vector<16xf32>
    %swap3A_390 = arith.constant 0 : index
    %swap3A_391 = tpu.vector_load %arg15[%swap3A_390] {strides = array<i32>} : memref<4096xf32, #tpu.memory_space<vmem>>, vector<16xf32>,
    tpu.vector_store %arg15[%swap3A_390], %broadcast_in_dim3A_389 {strides = array<i32>} : memref<4096xf32, #tpu.memory_space<vmem>>, vector<16xf32>,
    %swap3A_392 = arith.constant 16 : index
    %swap3A_393 = tpu.vector_load %arg15[%swap3A_392] {strides = array<i32>} : memref<4096xf32, #tpu.memory_space<vmem>>, vector<16xf32>,
    tpu.vector_store %arg15[%swap3A_392], %broadcast_in_dim3A_389 {strides = array<i32>} : memref<4096xf32, #tpu.memory_space<vmem>>, vector<16xf32>,
    %swap3A_394 = arith.constant 32 : index
    %swap3A_395 = tpu.vector_load %arg15[%swap3A_394] {strides = array<i32>} : memref<4096xf32, #tpu.memory_space<vmem>>, vector<16xf32>,
    tpu.vector_store %arg15[%swap3A_394], %broadcast_in_dim3A_389 {strides = array<i32>} : memref<4096xf32, #tpu.memory_space<vmem>>, vector<16xf32>,
    %swap3A_396 = arith.constant 48 : index
    %swap3A_397 = tpu.vector_load %arg15[%swap3A_396] {strides = array<i32>} : memref<4096xf32, #tpu.memory_space<vmem>>, vector<16xf32>,
    tpu.vector_store %arg15[%swap3A_396], %broadcast_in_dim3A_389 {strides = array<i32>} : memref<4096xf32, #tpu.memory_space<vmem>>, vector<16xf32>,
    %swap3A_398 = arith.constant 64 : index
    %swap3A_399 = tpu.vector_load %arg15[%swap3A_398] {strides = array<i32>} : memref<4096xf32, #tpu.memory_space<vmem>>, vector<16xf32>,
    tpu.vector_store %arg15[%swap3A_398], %broadcast_in_dim3A_389 {strides = array<i32>} : memref<4096xf32, #tpu.memory_space<vmem>>, vector<16xf32>,
    %swap3A_400 = arith.constant 80 : index
    %swap3A_401 = tpu.vector_load %arg15[%swap3A_400] {strides = array<i32>} : memref<4096xf32, #tpu.memory_space<vmem>>, vector<16xf32>,
    tpu.vector_store %arg15[%swap3A_400], %broadcast_in_dim3A_389 {strides = array<i32>} : memref<4096xf32, #tpu.memory_space<vmem>>, vector<16xf32>,
    %swap3A_402 = arith.constant 96 : index
    %swap3A_403 = tpu.vector_load %arg15[%swap3A_402] {strides = array<i32>} : memref<4096xf32, #tpu.memory_space<vmem>>, vector<16xf32>,
    tpu.vector_store %arg15[%swap3A_402], %broadcast_in_dim3A_389 {strides = array<i32>} : memref<4096xf32, #tpu.memory_space<vmem>>, vector<16xf32>,
    %swap3A_404 = arith.constant 112 : index
    %swap3A_405 = tpu.vector_load %arg15[%swap3A_404] {strides = array<i32>} : memref<4096xf32, #tpu.memory_space<vmem>>, vector<16xf32>,
    tpu.vector_store %arg15[%swap3A_404], %broadcast_in_dim3A_389 {strides = array<i32>} : memref<4096xf32, #tpu.memory_space<vmem>>, vector<16xf32>,
    %swap3A_406 = arith.constant 128 : index
    %swap3A_407 = tpu.vector_load %arg15[%swap3A_406] {strides = array<i32>} : memref<4096xf32, #tpu.memory_space<vmem>>, vector<16xf32>,
    tpu.vector_store %arg15[%swap3A_406], %broadcast_in_dim3A_389 {strides = array<i32>} : memref<4096xf32, #tpu.memory_space<vmem>>, vector<16xf32>,
    %swap3A_408 = arith.constant 144 : index
    %swap3A_409 = tpu.vector_load %arg15[%swap3A_408] {strides = array<i32>} : memref<4096xf32, #tpu.memory_space<vmem>>, vector<16xf32>,
    tpu.vector_store %arg15[%swap3A_408], %broadcast_in_dim3A_389 {strides = array<i32>} : memref<4096xf32, #tpu.memory_space<vmem>>, vector<16xf32>,
    %swap3A_410 = arith.constant 160 : index
    %swap3A_411 = tpu.vector_load %arg15[%swap3A_410] {strides = array<i32>} : memref<4096xf32, #tpu.memory_space<vmem>>, vector<16xf32>,
    tpu.vector_store %arg15[%swap3A_410], %broadcast_in_dim3A_389 {strides = array<i32>} : memref<4096xf32, #tpu.memory_space<vmem>>, vector<16xf32>,
    %swap3A_412 = arith.constant 176 : index
    %swap3A_413 = tpu.vector_load %arg15[%swap3A_412] {strides = array<i32>} : memref<4096xf32, #tpu.memory_space<vmem>>, vector<16xf32>,
    tpu.vector_store %arg15[%swap3A_412], %broadcast_in_dim3A_389 {strides = array<i32>} : memref<4096xf32, #tpu.memory_space<vmem>>, vector<16xf32>,
    %swap3A_414 = arith.constant 192 : index
    %swap3A_415 = tpu.vector_load %arg15[%swap3A_414] {strides = array<i32>} : memref<4096xf32, #tpu.memory_space<vmem>>, vector<16xf32>,
    tpu.vector_store %arg15[%swap3A_414], %broadcast_in_dim3A_389 {strides = array<i32>} : memref<4096xf32, #tpu.memory_space<vmem>>, vector<16xf32>,
    %swap3A_416 = arith.constant 208 : index
    %swap3A_417 = tpu.vector_load %arg15[%swap3A_416] {strides = array<i32>} : memref<4096xf32, #tpu.memory_space<vmem>>, vector<16xf32>,
    tpu.vector_store %arg15[%swap3A_416], %broadcast_in_dim3A_389 {strides = array<i32>} : memref<4096xf32, #tpu.memory_space<vmem>>, vector<16xf32>,
    %swap3A_418 = arith.constant 224 : index
    %swap3A_419 = tpu.vector_load %arg15[%swap3A_418] {strides = array<i32>} : memref<4096xf32, #tpu.memory_space<vmem>>, vector<16xf32>,
    tpu.vector_store %arg15[%swap3A_418], %broadcast_in_dim3A_389 {strides = array<i32>} : memref<4096xf32, #tpu.memory_space<vmem>>, vector<16xf32>,
    %swap3A_420 = arith.constant 240 : index
    %swap3A_421 = tpu.vector_load %arg15[%swap3A_420] {strides = array<i32>} : memref<4096xf32, #tpu.memory_space<vmem>>, vector<16xf32>,
    tpu.vector_store %arg15[%swap3A_420], %broadcast_in_dim3A_389 {strides = array<i32>} : memref<4096xf32, #tpu.memory_space<vmem>>, vector<16xf32>,
    %swap3A_422 = arith.constant 256 : index
    %swap3A_423 = tpu.vector_load %arg15[%swap3A_422] {strides = array<i32>} : memref<4096xf32, #tpu.memory_space<vmem>>, vector<16xf32>,
    tpu.vector_store %arg15[%swap3A_422], %broadcast_in_dim3A_389 {strides = array<i32>} : memref<4096xf32, #tpu.memory_space<vmem>>, vector<16xf32>,
    %swap3A_424 = arith.constant 272 : index
    %swap3A_425 = tpu.vector_load %arg15[%swap3A_424] {strides = array<i32>} : memref<4096xf32, #tpu.memory_space<vmem>>, vector<16xf32>,
    tpu.vector_store %arg15[%swap3A_424], %broadcast_in_dim3A_389 {strides = array<i32>} : memref<4096xf32, #tpu.memory_space<vmem>>, vector<16xf32>,
    %swap3A_426 = arith.constant 288 : index
    %swap3A_427 = tpu.vector_load %arg15[%swap3A_426] {strides = array<i32>} : memref<4096xf32, #tpu.memory_space<vmem>>, vector<16xf32>,
    tpu.vector_store %arg15[%swap3A_426], %broadcast_in_dim3A_389 {strides = array<i32>} : memref<4096xf32, #tpu.memory_space<vmem>>, vector<16xf32>,
    %swap3A_428 = arith.constant 304 : index
    %swap3A_429 = tpu.vector_load %arg15[%swap3A_428] {strides = array<i32>} : memref<4096xf32, #tpu.memory_space<vmem>>, vector<16xf32>,
    tpu.vector_store %arg15[%swap3A_428], %broadcast_in_dim3A_389 {strides = array<i32>} : memref<4096xf32, #tpu.memory_space<vmem>>, vector<16xf32>,
    %swap3A_430 = arith.constant 320 : index
    %swap3A_431 = tpu.vector_load %arg15[%swap3A_430] {strides = array<i32>} : memref<4096xf32, #tpu.memory_space<vmem>>, vector<16xf32>,
    tpu.vector_store %arg15[%swap3A_430], %broadcast_in_dim3A_389 {strides = array<i32>} : memref<4096xf32, #tpu.memory_space<vmem>>, vector<16xf32>,
    %swap3A_432 = arith.constant 336 : index
    %swap3A_433 = tpu.vector_load %arg15[%swap3A_432] {strides = array<i32>} : memref<4096xf32, #tpu.memory_space<vmem>>, vector<16xf32>,
    tpu.vector_store %arg15[%swap3A_432], %broadcast_in_dim3A_389 {strides = array<i32>} : memref<4096xf32, #tpu.memory_space<vmem>>, vector<16xf32>,
    %swap3A_434 = arith.constant 352 : index
    %swap3A_435 = tpu.vector_load %arg15[%swap3A_434] {strides = array<i32>} : memref<4096xf32, #tpu.memory_space<vmem>>, vector<16xf32>,
    tpu.vector_store %arg15[%swap3A_434], %broadcast_in_dim3A_389 {strides = array<i32>} : memref<4096xf32, #tpu.memory_space<vmem>>, vector<16xf32>,
    %swap3A_436 = arith.constant 368 : index
    %swap3A_437 = tpu.vector_load %arg15[%swap3A_436] {strides = array<i32>} : memref<4096xf32, #tpu.memory_space<vmem>>, vector<16xf32>,
    tpu.vector_store %arg15[%swap3A_436], %broadcast_in_dim3A_389 {strides = array<i32>} : memref<4096xf32, #tpu.memory_space<vmem>>, vector<16xf32>,
    %swap3A_438 = arith.constant 384 : index
    %swap3A_439 = tpu.vector_load %arg15[%swap3A_438] {strides = array<i32>} : memref<4096xf32, #tpu.memory_space<vmem>>, vector<16xf32>,
    tpu.vector_store %arg15[%swap3A_438], %broadcast_in_dim3A_389 {strides = array<i32>} : memref<4096xf32, #tpu.memory_space<vmem>>, vector<16xf32>,
    %swap3A_440 = arith.constant 400 : index
    %swap3A_441 = tpu.vector_load %arg15[%swap3A_440] {strides = array<i32>} : memref<4096xf32, #tpu.memory_space<vmem>>, vector<16xf32>,
    tpu.vector_store %arg15[%swap3A_440], %broadcast_in_dim3A_389 {strides = array<i32>} : memref<4096xf32, #tpu.memory_space<vmem>>, vector<16xf32>,
    %swap3A_442 = arith.constant 416 : index
    %swap3A_443 = tpu.vector_load %arg15[%swap3A_442] {strides = array<i32>} : memref<4096xf32, #tpu.memory_space<vmem>>, vector<16xf32>,
    tpu.vector_store %arg15[%swap3A_442], %broadcast_in_dim3A_389 {strides = array<i32>} : memref<4096xf32, #tpu.memory_space<vmem>>, vector<16xf32>,
    %swap3A_444 = arith.constant 432 : index
    %swap3A_445 = tpu.vector_load %arg15[%swap3A_444] {strides = array<i32>} : memref<4096xf32, #tpu.memory_space<vmem>>, vector<16xf32>,
    tpu.vector_store %arg15[%swap3A_444], %broadcast_in_dim3A_389 {strides = array<i32>} : memref<4096xf32, #tpu.memory_space<vmem>>, vector<16xf32>,
    %swap3A_446 = arith.constant 448 : index
    %swap3A_447 = tpu.vector_load %arg15[%swap3A_446] {strides = array<i32>} : memref<4096xf32, #tpu.memory_space<vmem>>, vector<16xf32>,
    tpu.vector_store %arg15[%swap3A_446], %broadcast_in_dim3A_389 {strides = array<i32>} : memref<4096xf32, #tpu.memory_space<vmem>>, vector<16xf32>,
    %swap3A_448 = arith.constant 464 : index
    %swap3A_449 = tpu.vector_load %arg15[%swap3A_448] {strides = array<i32>} : memref<4096xf32, #tpu.memory_space<vmem>>, vector<16xf32>,
    tpu.vector_store %arg15[%swap3A_448], %broadcast_in_dim3A_389 {strides = array<i32>} : memref<4096xf32, #tpu.memory_space<vmem>>, vector<16xf32>,
    %swap3A_450 = arith.constant 480 : index
    %swap3A_451 = tpu.vector_load %arg15[%swap3A_450] {strides = array<i32>} : memref<4096xf32, #tpu.memory_space<vmem>>, vector<16xf32>,
    tpu.vector_store %arg15[%swap3A_450], %broadcast_in_dim3A_389 {strides = array<i32>} : memref<4096xf32, #tpu.memory_space<vmem>>, vector<16xf32>,
    %swap3A_452 = arith.constant 496 : index
    %swap3A_453 = tpu.vector_load %arg15[%swap3A_452] {strides = array<i32>} : memref<4096xf32, #tpu.memory_space<vmem>>, vector<16xf32>,
    tpu.vector_store %arg15[%swap3A_452], %broadcast_in_dim3A_389 {strides = array<i32>} : memref<4096xf32, #tpu.memory_space<vmem>>, vector<16xf32>,
    %swap3A_454 = arith.constant 512 : index
    %swap3A_455 = tpu.vector_load %arg15[%swap3A_454] {strides = array<i32>} : memref<4096xf32, #tpu.memory_space<vmem>>, vector<16xf32>,
    tpu.vector_store %arg15[%swap3A_454], %broadcast_in_dim3A_389 {strides = array<i32>} : memref<4096xf32, #tpu.memory_space<vmem>>, vector<16xf32>,
    %swap3A_456 = arith.constant 528 : index
    %swap3A_457 = tpu.vector_load %arg15[%swap3A_456] {strides = array<i32>} : memref<4096xf32, #tpu.memory_space<vmem>>, vector<16xf32>,
    tpu.vector_store %arg15[%swap3A_456], %broadcast_in_dim3A_389 {strides = array<i32>} : memref<4096xf32, #tpu.memory_space<vmem>>, vector<16xf32>,
    %swap3A_458 = arith.constant 544 : index
    %swap3A_459 = tpu.vector_load %arg15[%swap3A_458] {strides = array<i32>} : memref<4096xf32, #tpu.memory_space<vmem>>, vector<16xf32>,
    tpu.vector_store %arg15[%swap3A_458], %broadcast_in_dim3A_389 {strides = array<i32>} : memref<4096xf32, #tpu.memory_space<vmem>>, vector<16xf32>,
    %swap3A_460 = arith.constant 560 : index
    %swap3A_461 = tpu.vector_load %arg15[%swap3A_460] {strides = array<i32>} : memref<4096xf32, #tpu.memory_space<vmem>>, vector<16xf32>,
    tpu.vector_store %arg15[%swap3A_460], %broadcast_in_dim3A_389 {strides = array<i32>} : memref<4096xf32, #tpu.memory_space<vmem>>, vector<16xf32>,
    %swap3A_462 = arith.constant 576 : index
    %swap3A_463 = tpu.vector_load %arg15[%swap3A_462] {strides = array<i32>} : memref<4096xf32, #tpu.memory_space<vmem>>, vector<16xf32>,
    tpu.vector_store %arg15[%swap3A_462], %broadcast_in_dim3A_389 {strides = array<i32>} : memref<4096xf32, #tpu.memory_space<vmem>>, vector<16xf32>,
    %swap3A_464 = arith.constant 592 : index
    %swap3A_465 = tpu.vector_load %arg15[%swap3A_464] {strides = array<i32>} : memref<4096xf32, #tpu.memory_space<vmem>>, vector<16xf32>,
    tpu.vector_store %arg15[%swap3A_464], %broadcast_in_dim3A_389 {strides = array<i32>} : memref<4096xf32, #tpu.memory_space<vmem>>, vector<16xf32>,
    %swap3A_466 = arith.constant 608 : index
    %swap3A_467 = tpu.vector_load %arg15[%swap3A_466] {strides = array<i32>} : memref<4096xf32, #tpu.memory_space<vmem>>, vector<16xf32>,
    tpu.vector_store %arg15[%swap3A_466], %broadcast_in_dim3A_389 {strides = array<i32>} : memref<4096xf32, #tpu.memory_space<vmem>>, vector<16xf32>,
    %swap3A_468 = arith.constant 624 : index
    %swap3A_469 = tpu.vector_load %arg15[%swap3A_468] {strides = array<i32>} : memref<4096xf32, #tpu.memory_space<vmem>>, vector<16xf32>,
    tpu.vector_store %arg15[%swap3A_468], %broadcast_in_dim3A_389 {strides = array<i32>} : memref<4096xf32, #tpu.memory_space<vmem>>, vector<16xf32>,
    %swap3A_470 = arith.constant 640 : index
    %swap3A_471 = tpu.vector_load %arg15[%swap3A_470] {strides = array<i32>} : memref<4096xf32, #tpu.memory_space<vmem>>, vector<16xf32>,
    tpu.vector_store %arg15[%swap3A_470], %broadcast_in_dim3A_389 {strides = array<i32>} : memref<4096xf32, #tpu.memory_space<vmem>>, vector<16xf32>,
    %swap3A_472 = arith.constant 656 : index
    %swap3A_473 = tpu.vector_load %arg15[%swap3A_472] {strides = array<i32>} : memref<4096xf32, #tpu.memory_space<vmem>>, vector<16xf32>,
    tpu.vector_store %arg15[%swap3A_472], %broadcast_in_dim3A_389 {strides = array<i32>} : memref<4096xf32, #tpu.memory_space<vmem>>, vector<16xf32>,
    %swap3A_474 = arith.constant 672 : index
    %swap3A_475 = tpu.vector_load %arg15[%swap3A_474] {strides = array<i32>} : memref<4096xf32, #tpu.memory_space<vmem>>, vector<16xf32>,
    tpu.vector_store %arg15[%swap3A_474], %broadcast_in_dim3A_389 {strides = array<i32>} : memref<4096xf32, #tpu.memory_space<vmem>>, vector<16xf32>,
    %swap3A_476 = arith.constant 688 : index
    %swap3A_477 = tpu.vector_load %arg15[%swap3A_476] {strides = array<i32>} : memref<4096xf32, #tpu.memory_space<vmem>>, vector<16xf32>,
    tpu.vector_store %arg15[%swap3A_476], %broadcast_in_dim3A_389 {strides = array<i32>} : memref<4096xf32, #tpu.memory_space<vmem>>, vector<16xf32>,
    %swap3A_478 = arith.constant 704 : index
    %swap3A_479 = tpu.vector_load %arg15[%swap3A_478] {strides = array<i32>} : memref<4096xf32, #tpu.memory_space<vmem>>, vector<16xf32>,
    tpu.vector_store %arg15[%swap3A_478], %broadcast_in_dim3A_389 {strides = array<i32>} : memref<4096xf32, #tpu.memory_space<vmem>>, vector<16xf32>,
    %swap3A_480 = arith.constant 720 : index
    %swap3A_481 = tpu.vector_load %arg15[%swap3A_480] {strides = array<i32>} : memref<4096xf32, #tpu.memory_space<vmem>>, vector<16xf32>,
    tpu.vector_store %arg15[%swap3A_480], %broadcast_in_dim3A_389 {strides = array<i32>} : memref<4096xf32, #tpu.memory_space<vmem>>, vector<16xf32>,
    %swap3A_482 = arith.constant 736 : index
    %swap3A_483 = tpu.vector_load %arg15[%swap3A_482] {strides = array<i32>} : memref<4096xf32, #tpu.memory_space<vmem>>, vector<16xf32>,
    tpu.vector_store %arg15[%swap3A_482], %broadcast_in_dim3A_389 {strides = array<i32>} : memref<4096xf32, #tpu.memory_space<vmem>>, vector<16xf32>,
    %swap3A_484 = arith.constant 752 : index
    %swap3A_485 = tpu.vector_load %arg15[%swap3A_484] {strides = array<i32>} : memref<4096xf32, #tpu.memory_space<vmem>>, vector<16xf32>,
    tpu.vector_store %arg15[%swap3A_484], %broadcast_in_dim3A_389 {strides = array<i32>} : memref<4096xf32, #tpu.memory_space<vmem>>, vector<16xf32>,
    %swap3A_486 = arith.constant 768 : index
    %swap3A_487 = tpu.vector_load %arg15[%swap3A_486] {strides = array<i32>} : memref<4096xf32, #tpu.memory_space<vmem>>, vector<16xf32>,
    tpu.vector_store %arg15[%swap3A_486], %broadcast_in_dim3A_389 {strides = array<i32>} : memref<4096xf32, #tpu.memory_space<vmem>>, vector<16xf32>,
    %swap3A_488 = arith.constant 784 : index
    %swap3A_489 = tpu.vector_load %arg15[%swap3A_488] {strides = array<i32>} : memref<4096xf32, #tpu.memory_space<vmem>>, vector<16xf32>,
    tpu.vector_store %arg15[%swap3A_488], %broadcast_in_dim3A_389 {strides = array<i32>} : memref<4096xf32, #tpu.memory_space<vmem>>, vector<16xf32>,
    %swap3A_490 = arith.constant 800 : index
    %swap3A_491 = tpu.vector_load %arg15[%swap3A_490] {strides = array<i32>} : memref<4096xf32, #tpu.memory_space<vmem>>, vector<16xf32>,
    tpu.vector_store %arg15[%swap3A_490], %broadcast_in_dim3A_389 {strides = array<i32>} : memref<4096xf32, #tpu.memory_space<vmem>>, vector<16xf32>,
    %swap3A_492 = arith.constant 816 : index
    %swap3A_493 = tpu.vector_load %arg15[%swap3A_492] {strides = array<i32>} : memref<4096xf32, #tpu.memory_space<vmem>>, vector<16xf32>,
    tpu.vector_store %arg15[%swap3A_492], %broadcast_in_dim3A_389 {strides = array<i32>} : memref<4096xf32, #tpu.memory_space<vmem>>, vector<16xf32>,
    %swap3A_494 = arith.constant 832 : index
    %swap3A_495 = tpu.vector_load %arg15[%swap3A_494] {strides = array<i32>} : memref<4096xf32, #tpu.memory_space<vmem>>, vector<16xf32>,
    tpu.vector_store %arg15[%swap3A_494], %broadcast_in_dim3A_389 {strides = array<i32>} : memref<4096xf32, #tpu.memory_space<vmem>>, vector<16xf32>,
    %swap3A_496 = arith.constant 848 : index
    %swap3A_497 = tpu.vector_load %arg15[%swap3A_496] {strides = array<i32>} : memref<4096xf32, #tpu.memory_space<vmem>>, vector<16xf32>,
    tpu.vector_store %arg15[%swap3A_496], %broadcast_in_dim3A_389 {strides = array<i32>} : memref<4096xf32, #tpu.memory_space<vmem>>, vector<16xf32>,
    %swap3A_498 = arith.constant 864 : index
    %swap3A_499 = tpu.vector_load %arg15[%swap3A_498] {strides = array<i32>} : memref<4096xf32, #tpu.memory_space<vmem>>, vector<16xf32>,
    tpu.vector_store %arg15[%swap3A_498], %broadcast_in_dim3A_389 {strides = array<i32>} : memref<4096xf32, #tpu.memory_space<vmem>>, vector<16xf32>,
    %swap3A_500 = arith.constant 880 : index
    %swap3A_501 = tpu.vector_load %arg15[%swap3A_500] {strides = array<i32>} : memref<4096xf32, #tpu.memory_space<vmem>>, vector<16xf32>,
    tpu.vector_store %arg15[%swap3A_500], %broadcast_in_dim3A_389 {strides = array<i32>} : memref<4096xf32, #tpu.memory_space<vmem>>, vector<16xf32>,
    %swap3A_502 = arith.constant 896 : index
    %swap3A_503 = tpu.vector_load %arg15[%swap3A_502] {strides = array<i32>} : memref<4096xf32, #tpu.memory_space<vmem>>, vector<16xf32>,
    tpu.vector_store %arg15[%swap3A_502], %broadcast_in_dim3A_389 {strides = array<i32>} : memref<4096xf32, #tpu.memory_space<vmem>>, vector<16xf32>,
    %swap3A_504 = arith.constant 912 : index
    %swap3A_505 = tpu.vector_load %arg15[%swap3A_504] {strides = array<i32>} : memref<4096xf32, #tpu.memory_space<vmem>>, vector<16xf32>,
    tpu.vector_store %arg15[%swap3A_504], %broadcast_in_dim3A_389 {strides = array<i32>} : memref<4096xf32, #tpu.memory_space<vmem>>, vector<16xf32>,
    %swap3A_506 = arith.constant 928 : index
    %swap3A_507 = tpu.vector_load %arg15[%swap3A_506] {strides = array<i32>} : memref<4096xf32, #tpu.memory_space<vmem>>, vector<16xf32>,
    tpu.vector_store %arg15[%swap3A_506], %broadcast_in_dim3A_389 {strides = array<i32>} : memref<4096xf32, #tpu.memory_space<vmem>>, vector<16xf32>,
    %swap3A_508 = arith.constant 944 : index
    %swap3A_509 = tpu.vector_load %arg15[%swap3A_508] {strides = array<i32>} : memref<4096xf32, #tpu.memory_space<vmem>>, vector<16xf32>,
    tpu.vector_store %arg15[%swap3A_508], %broadcast_in_dim3A_389 {strides = array<i32>} : memref<4096xf32, #tpu.memory_space<vmem>>, vector<16xf32>,
    %swap3A_510 = arith.constant 960 : index
    %swap3A_511 = tpu.vector_load %arg15[%swap3A_510] {strides = array<i32>} : memref<4096xf32, #tpu.memory_space<vmem>>, vector<16xf32>,
    tpu.vector_store %arg15[%swap3A_510], %broadcast_in_dim3A_389 {strides = array<i32>} : memref<4096xf32, #tpu.memory_space<vmem>>, vector<16xf32>,
    %swap3A_512 = arith.constant 976 : index
    %swap3A_513 = tpu.vector_load %arg15[%swap3A_512] {strides = array<i32>} : memref<4096xf32, #tpu.memory_space<vmem>>, vector<16xf32>,
    tpu.vector_store %arg15[%swap3A_512], %broadcast_in_dim3A_389 {strides = array<i32>} : memref<4096xf32, #tpu.memory_space<vmem>>, vector<16xf32>,
    %swap3A_514 = arith.constant 992 : index
    %swap3A_515 = tpu.vector_load %arg15[%swap3A_514] {strides = array<i32>} : memref<4096xf32, #tpu.memory_space<vmem>>, vector<16xf32>,
    tpu.vector_store %arg15[%swap3A_514], %broadcast_in_dim3A_389 {strides = array<i32>} : memref<4096xf32, #tpu.memory_space<vmem>>, vector<16xf32>,
    %swap3A_516 = arith.constant 1008 : index
    %swap3A_517 = tpu.vector_load %arg15[%swap3A_516] {strides = array<i32>} : memref<4096xf32, #tpu.memory_space<vmem>>, vector<16xf32>,
    tpu.vector_store %arg15[%swap3A_516], %broadcast_in_dim3A_389 {strides = array<i32>} : memref<4096xf32, #tpu.memory_space<vmem>>, vector<16xf32>,
    %swap3A_518 = arith.constant 1024 : index
    %swap3A_519 = tpu.vector_load %arg15[%swap3A_518] {strides = array<i32>} : memref<4096xf32, #tpu.memory_space<vmem>>, vector<16xf32>,
    tpu.vector_store %arg15[%swap3A_518], %broadcast_in_dim3A_389 {strides = array<i32>} : memref<4096xf32, #tpu.memory_space<vmem>>, vector<16xf32>,
    %swap3A_520 = arith.constant 1040 : index
    %swap3A_521 = tpu.vector_load %arg15[%swap3A_520] {strides = array<i32>} : memref<4096xf32, #tpu.memory_space<vmem>>, vector<16xf32>,
    tpu.vector_store %arg15[%swap3A_520], %broadcast_in_dim3A_389 {strides = array<i32>} : memref<4096xf32, #tpu.memory_space<vmem>>, vector<16xf32>,
    %swap3A_522 = arith.constant 1056 : index
    %swap3A_523 = tpu.vector_load %arg15[%swap3A_522] {strides = array<i32>} : memref<4096xf32, #tpu.memory_space<vmem>>, vector<16xf32>,
    tpu.vector_store %arg15[%swap3A_522], %broadcast_in_dim3A_389 {strides = array<i32>} : memref<4096xf32, #tpu.memory_space<vmem>>, vector<16xf32>,
    %swap3A_524 = arith.constant 1072 : index
    %swap3A_525 = tpu.vector_load %arg15[%swap3A_524] {strides = array<i32>} : memref<4096xf32, #tpu.memory_space<vmem>>, vector<16xf32>,
    tpu.vector_store %arg15[%swap3A_524], %broadcast_in_dim3A_389 {strides = array<i32>} : memref<4096xf32, #tpu.memory_space<vmem>>, vector<16xf32>,
    %swap3A_526 = arith.constant 1088 : index
    %swap3A_527 = tpu.vector_load %arg15[%swap3A_526] {strides = array<i32>} : memref<4096xf32, #tpu.memory_space<vmem>>, vector<16xf32>,
    tpu.vector_store %arg15[%swap3A_526], %broadcast_in_dim3A_389 {strides = array<i32>} : memref<4096xf32, #tpu.memory_space<vmem>>, vector<16xf32>,
    %swap3A_528 = arith.constant 1104 : index
    %swap3A_529 = tpu.vector_load %arg15[%swap3A_528] {strides = array<i32>} : memref<4096xf32, #tpu.memory_space<vmem>>, vector<16xf32>,
    tpu.vector_store %arg15[%swap3A_528], %broadcast_in_dim3A_389 {strides = array<i32>} : memref<4096xf32, #tpu.memory_space<vmem>>, vector<16xf32>,
    %swap3A_530 = arith.constant 1120 : index
    %swap3A_531 = tpu.vector_load %arg15[%swap3A_530] {strides = array<i32>} : memref<4096xf32, #tpu.memory_space<vmem>>, vector<16xf32>,
    tpu.vector_store %arg15[%swap3A_530], %broadcast_in_dim3A_389 {strides = array<i32>} : memref<4096xf32, #tpu.memory_space<vmem>>, vector<16xf32>,
    %swap3A_532 = arith.constant 1136 : index
    %swap3A_533 = tpu.vector_load %arg15[%swap3A_532] {strides = array<i32>} : memref<4096xf32, #tpu.memory_space<vmem>>, vector<16xf32>,
    tpu.vector_store %arg15[%swap3A_532], %broadcast_in_dim3A_389 {strides = array<i32>} : memref<4096xf32, #tpu.memory_space<vmem>>, vector<16xf32>,
    %swap3A_534 = arith.constant 1152 : index
    %swap3A_535 = tpu.vector_load %arg15[%swap3A_534] {strides = array<i32>} : memref<4096xf32, #tpu.memory_space<vmem>>, vector<16xf32>,
    tpu.vector_store %arg15[%swap3A_534], %broadcast_in_dim3A_389 {strides = array<i32>} : memref<4096xf32, #tpu.memory_space<vmem>>, vector<16xf32>,
    %swap3A_536 = arith.constant 1168 : index
    %swap3A_537 = tpu.vector_load %arg15[%swap3A_536] {strides = array<i32>} : memref<4096xf32, #tpu.memory_space<vmem>>, vector<16xf32>,
    tpu.vector_store %arg15[%swap3A_536], %broadcast_in_dim3A_389 {strides = array<i32>} : memref<4096xf32, #tpu.memory_space<vmem>>, vector<16xf32>,
    %swap3A_538 = arith.constant 1184 : index
    %swap3A_539 = tpu.vector_load %arg15[%swap3A_538] {strides = array<i32>} : memref<4096xf32, #tpu.memory_space<vmem>>, vector<16xf32>,
    tpu.vector_store %arg15[%swap3A_538], %broadcast_in_dim3A_389 {strides = array<i32>} : memref<4096xf32, #tpu.memory_space<vmem>>, vector<16xf32>,
    %swap3A_540 = arith.constant 1200 : index
    %swap3A_541 = tpu.vector_load %arg15[%swap3A_540] {strides = array<i32>} : memref<4096xf32, #tpu.memory_space<vmem>>, vector<16xf32>,
    tpu.vector_store %arg15[%swap3A_540], %broadcast_in_dim3A_389 {strides = array<i32>} : memref<4096xf32, #tpu.memory_space<vmem>>, vector<16xf32>,
    %swap3A_542 = arith.constant 1216 : index
    %swap3A_543 = tpu.vector_load %arg15[%swap3A_542] {strides = array<i32>} : memref<4096xf32, #tpu.memory_space<vmem>>, vector<16xf32>,
    tpu.vector_store %arg15[%swap3A_542], %broadcast_in_dim3A_389 {strides = array<i32>} : memref<4096xf32, #tpu.memory_space<vmem>>, vector<16xf32>,
    %swap3A_544 = arith.constant 1232 : index
    %swap3A_545 = tpu.vector_load %arg15[%swap3A_544] {strides = array<i32>} : memref<4096xf32, #tpu.memory_space<vmem>>, vector<16xf32>,
    tpu.vector_store %arg15[%swap3A_544], %broadcast_in_dim3A_389 {strides = array<i32>} : memref<4096xf32, #tpu.memory_space<vmem>>, vector<16xf32>,
    %swap3A_546 = arith.constant 1248 : index
    %swap3A_547 = tpu.vector_load %arg15[%swap3A_546] {strides = array<i32>} : memref<4096xf32, #tpu.memory_space<vmem>>, vector<16xf32>,
    tpu.vector_store %arg15[%swap3A_546], %broadcast_in_dim3A_389 {strides = array<i32>} : memref<4096xf32, #tpu.memory_space<vmem>>, vector<16xf32>,
    %swap3A_548 = arith.constant 1264 : index
    %swap3A_549 = tpu.vector_load %arg15[%swap3A_548] {strides = array<i32>} : memref<4096xf32, #tpu.memory_space<vmem>>, vector<16xf32>,
    tpu.vector_store %arg15[%swap3A_548], %broadcast_in_dim3A_389 {strides = array<i32>} : memref<4096xf32, #tpu.memory_space<vmem>>, vector<16xf32>,
    %swap3A_550 = arith.constant 1280 : index
    %swap3A_551 = tpu.vector_load %arg15[%swap3A_550] {strides = array<i32>} : memref<4096xf32, #tpu.memory_space<vmem>>, vector<16xf32>,
    tpu.vector_store %arg15[%swap3A_550], %broadcast_in_dim3A_389 {strides = array<i32>} : memref<4096xf32, #tpu.memory_space<vmem>>, vector<16xf32>,
    %swap3A_552 = arith.constant 1296 : index
    %swap3A_553 = tpu.vector_load %arg15[%swap3A_552] {strides = array<i32>} : memref<4096xf32, #tpu.memory_space<vmem>>, vector<16xf32>,
    tpu.vector_store %arg15[%swap3A_552], %broadcast_in_dim3A_389 {strides = array<i32>} : memref<4096xf32, #tpu.memory_space<vmem>>, vector<16xf32>,
    %swap3A_554 = arith.constant 1312 : index
    %swap3A_555 = tpu.vector_load %arg15[%swap3A_554] {strides = array<i32>} : memref<4096xf32, #tpu.memory_space<vmem>>, vector<16xf32>,
    tpu.vector_store %arg15[%swap3A_554], %broadcast_in_dim3A_389 {strides = array<i32>} : memref<4096xf32, #tpu.memory_space<vmem>>, vector<16xf32>,
    %swap3A_556 = arith.constant 1328 : index
    %swap3A_557 = tpu.vector_load %arg15[%swap3A_556] {strides = array<i32>} : memref<4096xf32, #tpu.memory_space<vmem>>, vector<16xf32>,
    tpu.vector_store %arg15[%swap3A_556], %broadcast_in_dim3A_389 {strides = array<i32>} : memref<4096xf32, #tpu.memory_space<vmem>>, vector<16xf32>,
    %swap3A_558 = arith.constant 1344 : index
    %swap3A_559 = tpu.vector_load %arg15[%swap3A_558] {strides = array<i32>} : memref<4096xf32, #tpu.memory_space<vmem>>, vector<16xf32>,
    tpu.vector_store %arg15[%swap3A_558], %broadcast_in_dim3A_389 {strides = array<i32>} : memref<4096xf32, #tpu.memory_space<vmem>>, vector<16xf32>,
    %swap3A_560 = arith.constant 1360 : index
    %swap3A_561 = tpu.vector_load %arg15[%swap3A_560] {strides = array<i32>} : memref<4096xf32, #tpu.memory_space<vmem>>, vector<16xf32>,
    tpu.vector_store %arg15[%swap3A_560], %broadcast_in_dim3A_389 {strides = array<i32>} : memref<4096xf32, #tpu.memory_space<vmem>>, vector<16xf32>,
    %swap3A_562 = arith.constant 1376 : index
    %swap3A_563 = tpu.vector_load %arg15[%swap3A_562] {strides = array<i32>} : memref<4096xf32, #tpu.memory_space<vmem>>, vector<16xf32>,
    tpu.vector_store %arg15[%swap3A_562], %broadcast_in_dim3A_389 {strides = array<i32>} : memref<4096xf32, #tpu.memory_space<vmem>>, vector<16xf32>,
    %swap3A_564 = arith.constant 1392 : index
    %swap3A_565 = tpu.vector_load %arg15[%swap3A_564] {strides = array<i32>} : memref<4096xf32, #tpu.memory_space<vmem>>, vector<16xf32>,
    tpu.vector_store %arg15[%swap3A_564], %broadcast_in_dim3A_389 {strides = array<i32>} : memref<4096xf32, #tpu.memory_space<vmem>>, vector<16xf32>,
    %swap3A_566 = arith.constant 1408 : index
    %swap3A_567 = tpu.vector_load %arg15[%swap3A_566] {strides = array<i32>} : memref<4096xf32, #tpu.memory_space<vmem>>, vector<16xf32>,
    tpu.vector_store %arg15[%swap3A_566], %broadcast_in_dim3A_389 {strides = array<i32>} : memref<4096xf32, #tpu.memory_space<vmem>>, vector<16xf32>,
    %swap3A_568 = arith.constant 1424 : index
    %swap3A_569 = tpu.vector_load %arg15[%swap3A_568] {strides = array<i32>} : memref<4096xf32, #tpu.memory_space<vmem>>, vector<16xf32>,
    tpu.vector_store %arg15[%swap3A_568], %broadcast_in_dim3A_389 {strides = array<i32>} : memref<4096xf32, #tpu.memory_space<vmem>>, vector<16xf32>,
    %swap3A_570 = arith.constant 1440 : index
    %swap3A_571 = tpu.vector_load %arg15[%swap3A_570] {strides = array<i32>} : memref<4096xf32, #tpu.memory_space<vmem>>, vector<16xf32>,
    tpu.vector_store %arg15[%swap3A_570], %broadcast_in_dim3A_389 {strides = array<i32>} : memref<4096xf32, #tpu.memory_space<vmem>>, vector<16xf32>,
    %swap3A_572 = arith.constant 1456 : index
    %swap3A_573 = tpu.vector_load %arg15[%swap3A_572] {strides = array<i32>} : memref<4096xf32, #tpu.memory_space<vmem>>, vector<16xf32>,
    tpu.vector_store %arg15[%swap3A_572], %broadcast_in_dim3A_389 {strides = array<i32>} : memref<4096xf32, #tpu.memory_space<vmem>>, vector<16xf32>,
    %swap3A_574 = arith.constant 1472 : index
    %swap3A_575 = tpu.vector_load %arg15[%swap3A_574] {strides = array<i32>} : memref<4096xf32, #tpu.memory_space<vmem>>, vector<16xf32>,
    tpu.vector_store %arg15[%swap3A_574], %broadcast_in_dim3A_389 {strides = array<i32>} : memref<4096xf32, #tpu.memory_space<vmem>>, vector<16xf32>,
    %swap3A_576 = arith.constant 1488 : index
    %swap3A_577 = tpu.vector_load %arg15[%swap3A_576] {strides = array<i32>} : memref<4096xf32, #tpu.memory_space<vmem>>, vector<16xf32>,
    tpu.vector_store %arg15[%swap3A_576], %broadcast_in_dim3A_389 {strides = array<i32>} : memref<4096xf32, #tpu.memory_space<vmem>>, vector<16xf32>,
    %swap3A_578 = arith.constant 1504 : index
    %swap3A_579 = tpu.vector_load %arg15[%swap3A_578] {strides = array<i32>} : memref<4096xf32, #tpu.memory_space<vmem>>, vector<16xf32>,
    tpu.vector_store %arg15[%swap3A_578], %broadcast_in_dim3A_389 {strides = array<i32>} : memref<4096xf32, #tpu.memory_space<vmem>>, vector<16xf32>,
    %swap3A_580 = arith.constant 1520 : index
    %swap3A_581 = tpu.vector_load %arg15[%swap3A_580] {strides = array<i32>} : memref<4096xf32, #tpu.memory_space<vmem>>, vector<16xf32>,
    tpu.vector_store %arg15[%swap3A_580], %broadcast_in_dim3A_389 {strides = array<i32>} : memref<4096xf32, #tpu.memory_space<vmem>>, vector<16xf32>,
    %swap3A_582 = arith.constant 1536 : index
    %swap3A_583 = tpu.vector_load %arg15[%swap3A_582] {strides = array<i32>} : memref<4096xf32, #tpu.memory_space<vmem>>, vector<16xf32>,
    tpu.vector_store %arg15[%swap3A_582], %broadcast_in_dim3A_389 {strides = array<i32>} : memref<4096xf32, #tpu.memory_space<vmem>>, vector<16xf32>,
    %swap3A_584 = arith.constant 1552 : index
    %swap3A_585 = tpu.vector_load %arg15[%swap3A_584] {strides = array<i32>} : memref<4096xf32, #tpu.memory_space<vmem>>, vector<16xf32>,
    tpu.vector_store %arg15[%swap3A_584], %broadcast_in_dim3A_389 {strides = array<i32>} : memref<4096xf32, #tpu.memory_space<vmem>>, vector<16xf32>,
    %swap3A_586 = arith.constant 1568 : index
    %swap3A_587 = tpu.vector_load %arg15[%swap3A_586] {strides = array<i32>} : memref<4096xf32, #tpu.memory_space<vmem>>, vector<16xf32>,
    tpu.vector_store %arg15[%swap3A_586], %broadcast_in_dim3A_389 {strides = array<i32>} : memref<4096xf32, #tpu.memory_space<vmem>>, vector<16xf32>,
    %swap3A_588 = arith.constant 1584 : index
    %swap3A_589 = tpu.vector_load %arg15[%swap3A_588] {strides = array<i32>} : memref<4096xf32, #tpu.memory_space<vmem>>, vector<16xf32>,
    tpu.vector_store %arg15[%swap3A_588], %broadcast_in_dim3A_389 {strides = array<i32>} : memref<4096xf32, #tpu.memory_space<vmem>>, vector<16xf32>,
    %swap3A_590 = arith.constant 1600 : index
    %swap3A_591 = tpu.vector_load %arg15[%swap3A_590] {strides = array<i32>} : memref<4096xf32, #tpu.memory_space<vmem>>, vector<16xf32>,
    tpu.vector_store %arg15[%swap3A_590], %broadcast_in_dim3A_389 {strides = array<i32>} : memref<4096xf32, #tpu.memory_space<vmem>>, vector<16xf32>,
    %swap3A_592 = arith.constant 1616 : index
    %swap3A_593 = tpu.vector_load %arg15[%swap3A_592] {strides = array<i32>} : memref<4096xf32, #tpu.memory_space<vmem>>, vector<16xf32>,
    tpu.vector_store %arg15[%swap3A_592], %broadcast_in_dim3A_389 {strides = array<i32>} : memref<4096xf32, #tpu.memory_space<vmem>>, vector<16xf32>,
    %swap3A_594 = arith.constant 1632 : index
    %swap3A_595 = tpu.vector_load %arg15[%swap3A_594] {strides = array<i32>} : memref<4096xf32, #tpu.memory_space<vmem>>, vector<16xf32>,
    tpu.vector_store %arg15[%swap3A_594], %broadcast_in_dim3A_389 {strides = array<i32>} : memref<4096xf32, #tpu.memory_space<vmem>>, vector<16xf32>,
    %swap3A_596 = arith.constant 1648 : index
    %swap3A_597 = tpu.vector_load %arg15[%swap3A_596] {strides = array<i32>} : memref<4096xf32, #tpu.memory_space<vmem>>, vector<16xf32>,
    tpu.vector_store %arg15[%swap3A_596], %broadcast_in_dim3A_389 {strides = array<i32>} : memref<4096xf32, #tpu.memory_space<vmem>>, vector<16xf32>,
    %swap3A_598 = arith.constant 1664 : index
    %swap3A_599 = tpu.vector_load %arg15[%swap3A_598] {strides = array<i32>} : memref<4096xf32, #tpu.memory_space<vmem>>, vector<16xf32>,
    tpu.vector_store %arg15[%swap3A_598], %broadcast_in_dim3A_389 {strides = array<i32>} : memref<4096xf32, #tpu.memory_space<vmem>>, vector<16xf32>,
    %swap3A_600 = arith.constant 1680 : index
    %swap3A_601 = tpu.vector_load %arg15[%swap3A_600] {strides = array<i32>} : memref<4096xf32, #tpu.memory_space<vmem>>, vector<16xf32>,
    tpu.vector_store %arg15[%swap3A_600], %broadcast_in_dim3A_389 {strides = array<i32>} : memref<4096xf32, #tpu.memory_space<vmem>>, vector<16xf32>,
    %swap3A_602 = arith.constant 1696 : index
    %swap3A_603 = tpu.vector_load %arg15[%swap3A_602] {strides = array<i32>} : memref<4096xf32, #tpu.memory_space<vmem>>, vector<16xf32>,
    tpu.vector_store %arg15[%swap3A_602], %broadcast_in_dim3A_389 {strides = array<i32>} : memref<4096xf32, #tpu.memory_space<vmem>>, vector<16xf32>,
    %swap3A_604 = arith.constant 1712 : index
    %swap3A_605 = tpu.vector_load %arg15[%swap3A_604] {strides = array<i32>} : memref<4096xf32, #tpu.memory_space<vmem>>, vector<16xf32>,
    tpu.vector_store %arg15[%swap3A_604], %broadcast_in_dim3A_389 {strides = array<i32>} : memref<4096xf32, #tpu.memory_space<vmem>>, vector<16xf32>,
    %swap3A_606 = arith.constant 1728 : index
    %swap3A_607 = tpu.vector_load %arg15[%swap3A_606] {strides = array<i32>} : memref<4096xf32, #tpu.memory_space<vmem>>, vector<16xf32>,
    tpu.vector_store %arg15[%swap3A_606], %broadcast_in_dim3A_389 {strides = array<i32>} : memref<4096xf32, #tpu.memory_space<vmem>>, vector<16xf32>,
    %swap3A_608 = arith.constant 1744 : index
    %swap3A_609 = tpu.vector_load %arg15[%swap3A_608] {strides = array<i32>} : memref<4096xf32, #tpu.memory_space<vmem>>, vector<16xf32>,
    tpu.vector_store %arg15[%swap3A_608], %broadcast_in_dim3A_389 {strides = array<i32>} : memref<4096xf32, #tpu.memory_space<vmem>>, vector<16xf32>,
    %swap3A_610 = arith.constant 1760 : index
    %swap3A_611 = tpu.vector_load %arg15[%swap3A_610] {strides = array<i32>} : memref<4096xf32, #tpu.memory_space<vmem>>, vector<16xf32>,
    tpu.vector_store %arg15[%swap3A_610], %broadcast_in_dim3A_389 {strides = array<i32>} : memref<4096xf32, #tpu.memory_space<vmem>>, vector<16xf32>,
    %swap3A_612 = arith.constant 1776 : index
    %swap3A_613 = tpu.vector_load %arg15[%swap3A_612] {strides = array<i32>} : memref<4096xf32, #tpu.memory_space<vmem>>, vector<16xf32>,
    tpu.vector_store %arg15[%swap3A_612], %broadcast_in_dim3A_389 {strides = array<i32>} : memref<4096xf32, #tpu.memory_space<vmem>>, vector<16xf32>,
    %swap3A_614 = arith.constant 1792 : index
    %swap3A_615 = tpu.vector_load %arg15[%swap3A_614] {strides = array<i32>} : memref<4096xf32, #tpu.memory_space<vmem>>, vector<16xf32>,
    tpu.vector_store %arg15[%swap3A_614], %broadcast_in_dim3A_389 {strides = array<i32>} : memref<4096xf32, #tpu.memory_space<vmem>>, vector<16xf32>,
    %swap3A_616 = arith.constant 1808 : index
    %swap3A_617 = tpu.vector_load %arg15[%swap3A_616] {strides = array<i32>} : memref<4096xf32, #tpu.memory_space<vmem>>, vector<16xf32>,
    tpu.vector_store %arg15[%swap3A_616], %broadcast_in_dim3A_389 {strides = array<i32>} : memref<4096xf32, #tpu.memory_space<vmem>>, vector<16xf32>,
    %swap3A_618 = arith.constant 1824 : index
    %swap3A_619 = tpu.vector_load %arg15[%swap3A_618] {strides = array<i32>} : memref<4096xf32, #tpu.memory_space<vmem>>, vector<16xf32>,
    tpu.vector_store %arg15[%swap3A_618], %broadcast_in_dim3A_389 {strides = array<i32>} : memref<4096xf32, #tpu.memory_space<vmem>>, vector<16xf32>,
    %swap3A_620 = arith.constant 1840 : index
    %swap3A_621 = tpu.vector_load %arg15[%swap3A_620] {strides = array<i32>} : memref<4096xf32, #tpu.memory_space<vmem>>, vector<16xf32>,
    tpu.vector_store %arg15[%swap3A_620], %broadcast_in_dim3A_389 {strides = array<i32>} : memref<4096xf32, #tpu.memory_space<vmem>>, vector<16xf32>,
    %swap3A_622 = arith.constant 1856 : index
    %swap3A_623 = tpu.vector_load %arg15[%swap3A_622] {strides = array<i32>} : memref<4096xf32, #tpu.memory_space<vmem>>, vector<16xf32>,
    tpu.vector_store %arg15[%swap3A_622], %broadcast_in_dim3A_389 {strides = array<i32>} : memref<4096xf32, #tpu.memory_space<vmem>>, vector<16xf32>,
    %swap3A_624 = arith.constant 1872 : index
    %swap3A_625 = tpu.vector_load %arg15[%swap3A_624] {strides = array<i32>} : memref<4096xf32, #tpu.memory_space<vmem>>, vector<16xf32>,
    tpu.vector_store %arg15[%swap3A_624], %broadcast_in_dim3A_389 {strides = array<i32>} : memref<4096xf32, #tpu.memory_space<vmem>>, vector<16xf32>,
    %swap3A_626 = arith.constant 1888 : index
    %swap3A_627 = tpu.vector_load %arg15[%swap3A_626] {strides = array<i32>} : memref<4096xf32, #tpu.memory_space<vmem>>, vector<16xf32>,
    tpu.vector_store %arg15[%swap3A_626], %broadcast_in_dim3A_389 {strides = array<i32>} : memref<4096xf32, #tpu.memory_space<vmem>>, vector<16xf32>,
    %swap3A_628 = arith.constant 1904 : index
    %swap3A_629 = tpu.vector_load %arg15[%swap3A_628] {strides = array<i32>} : memref<4096xf32, #tpu.memory_space<vmem>>, vector<16xf32>,
    tpu.vector_store %arg15[%swap3A_628], %broadcast_in_dim3A_389 {strides = array<i32>} : memref<4096xf32, #tpu.memory_space<vmem>>, vector<16xf32>,
    %swap3A_630 = arith.constant 1920 : index
    %swap3A_631 = tpu.vector_load %arg15[%swap3A_630] {strides = array<i32>} : memref<4096xf32, #tpu.memory_space<vmem>>, vector<16xf32>,
    tpu.vector_store %arg15[%swap3A_630], %broadcast_in_dim3A_389 {strides = array<i32>} : memref<4096xf32, #tpu.memory_space<vmem>>, vector<16xf32>,
    %swap3A_632 = arith.constant 1936 : index
    %swap3A_633 = tpu.vector_load %arg15[%swap3A_632] {strides = array<i32>} : memref<4096xf32, #tpu.memory_space<vmem>>, vector<16xf32>,
    tpu.vector_store %arg15[%swap3A_632], %broadcast_in_dim3A_389 {strides = array<i32>} : memref<4096xf32, #tpu.memory_space<vmem>>, vector<16xf32>,
    %swap3A_634 = arith.constant 1952 : index
    %swap3A_635 = tpu.vector_load %arg15[%swap3A_634] {strides = array<i32>} : memref<4096xf32, #tpu.memory_space<vmem>>, vector<16xf32>,
    tpu.vector_store %arg15[%swap3A_634], %broadcast_in_dim3A_389 {strides = array<i32>} : memref<4096xf32, #tpu.memory_space<vmem>>, vector<16xf32>,
    %swap3A_636 = arith.constant 1968 : index
    %swap3A_637 = tpu.vector_load %arg15[%swap3A_636] {strides = array<i32>} : memref<4096xf32, #tpu.memory_space<vmem>>, vector<16xf32>,
    tpu.vector_store %arg15[%swap3A_636], %broadcast_in_dim3A_389 {strides = array<i32>} : memref<4096xf32, #tpu.memory_space<vmem>>, vector<16xf32>,
    %swap3A_638 = arith.constant 1984 : index
    %swap3A_639 = tpu.vector_load %arg15[%swap3A_638] {strides = array<i32>} : memref<4096xf32, #tpu.memory_space<vmem>>, vector<16xf32>,
    tpu.vector_store %arg15[%swap3A_638], %broadcast_in_dim3A_389 {strides = array<i32>} : memref<4096xf32, #tpu.memory_space<vmem>>, vector<16xf32>,
    %swap3A_640 = arith.constant 2000 : index
    %swap3A_641 = tpu.vector_load %arg15[%swap3A_640] {strides = array<i32>} : memref<4096xf32, #tpu.memory_space<vmem>>, vector<16xf32>,
    tpu.vector_store %arg15[%swap3A_640], %broadcast_in_dim3A_389 {strides = array<i32>} : memref<4096xf32, #tpu.memory_space<vmem>>, vector<16xf32>,
    %swap3A_642 = arith.constant 2016 : index
    %swap3A_643 = tpu.vector_load %arg15[%swap3A_642] {strides = array<i32>} : memref<4096xf32, #tpu.memory_space<vmem>>, vector<16xf32>,
    tpu.vector_store %arg15[%swap3A_642], %broadcast_in_dim3A_389 {strides = array<i32>} : memref<4096xf32, #tpu.memory_space<vmem>>, vector<16xf32>,
    %swap3A_644 = arith.constant 2032 : index
    %swap3A_645 = tpu.vector_load %arg15[%swap3A_644] {strides = array<i32>} : memref<4096xf32, #tpu.memory_space<vmem>>, vector<16xf32>,
    tpu.vector_store %arg15[%swap3A_644], %broadcast_in_dim3A_389 {strides = array<i32>} : memref<4096xf32, #tpu.memory_space<vmem>>, vector<16xf32>,
    %swap3A_646 = arith.constant 2048 : index
    %swap3A_647 = tpu.vector_load %arg15[%swap3A_646] {strides = array<i32>} : memref<4096xf32, #tpu.memory_space<vmem>>, vector<16xf32>,
    tpu.vector_store %arg15[%swap3A_646], %broadcast_in_dim3A_389 {strides = array<i32>} : memref<4096xf32, #tpu.memory_space<vmem>>, vector<16xf32>,
    %swap3A_648 = arith.constant 2064 : index
    %swap3A_649 = tpu.vector_load %arg15[%swap3A_648] {strides = array<i32>} : memref<4096xf32, #tpu.memory_space<vmem>>, vector<16xf32>,
    tpu.vector_store %arg15[%swap3A_648], %broadcast_in_dim3A_389 {strides = array<i32>} : memref<4096xf32, #tpu.memory_space<vmem>>, vector<16xf32>,
    %swap3A_650 = arith.constant 2080 : index
    %swap3A_651 = tpu.vector_load %arg15[%swap3A_650] {strides = array<i32>} : memref<4096xf32, #tpu.memory_space<vmem>>, vector<16xf32>,
    tpu.vector_store %arg15[%swap3A_650], %broadcast_in_dim3A_389 {strides = array<i32>} : memref<4096xf32, #tpu.memory_space<vmem>>, vector<16xf32>,
    %swap3A_652 = arith.constant 2096 : index
    %swap3A_653 = tpu.vector_load %arg15[%swap3A_652] {strides = array<i32>} : memref<4096xf32, #tpu.memory_space<vmem>>, vector<16xf32>,
    tpu.vector_store %arg15[%swap3A_652], %broadcast_in_dim3A_389 {strides = array<i32>} : memref<4096xf32, #tpu.memory_space<vmem>>, vector<16xf32>,
    %swap3A_654 = arith.constant 2112 : index
    %swap3A_655 = tpu.vector_load %arg15[%swap3A_654] {strides = array<i32>} : memref<4096xf32, #tpu.memory_space<vmem>>, vector<16xf32>,
    tpu.vector_store %arg15[%swap3A_654], %broadcast_in_dim3A_389 {strides = array<i32>} : memref<4096xf32, #tpu.memory_space<vmem>>, vector<16xf32>,
    %swap3A_656 = arith.constant 2128 : index
    %swap3A_657 = tpu.vector_load %arg15[%swap3A_656] {strides = array<i32>} : memref<4096xf32, #tpu.memory_space<vmem>>, vector<16xf32>,
    tpu.vector_store %arg15[%swap3A_656], %broadcast_in_dim3A_389 {strides = array<i32>} : memref<4096xf32, #tpu.memory_space<vmem>>, vector<16xf32>,
    %swap3A_658 = arith.constant 2144 : index
    %swap3A_659 = tpu.vector_load %arg15[%swap3A_658] {strides = array<i32>} : memref<4096xf32, #tpu.memory_space<vmem>>, vector<16xf32>,
    tpu.vector_store %arg15[%swap3A_658], %broadcast_in_dim3A_389 {strides = array<i32>} : memref<4096xf32, #tpu.memory_space<vmem>>, vector<16xf32>,
    %swap3A_660 = arith.constant 2160 : index
    %swap3A_661 = tpu.vector_load %arg15[%swap3A_660] {strides = array<i32>} : memref<4096xf32, #tpu.memory_space<vmem>>, vector<16xf32>,
    tpu.vector_store %arg15[%swap3A_660], %broadcast_in_dim3A_389 {strides = array<i32>} : memref<4096xf32, #tpu.memory_space<vmem>>, vector<16xf32>,
    %swap3A_662 = arith.constant 2176 : index
    %swap3A_663 = tpu.vector_load %arg15[%swap3A_662] {strides = array<i32>} : memref<4096xf32, #tpu.memory_space<vmem>>, vector<16xf32>,
    tpu.vector_store %arg15[%swap3A_662], %broadcast_in_dim3A_389 {strides = array<i32>} : memref<4096xf32, #tpu.memory_space<vmem>>, vector<16xf32>,
    %swap3A_664 = arith.constant 2192 : index
    %swap3A_665 = tpu.vector_load %arg15[%swap3A_664] {strides = array<i32>} : memref<4096xf32, #tpu.memory_space<vmem>>, vector<16xf32>,
    tpu.vector_store %arg15[%swap3A_664], %broadcast_in_dim3A_389 {strides = array<i32>} : memref<4096xf32, #tpu.memory_space<vmem>>, vector<16xf32>,
    %swap3A_666 = arith.constant 2208 : index
    %swap3A_667 = tpu.vector_load %arg15[%swap3A_666] {strides = array<i32>} : memref<4096xf32, #tpu.memory_space<vmem>>, vector<16xf32>,
    tpu.vector_store %arg15[%swap3A_666], %broadcast_in_dim3A_389 {strides = array<i32>} : memref<4096xf32, #tpu.memory_space<vmem>>, vector<16xf32>,
    %swap3A_668 = arith.constant 2224 : index
    %swap3A_669 = tpu.vector_load %arg15[%swap3A_668] {strides = array<i32>} : memref<4096xf32, #tpu.memory_space<vmem>>, vector<16xf32>,
    tpu.vector_store %arg15[%swap3A_668], %broadcast_in_dim3A_389 {strides = array<i32>} : memref<4096xf32, #tpu.memory_space<vmem>>, vector<16xf32>,
    %swap3A_670 = arith.constant 2240 : index
    %swap3A_671 = tpu.vector_load %arg15[%swap3A_670] {strides = array<i32>} : memref<4096xf32, #tpu.memory_space<vmem>>, vector<16xf32>,
    tpu.vector_store %arg15[%swap3A_670], %broadcast_in_dim3A_389 {strides = array<i32>} : memref<4096xf32, #tpu.memory_space<vmem>>, vector<16xf32>,
    %swap3A_672 = arith.constant 2256 : index
    %swap3A_673 = tpu.vector_load %arg15[%swap3A_672] {strides = array<i32>} : memref<4096xf32, #tpu.memory_space<vmem>>, vector<16xf32>,
    tpu.vector_store %arg15[%swap3A_672], %broadcast_in_dim3A_389 {strides = array<i32>} : memref<4096xf32, #tpu.memory_space<vmem>>, vector<16xf32>,
    %swap3A_674 = arith.constant 2272 : index
    %swap3A_675 = tpu.vector_load %arg15[%swap3A_674] {strides = array<i32>} : memref<4096xf32, #tpu.memory_space<vmem>>, vector<16xf32>,
    tpu.vector_store %arg15[%swap3A_674], %broadcast_in_dim3A_389 {strides = array<i32>} : memref<4096xf32, #tpu.memory_space<vmem>>, vector<16xf32>,
    %swap3A_676 = arith.constant 2288 : index
    %swap3A_677 = tpu.vector_load %arg15[%swap3A_676] {strides = array<i32>} : memref<4096xf32, #tpu.memory_space<vmem>>, vector<16xf32>,
    tpu.vector_store %arg15[%swap3A_676], %broadcast_in_dim3A_389 {strides = array<i32>} : memref<4096xf32, #tpu.memory_space<vmem>>, vector<16xf32>,
    %swap3A_678 = arith.constant 2304 : index
    %swap3A_679 = tpu.vector_load %arg15[%swap3A_678] {strides = array<i32>} : memref<4096xf32, #tpu.memory_space<vmem>>, vector<16xf32>,
    tpu.vector_store %arg15[%swap3A_678], %broadcast_in_dim3A_389 {strides = array<i32>} : memref<4096xf32, #tpu.memory_space<vmem>>, vector<16xf32>,
    %swap3A_680 = arith.constant 2320 : index
    %swap3A_681 = tpu.vector_load %arg15[%swap3A_680] {strides = array<i32>} : memref<4096xf32, #tpu.memory_space<vmem>>, vector<16xf32>,
    tpu.vector_store %arg15[%swap3A_680], %broadcast_in_dim3A_389 {strides = array<i32>} : memref<4096xf32, #tpu.memory_space<vmem>>, vector<16xf32>,
    %swap3A_682 = arith.constant 2336 : index
    %swap3A_683 = tpu.vector_load %arg15[%swap3A_682] {strides = array<i32>} : memref<4096xf32, #tpu.memory_space<vmem>>, vector<16xf32>,
    tpu.vector_store %arg15[%swap3A_682], %broadcast_in_dim3A_389 {strides = array<i32>} : memref<4096xf32, #tpu.memory_space<vmem>>, vector<16xf32>,
    %swap3A_684 = arith.constant 2352 : index
    %swap3A_685 = tpu.vector_load %arg15[%swap3A_684] {strides = array<i32>} : memref<4096xf32, #tpu.memory_space<vmem>>, vector<16xf32>,
    tpu.vector_store %arg15[%swap3A_684], %broadcast_in_dim3A_389 {strides = array<i32>} : memref<4096xf32, #tpu.memory_space<vmem>>, vector<16xf32>,
    %swap3A_686 = arith.constant 2368 : index
    %swap3A_687 = tpu.vector_load %arg15[%swap3A_686] {strides = array<i32>} : memref<4096xf32, #tpu.memory_space<vmem>>, vector<16xf32>,
    tpu.vector_store %arg15[%swap3A_686], %broadcast_in_dim3A_389 {strides = array<i32>} : memref<4096xf32, #tpu.memory_space<vmem>>, vector<16xf32>,
    %swap3A_688 = arith.constant 2384 : index
    %swap3A_689 = tpu.vector_load %arg15[%swap3A_688] {strides = array<i32>} : memref<4096xf32, #tpu.memory_space<vmem>>, vector<16xf32>,
    tpu.vector_store %arg15[%swap3A_688], %broadcast_in_dim3A_389 {strides = array<i32>} : memref<4096xf32, #tpu.memory_space<vmem>>, vector<16xf32>,
    %swap3A_690 = arith.constant 2400 : index
    %swap3A_691 = tpu.vector_load %arg15[%swap3A_690] {strides = array<i32>} : memref<4096xf32, #tpu.memory_space<vmem>>, vector<16xf32>,
    tpu.vector_store %arg15[%swap3A_690], %broadcast_in_dim3A_389 {strides = array<i32>} : memref<4096xf32, #tpu.memory_space<vmem>>, vector<16xf32>,
    %swap3A_692 = arith.constant 2416 : index
    %swap3A_693 = tpu.vector_load %arg15[%swap3A_692] {strides = array<i32>} : memref<4096xf32, #tpu.memory_space<vmem>>, vector<16xf32>,
    tpu.vector_store %arg15[%swap3A_692], %broadcast_in_dim3A_389 {strides = array<i32>} : memref<4096xf32, #tpu.memory_space<vmem>>, vector<16xf32>,
    %swap3A_694 = arith.constant 2432 : index
    %swap3A_695 = tpu.vector_load %arg15[%swap3A_694] {strides = array<i32>} : memref<4096xf32, #tpu.memory_space<vmem>>, vector<16xf32>,
    tpu.vector_store %arg15[%swap3A_694], %broadcast_in_dim3A_389 {strides = array<i32>} : memref<4096xf32, #tpu.memory_space<vmem>>, vector<16xf32>,
    %swap3A_696 = arith.constant 2448 : index
    %swap3A_697 = tpu.vector_load %arg15[%swap3A_696] {strides = array<i32>} : memref<4096xf32, #tpu.memory_space<vmem>>, vector<16xf32>,
    tpu.vector_store %arg15[%swap3A_696], %broadcast_in_dim3A_389 {strides = array<i32>} : memref<4096xf32, #tpu.memory_space<vmem>>, vector<16xf32>,
    %swap3A_698 = arith.constant 2464 : index
    %swap3A_699 = tpu.vector_load %arg15[%swap3A_698] {strides = array<i32>} : memref<4096xf32, #tpu.memory_space<vmem>>, vector<16xf32>,
    tpu.vector_store %arg15[%swap3A_698], %broadcast_in_dim3A_389 {strides = array<i32>} : memref<4096xf32, #tpu.memory_space<vmem>>, vector<16xf32>,
    %swap3A_700 = arith.constant 2480 : index
    %swap3A_701 = tpu.vector_load %arg15[%swap3A_700] {strides = array<i32>} : memref<4096xf32, #tpu.memory_space<vmem>>, vector<16xf32>,
    tpu.vector_store %arg15[%swap3A_700], %broadcast_in_dim3A_389 {strides = array<i32>} : memref<4096xf32, #tpu.memory_space<vmem>>, vector<16xf32>,
    %swap3A_702 = arith.constant 2496 : index
    %swap3A_703 = tpu.vector_load %arg15[%swap3A_702] {strides = array<i32>} : memref<4096xf32, #tpu.memory_space<vmem>>, vector<16xf32>,
    tpu.vector_store %arg15[%swap3A_702], %broadcast_in_dim3A_389 {strides = array<i32>} : memref<4096xf32, #tpu.memory_space<vmem>>, vector<16xf32>,
    %swap3A_704 = arith.constant 2512 : index
    %swap3A_705 = tpu.vector_load %arg15[%swap3A_704] {strides = array<i32>} : memref<4096xf32, #tpu.memory_space<vmem>>, vector<16xf32>,
    tpu.vector_store %arg15[%swap3A_704], %broadcast_in_dim3A_389 {strides = array<i32>} : memref<4096xf32, #tpu.memory_space<vmem>>, vector<16xf32>,
    %swap3A_706 = arith.constant 2528 : index
    %swap3A_707 = tpu.vector_load %arg15[%swap3A_706] {strides = array<i32>} : memref<4096xf32, #tpu.memory_space<vmem>>, vector<16xf32>,
    tpu.vector_store %arg15[%swap3A_706], %broadcast_in_dim3A_389 {strides = array<i32>} : memref<4096xf32, #tpu.memory_space<vmem>>, vector<16xf32>,
    %swap3A_708 = arith.constant 2544 : index
    %swap3A_709 = tpu.vector_load %arg15[%swap3A_708] {strides = array<i32>} : memref<4096xf32, #tpu.memory_space<vmem>>, vector<16xf32>,
    tpu.vector_store %arg15[%swap3A_708], %broadcast_in_dim3A_389 {strides = array<i32>} : memref<4096xf32, #tpu.memory_space<vmem>>, vector<16xf32>,
    %swap3A_710 = arith.constant 2560 : index
    %swap3A_711 = tpu.vector_load %arg15[%swap3A_710] {strides = array<i32>} : memref<4096xf32, #tpu.memory_space<vmem>>, vector<16xf32>,
    tpu.vector_store %arg15[%swap3A_710], %broadcast_in_dim3A_389 {strides = array<i32>} : memref<4096xf32, #tpu.memory_space<vmem>>, vector<16xf32>,
    %swap3A_712 = arith.constant 2576 : index
    %swap3A_713 = tpu.vector_load %arg15[%swap3A_712] {strides = array<i32>} : memref<4096xf32, #tpu.memory_space<vmem>>, vector<16xf32>,
    tpu.vector_store %arg15[%swap3A_712], %broadcast_in_dim3A_389 {strides = array<i32>} : memref<4096xf32, #tpu.memory_space<vmem>>, vector<16xf32>,
    %swap3A_714 = arith.constant 2592 : index
    %swap3A_715 = tpu.vector_load %arg15[%swap3A_714] {strides = array<i32>} : memref<4096xf32, #tpu.memory_space<vmem>>, vector<16xf32>,
    tpu.vector_store %arg15[%swap3A_714], %broadcast_in_dim3A_389 {strides = array<i32>} : memref<4096xf32, #tpu.memory_space<vmem>>, vector<16xf32>,
    %swap3A_716 = arith.constant 2608 : index
    %swap3A_717 = tpu.vector_load %arg15[%swap3A_716] {strides = array<i32>} : memref<4096xf32, #tpu.memory_space<vmem>>, vector<16xf32>,
    tpu.vector_store %arg15[%swap3A_716], %broadcast_in_dim3A_389 {strides = array<i32>} : memref<4096xf32, #tpu.memory_space<vmem>>, vector<16xf32>,
    %swap3A_718 = arith.constant 2624 : index
    %swap3A_719 = tpu.vector_load %arg15[%swap3A_718] {strides = array<i32>} : memref<4096xf32, #tpu.memory_space<vmem>>, vector<16xf32>,
    tpu.vector_store %arg15[%swap3A_718], %broadcast_in_dim3A_389 {strides = array<i32>} : memref<4096xf32, #tpu.memory_space<vmem>>, vector<16xf32>,
    %swap3A_720 = arith.constant 2640 : index
    %swap3A_721 = tpu.vector_load %arg15[%swap3A_720] {strides = array<i32>} : memref<4096xf32, #tpu.memory_space<vmem>>, vector<16xf32>,
    tpu.vector_store %arg15[%swap3A_720], %broadcast_in_dim3A_389 {strides = array<i32>} : memref<4096xf32, #tpu.memory_space<vmem>>, vector<16xf32>,
    %swap3A_722 = arith.constant 2656 : index
    %swap3A_723 = tpu.vector_load %arg15[%swap3A_722] {strides = array<i32>} : memref<4096xf32, #tpu.memory_space<vmem>>, vector<16xf32>,
    tpu.vector_store %arg15[%swap3A_722], %broadcast_in_dim3A_389 {strides = array<i32>} : memref<4096xf32, #tpu.memory_space<vmem>>, vector<16xf32>,
    %swap3A_724 = arith.constant 2672 : index
    %swap3A_725 = tpu.vector_load %arg15[%swap3A_724] {strides = array<i32>} : memref<4096xf32, #tpu.memory_space<vmem>>, vector<16xf32>,
    tpu.vector_store %arg15[%swap3A_724], %broadcast_in_dim3A_389 {strides = array<i32>} : memref<4096xf32, #tpu.memory_space<vmem>>, vector<16xf32>,
    %swap3A_726 = arith.constant 2688 : index
    %swap3A_727 = tpu.vector_load %arg15[%swap3A_726] {strides = array<i32>} : memref<4096xf32, #tpu.memory_space<vmem>>, vector<16xf32>,
    tpu.vector_store %arg15[%swap3A_726], %broadcast_in_dim3A_389 {strides = array<i32>} : memref<4096xf32, #tpu.memory_space<vmem>>, vector<16xf32>,
    %swap3A_728 = arith.constant 2704 : index
    %swap3A_729 = tpu.vector_load %arg15[%swap3A_728] {strides = array<i32>} : memref<4096xf32, #tpu.memory_space<vmem>>, vector<16xf32>,
    tpu.vector_store %arg15[%swap3A_728], %broadcast_in_dim3A_389 {strides = array<i32>} : memref<4096xf32, #tpu.memory_space<vmem>>, vector<16xf32>,
    %swap3A_730 = arith.constant 2720 : index
    %swap3A_731 = tpu.vector_load %arg15[%swap3A_730] {strides = array<i32>} : memref<4096xf32, #tpu.memory_space<vmem>>, vector<16xf32>,
    tpu.vector_store %arg15[%swap3A_730], %broadcast_in_dim3A_389 {strides = array<i32>} : memref<4096xf32, #tpu.memory_space<vmem>>, vector<16xf32>,
    %swap3A_732 = arith.constant 2736 : index
    %swap3A_733 = tpu.vector_load %arg15[%swap3A_732] {strides = array<i32>} : memref<4096xf32, #tpu.memory_space<vmem>>, vector<16xf32>,
    tpu.vector_store %arg15[%swap3A_732], %broadcast_in_dim3A_389 {strides = array<i32>} : memref<4096xf32, #tpu.memory_space<vmem>>, vector<16xf32>,
    %swap3A_734 = arith.constant 2752 : index
    %swap3A_735 = tpu.vector_load %arg15[%swap3A_734] {strides = array<i32>} : memref<4096xf32, #tpu.memory_space<vmem>>, vector<16xf32>,
    tpu.vector_store %arg15[%swap3A_734], %broadcast_in_dim3A_389 {strides = array<i32>} : memref<4096xf32, #tpu.memory_space<vmem>>, vector<16xf32>,
    %swap3A_736 = arith.constant 2768 : index
    %swap3A_737 = tpu.vector_load %arg15[%swap3A_736] {strides = array<i32>} : memref<4096xf32, #tpu.memory_space<vmem>>, vector<16xf32>,
    tpu.vector_store %arg15[%swap3A_736], %broadcast_in_dim3A_389 {strides = array<i32>} : memref<4096xf32, #tpu.memory_space<vmem>>, vector<16xf32>,
    %swap3A_738 = arith.constant 2784 : index
    %swap3A_739 = tpu.vector_load %arg15[%swap3A_738] {strides = array<i32>} : memref<4096xf32, #tpu.memory_space<vmem>>, vector<16xf32>,
    tpu.vector_store %arg15[%swap3A_738], %broadcast_in_dim3A_389 {strides = array<i32>} : memref<4096xf32, #tpu.memory_space<vmem>>, vector<16xf32>,
    %swap3A_740 = arith.constant 2800 : index
    %swap3A_741 = tpu.vector_load %arg15[%swap3A_740] {strides = array<i32>} : memref<4096xf32, #tpu.memory_space<vmem>>, vector<16xf32>,
    tpu.vector_store %arg15[%swap3A_740], %broadcast_in_dim3A_389 {strides = array<i32>} : memref<4096xf32, #tpu.memory_space<vmem>>, vector<16xf32>,
    %swap3A_742 = arith.constant 2816 : index
    %swap3A_743 = tpu.vector_load %arg15[%swap3A_742] {strides = array<i32>} : memref<4096xf32, #tpu.memory_space<vmem>>, vector<16xf32>,
    tpu.vector_store %arg15[%swap3A_742], %broadcast_in_dim3A_389 {strides = array<i32>} : memref<4096xf32, #tpu.memory_space<vmem>>, vector<16xf32>,
    %swap3A_744 = arith.constant 2832 : index
    %swap3A_745 = tpu.vector_load %arg15[%swap3A_744] {strides = array<i32>} : memref<4096xf32, #tpu.memory_space<vmem>>, vector<16xf32>,
    tpu.vector_store %arg15[%swap3A_744], %broadcast_in_dim3A_389 {strides = array<i32>} : memref<4096xf32, #tpu.memory_space<vmem>>, vector<16xf32>,
    %swap3A_746 = arith.constant 2848 : index
    %swap3A_747 = tpu.vector_load %arg15[%swap3A_746] {strides = array<i32>} : memref<4096xf32, #tpu.memory_space<vmem>>, vector<16xf32>,
    tpu.vector_store %arg15[%swap3A_746], %broadcast_in_dim3A_389 {strides = array<i32>} : memref<4096xf32, #tpu.memory_space<vmem>>, vector<16xf32>,
    %swap3A_748 = arith.constant 2864 : index
    %swap3A_749 = tpu.vector_load %arg15[%swap3A_748] {strides = array<i32>} : memref<4096xf32, #tpu.memory_space<vmem>>, vector<16xf32>,
    tpu.vector_store %arg15[%swap3A_748], %broadcast_in_dim3A_389 {strides = array<i32>} : memref<4096xf32, #tpu.memory_space<vmem>>, vector<16xf32>,
    %swap3A_750 = arith.constant 2880 : index
    %swap3A_751 = tpu.vector_load %arg15[%swap3A_750] {strides = array<i32>} : memref<4096xf32, #tpu.memory_space<vmem>>, vector<16xf32>,
    tpu.vector_store %arg15[%swap3A_750], %broadcast_in_dim3A_389 {strides = array<i32>} : memref<4096xf32, #tpu.memory_space<vmem>>, vector<16xf32>,
    %swap3A_752 = arith.constant 2896 : index
    %swap3A_753 = tpu.vector_load %arg15[%swap3A_752] {strides = array<i32>} : memref<4096xf32, #tpu.memory_space<vmem>>, vector<16xf32>,
    tpu.vector_store %arg15[%swap3A_752], %broadcast_in_dim3A_389 {strides = array<i32>} : memref<4096xf32, #tpu.memory_space<vmem>>, vector<16xf32>,
    %swap3A_754 = arith.constant 2912 : index
    %swap3A_755 = tpu.vector_load %arg15[%swap3A_754] {strides = array<i32>} : memref<4096xf32, #tpu.memory_space<vmem>>, vector<16xf32>,
    tpu.vector_store %arg15[%swap3A_754], %broadcast_in_dim3A_389 {strides = array<i32>} : memref<4096xf32, #tpu.memory_space<vmem>>, vector<16xf32>,
    %swap3A_756 = arith.constant 2928 : index
    %swap3A_757 = tpu.vector_load %arg15[%swap3A_756] {strides = array<i32>} : memref<4096xf32, #tpu.memory_space<vmem>>, vector<16xf32>,
    tpu.vector_store %arg15[%swap3A_756], %broadcast_in_dim3A_389 {strides = array<i32>} : memref<4096xf32, #tpu.memory_space<vmem>>, vector<16xf32>,
    %swap3A_758 = arith.constant 2944 : index
    %swap3A_759 = tpu.vector_load %arg15[%swap3A_758] {strides = array<i32>} : memref<4096xf32, #tpu.memory_space<vmem>>, vector<16xf32>,
    tpu.vector_store %arg15[%swap3A_758], %broadcast_in_dim3A_389 {strides = array<i32>} : memref<4096xf32, #tpu.memory_space<vmem>>, vector<16xf32>,
    %swap3A_760 = arith.constant 2960 : index
    %swap3A_761 = tpu.vector_load %arg15[%swap3A_760] {strides = array<i32>} : memref<4096xf32, #tpu.memory_space<vmem>>, vector<16xf32>,
    tpu.vector_store %arg15[%swap3A_760], %broadcast_in_dim3A_389 {strides = array<i32>} : memref<4096xf32, #tpu.memory_space<vmem>>, vector<16xf32>,
    %swap3A_762 = arith.constant 2976 : index
    %swap3A_763 = tpu.vector_load %arg15[%swap3A_762] {strides = array<i32>} : memref<4096xf32, #tpu.memory_space<vmem>>, vector<16xf32>,
    tpu.vector_store %arg15[%swap3A_762], %broadcast_in_dim3A_389 {strides = array<i32>} : memref<4096xf32, #tpu.memory_space<vmem>>, vector<16xf32>,
    %swap3A_764 = arith.constant 2992 : index
    %swap3A_765 = tpu.vector_load %arg15[%swap3A_764] {strides = array<i32>} : memref<4096xf32, #tpu.memory_space<vmem>>, vector<16xf32>,
    tpu.vector_store %arg15[%swap3A_764], %broadcast_in_dim3A_389 {strides = array<i32>} : memref<4096xf32, #tpu.memory_space<vmem>>, vector<16xf32>,
    %swap3A_766 = arith.constant 3008 : index
    %swap3A_767 = tpu.vector_load %arg15[%swap3A_766] {strides = array<i32>} : memref<4096xf32, #tpu.memory_space<vmem>>, vector<16xf32>,
    tpu.vector_store %arg15[%swap3A_766], %broadcast_in_dim3A_389 {strides = array<i32>} : memref<4096xf32, #tpu.memory_space<vmem>>, vector<16xf32>,
    %swap3A_768 = arith.constant 3024 : index
    %swap3A_769 = tpu.vector_load %arg15[%swap3A_768] {strides = array<i32>} : memref<4096xf32, #tpu.memory_space<vmem>>, vector<16xf32>,
    tpu.vector_store %arg15[%swap3A_768], %broadcast_in_dim3A_389 {strides = array<i32>} : memref<4096xf32, #tpu.memory_space<vmem>>, vector<16xf32>,
    %swap3A_770 = arith.constant 3040 : index
    %swap3A_771 = tpu.vector_load %arg15[%swap3A_770] {strides = array<i32>} : memref<4096xf32, #tpu.memory_space<vmem>>, vector<16xf32>,
    tpu.vector_store %arg15[%swap3A_770], %broadcast_in_dim3A_389 {strides = array<i32>} : memref<4096xf32, #tpu.memory_space<vmem>>, vector<16xf32>,
    %swap3A_772 = arith.constant 3056 : index
    %swap3A_773 = tpu.vector_load %arg15[%swap3A_772] {strides = array<i32>} : memref<4096xf32, #tpu.memory_space<vmem>>, vector<16xf32>,
    tpu.vector_store %arg15[%swap3A_772], %broadcast_in_dim3A_389 {strides = array<i32>} : memref<4096xf32, #tpu.memory_space<vmem>>, vector<16xf32>,
    %swap3A_774 = arith.constant 3072 : index
    %swap3A_775 = tpu.vector_load %arg15[%swap3A_774] {strides = array<i32>} : memref<4096xf32, #tpu.memory_space<vmem>>, vector<16xf32>,
    tpu.vector_store %arg15[%swap3A_774], %broadcast_in_dim3A_389 {strides = array<i32>} : memref<4096xf32, #tpu.memory_space<vmem>>, vector<16xf32>,
    %swap3A_776 = arith.constant 3088 : index
    %swap3A_777 = tpu.vector_load %arg15[%swap3A_776] {strides = array<i32>} : memref<4096xf32, #tpu.memory_space<vmem>>, vector<16xf32>,
    tpu.vector_store %arg15[%swap3A_776], %broadcast_in_dim3A_389 {strides = array<i32>} : memref<4096xf32, #tpu.memory_space<vmem>>, vector<16xf32>,
    %swap3A_778 = arith.constant 3104 : index
    %swap3A_779 = tpu.vector_load %arg15[%swap3A_778] {strides = array<i32>} : memref<4096xf32, #tpu.memory_space<vmem>>, vector<16xf32>,
    tpu.vector_store %arg15[%swap3A_778], %broadcast_in_dim3A_389 {strides = array<i32>} : memref<4096xf32, #tpu.memory_space<vmem>>, vector<16xf32>,
    %swap3A_780 = arith.constant 3120 : index
    %swap3A_781 = tpu.vector_load %arg15[%swap3A_780] {strides = array<i32>} : memref<4096xf32, #tpu.memory_space<vmem>>, vector<16xf32>,
    tpu.vector_store %arg15[%swap3A_780], %broadcast_in_dim3A_389 {strides = array<i32>} : memref<4096xf32, #tpu.memory_space<vmem>>, vector<16xf32>,
    %swap3A_782 = arith.constant 3136 : index
    %swap3A_783 = tpu.vector_load %arg15[%swap3A_782] {strides = array<i32>} : memref<4096xf32, #tpu.memory_space<vmem>>, vector<16xf32>,
    tpu.vector_store %arg15[%swap3A_782], %broadcast_in_dim3A_389 {strides = array<i32>} : memref<4096xf32, #tpu.memory_space<vmem>>, vector<16xf32>,
    %swap3A_784 = arith.constant 3152 : index
    %swap3A_785 = tpu.vector_load %arg15[%swap3A_784] {strides = array<i32>} : memref<4096xf32, #tpu.memory_space<vmem>>, vector<16xf32>,
    tpu.vector_store %arg15[%swap3A_784], %broadcast_in_dim3A_389 {strides = array<i32>} : memref<4096xf32, #tpu.memory_space<vmem>>, vector<16xf32>,
    %swap3A_786 = arith.constant 3168 : index
    %swap3A_787 = tpu.vector_load %arg15[%swap3A_786] {strides = array<i32>} : memref<4096xf32, #tpu.memory_space<vmem>>, vector<16xf32>,
    tpu.vector_store %arg15[%swap3A_786], %broadcast_in_dim3A_389 {strides = array<i32>} : memref<4096xf32, #tpu.memory_space<vmem>>, vector<16xf32>,
    %swap3A_788 = arith.constant 3184 : index
    %swap3A_789 = tpu.vector_load %arg15[%swap3A_788] {strides = array<i32>} : memref<4096xf32, #tpu.memory_space<vmem>>, vector<16xf32>,
    tpu.vector_store %arg15[%swap3A_788], %broadcast_in_dim3A_389 {strides = array<i32>} : memref<4096xf32, #tpu.memory_space<vmem>>, vector<16xf32>,
    %swap3A_790 = arith.constant 3200 : index
    %swap3A_791 = tpu.vector_load %arg15[%swap3A_790] {strides = array<i32>} : memref<4096xf32, #tpu.memory_space<vmem>>, vector<16xf32>,
    tpu.vector_store %arg15[%swap3A_790], %broadcast_in_dim3A_389 {strides = array<i32>} : memref<4096xf32, #tpu.memory_space<vmem>>, vector<16xf32>,
    %swap3A_792 = arith.constant 3216 : index
    %swap3A_793 = tpu.vector_load %arg15[%swap3A_792] {strides = array<i32>} : memref<4096xf32, #tpu.memory_space<vmem>>, vector<16xf32>,
    tpu.vector_store %arg15[%swap3A_792], %broadcast_in_dim3A_389 {strides = array<i32>} : memref<4096xf32, #tpu.memory_space<vmem>>, vector<16xf32>,
    %swap3A_794 = arith.constant 3232 : index
    %swap3A_795 = tpu.vector_load %arg15[%swap3A_794] {strides = array<i32>} : memref<4096xf32, #tpu.memory_space<vmem>>, vector<16xf32>,
    tpu.vector_store %arg15[%swap3A_794], %broadcast_in_dim3A_389 {strides = array<i32>} : memref<4096xf32, #tpu.memory_space<vmem>>, vector<16xf32>,
    %swap3A_796 = arith.constant 3248 : index
    %swap3A_797 = tpu.vector_load %arg15[%swap3A_796] {strides = array<i32>} : memref<4096xf32, #tpu.memory_space<vmem>>, vector<16xf32>,
    tpu.vector_store %arg15[%swap3A_796], %broadcast_in_dim3A_389 {strides = array<i32>} : memref<4096xf32, #tpu.memory_space<vmem>>, vector<16xf32>,
    %swap3A_798 = arith.constant 3264 : index
    %swap3A_799 = tpu.vector_load %arg15[%swap3A_798] {strides = array<i32>} : memref<4096xf32, #tpu.memory_space<vmem>>, vector<16xf32>,
    tpu.vector_store %arg15[%swap3A_798], %broadcast_in_dim3A_389 {strides = array<i32>} : memref<4096xf32, #tpu.memory_space<vmem>>, vector<16xf32>,
    %swap3A_800 = arith.constant 3280 : index
    %swap3A_801 = tpu.vector_load %arg15[%swap3A_800] {strides = array<i32>} : memref<4096xf32, #tpu.memory_space<vmem>>, vector<16xf32>,
    tpu.vector_store %arg15[%swap3A_800], %broadcast_in_dim3A_389 {strides = array<i32>} : memref<4096xf32, #tpu.memory_space<vmem>>, vector<16xf32>,
    %swap3A_802 = arith.constant 3296 : index
    %swap3A_803 = tpu.vector_load %arg15[%swap3A_802] {strides = array<i32>} : memref<4096xf32, #tpu.memory_space<vmem>>, vector<16xf32>,
    tpu.vector_store %arg15[%swap3A_802], %broadcast_in_dim3A_389 {strides = array<i32>} : memref<4096xf32, #tpu.memory_space<vmem>>, vector<16xf32>,
    %swap3A_804 = arith.constant 3312 : index
    %swap3A_805 = tpu.vector_load %arg15[%swap3A_804] {strides = array<i32>} : memref<4096xf32, #tpu.memory_space<vmem>>, vector<16xf32>,
    tpu.vector_store %arg15[%swap3A_804], %broadcast_in_dim3A_389 {strides = array<i32>} : memref<4096xf32, #tpu.memory_space<vmem>>, vector<16xf32>,
    %swap3A_806 = arith.constant 3328 : index
    %swap3A_807 = tpu.vector_load %arg15[%swap3A_806] {strides = array<i32>} : memref<4096xf32, #tpu.memory_space<vmem>>, vector<16xf32>,
    tpu.vector_store %arg15[%swap3A_806], %broadcast_in_dim3A_389 {strides = array<i32>} : memref<4096xf32, #tpu.memory_space<vmem>>, vector<16xf32>,
    %swap3A_808 = arith.constant 3344 : index
    %swap3A_809 = tpu.vector_load %arg15[%swap3A_808] {strides = array<i32>} : memref<4096xf32, #tpu.memory_space<vmem>>, vector<16xf32>,
    tpu.vector_store %arg15[%swap3A_808], %broadcast_in_dim3A_389 {strides = array<i32>} : memref<4096xf32, #tpu.memory_space<vmem>>, vector<16xf32>,
    %swap3A_810 = arith.constant 3360 : index
    %swap3A_811 = tpu.vector_load %arg15[%swap3A_810] {strides = array<i32>} : memref<4096xf32, #tpu.memory_space<vmem>>, vector<16xf32>,
    tpu.vector_store %arg15[%swap3A_810], %broadcast_in_dim3A_389 {strides = array<i32>} : memref<4096xf32, #tpu.memory_space<vmem>>, vector<16xf32>,
    %swap3A_812 = arith.constant 3376 : index
    %swap3A_813 = tpu.vector_load %arg15[%swap3A_812] {strides = array<i32>} : memref<4096xf32, #tpu.memory_space<vmem>>, vector<16xf32>,
    tpu.vector_store %arg15[%swap3A_812], %broadcast_in_dim3A_389 {strides = array<i32>} : memref<4096xf32, #tpu.memory_space<vmem>>, vector<16xf32>,
    %swap3A_814 = arith.constant 3392 : index
    %swap3A_815 = tpu.vector_load %arg15[%swap3A_814] {strides = array<i32>} : memref<4096xf32, #tpu.memory_space<vmem>>, vector<16xf32>,
    tpu.vector_store %arg15[%swap3A_814], %broadcast_in_dim3A_389 {strides = array<i32>} : memref<4096xf32, #tpu.memory_space<vmem>>, vector<16xf32>,
    %swap3A_816 = arith.constant 3408 : index
    %swap3A_817 = tpu.vector_load %arg15[%swap3A_816] {strides = array<i32>} : memref<4096xf32, #tpu.memory_space<vmem>>, vector<16xf32>,
    tpu.vector_store %arg15[%swap3A_816], %broadcast_in_dim3A_389 {strides = array<i32>} : memref<4096xf32, #tpu.memory_space<vmem>>, vector<16xf32>,
    %swap3A_818 = arith.constant 3424 : index
    %swap3A_819 = tpu.vector_load %arg15[%swap3A_818] {strides = array<i32>} : memref<4096xf32, #tpu.memory_space<vmem>>, vector<16xf32>,
    tpu.vector_store %arg15[%swap3A_818], %broadcast_in_dim3A_389 {strides = array<i32>} : memref<4096xf32, #tpu.memory_space<vmem>>, vector<16xf32>,
    %swap3A_820 = arith.constant 3440 : index
    %swap3A_821 = tpu.vector_load %arg15[%swap3A_820] {strides = array<i32>} : memref<4096xf32, #tpu.memory_space<vmem>>, vector<16xf32>,
    tpu.vector_store %arg15[%swap3A_820], %broadcast_in_dim3A_389 {strides = array<i32>} : memref<4096xf32, #tpu.memory_space<vmem>>, vector<16xf32>,
    %swap3A_822 = arith.constant 3456 : index
    %swap3A_823 = tpu.vector_load %arg15[%swap3A_822] {strides = array<i32>} : memref<4096xf32, #tpu.memory_space<vmem>>, vector<16xf32>,
    tpu.vector_store %arg15[%swap3A_822], %broadcast_in_dim3A_389 {strides = array<i32>} : memref<4096xf32, #tpu.memory_space<vmem>>, vector<16xf32>,
    %swap3A_824 = arith.constant 3472 : index
    %swap3A_825 = tpu.vector_load %arg15[%swap3A_824] {strides = array<i32>} : memref<4096xf32, #tpu.memory_space<vmem>>, vector<16xf32>,
    tpu.vector_store %arg15[%swap3A_824], %broadcast_in_dim3A_389 {strides = array<i32>} : memref<4096xf32, #tpu.memory_space<vmem>>, vector<16xf32>,
    %swap3A_826 = arith.constant 3488 : index
    %swap3A_827 = tpu.vector_load %arg15[%swap3A_826] {strides = array<i32>} : memref<4096xf32, #tpu.memory_space<vmem>>, vector<16xf32>,
    tpu.vector_store %arg15[%swap3A_826], %broadcast_in_dim3A_389 {strides = array<i32>} : memref<4096xf32, #tpu.memory_space<vmem>>, vector<16xf32>,
    %swap3A_828 = arith.constant 3504 : index
    %swap3A_829 = tpu.vector_load %arg15[%swap3A_828] {strides = array<i32>} : memref<4096xf32, #tpu.memory_space<vmem>>, vector<16xf32>,
    tpu.vector_store %arg15[%swap3A_828], %broadcast_in_dim3A_389 {strides = array<i32>} : memref<4096xf32, #tpu.memory_space<vmem>>, vector<16xf32>,
    %swap3A_830 = arith.constant 3520 : index
    %swap3A_831 = tpu.vector_load %arg15[%swap3A_830] {strides = array<i32>} : memref<4096xf32, #tpu.memory_space<vmem>>, vector<16xf32>,
    tpu.vector_store %arg15[%swap3A_830], %broadcast_in_dim3A_389 {strides = array<i32>} : memref<4096xf32, #tpu.memory_space<vmem>>, vector<16xf32>,
    %swap3A_832 = arith.constant 3536 : index
    %swap3A_833 = tpu.vector_load %arg15[%swap3A_832] {strides = array<i32>} : memref<4096xf32, #tpu.memory_space<vmem>>, vector<16xf32>,
    tpu.vector_store %arg15[%swap3A_832], %broadcast_in_dim3A_389 {strides = array<i32>} : memref<4096xf32, #tpu.memory_space<vmem>>, vector<16xf32>,
    %swap3A_834 = arith.constant 3552 : index
    %swap3A_835 = tpu.vector_load %arg15[%swap3A_834] {strides = array<i32>} : memref<4096xf32, #tpu.memory_space<vmem>>, vector<16xf32>,
    tpu.vector_store %arg15[%swap3A_834], %broadcast_in_dim3A_389 {strides = array<i32>} : memref<4096xf32, #tpu.memory_space<vmem>>, vector<16xf32>,
    %swap3A_836 = arith.constant 3568 : index
    %swap3A_837 = tpu.vector_load %arg15[%swap3A_836] {strides = array<i32>} : memref<4096xf32, #tpu.memory_space<vmem>>, vector<16xf32>,
    tpu.vector_store %arg15[%swap3A_836], %broadcast_in_dim3A_389 {strides = array<i32>} : memref<4096xf32, #tpu.memory_space<vmem>>, vector<16xf32>,
    %swap3A_838 = arith.constant 3584 : index
    %swap3A_839 = tpu.vector_load %arg15[%swap3A_838] {strides = array<i32>} : memref<4096xf32, #tpu.memory_space<vmem>>, vector<16xf32>,
    tpu.vector_store %arg15[%swap3A_838], %broadcast_in_dim3A_389 {strides = array<i32>} : memref<4096xf32, #tpu.memory_space<vmem>>, vector<16xf32>,
    %swap3A_840 = arith.constant 3600 : index
    %swap3A_841 = tpu.vector_load %arg15[%swap3A_840] {strides = array<i32>} : memref<4096xf32, #tpu.memory_space<vmem>>, vector<16xf32>,
    tpu.vector_store %arg15[%swap3A_840], %broadcast_in_dim3A_389 {strides = array<i32>} : memref<4096xf32, #tpu.memory_space<vmem>>, vector<16xf32>,
    %swap3A_842 = arith.constant 3616 : index
    %swap3A_843 = tpu.vector_load %arg15[%swap3A_842] {strides = array<i32>} : memref<4096xf32, #tpu.memory_space<vmem>>, vector<16xf32>,
    tpu.vector_store %arg15[%swap3A_842], %broadcast_in_dim3A_389 {strides = array<i32>} : memref<4096xf32, #tpu.memory_space<vmem>>, vector<16xf32>,
    %swap3A_844 = arith.constant 3632 : index
    %swap3A_845 = tpu.vector_load %arg15[%swap3A_844] {strides = array<i32>} : memref<4096xf32, #tpu.memory_space<vmem>>, vector<16xf32>,
    tpu.vector_store %arg15[%swap3A_844], %broadcast_in_dim3A_389 {strides = array<i32>} : memref<4096xf32, #tpu.memory_space<vmem>>, vector<16xf32>,
    %swap3A_846 = arith.constant 3648 : index
    %swap3A_847 = tpu.vector_load %arg15[%swap3A_846] {strides = array<i32>} : memref<4096xf32, #tpu.memory_space<vmem>>, vector<16xf32>,
    tpu.vector_store %arg15[%swap3A_846], %broadcast_in_dim3A_389 {strides = array<i32>} : memref<4096xf32, #tpu.memory_space<vmem>>, vector<16xf32>,
    %swap3A_848 = arith.constant 3664 : index
    %swap3A_849 = tpu.vector_load %arg15[%swap3A_848] {strides = array<i32>} : memref<4096xf32, #tpu.memory_space<vmem>>, vector<16xf32>,
    tpu.vector_store %arg15[%swap3A_848], %broadcast_in_dim3A_389 {strides = array<i32>} : memref<4096xf32, #tpu.memory_space<vmem>>, vector<16xf32>,
    %swap3A_850 = arith.constant 3680 : index
    %swap3A_851 = tpu.vector_load %arg15[%swap3A_850] {strides = array<i32>} : memref<4096xf32, #tpu.memory_space<vmem>>, vector<16xf32>,
    tpu.vector_store %arg15[%swap3A_850], %broadcast_in_dim3A_389 {strides = array<i32>} : memref<4096xf32, #tpu.memory_space<vmem>>, vector<16xf32>,
    %swap3A_852 = arith.constant 3696 : index
    %swap3A_853 = tpu.vector_load %arg15[%swap3A_852] {strides = array<i32>} : memref<4096xf32, #tpu.memory_space<vmem>>, vector<16xf32>,
    tpu.vector_store %arg15[%swap3A_852], %broadcast_in_dim3A_389 {strides = array<i32>} : memref<4096xf32, #tpu.memory_space<vmem>>, vector<16xf32>,
    %swap3A_854 = arith.constant 3712 : index
    %swap3A_855 = tpu.vector_load %arg15[%swap3A_854] {strides = array<i32>} : memref<4096xf32, #tpu.memory_space<vmem>>, vector<16xf32>,
    tpu.vector_store %arg15[%swap3A_854], %broadcast_in_dim3A_389 {strides = array<i32>} : memref<4096xf32, #tpu.memory_space<vmem>>, vector<16xf32>,
    %swap3A_856 = arith.constant 3728 : index
    %swap3A_857 = tpu.vector_load %arg15[%swap3A_856] {strides = array<i32>} : memref<4096xf32, #tpu.memory_space<vmem>>, vector<16xf32>,
    tpu.vector_store %arg15[%swap3A_856], %broadcast_in_dim3A_389 {strides = array<i32>} : memref<4096xf32, #tpu.memory_space<vmem>>, vector<16xf32>,
    %swap3A_858 = arith.constant 3744 : index
    %swap3A_859 = tpu.vector_load %arg15[%swap3A_858] {strides = array<i32>} : memref<4096xf32, #tpu.memory_space<vmem>>, vector<16xf32>,
    tpu.vector_store %arg15[%swap3A_858], %broadcast_in_dim3A_389 {strides = array<i32>} : memref<4096xf32, #tpu.memory_space<vmem>>, vector<16xf32>,
    %swap3A_860 = arith.constant 3760 : index
    %swap3A_861 = tpu.vector_load %arg15[%swap3A_860] {strides = array<i32>} : memref<4096xf32, #tpu.memory_space<vmem>>, vector<16xf32>,
    tpu.vector_store %arg15[%swap3A_860], %broadcast_in_dim3A_389 {strides = array<i32>} : memref<4096xf32, #tpu.memory_space<vmem>>, vector<16xf32>,
    %swap3A_862 = arith.constant 3776 : index
    %swap3A_863 = tpu.vector_load %arg15[%swap3A_862] {strides = array<i32>} : memref<4096xf32, #tpu.memory_space<vmem>>, vector<16xf32>,
    tpu.vector_store %arg15[%swap3A_862], %broadcast_in_dim3A_389 {strides = array<i32>} : memref<4096xf32, #tpu.memory_space<vmem>>, vector<16xf32>,
    %swap3A_864 = arith.constant 3792 : index
    %swap3A_865 = tpu.vector_load %arg15[%swap3A_864] {strides = array<i32>} : memref<4096xf32, #tpu.memory_space<vmem>>, vector<16xf32>,
    tpu.vector_store %arg15[%swap3A_864], %broadcast_in_dim3A_389 {strides = array<i32>} : memref<4096xf32, #tpu.memory_space<vmem>>, vector<16xf32>,
    %swap3A_866 = arith.constant 3808 : index
    %swap3A_867 = tpu.vector_load %arg15[%swap3A_866] {strides = array<i32>} : memref<4096xf32, #tpu.memory_space<vmem>>, vector<16xf32>,
    tpu.vector_store %arg15[%swap3A_866], %broadcast_in_dim3A_389 {strides = array<i32>} : memref<4096xf32, #tpu.memory_space<vmem>>, vector<16xf32>,
    %swap3A_868 = arith.constant 3824 : index
    %swap3A_869 = tpu.vector_load %arg15[%swap3A_868] {strides = array<i32>} : memref<4096xf32, #tpu.memory_space<vmem>>, vector<16xf32>,
    tpu.vector_store %arg15[%swap3A_868], %broadcast_in_dim3A_389 {strides = array<i32>} : memref<4096xf32, #tpu.memory_space<vmem>>, vector<16xf32>,
    %swap3A_870 = arith.constant 3840 : index
    %swap3A_871 = tpu.vector_load %arg15[%swap3A_870] {strides = array<i32>} : memref<4096xf32, #tpu.memory_space<vmem>>, vector<16xf32>,
    tpu.vector_store %arg15[%swap3A_870], %broadcast_in_dim3A_389 {strides = array<i32>} : memref<4096xf32, #tpu.memory_space<vmem>>, vector<16xf32>,
    %swap3A_872 = arith.constant 3856 : index
    %swap3A_873 = tpu.vector_load %arg15[%swap3A_872] {strides = array<i32>} : memref<4096xf32, #tpu.memory_space<vmem>>, vector<16xf32>,
    tpu.vector_store %arg15[%swap3A_872], %broadcast_in_dim3A_389 {strides = array<i32>} : memref<4096xf32, #tpu.memory_space<vmem>>, vector<16xf32>,
    %swap3A_874 = arith.constant 3872 : index
    %swap3A_875 = tpu.vector_load %arg15[%swap3A_874] {strides = array<i32>} : memref<4096xf32, #tpu.memory_space<vmem>>, vector<16xf32>,
    tpu.vector_store %arg15[%swap3A_874], %broadcast_in_dim3A_389 {strides = array<i32>} : memref<4096xf32, #tpu.memory_space<vmem>>, vector<16xf32>,
    %swap3A_876 = arith.constant 3888 : index
    %swap3A_877 = tpu.vector_load %arg15[%swap3A_876] {strides = array<i32>} : memref<4096xf32, #tpu.memory_space<vmem>>, vector<16xf32>,
    tpu.vector_store %arg15[%swap3A_876], %broadcast_in_dim3A_389 {strides = array<i32>} : memref<4096xf32, #tpu.memory_space<vmem>>, vector<16xf32>,
    %swap3A_878 = arith.constant 3904 : index
    %swap3A_879 = tpu.vector_load %arg15[%swap3A_878] {strides = array<i32>} : memref<4096xf32, #tpu.memory_space<vmem>>, vector<16xf32>,
    tpu.vector_store %arg15[%swap3A_878], %broadcast_in_dim3A_389 {strides = array<i32>} : memref<4096xf32, #tpu.memory_space<vmem>>, vector<16xf32>,
    %swap3A_880 = arith.constant 3920 : index
    %swap3A_881 = tpu.vector_load %arg15[%swap3A_880] {strides = array<i32>} : memref<4096xf32, #tpu.memory_space<vmem>>, vector<16xf32>,
    tpu.vector_store %arg15[%swap3A_880], %broadcast_in_dim3A_389 {strides = array<i32>} : memref<4096xf32, #tpu.memory_space<vmem>>, vector<16xf32>,
    %swap3A_882 = arith.constant 3936 : index
    %swap3A_883 = tpu.vector_load %arg15[%swap3A_882] {strides = array<i32>} : memref<4096xf32, #tpu.memory_space<vmem>>, vector<16xf32>,
    tpu.vector_store %arg15[%swap3A_882], %broadcast_in_dim3A_389 {strides = array<i32>} : memref<4096xf32, #tpu.memory_space<vmem>>, vector<16xf32>,
    %swap3A_884 = arith.constant 3952 : index
    %swap3A_885 = tpu.vector_load %arg15[%swap3A_884] {strides = array<i32>} : memref<4096xf32, #tpu.memory_space<vmem>>, vector<16xf32>,
    tpu.vector_store %arg15[%swap3A_884], %broadcast_in_dim3A_389 {strides = array<i32>} : memref<4096xf32, #tpu.memory_space<vmem>>, vector<16xf32>,
    %swap3A_886 = arith.constant 3968 : index
    %swap3A_887 = tpu.vector_load %arg15[%swap3A_886] {strides = array<i32>} : memref<4096xf32, #tpu.memory_space<vmem>>, vector<16xf32>,
    tpu.vector_store %arg15[%swap3A_886], %broadcast_in_dim3A_389 {strides = array<i32>} : memref<4096xf32, #tpu.memory_space<vmem>>, vector<16xf32>,
    %swap3A_888 = arith.constant 3984 : index
    %swap3A_889 = tpu.vector_load %arg15[%swap3A_888] {strides = array<i32>} : memref<4096xf32, #tpu.memory_space<vmem>>, vector<16xf32>,
    tpu.vector_store %arg15[%swap3A_888], %broadcast_in_dim3A_389 {strides = array<i32>} : memref<4096xf32, #tpu.memory_space<vmem>>, vector<16xf32>,
    %swap3A_890 = arith.constant 4000 : index
    %swap3A_891 = tpu.vector_load %arg15[%swap3A_890] {strides = array<i32>} : memref<4096xf32, #tpu.memory_space<vmem>>, vector<16xf32>,
    tpu.vector_store %arg15[%swap3A_890], %broadcast_in_dim3A_389 {strides = array<i32>} : memref<4096xf32, #tpu.memory_space<vmem>>, vector<16xf32>,
    %swap3A_892 = arith.constant 4016 : index
    %swap3A_893 = tpu.vector_load %arg15[%swap3A_892] {strides = array<i32>} : memref<4096xf32, #tpu.memory_space<vmem>>, vector<16xf32>,
    tpu.vector_store %arg15[%swap3A_892], %broadcast_in_dim3A_389 {strides = array<i32>} : memref<4096xf32, #tpu.memory_space<vmem>>, vector<16xf32>,
    %swap3A_894 = arith.constant 4032 : index
    %swap3A_895 = tpu.vector_load %arg15[%swap3A_894] {strides = array<i32>} : memref<4096xf32, #tpu.memory_space<vmem>>, vector<16xf32>,
    tpu.vector_store %arg15[%swap3A_894], %broadcast_in_dim3A_389 {strides = array<i32>} : memref<4096xf32, #tpu.memory_space<vmem>>, vector<16xf32>,
    %swap3A_896 = arith.constant 4048 : index
    %swap3A_897 = tpu.vector_load %arg15[%swap3A_896] {strides = array<i32>} : memref<4096xf32, #tpu.memory_space<vmem>>, vector<16xf32>,
    tpu.vector_store %arg15[%swap3A_896], %broadcast_in_dim3A_389 {strides = array<i32>} : memref<4096xf32, #tpu.memory_space<vmem>>, vector<16xf32>,
    %swap3A_898 = arith.constant 4064 : index
    %swap3A_899 = tpu.vector_load %arg15[%swap3A_898] {strides = array<i32>} : memref<4096xf32, #tpu.memory_space<vmem>>, vector<16xf32>,
    tpu.vector_store %arg15[%swap3A_898], %broadcast_in_dim3A_389 {strides = array<i32>} : memref<4096xf32, #tpu.memory_space<vmem>>, vector<16xf32>,
    %swap3A_900 = arith.constant 4080 : index
    %swap3A_901 = tpu.vector_load %arg15[%swap3A_900] {strides = array<i32>} : memref<4096xf32, #tpu.memory_space<vmem>>, vector<16xf32>,
    tpu.vector_store %arg15[%swap3A_900], %broadcast_in_dim3A_389 {strides = array<i32>} : memref<4096xf32, #tpu.memory_space<vmem>>, vector<16xf32>,
    %broadcast_in_dim3A_902 = arith.constant 1.000000e+00 : f32
    %broadcast_in_dim3A_903 = vector.broadcast %broadcast_in_dim3A_902 : f32 to vector<16xf32>
    %iota3A = tpu.iota {dimensions = array<i32: 0>} : vector<16xi32>
    %add3A_904 = arith.constant 0 : i32
    %add3A_905 = vector.broadcast %add3A_904 : i32 to vector<16xi32>
    %add3A_906 = arith.addi %add3A_905, %iota3A : vector<16xi32>
    %mul3A_907 = arith.constant 32 : i32
    %mul3A_908 = vector.broadcast %mul3A_907 : i32 to vector<16xi32>
    %mul3A_909 = arith.muli %add3A_906, %mul3A_908 : vector<16xi32>
    %mul3A_910 = arith.constant 20 : i32
    %mul3A_911 = vector.broadcast %mul3A_910 : i32 to vector<16xi32>
    %mul3A_912 = arith.muli %add3A_906, %mul3A_911 : vector<16xi32>
    %add3A_913 = arith.constant 0 : i32
    %add3A_914 = vector.broadcast %add3A_913 : i32 to vector<16xi32>
    %add3A_915 = arith.addi %mul3A_912, %add3A_914 : vector<16xi32>
    %gather3A = tpu.vector_load_idx %arg12[%add3A_915] : memref<2560xi32, #tpu.memory_space<vmem>>[vector<16xi32>], vector<16xi32>,
    %add3A_916 = arith.addi %mul3A_909, %gather3A : vector<16xi32>
    tpu.vector_store_idx %arg15[%add3A_916], %broadcast_in_dim3A_903 {add = true} : memref<4096xf32, #tpu.memory_space<vmem>>[vector<16xi32>], vector<16xf32>,
    %add3A_917 = arith.constant 1 : i32
    %add3A_918 = vector.broadcast %add3A_917 : i32 to vector<16xi32>
    %add3A_919 = arith.addi %mul3A_912, %add3A_918 : vector<16xi32>
    %gather3A_920 = tpu.vector_load_idx %arg12[%add3A_919] : memref<2560xi32, #tpu.memory_space<vmem>>[vector<16xi32>], vector<16xi32>,
    %add3A_921 = arith.addi %mul3A_909, %gather3A_920 : vector<16xi32>
    tpu.vector_store_idx %arg15[%add3A_921], %broadcast_in_dim3A_903 {add = true} : memref<4096xf32, #tpu.memory_space<vmem>>[vector<16xi32>], vector<16xf32>,
    %add3A_922 = arith.constant 2 : i32
    %add3A_923 = vector.broadcast %add3A_922 : i32 to vector<16xi32>
    %add3A_924 = arith.addi %mul3A_912, %add3A_923 : vector<16xi32>
    %gather3A_925 = tpu.vector_load_idx %arg12[%add3A_924] : memref<2560xi32, #tpu.memory_space<vmem>>[vector<16xi32>], vector<16xi32>,
    %add3A_926 = arith.addi %mul3A_909, %gather3A_925 : vector<16xi32>
    tpu.vector_store_idx %arg15[%add3A_926], %broadcast_in_dim3A_903 {add = true} : memref<4096xf32, #tpu.memory_space<vmem>>[vector<16xi32>], vector<16xf32>,
    %add3A_927 = arith.constant 3 : i32
    %add3A_928 = vector.broadcast %add3A_927 : i32 to vector<16xi32>
    %add3A_929 = arith.addi %mul3A_912, %add3A_928 : vector<16xi32>
    %gather3A_930 = tpu.vector_load_idx %arg12[%add3A_929] : memref<2560xi32, #tpu.memory_space<vmem>>[vector<16xi32>], vector<16xi32>,
    %add3A_931 = arith.addi %mul3A_909, %gather3A_930 : vector<16xi32>
    tpu.vector_store_idx %arg15[%add3A_931], %broadcast_in_dim3A_903 {add = true} : memref<4096xf32, #tpu.memory_space<vmem>>[vector<16xi32>], vector<16xf32>,
    %add3A_932 = arith.constant 4 : i32
    %add3A_933 = vector.broadcast %add3A_932 : i32 to vector<16xi32>
    %add3A_934 = arith.addi %mul3A_912, %add3A_933 : vector<16xi32>
    %gather3A_935 = tpu.vector_load_idx %arg12[%add3A_934] : memref<2560xi32, #tpu.memory_space<vmem>>[vector<16xi32>], vector<16xi32>,
    %add3A_936 = arith.addi %mul3A_909, %gather3A_935 : vector<16xi32>
    tpu.vector_store_idx %arg15[%add3A_936], %broadcast_in_dim3A_903 {add = true} : memref<4096xf32, #tpu.memory_space<vmem>>[vector<16xi32>], vector<16xf32>,
    %add3A_937 = arith.constant 5 : i32
    %add3A_938 = vector.broadcast %add3A_937 : i32 to vector<16xi32>
    %add3A_939 = arith.addi %mul3A_912, %add3A_938 : vector<16xi32>
    %gather3A_940 = tpu.vector_load_idx %arg12[%add3A_939] : memref<2560xi32, #tpu.memory_space<vmem>>[vector<16xi32>], vector<16xi32>,
    %add3A_941 = arith.addi %mul3A_909, %gather3A_940 : vector<16xi32>
    tpu.vector_store_idx %arg15[%add3A_941], %broadcast_in_dim3A_903 {add = true} : memref<4096xf32, #tpu.memory_space<vmem>>[vector<16xi32>], vector<16xf32>,
    %add3A_942 = arith.constant 6 : i32
    %add3A_943 = vector.broadcast %add3A_942 : i32 to vector<16xi32>
    %add3A_944 = arith.addi %mul3A_912, %add3A_943 : vector<16xi32>
    %gather3A_945 = tpu.vector_load_idx %arg12[%add3A_944] : memref<2560xi32, #tpu.memory_space<vmem>>[vector<16xi32>], vector<16xi32>,
    %add3A_946 = arith.addi %mul3A_909, %gather3A_945 : vector<16xi32>
    tpu.vector_store_idx %arg15[%add3A_946], %broadcast_in_dim3A_903 {add = true} : memref<4096xf32, #tpu.memory_space<vmem>>[vector<16xi32>], vector<16xf32>,
    %add3A_947 = arith.constant 7 : i32
    %add3A_948 = vector.broadcast %add3A_947 : i32 to vector<16xi32>
    %add3A_949 = arith.addi %mul3A_912, %add3A_948 : vector<16xi32>
    %gather3A_950 = tpu.vector_load_idx %arg12[%add3A_949] : memref<2560xi32, #tpu.memory_space<vmem>>[vector<16xi32>], vector<16xi32>,
    %add3A_951 = arith.addi %mul3A_909, %gather3A_950 : vector<16xi32>
    tpu.vector_store_idx %arg15[%add3A_951], %broadcast_in_dim3A_903 {add = true} : memref<4096xf32, #tpu.memory_space<vmem>>[vector<16xi32>], vector<16xf32>,
    %add3A_952 = arith.constant 8 : i32
    %add3A_953 = vector.broadcast %add3A_952 : i32 to vector<16xi32>
    %add3A_954 = arith.addi %mul3A_912, %add3A_953 : vector<16xi32>
    %gather3A_955 = tpu.vector_load_idx %arg12[%add3A_954] : memref<2560xi32, #tpu.memory_space<vmem>>[vector<16xi32>], vector<16xi32>,
    %add3A_956 = arith.addi %mul3A_909, %gather3A_955 : vector<16xi32>
    tpu.vector_store_idx %arg15[%add3A_956], %broadcast_in_dim3A_903 {add = true} : memref<4096xf32, #tpu.memory_space<vmem>>[vector<16xi32>], vector<16xf32>,
    %add3A_957 = arith.constant 9 : i32
    %add3A_958 = vector.broadcast %add3A_957 : i32 to vector<16xi32>
    %add3A_959 = arith.addi %mul3A_912, %add3A_958 : vector<16xi32>
    %gather3A_960 = tpu.vector_load_idx %arg12[%add3A_959] : memref<2560xi32, #tpu.memory_space<vmem>>[vector<16xi32>], vector<16xi32>,
    %add3A_961 = arith.addi %mul3A_909, %gather3A_960 : vector<16xi32>
    tpu.vector_store_idx %arg15[%add3A_961], %broadcast_in_dim3A_903 {add = true} : memref<4096xf32, #tpu.memory_space<vmem>>[vector<16xi32>], vector<16xf32>,
    %add3A_962 = arith.constant 10 : i32
    %add3A_963 = vector.broadcast %add3A_962 : i32 to vector<16xi32>
    %add3A_964 = arith.addi %mul3A_912, %add3A_963 : vector<16xi32>
    %gather3A_965 = tpu.vector_load_idx %arg12[%add3A_964] : memref<2560xi32, #tpu.memory_space<vmem>>[vector<16xi32>], vector<16xi32>,
    %add3A_966 = arith.addi %mul3A_909, %gather3A_965 : vector<16xi32>
    tpu.vector_store_idx %arg15[%add3A_966], %broadcast_in_dim3A_903 {add = true} : memref<4096xf32, #tpu.memory_space<vmem>>[vector<16xi32>], vector<16xf32>,
    %add3A_967 = arith.constant 11 : i32
    %add3A_968 = vector.broadcast %add3A_967 : i32 to vector<16xi32>
    %add3A_969 = arith.addi %mul3A_912, %add3A_968 : vector<16xi32>
    %gather3A_970 = tpu.vector_load_idx %arg12[%add3A_969] : memref<2560xi32, #tpu.memory_space<vmem>>[vector<16xi32>], vector<16xi32>,
    %add3A_971 = arith.addi %mul3A_909, %gather3A_970 : vector<16xi32>
    tpu.vector_store_idx %arg15[%add3A_971], %broadcast_in_dim3A_903 {add = true} : memref<4096xf32, #tpu.memory_space<vmem>>[vector<16xi32>], vector<16xf32>,
    %add3A_972 = arith.constant 12 : i32
    %add3A_973 = vector.broadcast %add3A_972 : i32 to vector<16xi32>
    %add3A_974 = arith.addi %mul3A_912, %add3A_973 : vector<16xi32>
    %gather3A_975 = tpu.vector_load_idx %arg12[%add3A_974] : memref<2560xi32, #tpu.memory_space<vmem>>[vector<16xi32>], vector<16xi32>,
    %add3A_976 = arith.addi %mul3A_909, %gather3A_975 : vector<16xi32>
    tpu.vector_store_idx %arg15[%add3A_976], %broadcast_in_dim3A_903 {add = true} : memref<4096xf32, #tpu.memory_space<vmem>>[vector<16xi32>], vector<16xf32>,
    %add3A_977 = arith.constant 13 : i32
    %add3A_978 = vector.broadcast %add3A_977 : i32 to vector<16xi32>
    %add3A_979 = arith.addi %mul3A_912, %add3A_978 : vector<16xi32>
    %gather3A_980 = tpu.vector_load_idx %arg12[%add3A_979] : memref<2560xi32, #tpu.memory_space<vmem>>[vector<16xi32>], vector<16xi32>,
    %add3A_981 = arith.addi %mul3A_909, %gather3A_980 : vector<16xi32>
    tpu.vector_store_idx %arg15[%add3A_981], %broadcast_in_dim3A_903 {add = true} : memref<4096xf32, #tpu.memory_space<vmem>>[vector<16xi32>], vector<16xf32>,
    %add3A_982 = arith.constant 14 : i32
    %add3A_983 = vector.broadcast %add3A_982 : i32 to vector<16xi32>
    %add3A_984 = arith.addi %mul3A_912, %add3A_983 : vector<16xi32>
    %gather3A_985 = tpu.vector_load_idx %arg12[%add3A_984] : memref<2560xi32, #tpu.memory_space<vmem>>[vector<16xi32>], vector<16xi32>,
    %add3A_986 = arith.addi %mul3A_909, %gather3A_985 : vector<16xi32>
    tpu.vector_store_idx %arg15[%add3A_986], %broadcast_in_dim3A_903 {add = true} : memref<4096xf32, #tpu.memory_space<vmem>>[vector<16xi32>], vector<16xf32>,
    %add3A_987 = arith.constant 15 : i32
    %add3A_988 = vector.broadcast %add3A_987 : i32 to vector<16xi32>
    %add3A_989 = arith.addi %mul3A_912, %add3A_988 : vector<16xi32>
    %gather3A_990 = tpu.vector_load_idx %arg12[%add3A_989] : memref<2560xi32, #tpu.memory_space<vmem>>[vector<16xi32>], vector<16xi32>,
    %add3A_991 = arith.addi %mul3A_909, %gather3A_990 : vector<16xi32>
    tpu.vector_store_idx %arg15[%add3A_991], %broadcast_in_dim3A_903 {add = true} : memref<4096xf32, #tpu.memory_space<vmem>>[vector<16xi32>], vector<16xf32>,
    %add3A_992 = arith.constant 16 : i32
    %add3A_993 = vector.broadcast %add3A_992 : i32 to vector<16xi32>
    %add3A_994 = arith.addi %mul3A_912, %add3A_993 : vector<16xi32>
    %gather3A_995 = tpu.vector_load_idx %arg12[%add3A_994] : memref<2560xi32, #tpu.memory_space<vmem>>[vector<16xi32>], vector<16xi32>,
    %add3A_996 = arith.addi %mul3A_909, %gather3A_995 : vector<16xi32>
    tpu.vector_store_idx %arg15[%add3A_996], %broadcast_in_dim3A_903 {add = true} : memref<4096xf32, #tpu.memory_space<vmem>>[vector<16xi32>], vector<16xf32>,
    %add3A_997 = arith.constant 17 : i32
    %add3A_998 = vector.broadcast %add3A_997 : i32 to vector<16xi32>
    %add3A_999 = arith.addi %mul3A_912, %add3A_998 : vector<16xi32>
    %gather3A_1000 = tpu.vector_load_idx %arg12[%add3A_999] : memref<2560xi32, #tpu.memory_space<vmem>>[vector<16xi32>], vector<16xi32>,
    %add3A_1001 = arith.addi %mul3A_909, %gather3A_1000 : vector<16xi32>
    tpu.vector_store_idx %arg15[%add3A_1001], %broadcast_in_dim3A_903 {add = true} : memref<4096xf32, #tpu.memory_space<vmem>>[vector<16xi32>], vector<16xf32>,
    %add3A_1002 = arith.constant 18 : i32
    %add3A_1003 = vector.broadcast %add3A_1002 : i32 to vector<16xi32>
    %add3A_1004 = arith.addi %mul3A_912, %add3A_1003 : vector<16xi32>
    %gather3A_1005 = tpu.vector_load_idx %arg12[%add3A_1004] : memref<2560xi32, #tpu.memory_space<vmem>>[vector<16xi32>], vector<16xi32>,
    %add3A_1006 = arith.addi %mul3A_909, %gather3A_1005 : vector<16xi32>
    tpu.vector_store_idx %arg15[%add3A_1006], %broadcast_in_dim3A_903 {add = true} : memref<4096xf32, #tpu.memory_space<vmem>>[vector<16xi32>], vector<16xf32>,
    %add3A_1007 = arith.constant 19 : i32
    %add3A_1008 = vector.broadcast %add3A_1007 : i32 to vector<16xi32>
    %add3A_1009 = arith.addi %mul3A_912, %add3A_1008 : vector<16xi32>
    %gather3A_1010 = tpu.vector_load_idx %arg12[%add3A_1009] : memref<2560xi32, #tpu.memory_space<vmem>>[vector<16xi32>], vector<16xi32>,
    %add3A_1011 = arith.addi %mul3A_909, %gather3A_1010 : vector<16xi32>
    tpu.vector_store_idx %arg15[%add3A_1011], %broadcast_in_dim3A_903 {add = true} : memref<4096xf32, #tpu.memory_space<vmem>>[vector<16xi32>], vector<16xf32>,
    %add3A_1012 = arith.constant 16 : i32
    %add3A_1013 = vector.broadcast %add3A_1012 : i32 to vector<16xi32>
    %add3A_1014 = arith.addi %add3A_1013, %iota3A : vector<16xi32>
    %mul3A_1015 = arith.constant 32 : i32
    %mul3A_1016 = vector.broadcast %mul3A_1015 : i32 to vector<16xi32>
    %mul3A_1017 = arith.muli %add3A_1014, %mul3A_1016 : vector<16xi32>
    %mul3A_1018 = arith.constant 20 : i32
    %mul3A_1019 = vector.broadcast %mul3A_1018 : i32 to vector<16xi32>
    %mul3A_1020 = arith.muli %add3A_1014, %mul3A_1019 : vector<16xi32>
    %add3A_1021 = arith.constant 0 : i32
    %add3A_1022 = vector.broadcast %add3A_1021 : i32 to vector<16xi32>
    %add3A_1023 = arith.addi %mul3A_1020, %add3A_1022 : vector<16xi32>
    %gather3A_1024 = tpu.vector_load_idx %arg12[%add3A_1023] : memref<2560xi32, #tpu.memory_space<vmem>>[vector<16xi32>], vector<16xi32>,
    %add3A_1025 = arith.addi %mul3A_1017, %gather3A_1024 : vector<16xi32>
    tpu.vector_store_idx %arg15[%add3A_1025], %broadcast_in_dim3A_903 {add = true} : memref<4096xf32, #tpu.memory_space<vmem>>[vector<16xi32>], vector<16xf32>,
    %add3A_1026 = arith.constant 1 : i32
    %add3A_1027 = vector.broadcast %add3A_1026 : i32 to vector<16xi32>
    %add3A_1028 = arith.addi %mul3A_1020, %add3A_1027 : vector<16xi32>
    %gather3A_1029 = tpu.vector_load_idx %arg12[%add3A_1028] : memref<2560xi32, #tpu.memory_space<vmem>>[vector<16xi32>], vector<16xi32>,
    %add3A_1030 = arith.addi %mul3A_1017, %gather3A_1029 : vector<16xi32>
    tpu.vector_store_idx %arg15[%add3A_1030], %broadcast_in_dim3A_903 {add = true} : memref<4096xf32, #tpu.memory_space<vmem>>[vector<16xi32>], vector<16xf32>,
    %add3A_1031 = arith.constant 2 : i32
    %add3A_1032 = vector.broadcast %add3A_1031 : i32 to vector<16xi32>
    %add3A_1033 = arith.addi %mul3A_1020, %add3A_1032 : vector<16xi32>
    %gather3A_1034 = tpu.vector_load_idx %arg12[%add3A_1033] : memref<2560xi32, #tpu.memory_space<vmem>>[vector<16xi32>], vector<16xi32>,
    %add3A_1035 = arith.addi %mul3A_1017, %gather3A_1034 : vector<16xi32>
    tpu.vector_store_idx %arg15[%add3A_1035], %broadcast_in_dim3A_903 {add = true} : memref<4096xf32, #tpu.memory_space<vmem>>[vector<16xi32>], vector<16xf32>,
    %add3A_1036 = arith.constant 3 : i32
    %add3A_1037 = vector.broadcast %add3A_1036 : i32 to vector<16xi32>
    %add3A_1038 = arith.addi %mul3A_1020, %add3A_1037 : vector<16xi32>
    %gather3A_1039 = tpu.vector_load_idx %arg12[%add3A_1038] : memref<2560xi32, #tpu.memory_space<vmem>>[vector<16xi32>], vector<16xi32>,
    %add3A_1040 = arith.addi %mul3A_1017, %gather3A_1039 : vector<16xi32>
    tpu.vector_store_idx %arg15[%add3A_1040], %broadcast_in_dim3A_903 {add = true} : memref<4096xf32, #tpu.memory_space<vmem>>[vector<16xi32>], vector<16xf32>,
    %add3A_1041 = arith.constant 4 : i32
    %add3A_1042 = vector.broadcast %add3A_1041 : i32 to vector<16xi32>
    %add3A_1043 = arith.addi %mul3A_1020, %add3A_1042 : vector<16xi32>
    %gather3A_1044 = tpu.vector_load_idx %arg12[%add3A_1043] : memref<2560xi32, #tpu.memory_space<vmem>>[vector<16xi32>], vector<16xi32>,
    %add3A_1045 = arith.addi %mul3A_1017, %gather3A_1044 : vector<16xi32>
    tpu.vector_store_idx %arg15[%add3A_1045], %broadcast_in_dim3A_903 {add = true} : memref<4096xf32, #tpu.memory_space<vmem>>[vector<16xi32>], vector<16xf32>,
    %add3A_1046 = arith.constant 5 : i32
    %add3A_1047 = vector.broadcast %add3A_1046 : i32 to vector<16xi32>
    %add3A_1048 = arith.addi %mul3A_1020, %add3A_1047 : vector<16xi32>
    %gather3A_1049 = tpu.vector_load_idx %arg12[%add3A_1048] : memref<2560xi32, #tpu.memory_space<vmem>>[vector<16xi32>], vector<16xi32>,
    %add3A_1050 = arith.addi %mul3A_1017, %gather3A_1049 : vector<16xi32>
    tpu.vector_store_idx %arg15[%add3A_1050], %broadcast_in_dim3A_903 {add = true} : memref<4096xf32, #tpu.memory_space<vmem>>[vector<16xi32>], vector<16xf32>,
    %add3A_1051 = arith.constant 6 : i32
    %add3A_1052 = vector.broadcast %add3A_1051 : i32 to vector<16xi32>
    %add3A_1053 = arith.addi %mul3A_1020, %add3A_1052 : vector<16xi32>
    %gather3A_1054 = tpu.vector_load_idx %arg12[%add3A_1053] : memref<2560xi32, #tpu.memory_space<vmem>>[vector<16xi32>], vector<16xi32>,
    %add3A_1055 = arith.addi %mul3A_1017, %gather3A_1054 : vector<16xi32>
    tpu.vector_store_idx %arg15[%add3A_1055], %broadcast_in_dim3A_903 {add = true} : memref<4096xf32, #tpu.memory_space<vmem>>[vector<16xi32>], vector<16xf32>,
    %add3A_1056 = arith.constant 7 : i32
    %add3A_1057 = vector.broadcast %add3A_1056 : i32 to vector<16xi32>
    %add3A_1058 = arith.addi %mul3A_1020, %add3A_1057 : vector<16xi32>
    %gather3A_1059 = tpu.vector_load_idx %arg12[%add3A_1058] : memref<2560xi32, #tpu.memory_space<vmem>>[vector<16xi32>], vector<16xi32>,
    %add3A_1060 = arith.addi %mul3A_1017, %gather3A_1059 : vector<16xi32>
    tpu.vector_store_idx %arg15[%add3A_1060], %broadcast_in_dim3A_903 {add = true} : memref<4096xf32, #tpu.memory_space<vmem>>[vector<16xi32>], vector<16xf32>,
    %add3A_1061 = arith.constant 8 : i32
    %add3A_1062 = vector.broadcast %add3A_1061 : i32 to vector<16xi32>
    %add3A_1063 = arith.addi %mul3A_1020, %add3A_1062 : vector<16xi32>
    %gather3A_1064 = tpu.vector_load_idx %arg12[%add3A_1063] : memref<2560xi32, #tpu.memory_space<vmem>>[vector<16xi32>], vector<16xi32>,
    %add3A_1065 = arith.addi %mul3A_1017, %gather3A_1064 : vector<16xi32>
    tpu.vector_store_idx %arg15[%add3A_1065], %broadcast_in_dim3A_903 {add = true} : memref<4096xf32, #tpu.memory_space<vmem>>[vector<16xi32>], vector<16xf32>,
    %add3A_1066 = arith.constant 9 : i32
    %add3A_1067 = vector.broadcast %add3A_1066 : i32 to vector<16xi32>
    %add3A_1068 = arith.addi %mul3A_1020, %add3A_1067 : vector<16xi32>
    %gather3A_1069 = tpu.vector_load_idx %arg12[%add3A_1068] : memref<2560xi32, #tpu.memory_space<vmem>>[vector<16xi32>], vector<16xi32>,
    %add3A_1070 = arith.addi %mul3A_1017, %gather3A_1069 : vector<16xi32>
    tpu.vector_store_idx %arg15[%add3A_1070], %broadcast_in_dim3A_903 {add = true} : memref<4096xf32, #tpu.memory_space<vmem>>[vector<16xi32>], vector<16xf32>,
    %add3A_1071 = arith.constant 10 : i32
    %add3A_1072 = vector.broadcast %add3A_1071 : i32 to vector<16xi32>
    %add3A_1073 = arith.addi %mul3A_1020, %add3A_1072 : vector<16xi32>
    %gather3A_1074 = tpu.vector_load_idx %arg12[%add3A_1073] : memref<2560xi32, #tpu.memory_space<vmem>>[vector<16xi32>], vector<16xi32>,
    %add3A_1075 = arith.addi %mul3A_1017, %gather3A_1074 : vector<16xi32>
    tpu.vector_store_idx %arg15[%add3A_1075], %broadcast_in_dim3A_903 {add = true} : memref<4096xf32, #tpu.memory_space<vmem>>[vector<16xi32>], vector<16xf32>,
    %add3A_1076 = arith.constant 11 : i32
    %add3A_1077 = vector.broadcast %add3A_1076 : i32 to vector<16xi32>
    %add3A_1078 = arith.addi %mul3A_1020, %add3A_1077 : vector<16xi32>
    %gather3A_1079 = tpu.vector_load_idx %arg12[%add3A_1078] : memref<2560xi32, #tpu.memory_space<vmem>>[vector<16xi32>], vector<16xi32>,
    %add3A_1080 = arith.addi %mul3A_1017, %gather3A_1079 : vector<16xi32>
    tpu.vector_store_idx %arg15[%add3A_1080], %broadcast_in_dim3A_903 {add = true} : memref<4096xf32, #tpu.memory_space<vmem>>[vector<16xi32>], vector<16xf32>,
    %add3A_1081 = arith.constant 12 : i32
    %add3A_1082 = vector.broadcast %add3A_1081 : i32 to vector<16xi32>
    %add3A_1083 = arith.addi %mul3A_1020, %add3A_1082 : vector<16xi32>
    %gather3A_1084 = tpu.vector_load_idx %arg12[%add3A_1083] : memref<2560xi32, #tpu.memory_space<vmem>>[vector<16xi32>], vector<16xi32>,
    %add3A_1085 = arith.addi %mul3A_1017, %gather3A_1084 : vector<16xi32>
    tpu.vector_store_idx %arg15[%add3A_1085], %broadcast_in_dim3A_903 {add = true} : memref<4096xf32, #tpu.memory_space<vmem>>[vector<16xi32>], vector<16xf32>,
    %add3A_1086 = arith.constant 13 : i32
    %add3A_1087 = vector.broadcast %add3A_1086 : i32 to vector<16xi32>
    %add3A_1088 = arith.addi %mul3A_1020, %add3A_1087 : vector<16xi32>
    %gather3A_1089 = tpu.vector_load_idx %arg12[%add3A_1088] : memref<2560xi32, #tpu.memory_space<vmem>>[vector<16xi32>], vector<16xi32>,
    %add3A_1090 = arith.addi %mul3A_1017, %gather3A_1089 : vector<16xi32>
    tpu.vector_store_idx %arg15[%add3A_1090], %broadcast_in_dim3A_903 {add = true} : memref<4096xf32, #tpu.memory_space<vmem>>[vector<16xi32>], vector<16xf32>,
    %add3A_1091 = arith.constant 14 : i32
    %add3A_1092 = vector.broadcast %add3A_1091 : i32 to vector<16xi32>
    %add3A_1093 = arith.addi %mul3A_1020, %add3A_1092 : vector<16xi32>
    %gather3A_1094 = tpu.vector_load_idx %arg12[%add3A_1093] : memref<2560xi32, #tpu.memory_space<vmem>>[vector<16xi32>], vector<16xi32>,
    %add3A_1095 = arith.addi %mul3A_1017, %gather3A_1094 : vector<16xi32>
    tpu.vector_store_idx %arg15[%add3A_1095], %broadcast_in_dim3A_903 {add = true} : memref<4096xf32, #tpu.memory_space<vmem>>[vector<16xi32>], vector<16xf32>,
    %add3A_1096 = arith.constant 15 : i32
    %add3A_1097 = vector.broadcast %add3A_1096 : i32 to vector<16xi32>
    %add3A_1098 = arith.addi %mul3A_1020, %add3A_1097 : vector<16xi32>
    %gather3A_1099 = tpu.vector_load_idx %arg12[%add3A_1098] : memref<2560xi32, #tpu.memory_space<vmem>>[vector<16xi32>], vector<16xi32>,
    %add3A_1100 = arith.addi %mul3A_1017, %gather3A_1099 : vector<16xi32>
    tpu.vector_store_idx %arg15[%add3A_1100], %broadcast_in_dim3A_903 {add = true} : memref<4096xf32, #tpu.memory_space<vmem>>[vector<16xi32>], vector<16xf32>,
    %add3A_1101 = arith.constant 16 : i32
    %add3A_1102 = vector.broadcast %add3A_1101 : i32 to vector<16xi32>
    %add3A_1103 = arith.addi %mul3A_1020, %add3A_1102 : vector<16xi32>
    %gather3A_1104 = tpu.vector_load_idx %arg12[%add3A_1103] : memref<2560xi32, #tpu.memory_space<vmem>>[vector<16xi32>], vector<16xi32>,
    %add3A_1105 = arith.addi %mul3A_1017, %gather3A_1104 : vector<16xi32>
    tpu.vector_store_idx %arg15[%add3A_1105], %broadcast_in_dim3A_903 {add = true} : memref<4096xf32, #tpu.memory_space<vmem>>[vector<16xi32>], vector<16xf32>,
    %add3A_1106 = arith.constant 17 : i32
    %add3A_1107 = vector.broadcast %add3A_1106 : i32 to vector<16xi32>
    %add3A_1108 = arith.addi %mul3A_1020, %add3A_1107 : vector<16xi32>
    %gather3A_1109 = tpu.vector_load_idx %arg12[%add3A_1108] : memref<2560xi32, #tpu.memory_space<vmem>>[vector<16xi32>], vector<16xi32>,
    %add3A_1110 = arith.addi %mul3A_1017, %gather3A_1109 : vector<16xi32>
    tpu.vector_store_idx %arg15[%add3A_1110], %broadcast_in_dim3A_903 {add = true} : memref<4096xf32, #tpu.memory_space<vmem>>[vector<16xi32>], vector<16xf32>,
    %add3A_1111 = arith.constant 18 : i32
    %add3A_1112 = vector.broadcast %add3A_1111 : i32 to vector<16xi32>
    %add3A_1113 = arith.addi %mul3A_1020, %add3A_1112 : vector<16xi32>
    %gather3A_1114 = tpu.vector_load_idx %arg12[%add3A_1113] : memref<2560xi32, #tpu.memory_space<vmem>>[vector<16xi32>], vector<16xi32>,
    %add3A_1115 = arith.addi %mul3A_1017, %gather3A_1114 : vector<16xi32>
    tpu.vector_store_idx %arg15[%add3A_1115], %broadcast_in_dim3A_903 {add = true} : memref<4096xf32, #tpu.memory_space<vmem>>[vector<16xi32>], vector<16xf32>,
    %add3A_1116 = arith.constant 19 : i32
    %add3A_1117 = vector.broadcast %add3A_1116 : i32 to vector<16xi32>
    %add3A_1118 = arith.addi %mul3A_1020, %add3A_1117 : vector<16xi32>
    %gather3A_1119 = tpu.vector_load_idx %arg12[%add3A_1118] : memref<2560xi32, #tpu.memory_space<vmem>>[vector<16xi32>], vector<16xi32>,
    %add3A_1120 = arith.addi %mul3A_1017, %gather3A_1119 : vector<16xi32>
    tpu.vector_store_idx %arg15[%add3A_1120], %broadcast_in_dim3A_903 {add = true} : memref<4096xf32, #tpu.memory_space<vmem>>[vector<16xi32>], vector<16xf32>,
    %add3A_1121 = arith.constant 32 : i32
    %add3A_1122 = vector.broadcast %add3A_1121 : i32 to vector<16xi32>
    %add3A_1123 = arith.addi %add3A_1122, %iota3A : vector<16xi32>
    %mul3A_1124 = arith.constant 32 : i32
    %mul3A_1125 = vector.broadcast %mul3A_1124 : i32 to vector<16xi32>
    %mul3A_1126 = arith.muli %add3A_1123, %mul3A_1125 : vector<16xi32>
    %mul3A_1127 = arith.constant 20 : i32
    %mul3A_1128 = vector.broadcast %mul3A_1127 : i32 to vector<16xi32>
    %mul3A_1129 = arith.muli %add3A_1123, %mul3A_1128 : vector<16xi32>
    %add3A_1130 = arith.constant 0 : i32
    %add3A_1131 = vector.broadcast %add3A_1130 : i32 to vector<16xi32>
    %add3A_1132 = arith.addi %mul3A_1129, %add3A_1131 : vector<16xi32>
    %gather3A_1133 = tpu.vector_load_idx %arg12[%add3A_1132] : memref<2560xi32, #tpu.memory_space<vmem>>[vector<16xi32>], vector<16xi32>,
    %add3A_1134 = arith.addi %mul3A_1126, %gather3A_1133 : vector<16xi32>
    tpu.vector_store_idx %arg15[%add3A_1134], %broadcast_in_dim3A_903 {add = true} : memref<4096xf32, #tpu.memory_space<vmem>>[vector<16xi32>], vector<16xf32>,
    %add3A_1135 = arith.constant 1 : i32
    %add3A_1136 = vector.broadcast %add3A_1135 : i32 to vector<16xi32>
    %add3A_1137 = arith.addi %mul3A_1129, %add3A_1136 : vector<16xi32>
    %gather3A_1138 = tpu.vector_load_idx %arg12[%add3A_1137] : memref<2560xi32, #tpu.memory_space<vmem>>[vector<16xi32>], vector<16xi32>,
    %add3A_1139 = arith.addi %mul3A_1126, %gather3A_1138 : vector<16xi32>
    tpu.vector_store_idx %arg15[%add3A_1139], %broadcast_in_dim3A_903 {add = true} : memref<4096xf32, #tpu.memory_space<vmem>>[vector<16xi32>], vector<16xf32>,
    %add3A_1140 = arith.constant 2 : i32
    %add3A_1141 = vector.broadcast %add3A_1140 : i32 to vector<16xi32>
    %add3A_1142 = arith.addi %mul3A_1129, %add3A_1141 : vector<16xi32>
    %gather3A_1143 = tpu.vector_load_idx %arg12[%add3A_1142] : memref<2560xi32, #tpu.memory_space<vmem>>[vector<16xi32>], vector<16xi32>,
    %add3A_1144 = arith.addi %mul3A_1126, %gather3A_1143 : vector<16xi32>
    tpu.vector_store_idx %arg15[%add3A_1144], %broadcast_in_dim3A_903 {add = true} : memref<4096xf32, #tpu.memory_space<vmem>>[vector<16xi32>], vector<16xf32>,
    %add3A_1145 = arith.constant 3 : i32
    %add3A_1146 = vector.broadcast %add3A_1145 : i32 to vector<16xi32>
    %add3A_1147 = arith.addi %mul3A_1129, %add3A_1146 : vector<16xi32>
    %gather3A_1148 = tpu.vector_load_idx %arg12[%add3A_1147] : memref<2560xi32, #tpu.memory_space<vmem>>[vector<16xi32>], vector<16xi32>,
    %add3A_1149 = arith.addi %mul3A_1126, %gather3A_1148 : vector<16xi32>
    tpu.vector_store_idx %arg15[%add3A_1149], %broadcast_in_dim3A_903 {add = true} : memref<4096xf32, #tpu.memory_space<vmem>>[vector<16xi32>], vector<16xf32>,
    %add3A_1150 = arith.constant 4 : i32
    %add3A_1151 = vector.broadcast %add3A_1150 : i32 to vector<16xi32>
    %add3A_1152 = arith.addi %mul3A_1129, %add3A_1151 : vector<16xi32>
    %gather3A_1153 = tpu.vector_load_idx %arg12[%add3A_1152] : memref<2560xi32, #tpu.memory_space<vmem>>[vector<16xi32>], vector<16xi32>,
    %add3A_1154 = arith.addi %mul3A_1126, %gather3A_1153 : vector<16xi32>
    tpu.vector_store_idx %arg15[%add3A_1154], %broadcast_in_dim3A_903 {add = true} : memref<4096xf32, #tpu.memory_space<vmem>>[vector<16xi32>], vector<16xf32>,
    %add3A_1155 = arith.constant 5 : i32
    %add3A_1156 = vector.broadcast %add3A_1155 : i32 to vector<16xi32>
    %add3A_1157 = arith.addi %mul3A_1129, %add3A_1156 : vector<16xi32>
    %gather3A_1158 = tpu.vector_load_idx %arg12[%add3A_1157] : memref<2560xi32, #tpu.memory_space<vmem>>[vector<16xi32>], vector<16xi32>,
    %add3A_1159 = arith.addi %mul3A_1126, %gather3A_1158 : vector<16xi32>
    tpu.vector_store_idx %arg15[%add3A_1159], %broadcast_in_dim3A_903 {add = true} : memref<4096xf32, #tpu.memory_space<vmem>>[vector<16xi32>], vector<16xf32>,
    %add3A_1160 = arith.constant 6 : i32
    %add3A_1161 = vector.broadcast %add3A_1160 : i32 to vector<16xi32>
    %add3A_1162 = arith.addi %mul3A_1129, %add3A_1161 : vector<16xi32>
    %gather3A_1163 = tpu.vector_load_idx %arg12[%add3A_1162] : memref<2560xi32, #tpu.memory_space<vmem>>[vector<16xi32>], vector<16xi32>,
    %add3A_1164 = arith.addi %mul3A_1126, %gather3A_1163 : vector<16xi32>
    tpu.vector_store_idx %arg15[%add3A_1164], %broadcast_in_dim3A_903 {add = true} : memref<4096xf32, #tpu.memory_space<vmem>>[vector<16xi32>], vector<16xf32>,
    %add3A_1165 = arith.constant 7 : i32
    %add3A_1166 = vector.broadcast %add3A_1165 : i32 to vector<16xi32>
    %add3A_1167 = arith.addi %mul3A_1129, %add3A_1166 : vector<16xi32>
    %gather3A_1168 = tpu.vector_load_idx %arg12[%add3A_1167] : memref<2560xi32, #tpu.memory_space<vmem>>[vector<16xi32>], vector<16xi32>,
    %add3A_1169 = arith.addi %mul3A_1126, %gather3A_1168 : vector<16xi32>
    tpu.vector_store_idx %arg15[%add3A_1169], %broadcast_in_dim3A_903 {add = true} : memref<4096xf32, #tpu.memory_space<vmem>>[vector<16xi32>], vector<16xf32>,
    %add3A_1170 = arith.constant 8 : i32
    %add3A_1171 = vector.broadcast %add3A_1170 : i32 to vector<16xi32>
    %add3A_1172 = arith.addi %mul3A_1129, %add3A_1171 : vector<16xi32>
    %gather3A_1173 = tpu.vector_load_idx %arg12[%add3A_1172] : memref<2560xi32, #tpu.memory_space<vmem>>[vector<16xi32>], vector<16xi32>,
    %add3A_1174 = arith.addi %mul3A_1126, %gather3A_1173 : vector<16xi32>
    tpu.vector_store_idx %arg15[%add3A_1174], %broadcast_in_dim3A_903 {add = true} : memref<4096xf32, #tpu.memory_space<vmem>>[vector<16xi32>], vector<16xf32>,
    %add3A_1175 = arith.constant 9 : i32
    %add3A_1176 = vector.broadcast %add3A_1175 : i32 to vector<16xi32>
    %add3A_1177 = arith.addi %mul3A_1129, %add3A_1176 : vector<16xi32>
    %gather3A_1178 = tpu.vector_load_idx %arg12[%add3A_1177] : memref<2560xi32, #tpu.memory_space<vmem>>[vector<16xi32>], vector<16xi32>,
    %add3A_1179 = arith.addi %mul3A_1126, %gather3A_1178 : vector<16xi32>
    tpu.vector_store_idx %arg15[%add3A_1179], %broadcast_in_dim3A_903 {add = true} : memref<4096xf32, #tpu.memory_space<vmem>>[vector<16xi32>], vector<16xf32>,
    %add3A_1180 = arith.constant 10 : i32
    %add3A_1181 = vector.broadcast %add3A_1180 : i32 to vector<16xi32>
    %add3A_1182 = arith.addi %mul3A_1129, %add3A_1181 : vector<16xi32>
    %gather3A_1183 = tpu.vector_load_idx %arg12[%add3A_1182] : memref<2560xi32, #tpu.memory_space<vmem>>[vector<16xi32>], vector<16xi32>,
    %add3A_1184 = arith.addi %mul3A_1126, %gather3A_1183 : vector<16xi32>
    tpu.vector_store_idx %arg15[%add3A_1184], %broadcast_in_dim3A_903 {add = true} : memref<4096xf32, #tpu.memory_space<vmem>>[vector<16xi32>], vector<16xf32>,
    %add3A_1185 = arith.constant 11 : i32
    %add3A_1186 = vector.broadcast %add3A_1185 : i32 to vector<16xi32>
    %add3A_1187 = arith.addi %mul3A_1129, %add3A_1186 : vector<16xi32>
    %gather3A_1188 = tpu.vector_load_idx %arg12[%add3A_1187] : memref<2560xi32, #tpu.memory_space<vmem>>[vector<16xi32>], vector<16xi32>,
    %add3A_1189 = arith.addi %mul3A_1126, %gather3A_1188 : vector<16xi32>
    tpu.vector_store_idx %arg15[%add3A_1189], %broadcast_in_dim3A_903 {add = true} : memref<4096xf32, #tpu.memory_space<vmem>>[vector<16xi32>], vector<16xf32>,
    %add3A_1190 = arith.constant 12 : i32
    %add3A_1191 = vector.broadcast %add3A_1190 : i32 to vector<16xi32>
    %add3A_1192 = arith.addi %mul3A_1129, %add3A_1191 : vector<16xi32>
    %gather3A_1193 = tpu.vector_load_idx %arg12[%add3A_1192] : memref<2560xi32, #tpu.memory_space<vmem>>[vector<16xi32>], vector<16xi32>,
    %add3A_1194 = arith.addi %mul3A_1126, %gather3A_1193 : vector<16xi32>
    tpu.vector_store_idx %arg15[%add3A_1194], %broadcast_in_dim3A_903 {add = true} : memref<4096xf32, #tpu.memory_space<vmem>>[vector<16xi32>], vector<16xf32>,
    %add3A_1195 = arith.constant 13 : i32
    %add3A_1196 = vector.broadcast %add3A_1195 : i32 to vector<16xi32>
    %add3A_1197 = arith.addi %mul3A_1129, %add3A_1196 : vector<16xi32>
    %gather3A_1198 = tpu.vector_load_idx %arg12[%add3A_1197] : memref<2560xi32, #tpu.memory_space<vmem>>[vector<16xi32>], vector<16xi32>,
    %add3A_1199 = arith.addi %mul3A_1126, %gather3A_1198 : vector<16xi32>
    tpu.vector_store_idx %arg15[%add3A_1199], %broadcast_in_dim3A_903 {add = true} : memref<4096xf32, #tpu.memory_space<vmem>>[vector<16xi32>], vector<16xf32>,
    %add3A_1200 = arith.constant 14 : i32
    %add3A_1201 = vector.broadcast %add3A_1200 : i32 to vector<16xi32>
    %add3A_1202 = arith.addi %mul3A_1129, %add3A_1201 : vector<16xi32>
    %gather3A_1203 = tpu.vector_load_idx %arg12[%add3A_1202] : memref<2560xi32, #tpu.memory_space<vmem>>[vector<16xi32>], vector<16xi32>,
    %add3A_1204 = arith.addi %mul3A_1126, %gather3A_1203 : vector<16xi32>
    tpu.vector_store_idx %arg15[%add3A_1204], %broadcast_in_dim3A_903 {add = true} : memref<4096xf32, #tpu.memory_space<vmem>>[vector<16xi32>], vector<16xf32>,
    %add3A_1205 = arith.constant 15 : i32
    %add3A_1206 = vector.broadcast %add3A_1205 : i32 to vector<16xi32>
    %add3A_1207 = arith.addi %mul3A_1129, %add3A_1206 : vector<16xi32>
    %gather3A_1208 = tpu.vector_load_idx %arg12[%add3A_1207] : memref<2560xi32, #tpu.memory_space<vmem>>[vector<16xi32>], vector<16xi32>,
    %add3A_1209 = arith.addi %mul3A_1126, %gather3A_1208 : vector<16xi32>
    tpu.vector_store_idx %arg15[%add3A_1209], %broadcast_in_dim3A_903 {add = true} : memref<4096xf32, #tpu.memory_space<vmem>>[vector<16xi32>], vector<16xf32>,
    %add3A_1210 = arith.constant 16 : i32
    %add3A_1211 = vector.broadcast %add3A_1210 : i32 to vector<16xi32>
    %add3A_1212 = arith.addi %mul3A_1129, %add3A_1211 : vector<16xi32>
    %gather3A_1213 = tpu.vector_load_idx %arg12[%add3A_1212] : memref<2560xi32, #tpu.memory_space<vmem>>[vector<16xi32>], vector<16xi32>,
    %add3A_1214 = arith.addi %mul3A_1126, %gather3A_1213 : vector<16xi32>
    tpu.vector_store_idx %arg15[%add3A_1214], %broadcast_in_dim3A_903 {add = true} : memref<4096xf32, #tpu.memory_space<vmem>>[vector<16xi32>], vector<16xf32>,
    %add3A_1215 = arith.constant 17 : i32
    %add3A_1216 = vector.broadcast %add3A_1215 : i32 to vector<16xi32>
    %add3A_1217 = arith.addi %mul3A_1129, %add3A_1216 : vector<16xi32>
    %gather3A_1218 = tpu.vector_load_idx %arg12[%add3A_1217] : memref<2560xi32, #tpu.memory_space<vmem>>[vector<16xi32>], vector<16xi32>,
    %add3A_1219 = arith.addi %mul3A_1126, %gather3A_1218 : vector<16xi32>
    tpu.vector_store_idx %arg15[%add3A_1219], %broadcast_in_dim3A_903 {add = true} : memref<4096xf32, #tpu.memory_space<vmem>>[vector<16xi32>], vector<16xf32>,
    %add3A_1220 = arith.constant 18 : i32
    %add3A_1221 = vector.broadcast %add3A_1220 : i32 to vector<16xi32>
    %add3A_1222 = arith.addi %mul3A_1129, %add3A_1221 : vector<16xi32>
    %gather3A_1223 = tpu.vector_load_idx %arg12[%add3A_1222] : memref<2560xi32, #tpu.memory_space<vmem>>[vector<16xi32>], vector<16xi32>,
    %add3A_1224 = arith.addi %mul3A_1126, %gather3A_1223 : vector<16xi32>
    tpu.vector_store_idx %arg15[%add3A_1224], %broadcast_in_dim3A_903 {add = true} : memref<4096xf32, #tpu.memory_space<vmem>>[vector<16xi32>], vector<16xf32>,
    %add3A_1225 = arith.constant 19 : i32
    %add3A_1226 = vector.broadcast %add3A_1225 : i32 to vector<16xi32>
    %add3A_1227 = arith.addi %mul3A_1129, %add3A_1226 : vector<16xi32>
    %gather3A_1228 = tpu.vector_load_idx %arg12[%add3A_1227] : memref<2560xi32, #tpu.memory_space<vmem>>[vector<16xi32>], vector<16xi32>,
    %add3A_1229 = arith.addi %mul3A_1126, %gather3A_1228 : vector<16xi32>
    tpu.vector_store_idx %arg15[%add3A_1229], %broadcast_in_dim3A_903 {add = true} : memref<4096xf32, #tpu.memory_space<vmem>>[vector<16xi32>], vector<16xf32>,
    %add3A_1230 = arith.constant 48 : i32
    %add3A_1231 = vector.broadcast %add3A_1230 : i32 to vector<16xi32>
    %add3A_1232 = arith.addi %add3A_1231, %iota3A : vector<16xi32>
    %mul3A_1233 = arith.constant 32 : i32
    %mul3A_1234 = vector.broadcast %mul3A_1233 : i32 to vector<16xi32>
    %mul3A_1235 = arith.muli %add3A_1232, %mul3A_1234 : vector<16xi32>
    %mul3A_1236 = arith.constant 20 : i32
    %mul3A_1237 = vector.broadcast %mul3A_1236 : i32 to vector<16xi32>
    %mul3A_1238 = arith.muli %add3A_1232, %mul3A_1237 : vector<16xi32>
    %add3A_1239 = arith.constant 0 : i32
    %add3A_1240 = vector.broadcast %add3A_1239 : i32 to vector<16xi32>
    %add3A_1241 = arith.addi %mul3A_1238, %add3A_1240 : vector<16xi32>
    %gather3A_1242 = tpu.vector_load_idx %arg12[%add3A_1241] : memref<2560xi32, #tpu.memory_space<vmem>>[vector<16xi32>], vector<16xi32>,
    %add3A_1243 = arith.addi %mul3A_1235, %gather3A_1242 : vector<16xi32>
    tpu.vector_store_idx %arg15[%add3A_1243], %broadcast_in_dim3A_903 {add = true} : memref<4096xf32, #tpu.memory_space<vmem>>[vector<16xi32>], vector<16xf32>,
    %add3A_1244 = arith.constant 1 : i32
    %add3A_1245 = vector.broadcast %add3A_1244 : i32 to vector<16xi32>
    %add3A_1246 = arith.addi %mul3A_1238, %add3A_1245 : vector<16xi32>
    %gather3A_1247 = tpu.vector_load_idx %arg12[%add3A_1246] : memref<2560xi32, #tpu.memory_space<vmem>>[vector<16xi32>], vector<16xi32>,
    %add3A_1248 = arith.addi %mul3A_1235, %gather3A_1247 : vector<16xi32>
    tpu.vector_store_idx %arg15[%add3A_1248], %broadcast_in_dim3A_903 {add = true} : memref<4096xf32, #tpu.memory_space<vmem>>[vector<16xi32>], vector<16xf32>,
    %add3A_1249 = arith.constant 2 : i32
    %add3A_1250 = vector.broadcast %add3A_1249 : i32 to vector<16xi32>
    %add3A_1251 = arith.addi %mul3A_1238, %add3A_1250 : vector<16xi32>
    %gather3A_1252 = tpu.vector_load_idx %arg12[%add3A_1251] : memref<2560xi32, #tpu.memory_space<vmem>>[vector<16xi32>], vector<16xi32>,
    %add3A_1253 = arith.addi %mul3A_1235, %gather3A_1252 : vector<16xi32>
    tpu.vector_store_idx %arg15[%add3A_1253], %broadcast_in_dim3A_903 {add = true} : memref<4096xf32, #tpu.memory_space<vmem>>[vector<16xi32>], vector<16xf32>,
    %add3A_1254 = arith.constant 3 : i32
    %add3A_1255 = vector.broadcast %add3A_1254 : i32 to vector<16xi32>
    %add3A_1256 = arith.addi %mul3A_1238, %add3A_1255 : vector<16xi32>
    %gather3A_1257 = tpu.vector_load_idx %arg12[%add3A_1256] : memref<2560xi32, #tpu.memory_space<vmem>>[vector<16xi32>], vector<16xi32>,
    %add3A_1258 = arith.addi %mul3A_1235, %gather3A_1257 : vector<16xi32>
    tpu.vector_store_idx %arg15[%add3A_1258], %broadcast_in_dim3A_903 {add = true} : memref<4096xf32, #tpu.memory_space<vmem>>[vector<16xi32>], vector<16xf32>,
    %add3A_1259 = arith.constant 4 : i32
    %add3A_1260 = vector.broadcast %add3A_1259 : i32 to vector<16xi32>
    %add3A_1261 = arith.addi %mul3A_1238, %add3A_1260 : vector<16xi32>
    %gather3A_1262 = tpu.vector_load_idx %arg12[%add3A_1261] : memref<2560xi32, #tpu.memory_space<vmem>>[vector<16xi32>], vector<16xi32>,
    %add3A_1263 = arith.addi %mul3A_1235, %gather3A_1262 : vector<16xi32>
    tpu.vector_store_idx %arg15[%add3A_1263], %broadcast_in_dim3A_903 {add = true} : memref<4096xf32, #tpu.memory_space<vmem>>[vector<16xi32>], vector<16xf32>,
    %add3A_1264 = arith.constant 5 : i32
    %add3A_1265 = vector.broadcast %add3A_1264 : i32 to vector<16xi32>
    %add3A_1266 = arith.addi %mul3A_1238, %add3A_1265 : vector<16xi32>
    %gather3A_1267 = tpu.vector_load_idx %arg12[%add3A_1266] : memref<2560xi32, #tpu.memory_space<vmem>>[vector<16xi32>], vector<16xi32>,
    %add3A_1268 = arith.addi %mul3A_1235, %gather3A_1267 : vector<16xi32>
    tpu.vector_store_idx %arg15[%add3A_1268], %broadcast_in_dim3A_903 {add = true} : memref<4096xf32, #tpu.memory_space<vmem>>[vector<16xi32>], vector<16xf32>,
    %add3A_1269 = arith.constant 6 : i32
    %add3A_1270 = vector.broadcast %add3A_1269 : i32 to vector<16xi32>
    %add3A_1271 = arith.addi %mul3A_1238, %add3A_1270 : vector<16xi32>
    %gather3A_1272 = tpu.vector_load_idx %arg12[%add3A_1271] : memref<2560xi32, #tpu.memory_space<vmem>>[vector<16xi32>], vector<16xi32>,
    %add3A_1273 = arith.addi %mul3A_1235, %gather3A_1272 : vector<16xi32>
    tpu.vector_store_idx %arg15[%add3A_1273], %broadcast_in_dim3A_903 {add = true} : memref<4096xf32, #tpu.memory_space<vmem>>[vector<16xi32>], vector<16xf32>,
    %add3A_1274 = arith.constant 7 : i32
    %add3A_1275 = vector.broadcast %add3A_1274 : i32 to vector<16xi32>
    %add3A_1276 = arith.addi %mul3A_1238, %add3A_1275 : vector<16xi32>
    %gather3A_1277 = tpu.vector_load_idx %arg12[%add3A_1276] : memref<2560xi32, #tpu.memory_space<vmem>>[vector<16xi32>], vector<16xi32>,
    %add3A_1278 = arith.addi %mul3A_1235, %gather3A_1277 : vector<16xi32>
    tpu.vector_store_idx %arg15[%add3A_1278], %broadcast_in_dim3A_903 {add = true} : memref<4096xf32, #tpu.memory_space<vmem>>[vector<16xi32>], vector<16xf32>,
    %add3A_1279 = arith.constant 8 : i32
    %add3A_1280 = vector.broadcast %add3A_1279 : i32 to vector<16xi32>
    %add3A_1281 = arith.addi %mul3A_1238, %add3A_1280 : vector<16xi32>
    %gather3A_1282 = tpu.vector_load_idx %arg12[%add3A_1281] : memref<2560xi32, #tpu.memory_space<vmem>>[vector<16xi32>], vector<16xi32>,
    %add3A_1283 = arith.addi %mul3A_1235, %gather3A_1282 : vector<16xi32>
    tpu.vector_store_idx %arg15[%add3A_1283], %broadcast_in_dim3A_903 {add = true} : memref<4096xf32, #tpu.memory_space<vmem>>[vector<16xi32>], vector<16xf32>,
    %add3A_1284 = arith.constant 9 : i32
    %add3A_1285 = vector.broadcast %add3A_1284 : i32 to vector<16xi32>
    %add3A_1286 = arith.addi %mul3A_1238, %add3A_1285 : vector<16xi32>
    %gather3A_1287 = tpu.vector_load_idx %arg12[%add3A_1286] : memref<2560xi32, #tpu.memory_space<vmem>>[vector<16xi32>], vector<16xi32>,
    %add3A_1288 = arith.addi %mul3A_1235, %gather3A_1287 : vector<16xi32>
    tpu.vector_store_idx %arg15[%add3A_1288], %broadcast_in_dim3A_903 {add = true} : memref<4096xf32, #tpu.memory_space<vmem>>[vector<16xi32>], vector<16xf32>,
    %add3A_1289 = arith.constant 10 : i32
    %add3A_1290 = vector.broadcast %add3A_1289 : i32 to vector<16xi32>
    %add3A_1291 = arith.addi %mul3A_1238, %add3A_1290 : vector<16xi32>
    %gather3A_1292 = tpu.vector_load_idx %arg12[%add3A_1291] : memref<2560xi32, #tpu.memory_space<vmem>>[vector<16xi32>], vector<16xi32>,
    %add3A_1293 = arith.addi %mul3A_1235, %gather3A_1292 : vector<16xi32>
    tpu.vector_store_idx %arg15[%add3A_1293], %broadcast_in_dim3A_903 {add = true} : memref<4096xf32, #tpu.memory_space<vmem>>[vector<16xi32>], vector<16xf32>,
    %add3A_1294 = arith.constant 11 : i32
    %add3A_1295 = vector.broadcast %add3A_1294 : i32 to vector<16xi32>
    %add3A_1296 = arith.addi %mul3A_1238, %add3A_1295 : vector<16xi32>
    %gather3A_1297 = tpu.vector_load_idx %arg12[%add3A_1296] : memref<2560xi32, #tpu.memory_space<vmem>>[vector<16xi32>], vector<16xi32>,
    %add3A_1298 = arith.addi %mul3A_1235, %gather3A_1297 : vector<16xi32>
    tpu.vector_store_idx %arg15[%add3A_1298], %broadcast_in_dim3A_903 {add = true} : memref<4096xf32, #tpu.memory_space<vmem>>[vector<16xi32>], vector<16xf32>,
    %add3A_1299 = arith.constant 12 : i32
    %add3A_1300 = vector.broadcast %add3A_1299 : i32 to vector<16xi32>
    %add3A_1301 = arith.addi %mul3A_1238, %add3A_1300 : vector<16xi32>
    %gather3A_1302 = tpu.vector_load_idx %arg12[%add3A_1301] : memref<2560xi32, #tpu.memory_space<vmem>>[vector<16xi32>], vector<16xi32>,
    %add3A_1303 = arith.addi %mul3A_1235, %gather3A_1302 : vector<16xi32>
    tpu.vector_store_idx %arg15[%add3A_1303], %broadcast_in_dim3A_903 {add = true} : memref<4096xf32, #tpu.memory_space<vmem>>[vector<16xi32>], vector<16xf32>,
    %add3A_1304 = arith.constant 13 : i32
    %add3A_1305 = vector.broadcast %add3A_1304 : i32 to vector<16xi32>
    %add3A_1306 = arith.addi %mul3A_1238, %add3A_1305 : vector<16xi32>
    %gather3A_1307 = tpu.vector_load_idx %arg12[%add3A_1306] : memref<2560xi32, #tpu.memory_space<vmem>>[vector<16xi32>], vector<16xi32>,
    %add3A_1308 = arith.addi %mul3A_1235, %gather3A_1307 : vector<16xi32>
    tpu.vector_store_idx %arg15[%add3A_1308], %broadcast_in_dim3A_903 {add = true} : memref<4096xf32, #tpu.memory_space<vmem>>[vector<16xi32>], vector<16xf32>,
    %add3A_1309 = arith.constant 14 : i32
    %add3A_1310 = vector.broadcast %add3A_1309 : i32 to vector<16xi32>
    %add3A_1311 = arith.addi %mul3A_1238, %add3A_1310 : vector<16xi32>
    %gather3A_1312 = tpu.vector_load_idx %arg12[%add3A_1311] : memref<2560xi32, #tpu.memory_space<vmem>>[vector<16xi32>], vector<16xi32>,
    %add3A_1313 = arith.addi %mul3A_1235, %gather3A_1312 : vector<16xi32>
    tpu.vector_store_idx %arg15[%add3A_1313], %broadcast_in_dim3A_903 {add = true} : memref<4096xf32, #tpu.memory_space<vmem>>[vector<16xi32>], vector<16xf32>,
    %add3A_1314 = arith.constant 15 : i32
    %add3A_1315 = vector.broadcast %add3A_1314 : i32 to vector<16xi32>
    %add3A_1316 = arith.addi %mul3A_1238, %add3A_1315 : vector<16xi32>
    %gather3A_1317 = tpu.vector_load_idx %arg12[%add3A_1316] : memref<2560xi32, #tpu.memory_space<vmem>>[vector<16xi32>], vector<16xi32>,
    %add3A_1318 = arith.addi %mul3A_1235, %gather3A_1317 : vector<16xi32>
    tpu.vector_store_idx %arg15[%add3A_1318], %broadcast_in_dim3A_903 {add = true} : memref<4096xf32, #tpu.memory_space<vmem>>[vector<16xi32>], vector<16xf32>,
    %add3A_1319 = arith.constant 16 : i32
    %add3A_1320 = vector.broadcast %add3A_1319 : i32 to vector<16xi32>
    %add3A_1321 = arith.addi %mul3A_1238, %add3A_1320 : vector<16xi32>
    %gather3A_1322 = tpu.vector_load_idx %arg12[%add3A_1321] : memref<2560xi32, #tpu.memory_space<vmem>>[vector<16xi32>], vector<16xi32>,
    %add3A_1323 = arith.addi %mul3A_1235, %gather3A_1322 : vector<16xi32>
    tpu.vector_store_idx %arg15[%add3A_1323], %broadcast_in_dim3A_903 {add = true} : memref<4096xf32, #tpu.memory_space<vmem>>[vector<16xi32>], vector<16xf32>,
    %add3A_1324 = arith.constant 17 : i32
    %add3A_1325 = vector.broadcast %add3A_1324 : i32 to vector<16xi32>
    %add3A_1326 = arith.addi %mul3A_1238, %add3A_1325 : vector<16xi32>
    %gather3A_1327 = tpu.vector_load_idx %arg12[%add3A_1326] : memref<2560xi32, #tpu.memory_space<vmem>>[vector<16xi32>], vector<16xi32>,
    %add3A_1328 = arith.addi %mul3A_1235, %gather3A_1327 : vector<16xi32>
    tpu.vector_store_idx %arg15[%add3A_1328], %broadcast_in_dim3A_903 {add = true} : memref<4096xf32, #tpu.memory_space<vmem>>[vector<16xi32>], vector<16xf32>,
    %add3A_1329 = arith.constant 18 : i32
    %add3A_1330 = vector.broadcast %add3A_1329 : i32 to vector<16xi32>
    %add3A_1331 = arith.addi %mul3A_1238, %add3A_1330 : vector<16xi32>
    %gather3A_1332 = tpu.vector_load_idx %arg12[%add3A_1331] : memref<2560xi32, #tpu.memory_space<vmem>>[vector<16xi32>], vector<16xi32>,
    %add3A_1333 = arith.addi %mul3A_1235, %gather3A_1332 : vector<16xi32>
    tpu.vector_store_idx %arg15[%add3A_1333], %broadcast_in_dim3A_903 {add = true} : memref<4096xf32, #tpu.memory_space<vmem>>[vector<16xi32>], vector<16xf32>,
    %add3A_1334 = arith.constant 19 : i32
    %add3A_1335 = vector.broadcast %add3A_1334 : i32 to vector<16xi32>
    %add3A_1336 = arith.addi %mul3A_1238, %add3A_1335 : vector<16xi32>
    %gather3A_1337 = tpu.vector_load_idx %arg12[%add3A_1336] : memref<2560xi32, #tpu.memory_space<vmem>>[vector<16xi32>], vector<16xi32>,
    %add3A_1338 = arith.addi %mul3A_1235, %gather3A_1337 : vector<16xi32>
    tpu.vector_store_idx %arg15[%add3A_1338], %broadcast_in_dim3A_903 {add = true} : memref<4096xf32, #tpu.memory_space<vmem>>[vector<16xi32>], vector<16xf32>,
    %add3A_1339 = arith.constant 64 : i32
    %add3A_1340 = vector.broadcast %add3A_1339 : i32 to vector<16xi32>
    %add3A_1341 = arith.addi %add3A_1340, %iota3A : vector<16xi32>
    %mul3A_1342 = arith.constant 32 : i32
    %mul3A_1343 = vector.broadcast %mul3A_1342 : i32 to vector<16xi32>
    %mul3A_1344 = arith.muli %add3A_1341, %mul3A_1343 : vector<16xi32>
    %mul3A_1345 = arith.constant 20 : i32
    %mul3A_1346 = vector.broadcast %mul3A_1345 : i32 to vector<16xi32>
    %mul3A_1347 = arith.muli %add3A_1341, %mul3A_1346 : vector<16xi32>
    %add3A_1348 = arith.constant 0 : i32
    %add3A_1349 = vector.broadcast %add3A_1348 : i32 to vector<16xi32>
    %add3A_1350 = arith.addi %mul3A_1347, %add3A_1349 : vector<16xi32>
    %gather3A_1351 = tpu.vector_load_idx %arg12[%add3A_1350] : memref<2560xi32, #tpu.memory_space<vmem>>[vector<16xi32>], vector<16xi32>,
    %add3A_1352 = arith.addi %mul3A_1344, %gather3A_1351 : vector<16xi32>
    tpu.vector_store_idx %arg15[%add3A_1352], %broadcast_in_dim3A_903 {add = true} : memref<4096xf32, #tpu.memory_space<vmem>>[vector<16xi32>], vector<16xf32>,
    %add3A_1353 = arith.constant 1 : i32
    %add3A_1354 = vector.broadcast %add3A_1353 : i32 to vector<16xi32>
    %add3A_1355 = arith.addi %mul3A_1347, %add3A_1354 : vector<16xi32>
    %gather3A_1356 = tpu.vector_load_idx %arg12[%add3A_1355] : memref<2560xi32, #tpu.memory_space<vmem>>[vector<16xi32>], vector<16xi32>,
    %add3A_1357 = arith.addi %mul3A_1344, %gather3A_1356 : vector<16xi32>
    tpu.vector_store_idx %arg15[%add3A_1357], %broadcast_in_dim3A_903 {add = true} : memref<4096xf32, #tpu.memory_space<vmem>>[vector<16xi32>], vector<16xf32>,
    %add3A_1358 = arith.constant 2 : i32
    %add3A_1359 = vector.broadcast %add3A_1358 : i32 to vector<16xi32>
    %add3A_1360 = arith.addi %mul3A_1347, %add3A_1359 : vector<16xi32>
    %gather3A_1361 = tpu.vector_load_idx %arg12[%add3A_1360] : memref<2560xi32, #tpu.memory_space<vmem>>[vector<16xi32>], vector<16xi32>,
    %add3A_1362 = arith.addi %mul3A_1344, %gather3A_1361 : vector<16xi32>
    tpu.vector_store_idx %arg15[%add3A_1362], %broadcast_in_dim3A_903 {add = true} : memref<4096xf32, #tpu.memory_space<vmem>>[vector<16xi32>], vector<16xf32>,
    %add3A_1363 = arith.constant 3 : i32
    %add3A_1364 = vector.broadcast %add3A_1363 : i32 to vector<16xi32>
    %add3A_1365 = arith.addi %mul3A_1347, %add3A_1364 : vector<16xi32>
    %gather3A_1366 = tpu.vector_load_idx %arg12[%add3A_1365] : memref<2560xi32, #tpu.memory_space<vmem>>[vector<16xi32>], vector<16xi32>,
    %add3A_1367 = arith.addi %mul3A_1344, %gather3A_1366 : vector<16xi32>
    tpu.vector_store_idx %arg15[%add3A_1367], %broadcast_in_dim3A_903 {add = true} : memref<4096xf32, #tpu.memory_space<vmem>>[vector<16xi32>], vector<16xf32>,
    %add3A_1368 = arith.constant 4 : i32
    %add3A_1369 = vector.broadcast %add3A_1368 : i32 to vector<16xi32>
    %add3A_1370 = arith.addi %mul3A_1347, %add3A_1369 : vector<16xi32>
    %gather3A_1371 = tpu.vector_load_idx %arg12[%add3A_1370] : memref<2560xi32, #tpu.memory_space<vmem>>[vector<16xi32>], vector<16xi32>,
    %add3A_1372 = arith.addi %mul3A_1344, %gather3A_1371 : vector<16xi32>
    tpu.vector_store_idx %arg15[%add3A_1372], %broadcast_in_dim3A_903 {add = true} : memref<4096xf32, #tpu.memory_space<vmem>>[vector<16xi32>], vector<16xf32>,
    %add3A_1373 = arith.constant 5 : i32
    %add3A_1374 = vector.broadcast %add3A_1373 : i32 to vector<16xi32>
    %add3A_1375 = arith.addi %mul3A_1347, %add3A_1374 : vector<16xi32>
    %gather3A_1376 = tpu.vector_load_idx %arg12[%add3A_1375] : memref<2560xi32, #tpu.memory_space<vmem>>[vector<16xi32>], vector<16xi32>,
    %add3A_1377 = arith.addi %mul3A_1344, %gather3A_1376 : vector<16xi32>
    tpu.vector_store_idx %arg15[%add3A_1377], %broadcast_in_dim3A_903 {add = true} : memref<4096xf32, #tpu.memory_space<vmem>>[vector<16xi32>], vector<16xf32>,
    %add3A_1378 = arith.constant 6 : i32
    %add3A_1379 = vector.broadcast %add3A_1378 : i32 to vector<16xi32>
    %add3A_1380 = arith.addi %mul3A_1347, %add3A_1379 : vector<16xi32>
    %gather3A_1381 = tpu.vector_load_idx %arg12[%add3A_1380] : memref<2560xi32, #tpu.memory_space<vmem>>[vector<16xi32>], vector<16xi32>,
    %add3A_1382 = arith.addi %mul3A_1344, %gather3A_1381 : vector<16xi32>
    tpu.vector_store_idx %arg15[%add3A_1382], %broadcast_in_dim3A_903 {add = true} : memref<4096xf32, #tpu.memory_space<vmem>>[vector<16xi32>], vector<16xf32>,
    %add3A_1383 = arith.constant 7 : i32
    %add3A_1384 = vector.broadcast %add3A_1383 : i32 to vector<16xi32>
    %add3A_1385 = arith.addi %mul3A_1347, %add3A_1384 : vector<16xi32>
    %gather3A_1386 = tpu.vector_load_idx %arg12[%add3A_1385] : memref<2560xi32, #tpu.memory_space<vmem>>[vector<16xi32>], vector<16xi32>,
    %add3A_1387 = arith.addi %mul3A_1344, %gather3A_1386 : vector<16xi32>
    tpu.vector_store_idx %arg15[%add3A_1387], %broadcast_in_dim3A_903 {add = true} : memref<4096xf32, #tpu.memory_space<vmem>>[vector<16xi32>], vector<16xf32>,
    %add3A_1388 = arith.constant 8 : i32
    %add3A_1389 = vector.broadcast %add3A_1388 : i32 to vector<16xi32>
    %add3A_1390 = arith.addi %mul3A_1347, %add3A_1389 : vector<16xi32>
    %gather3A_1391 = tpu.vector_load_idx %arg12[%add3A_1390] : memref<2560xi32, #tpu.memory_space<vmem>>[vector<16xi32>], vector<16xi32>,
    %add3A_1392 = arith.addi %mul3A_1344, %gather3A_1391 : vector<16xi32>
    tpu.vector_store_idx %arg15[%add3A_1392], %broadcast_in_dim3A_903 {add = true} : memref<4096xf32, #tpu.memory_space<vmem>>[vector<16xi32>], vector<16xf32>,
    %add3A_1393 = arith.constant 9 : i32
    %add3A_1394 = vector.broadcast %add3A_1393 : i32 to vector<16xi32>
    %add3A_1395 = arith.addi %mul3A_1347, %add3A_1394 : vector<16xi32>
    %gather3A_1396 = tpu.vector_load_idx %arg12[%add3A_1395] : memref<2560xi32, #tpu.memory_space<vmem>>[vector<16xi32>], vector<16xi32>,
    %add3A_1397 = arith.addi %mul3A_1344, %gather3A_1396 : vector<16xi32>
    tpu.vector_store_idx %arg15[%add3A_1397], %broadcast_in_dim3A_903 {add = true} : memref<4096xf32, #tpu.memory_space<vmem>>[vector<16xi32>], vector<16xf32>,
    %add3A_1398 = arith.constant 10 : i32
    %add3A_1399 = vector.broadcast %add3A_1398 : i32 to vector<16xi32>
    %add3A_1400 = arith.addi %mul3A_1347, %add3A_1399 : vector<16xi32>
    %gather3A_1401 = tpu.vector_load_idx %arg12[%add3A_1400] : memref<2560xi32, #tpu.memory_space<vmem>>[vector<16xi32>], vector<16xi32>,
    %add3A_1402 = arith.addi %mul3A_1344, %gather3A_1401 : vector<16xi32>
    tpu.vector_store_idx %arg15[%add3A_1402], %broadcast_in_dim3A_903 {add = true} : memref<4096xf32, #tpu.memory_space<vmem>>[vector<16xi32>], vector<16xf32>,
    %add3A_1403 = arith.constant 11 : i32
    %add3A_1404 = vector.broadcast %add3A_1403 : i32 to vector<16xi32>
    %add3A_1405 = arith.addi %mul3A_1347, %add3A_1404 : vector<16xi32>
    %gather3A_1406 = tpu.vector_load_idx %arg12[%add3A_1405] : memref<2560xi32, #tpu.memory_space<vmem>>[vector<16xi32>], vector<16xi32>,
    %add3A_1407 = arith.addi %mul3A_1344, %gather3A_1406 : vector<16xi32>
    tpu.vector_store_idx %arg15[%add3A_1407], %broadcast_in_dim3A_903 {add = true} : memref<4096xf32, #tpu.memory_space<vmem>>[vector<16xi32>], vector<16xf32>,
    %add3A_1408 = arith.constant 12 : i32
    %add3A_1409 = vector.broadcast %add3A_1408 : i32 to vector<16xi32>
    %add3A_1410 = arith.addi %mul3A_1347, %add3A_1409 : vector<16xi32>
    %gather3A_1411 = tpu.vector_load_idx %arg12[%add3A_1410] : memref<2560xi32, #tpu.memory_space<vmem>>[vector<16xi32>], vector<16xi32>,
    %add3A_1412 = arith.addi %mul3A_1344, %gather3A_1411 : vector<16xi32>
    tpu.vector_store_idx %arg15[%add3A_1412], %broadcast_in_dim3A_903 {add = true} : memref<4096xf32, #tpu.memory_space<vmem>>[vector<16xi32>], vector<16xf32>,
    %add3A_1413 = arith.constant 13 : i32
    %add3A_1414 = vector.broadcast %add3A_1413 : i32 to vector<16xi32>
    %add3A_1415 = arith.addi %mul3A_1347, %add3A_1414 : vector<16xi32>
    %gather3A_1416 = tpu.vector_load_idx %arg12[%add3A_1415] : memref<2560xi32, #tpu.memory_space<vmem>>[vector<16xi32>], vector<16xi32>,
    %add3A_1417 = arith.addi %mul3A_1344, %gather3A_1416 : vector<16xi32>
    tpu.vector_store_idx %arg15[%add3A_1417], %broadcast_in_dim3A_903 {add = true} : memref<4096xf32, #tpu.memory_space<vmem>>[vector<16xi32>], vector<16xf32>,
    %add3A_1418 = arith.constant 14 : i32
    %add3A_1419 = vector.broadcast %add3A_1418 : i32 to vector<16xi32>
    %add3A_1420 = arith.addi %mul3A_1347, %add3A_1419 : vector<16xi32>
    %gather3A_1421 = tpu.vector_load_idx %arg12[%add3A_1420] : memref<2560xi32, #tpu.memory_space<vmem>>[vector<16xi32>], vector<16xi32>,
    %add3A_1422 = arith.addi %mul3A_1344, %gather3A_1421 : vector<16xi32>
    tpu.vector_store_idx %arg15[%add3A_1422], %broadcast_in_dim3A_903 {add = true} : memref<4096xf32, #tpu.memory_space<vmem>>[vector<16xi32>], vector<16xf32>,
    %add3A_1423 = arith.constant 15 : i32
    %add3A_1424 = vector.broadcast %add3A_1423 : i32 to vector<16xi32>
    %add3A_1425 = arith.addi %mul3A_1347, %add3A_1424 : vector<16xi32>
    %gather3A_1426 = tpu.vector_load_idx %arg12[%add3A_1425] : memref<2560xi32, #tpu.memory_space<vmem>>[vector<16xi32>], vector<16xi32>,
    %add3A_1427 = arith.addi %mul3A_1344, %gather3A_1426 : vector<16xi32>
    tpu.vector_store_idx %arg15[%add3A_1427], %broadcast_in_dim3A_903 {add = true} : memref<4096xf32, #tpu.memory_space<vmem>>[vector<16xi32>], vector<16xf32>,
    %add3A_1428 = arith.constant 16 : i32
    %add3A_1429 = vector.broadcast %add3A_1428 : i32 to vector<16xi32>
    %add3A_1430 = arith.addi %mul3A_1347, %add3A_1429 : vector<16xi32>
    %gather3A_1431 = tpu.vector_load_idx %arg12[%add3A_1430] : memref<2560xi32, #tpu.memory_space<vmem>>[vector<16xi32>], vector<16xi32>,
    %add3A_1432 = arith.addi %mul3A_1344, %gather3A_1431 : vector<16xi32>
    tpu.vector_store_idx %arg15[%add3A_1432], %broadcast_in_dim3A_903 {add = true} : memref<4096xf32, #tpu.memory_space<vmem>>[vector<16xi32>], vector<16xf32>,
    %add3A_1433 = arith.constant 17 : i32
    %add3A_1434 = vector.broadcast %add3A_1433 : i32 to vector<16xi32>
    %add3A_1435 = arith.addi %mul3A_1347, %add3A_1434 : vector<16xi32>
    %gather3A_1436 = tpu.vector_load_idx %arg12[%add3A_1435] : memref<2560xi32, #tpu.memory_space<vmem>>[vector<16xi32>], vector<16xi32>,
    %add3A_1437 = arith.addi %mul3A_1344, %gather3A_1436 : vector<16xi32>
    tpu.vector_store_idx %arg15[%add3A_1437], %broadcast_in_dim3A_903 {add = true} : memref<4096xf32, #tpu.memory_space<vmem>>[vector<16xi32>], vector<16xf32>,
    %add3A_1438 = arith.constant 18 : i32
    %add3A_1439 = vector.broadcast %add3A_1438 : i32 to vector<16xi32>
    %add3A_1440 = arith.addi %mul3A_1347, %add3A_1439 : vector<16xi32>
    %gather3A_1441 = tpu.vector_load_idx %arg12[%add3A_1440] : memref<2560xi32, #tpu.memory_space<vmem>>[vector<16xi32>], vector<16xi32>,
    %add3A_1442 = arith.addi %mul3A_1344, %gather3A_1441 : vector<16xi32>
    tpu.vector_store_idx %arg15[%add3A_1442], %broadcast_in_dim3A_903 {add = true} : memref<4096xf32, #tpu.memory_space<vmem>>[vector<16xi32>], vector<16xf32>,
    %add3A_1443 = arith.constant 19 : i32
    %add3A_1444 = vector.broadcast %add3A_1443 : i32 to vector<16xi32>
    %add3A_1445 = arith.addi %mul3A_1347, %add3A_1444 : vector<16xi32>
    %gather3A_1446 = tpu.vector_load_idx %arg12[%add3A_1445] : memref<2560xi32, #tpu.memory_space<vmem>>[vector<16xi32>], vector<16xi32>,
    %add3A_1447 = arith.addi %mul3A_1344, %gather3A_1446 : vector<16xi32>
    tpu.vector_store_idx %arg15[%add3A_1447], %broadcast_in_dim3A_903 {add = true} : memref<4096xf32, #tpu.memory_space<vmem>>[vector<16xi32>], vector<16xf32>,
    %add3A_1448 = arith.constant 80 : i32
    %add3A_1449 = vector.broadcast %add3A_1448 : i32 to vector<16xi32>
    %add3A_1450 = arith.addi %add3A_1449, %iota3A : vector<16xi32>
    %mul3A_1451 = arith.constant 32 : i32
    %mul3A_1452 = vector.broadcast %mul3A_1451 : i32 to vector<16xi32>
    %mul3A_1453 = arith.muli %add3A_1450, %mul3A_1452 : vector<16xi32>
    %mul3A_1454 = arith.constant 20 : i32
    %mul3A_1455 = vector.broadcast %mul3A_1454 : i32 to vector<16xi32>
    %mul3A_1456 = arith.muli %add3A_1450, %mul3A_1455 : vector<16xi32>
    %add3A_1457 = arith.constant 0 : i32
    %add3A_1458 = vector.broadcast %add3A_1457 : i32 to vector<16xi32>
    %add3A_1459 = arith.addi %mul3A_1456, %add3A_1458 : vector<16xi32>
    %gather3A_1460 = tpu.vector_load_idx %arg12[%add3A_1459] : memref<2560xi32, #tpu.memory_space<vmem>>[vector<16xi32>], vector<16xi32>,
    %add3A_1461 = arith.addi %mul3A_1453, %gather3A_1460 : vector<16xi32>
    tpu.vector_store_idx %arg15[%add3A_1461], %broadcast_in_dim3A_903 {add = true} : memref<4096xf32, #tpu.memory_space<vmem>>[vector<16xi32>], vector<16xf32>,
    %add3A_1462 = arith.constant 1 : i32
    %add3A_1463 = vector.broadcast %add3A_1462 : i32 to vector<16xi32>
    %add3A_1464 = arith.addi %mul3A_1456, %add3A_1463 : vector<16xi32>
    %gather3A_1465 = tpu.vector_load_idx %arg12[%add3A_1464] : memref<2560xi32, #tpu.memory_space<vmem>>[vector<16xi32>], vector<16xi32>,
    %add3A_1466 = arith.addi %mul3A_1453, %gather3A_1465 : vector<16xi32>
    tpu.vector_store_idx %arg15[%add3A_1466], %broadcast_in_dim3A_903 {add = true} : memref<4096xf32, #tpu.memory_space<vmem>>[vector<16xi32>], vector<16xf32>,
    %add3A_1467 = arith.constant 2 : i32
    %add3A_1468 = vector.broadcast %add3A_1467 : i32 to vector<16xi32>
    %add3A_1469 = arith.addi %mul3A_1456, %add3A_1468 : vector<16xi32>
    %gather3A_1470 = tpu.vector_load_idx %arg12[%add3A_1469] : memref<2560xi32, #tpu.memory_space<vmem>>[vector<16xi32>], vector<16xi32>,
    %add3A_1471 = arith.addi %mul3A_1453, %gather3A_1470 : vector<16xi32>
    tpu.vector_store_idx %arg15[%add3A_1471], %broadcast_in_dim3A_903 {add = true} : memref<4096xf32, #tpu.memory_space<vmem>>[vector<16xi32>], vector<16xf32>,
    %add3A_1472 = arith.constant 3 : i32
    %add3A_1473 = vector.broadcast %add3A_1472 : i32 to vector<16xi32>
    %add3A_1474 = arith.addi %mul3A_1456, %add3A_1473 : vector<16xi32>
    %gather3A_1475 = tpu.vector_load_idx %arg12[%add3A_1474] : memref<2560xi32, #tpu.memory_space<vmem>>[vector<16xi32>], vector<16xi32>,
    %add3A_1476 = arith.addi %mul3A_1453, %gather3A_1475 : vector<16xi32>
    tpu.vector_store_idx %arg15[%add3A_1476], %broadcast_in_dim3A_903 {add = true} : memref<4096xf32, #tpu.memory_space<vmem>>[vector<16xi32>], vector<16xf32>,
    %add3A_1477 = arith.constant 4 : i32
    %add3A_1478 = vector.broadcast %add3A_1477 : i32 to vector<16xi32>
    %add3A_1479 = arith.addi %mul3A_1456, %add3A_1478 : vector<16xi32>
    %gather3A_1480 = tpu.vector_load_idx %arg12[%add3A_1479] : memref<2560xi32, #tpu.memory_space<vmem>>[vector<16xi32>], vector<16xi32>,
    %add3A_1481 = arith.addi %mul3A_1453, %gather3A_1480 : vector<16xi32>
    tpu.vector_store_idx %arg15[%add3A_1481], %broadcast_in_dim3A_903 {add = true} : memref<4096xf32, #tpu.memory_space<vmem>>[vector<16xi32>], vector<16xf32>,
    %add3A_1482 = arith.constant 5 : i32
    %add3A_1483 = vector.broadcast %add3A_1482 : i32 to vector<16xi32>
    %add3A_1484 = arith.addi %mul3A_1456, %add3A_1483 : vector<16xi32>
    %gather3A_1485 = tpu.vector_load_idx %arg12[%add3A_1484] : memref<2560xi32, #tpu.memory_space<vmem>>[vector<16xi32>], vector<16xi32>,
    %add3A_1486 = arith.addi %mul3A_1453, %gather3A_1485 : vector<16xi32>
    tpu.vector_store_idx %arg15[%add3A_1486], %broadcast_in_dim3A_903 {add = true} : memref<4096xf32, #tpu.memory_space<vmem>>[vector<16xi32>], vector<16xf32>,
    %add3A_1487 = arith.constant 6 : i32
    %add3A_1488 = vector.broadcast %add3A_1487 : i32 to vector<16xi32>
    %add3A_1489 = arith.addi %mul3A_1456, %add3A_1488 : vector<16xi32>
    %gather3A_1490 = tpu.vector_load_idx %arg12[%add3A_1489] : memref<2560xi32, #tpu.memory_space<vmem>>[vector<16xi32>], vector<16xi32>,
    %add3A_1491 = arith.addi %mul3A_1453, %gather3A_1490 : vector<16xi32>
    tpu.vector_store_idx %arg15[%add3A_1491], %broadcast_in_dim3A_903 {add = true} : memref<4096xf32, #tpu.memory_space<vmem>>[vector<16xi32>], vector<16xf32>,
    %add3A_1492 = arith.constant 7 : i32
    %add3A_1493 = vector.broadcast %add3A_1492 : i32 to vector<16xi32>
    %add3A_1494 = arith.addi %mul3A_1456, %add3A_1493 : vector<16xi32>
    %gather3A_1495 = tpu.vector_load_idx %arg12[%add3A_1494] : memref<2560xi32, #tpu.memory_space<vmem>>[vector<16xi32>], vector<16xi32>,
    %add3A_1496 = arith.addi %mul3A_1453, %gather3A_1495 : vector<16xi32>
    tpu.vector_store_idx %arg15[%add3A_1496], %broadcast_in_dim3A_903 {add = true} : memref<4096xf32, #tpu.memory_space<vmem>>[vector<16xi32>], vector<16xf32>,
    %add3A_1497 = arith.constant 8 : i32
    %add3A_1498 = vector.broadcast %add3A_1497 : i32 to vector<16xi32>
    %add3A_1499 = arith.addi %mul3A_1456, %add3A_1498 : vector<16xi32>
    %gather3A_1500 = tpu.vector_load_idx %arg12[%add3A_1499] : memref<2560xi32, #tpu.memory_space<vmem>>[vector<16xi32>], vector<16xi32>,
    %add3A_1501 = arith.addi %mul3A_1453, %gather3A_1500 : vector<16xi32>
    tpu.vector_store_idx %arg15[%add3A_1501], %broadcast_in_dim3A_903 {add = true} : memref<4096xf32, #tpu.memory_space<vmem>>[vector<16xi32>], vector<16xf32>,
    %add3A_1502 = arith.constant 9 : i32
    %add3A_1503 = vector.broadcast %add3A_1502 : i32 to vector<16xi32>
    %add3A_1504 = arith.addi %mul3A_1456, %add3A_1503 : vector<16xi32>
    %gather3A_1505 = tpu.vector_load_idx %arg12[%add3A_1504] : memref<2560xi32, #tpu.memory_space<vmem>>[vector<16xi32>], vector<16xi32>,
    %add3A_1506 = arith.addi %mul3A_1453, %gather3A_1505 : vector<16xi32>
    tpu.vector_store_idx %arg15[%add3A_1506], %broadcast_in_dim3A_903 {add = true} : memref<4096xf32, #tpu.memory_space<vmem>>[vector<16xi32>], vector<16xf32>,
    %add3A_1507 = arith.constant 10 : i32
    %add3A_1508 = vector.broadcast %add3A_1507 : i32 to vector<16xi32>
    %add3A_1509 = arith.addi %mul3A_1456, %add3A_1508 : vector<16xi32>
    %gather3A_1510 = tpu.vector_load_idx %arg12[%add3A_1509] : memref<2560xi32, #tpu.memory_space<vmem>>[vector<16xi32>], vector<16xi32>,
    %add3A_1511 = arith.addi %mul3A_1453, %gather3A_1510 : vector<16xi32>
    tpu.vector_store_idx %arg15[%add3A_1511], %broadcast_in_dim3A_903 {add = true} : memref<4096xf32, #tpu.memory_space<vmem>>[vector<16xi32>], vector<16xf32>,
    %add3A_1512 = arith.constant 11 : i32
    %add3A_1513 = vector.broadcast %add3A_1512 : i32 to vector<16xi32>
    %add3A_1514 = arith.addi %mul3A_1456, %add3A_1513 : vector<16xi32>
    %gather3A_1515 = tpu.vector_load_idx %arg12[%add3A_1514] : memref<2560xi32, #tpu.memory_space<vmem>>[vector<16xi32>], vector<16xi32>,
    %add3A_1516 = arith.addi %mul3A_1453, %gather3A_1515 : vector<16xi32>
    tpu.vector_store_idx %arg15[%add3A_1516], %broadcast_in_dim3A_903 {add = true} : memref<4096xf32, #tpu.memory_space<vmem>>[vector<16xi32>], vector<16xf32>,
    %add3A_1517 = arith.constant 12 : i32
    %add3A_1518 = vector.broadcast %add3A_1517 : i32 to vector<16xi32>
    %add3A_1519 = arith.addi %mul3A_1456, %add3A_1518 : vector<16xi32>
    %gather3A_1520 = tpu.vector_load_idx %arg12[%add3A_1519] : memref<2560xi32, #tpu.memory_space<vmem>>[vector<16xi32>], vector<16xi32>,
    %add3A_1521 = arith.addi %mul3A_1453, %gather3A_1520 : vector<16xi32>
    tpu.vector_store_idx %arg15[%add3A_1521], %broadcast_in_dim3A_903 {add = true} : memref<4096xf32, #tpu.memory_space<vmem>>[vector<16xi32>], vector<16xf32>,
    %add3A_1522 = arith.constant 13 : i32
    %add3A_1523 = vector.broadcast %add3A_1522 : i32 to vector<16xi32>
    %add3A_1524 = arith.addi %mul3A_1456, %add3A_1523 : vector<16xi32>
    %gather3A_1525 = tpu.vector_load_idx %arg12[%add3A_1524] : memref<2560xi32, #tpu.memory_space<vmem>>[vector<16xi32>], vector<16xi32>,
    %add3A_1526 = arith.addi %mul3A_1453, %gather3A_1525 : vector<16xi32>
    tpu.vector_store_idx %arg15[%add3A_1526], %broadcast_in_dim3A_903 {add = true} : memref<4096xf32, #tpu.memory_space<vmem>>[vector<16xi32>], vector<16xf32>,
    %add3A_1527 = arith.constant 14 : i32
    %add3A_1528 = vector.broadcast %add3A_1527 : i32 to vector<16xi32>
    %add3A_1529 = arith.addi %mul3A_1456, %add3A_1528 : vector<16xi32>
    %gather3A_1530 = tpu.vector_load_idx %arg12[%add3A_1529] : memref<2560xi32, #tpu.memory_space<vmem>>[vector<16xi32>], vector<16xi32>,
    %add3A_1531 = arith.addi %mul3A_1453, %gather3A_1530 : vector<16xi32>
    tpu.vector_store_idx %arg15[%add3A_1531], %broadcast_in_dim3A_903 {add = true} : memref<4096xf32, #tpu.memory_space<vmem>>[vector<16xi32>], vector<16xf32>,
    %add3A_1532 = arith.constant 15 : i32
    %add3A_1533 = vector.broadcast %add3A_1532 : i32 to vector<16xi32>
    %add3A_1534 = arith.addi %mul3A_1456, %add3A_1533 : vector<16xi32>
    %gather3A_1535 = tpu.vector_load_idx %arg12[%add3A_1534] : memref<2560xi32, #tpu.memory_space<vmem>>[vector<16xi32>], vector<16xi32>,
    %add3A_1536 = arith.addi %mul3A_1453, %gather3A_1535 : vector<16xi32>
    tpu.vector_store_idx %arg15[%add3A_1536], %broadcast_in_dim3A_903 {add = true} : memref<4096xf32, #tpu.memory_space<vmem>>[vector<16xi32>], vector<16xf32>,
    %add3A_1537 = arith.constant 16 : i32
    %add3A_1538 = vector.broadcast %add3A_1537 : i32 to vector<16xi32>
    %add3A_1539 = arith.addi %mul3A_1456, %add3A_1538 : vector<16xi32>
    %gather3A_1540 = tpu.vector_load_idx %arg12[%add3A_1539] : memref<2560xi32, #tpu.memory_space<vmem>>[vector<16xi32>], vector<16xi32>,
    %add3A_1541 = arith.addi %mul3A_1453, %gather3A_1540 : vector<16xi32>
    tpu.vector_store_idx %arg15[%add3A_1541], %broadcast_in_dim3A_903 {add = true} : memref<4096xf32, #tpu.memory_space<vmem>>[vector<16xi32>], vector<16xf32>,
    %add3A_1542 = arith.constant 17 : i32
    %add3A_1543 = vector.broadcast %add3A_1542 : i32 to vector<16xi32>
    %add3A_1544 = arith.addi %mul3A_1456, %add3A_1543 : vector<16xi32>
    %gather3A_1545 = tpu.vector_load_idx %arg12[%add3A_1544] : memref<2560xi32, #tpu.memory_space<vmem>>[vector<16xi32>], vector<16xi32>,
    %add3A_1546 = arith.addi %mul3A_1453, %gather3A_1545 : vector<16xi32>
    tpu.vector_store_idx %arg15[%add3A_1546], %broadcast_in_dim3A_903 {add = true} : memref<4096xf32, #tpu.memory_space<vmem>>[vector<16xi32>], vector<16xf32>,
    %add3A_1547 = arith.constant 18 : i32
    %add3A_1548 = vector.broadcast %add3A_1547 : i32 to vector<16xi32>
    %add3A_1549 = arith.addi %mul3A_1456, %add3A_1548 : vector<16xi32>
    %gather3A_1550 = tpu.vector_load_idx %arg12[%add3A_1549] : memref<2560xi32, #tpu.memory_space<vmem>>[vector<16xi32>], vector<16xi32>,
    %add3A_1551 = arith.addi %mul3A_1453, %gather3A_1550 : vector<16xi32>
    tpu.vector_store_idx %arg15[%add3A_1551], %broadcast_in_dim3A_903 {add = true} : memref<4096xf32, #tpu.memory_space<vmem>>[vector<16xi32>], vector<16xf32>,
    %add3A_1552 = arith.constant 19 : i32
    %add3A_1553 = vector.broadcast %add3A_1552 : i32 to vector<16xi32>
    %add3A_1554 = arith.addi %mul3A_1456, %add3A_1553 : vector<16xi32>
    %gather3A_1555 = tpu.vector_load_idx %arg12[%add3A_1554] : memref<2560xi32, #tpu.memory_space<vmem>>[vector<16xi32>], vector<16xi32>,
    %add3A_1556 = arith.addi %mul3A_1453, %gather3A_1555 : vector<16xi32>
    tpu.vector_store_idx %arg15[%add3A_1556], %broadcast_in_dim3A_903 {add = true} : memref<4096xf32, #tpu.memory_space<vmem>>[vector<16xi32>], vector<16xf32>,
    %add3A_1557 = arith.constant 96 : i32
    %add3A_1558 = vector.broadcast %add3A_1557 : i32 to vector<16xi32>
    %add3A_1559 = arith.addi %add3A_1558, %iota3A : vector<16xi32>
    %mul3A_1560 = arith.constant 32 : i32
    %mul3A_1561 = vector.broadcast %mul3A_1560 : i32 to vector<16xi32>
    %mul3A_1562 = arith.muli %add3A_1559, %mul3A_1561 : vector<16xi32>
    %mul3A_1563 = arith.constant 20 : i32
    %mul3A_1564 = vector.broadcast %mul3A_1563 : i32 to vector<16xi32>
    %mul3A_1565 = arith.muli %add3A_1559, %mul3A_1564 : vector<16xi32>
    %add3A_1566 = arith.constant 0 : i32
    %add3A_1567 = vector.broadcast %add3A_1566 : i32 to vector<16xi32>
    %add3A_1568 = arith.addi %mul3A_1565, %add3A_1567 : vector<16xi32>
    %gather3A_1569 = tpu.vector_load_idx %arg12[%add3A_1568] : memref<2560xi32, #tpu.memory_space<vmem>>[vector<16xi32>], vector<16xi32>,
    %add3A_1570 = arith.addi %mul3A_1562, %gather3A_1569 : vector<16xi32>
    tpu.vector_store_idx %arg15[%add3A_1570], %broadcast_in_dim3A_903 {add = true} : memref<4096xf32, #tpu.memory_space<vmem>>[vector<16xi32>], vector<16xf32>,
    %add3A_1571 = arith.constant 1 : i32
    %add3A_1572 = vector.broadcast %add3A_1571 : i32 to vector<16xi32>
    %add3A_1573 = arith.addi %mul3A_1565, %add3A_1572 : vector<16xi32>
    %gather3A_1574 = tpu.vector_load_idx %arg12[%add3A_1573] : memref<2560xi32, #tpu.memory_space<vmem>>[vector<16xi32>], vector<16xi32>,
    %add3A_1575 = arith.addi %mul3A_1562, %gather3A_1574 : vector<16xi32>
    tpu.vector_store_idx %arg15[%add3A_1575], %broadcast_in_dim3A_903 {add = true} : memref<4096xf32, #tpu.memory_space<vmem>>[vector<16xi32>], vector<16xf32>,
    %add3A_1576 = arith.constant 2 : i32
    %add3A_1577 = vector.broadcast %add3A_1576 : i32 to vector<16xi32>
    %add3A_1578 = arith.addi %mul3A_1565, %add3A_1577 : vector<16xi32>
    %gather3A_1579 = tpu.vector_load_idx %arg12[%add3A_1578] : memref<2560xi32, #tpu.memory_space<vmem>>[vector<16xi32>], vector<16xi32>,
    %add3A_1580 = arith.addi %mul3A_1562, %gather3A_1579 : vector<16xi32>
    tpu.vector_store_idx %arg15[%add3A_1580], %broadcast_in_dim3A_903 {add = true} : memref<4096xf32, #tpu.memory_space<vmem>>[vector<16xi32>], vector<16xf32>,
    %add3A_1581 = arith.constant 3 : i32
    %add3A_1582 = vector.broadcast %add3A_1581 : i32 to vector<16xi32>
    %add3A_1583 = arith.addi %mul3A_1565, %add3A_1582 : vector<16xi32>
    %gather3A_1584 = tpu.vector_load_idx %arg12[%add3A_1583] : memref<2560xi32, #tpu.memory_space<vmem>>[vector<16xi32>], vector<16xi32>,
    %add3A_1585 = arith.addi %mul3A_1562, %gather3A_1584 : vector<16xi32>
    tpu.vector_store_idx %arg15[%add3A_1585], %broadcast_in_dim3A_903 {add = true} : memref<4096xf32, #tpu.memory_space<vmem>>[vector<16xi32>], vector<16xf32>,
    %add3A_1586 = arith.constant 4 : i32
    %add3A_1587 = vector.broadcast %add3A_1586 : i32 to vector<16xi32>
    %add3A_1588 = arith.addi %mul3A_1565, %add3A_1587 : vector<16xi32>
    %gather3A_1589 = tpu.vector_load_idx %arg12[%add3A_1588] : memref<2560xi32, #tpu.memory_space<vmem>>[vector<16xi32>], vector<16xi32>,
    %add3A_1590 = arith.addi %mul3A_1562, %gather3A_1589 : vector<16xi32>
    tpu.vector_store_idx %arg15[%add3A_1590], %broadcast_in_dim3A_903 {add = true} : memref<4096xf32, #tpu.memory_space<vmem>>[vector<16xi32>], vector<16xf32>,
    %add3A_1591 = arith.constant 5 : i32
    %add3A_1592 = vector.broadcast %add3A_1591 : i32 to vector<16xi32>
    %add3A_1593 = arith.addi %mul3A_1565, %add3A_1592 : vector<16xi32>
    %gather3A_1594 = tpu.vector_load_idx %arg12[%add3A_1593] : memref<2560xi32, #tpu.memory_space<vmem>>[vector<16xi32>], vector<16xi32>,
    %add3A_1595 = arith.addi %mul3A_1562, %gather3A_1594 : vector<16xi32>
    tpu.vector_store_idx %arg15[%add3A_1595], %broadcast_in_dim3A_903 {add = true} : memref<4096xf32, #tpu.memory_space<vmem>>[vector<16xi32>], vector<16xf32>,
    %add3A_1596 = arith.constant 6 : i32
    %add3A_1597 = vector.broadcast %add3A_1596 : i32 to vector<16xi32>
    %add3A_1598 = arith.addi %mul3A_1565, %add3A_1597 : vector<16xi32>
    %gather3A_1599 = tpu.vector_load_idx %arg12[%add3A_1598] : memref<2560xi32, #tpu.memory_space<vmem>>[vector<16xi32>], vector<16xi32>,
    %add3A_1600 = arith.addi %mul3A_1562, %gather3A_1599 : vector<16xi32>
    tpu.vector_store_idx %arg15[%add3A_1600], %broadcast_in_dim3A_903 {add = true} : memref<4096xf32, #tpu.memory_space<vmem>>[vector<16xi32>], vector<16xf32>,
    %add3A_1601 = arith.constant 7 : i32
    %add3A_1602 = vector.broadcast %add3A_1601 : i32 to vector<16xi32>
    %add3A_1603 = arith.addi %mul3A_1565, %add3A_1602 : vector<16xi32>
    %gather3A_1604 = tpu.vector_load_idx %arg12[%add3A_1603] : memref<2560xi32, #tpu.memory_space<vmem>>[vector<16xi32>], vector<16xi32>,
    %add3A_1605 = arith.addi %mul3A_1562, %gather3A_1604 : vector<16xi32>
    tpu.vector_store_idx %arg15[%add3A_1605], %broadcast_in_dim3A_903 {add = true} : memref<4096xf32, #tpu.memory_space<vmem>>[vector<16xi32>], vector<16xf32>,
    %add3A_1606 = arith.constant 8 : i32
    %add3A_1607 = vector.broadcast %add3A_1606 : i32 to vector<16xi32>
    %add3A_1608 = arith.addi %mul3A_1565, %add3A_1607 : vector<16xi32>
    %gather3A_1609 = tpu.vector_load_idx %arg12[%add3A_1608] : memref<2560xi32, #tpu.memory_space<vmem>>[vector<16xi32>], vector<16xi32>,
    %add3A_1610 = arith.addi %mul3A_1562, %gather3A_1609 : vector<16xi32>
    tpu.vector_store_idx %arg15[%add3A_1610], %broadcast_in_dim3A_903 {add = true} : memref<4096xf32, #tpu.memory_space<vmem>>[vector<16xi32>], vector<16xf32>,
    %add3A_1611 = arith.constant 9 : i32
    %add3A_1612 = vector.broadcast %add3A_1611 : i32 to vector<16xi32>
    %add3A_1613 = arith.addi %mul3A_1565, %add3A_1612 : vector<16xi32>
    %gather3A_1614 = tpu.vector_load_idx %arg12[%add3A_1613] : memref<2560xi32, #tpu.memory_space<vmem>>[vector<16xi32>], vector<16xi32>,
    %add3A_1615 = arith.addi %mul3A_1562, %gather3A_1614 : vector<16xi32>
    tpu.vector_store_idx %arg15[%add3A_1615], %broadcast_in_dim3A_903 {add = true} : memref<4096xf32, #tpu.memory_space<vmem>>[vector<16xi32>], vector<16xf32>,
    %add3A_1616 = arith.constant 10 : i32
    %add3A_1617 = vector.broadcast %add3A_1616 : i32 to vector<16xi32>
    %add3A_1618 = arith.addi %mul3A_1565, %add3A_1617 : vector<16xi32>
    %gather3A_1619 = tpu.vector_load_idx %arg12[%add3A_1618] : memref<2560xi32, #tpu.memory_space<vmem>>[vector<16xi32>], vector<16xi32>,
    %add3A_1620 = arith.addi %mul3A_1562, %gather3A_1619 : vector<16xi32>
    tpu.vector_store_idx %arg15[%add3A_1620], %broadcast_in_dim3A_903 {add = true} : memref<4096xf32, #tpu.memory_space<vmem>>[vector<16xi32>], vector<16xf32>,
    %add3A_1621 = arith.constant 11 : i32
    %add3A_1622 = vector.broadcast %add3A_1621 : i32 to vector<16xi32>
    %add3A_1623 = arith.addi %mul3A_1565, %add3A_1622 : vector<16xi32>
    %gather3A_1624 = tpu.vector_load_idx %arg12[%add3A_1623] : memref<2560xi32, #tpu.memory_space<vmem>>[vector<16xi32>], vector<16xi32>,
    %add3A_1625 = arith.addi %mul3A_1562, %gather3A_1624 : vector<16xi32>
    tpu.vector_store_idx %arg15[%add3A_1625], %broadcast_in_dim3A_903 {add = true} : memref<4096xf32, #tpu.memory_space<vmem>>[vector<16xi32>], vector<16xf32>,
    %add3A_1626 = arith.constant 12 : i32
    %add3A_1627 = vector.broadcast %add3A_1626 : i32 to vector<16xi32>
    %add3A_1628 = arith.addi %mul3A_1565, %add3A_1627 : vector<16xi32>
    %gather3A_1629 = tpu.vector_load_idx %arg12[%add3A_1628] : memref<2560xi32, #tpu.memory_space<vmem>>[vector<16xi32>], vector<16xi32>,
    %add3A_1630 = arith.addi %mul3A_1562, %gather3A_1629 : vector<16xi32>
    tpu.vector_store_idx %arg15[%add3A_1630], %broadcast_in_dim3A_903 {add = true} : memref<4096xf32, #tpu.memory_space<vmem>>[vector<16xi32>], vector<16xf32>,
    %add3A_1631 = arith.constant 13 : i32
    %add3A_1632 = vector.broadcast %add3A_1631 : i32 to vector<16xi32>
    %add3A_1633 = arith.addi %mul3A_1565, %add3A_1632 : vector<16xi32>
    %gather3A_1634 = tpu.vector_load_idx %arg12[%add3A_1633] : memref<2560xi32, #tpu.memory_space<vmem>>[vector<16xi32>], vector<16xi32>,
    %add3A_1635 = arith.addi %mul3A_1562, %gather3A_1634 : vector<16xi32>
    tpu.vector_store_idx %arg15[%add3A_1635], %broadcast_in_dim3A_903 {add = true} : memref<4096xf32, #tpu.memory_space<vmem>>[vector<16xi32>], vector<16xf32>,
    %add3A_1636 = arith.constant 14 : i32
    %add3A_1637 = vector.broadcast %add3A_1636 : i32 to vector<16xi32>
    %add3A_1638 = arith.addi %mul3A_1565, %add3A_1637 : vector<16xi32>
    %gather3A_1639 = tpu.vector_load_idx %arg12[%add3A_1638] : memref<2560xi32, #tpu.memory_space<vmem>>[vector<16xi32>], vector<16xi32>,
    %add3A_1640 = arith.addi %mul3A_1562, %gather3A_1639 : vector<16xi32>
    tpu.vector_store_idx %arg15[%add3A_1640], %broadcast_in_dim3A_903 {add = true} : memref<4096xf32, #tpu.memory_space<vmem>>[vector<16xi32>], vector<16xf32>,
    %add3A_1641 = arith.constant 15 : i32
    %add3A_1642 = vector.broadcast %add3A_1641 : i32 to vector<16xi32>
    %add3A_1643 = arith.addi %mul3A_1565, %add3A_1642 : vector<16xi32>
    %gather3A_1644 = tpu.vector_load_idx %arg12[%add3A_1643] : memref<2560xi32, #tpu.memory_space<vmem>>[vector<16xi32>], vector<16xi32>,
    %add3A_1645 = arith.addi %mul3A_1562, %gather3A_1644 : vector<16xi32>
    tpu.vector_store_idx %arg15[%add3A_1645], %broadcast_in_dim3A_903 {add = true} : memref<4096xf32, #tpu.memory_space<vmem>>[vector<16xi32>], vector<16xf32>,
    %add3A_1646 = arith.constant 16 : i32
    %add3A_1647 = vector.broadcast %add3A_1646 : i32 to vector<16xi32>
    %add3A_1648 = arith.addi %mul3A_1565, %add3A_1647 : vector<16xi32>
    %gather3A_1649 = tpu.vector_load_idx %arg12[%add3A_1648] : memref<2560xi32, #tpu.memory_space<vmem>>[vector<16xi32>], vector<16xi32>,
    %add3A_1650 = arith.addi %mul3A_1562, %gather3A_1649 : vector<16xi32>
    tpu.vector_store_idx %arg15[%add3A_1650], %broadcast_in_dim3A_903 {add = true} : memref<4096xf32, #tpu.memory_space<vmem>>[vector<16xi32>], vector<16xf32>,
    %add3A_1651 = arith.constant 17 : i32
    %add3A_1652 = vector.broadcast %add3A_1651 : i32 to vector<16xi32>
    %add3A_1653 = arith.addi %mul3A_1565, %add3A_1652 : vector<16xi32>
    %gather3A_1654 = tpu.vector_load_idx %arg12[%add3A_1653] : memref<2560xi32, #tpu.memory_space<vmem>>[vector<16xi32>], vector<16xi32>,
    %add3A_1655 = arith.addi %mul3A_1562, %gather3A_1654 : vector<16xi32>
    tpu.vector_store_idx %arg15[%add3A_1655], %broadcast_in_dim3A_903 {add = true} : memref<4096xf32, #tpu.memory_space<vmem>>[vector<16xi32>], vector<16xf32>,
    %add3A_1656 = arith.constant 18 : i32
    %add3A_1657 = vector.broadcast %add3A_1656 : i32 to vector<16xi32>
    %add3A_1658 = arith.addi %mul3A_1565, %add3A_1657 : vector<16xi32>
    %gather3A_1659 = tpu.vector_load_idx %arg12[%add3A_1658] : memref<2560xi32, #tpu.memory_space<vmem>>[vector<16xi32>], vector<16xi32>,
    %add3A_1660 = arith.addi %mul3A_1562, %gather3A_1659 : vector<16xi32>
    tpu.vector_store_idx %arg15[%add3A_1660], %broadcast_in_dim3A_903 {add = true} : memref<4096xf32, #tpu.memory_space<vmem>>[vector<16xi32>], vector<16xf32>,
    %add3A_1661 = arith.constant 19 : i32
    %add3A_1662 = vector.broadcast %add3A_1661 : i32 to vector<16xi32>
    %add3A_1663 = arith.addi %mul3A_1565, %add3A_1662 : vector<16xi32>
    %gather3A_1664 = tpu.vector_load_idx %arg12[%add3A_1663] : memref<2560xi32, #tpu.memory_space<vmem>>[vector<16xi32>], vector<16xi32>,
    %add3A_1665 = arith.addi %mul3A_1562, %gather3A_1664 : vector<16xi32>
    tpu.vector_store_idx %arg15[%add3A_1665], %broadcast_in_dim3A_903 {add = true} : memref<4096xf32, #tpu.memory_space<vmem>>[vector<16xi32>], vector<16xf32>,
    %add3A_1666 = arith.constant 112 : i32
    %add3A_1667 = vector.broadcast %add3A_1666 : i32 to vector<16xi32>
    %add3A_1668 = arith.addi %add3A_1667, %iota3A : vector<16xi32>
    %mul3A_1669 = arith.constant 32 : i32
    %mul3A_1670 = vector.broadcast %mul3A_1669 : i32 to vector<16xi32>
    %mul3A_1671 = arith.muli %add3A_1668, %mul3A_1670 : vector<16xi32>
    %mul3A_1672 = arith.constant 20 : i32
    %mul3A_1673 = vector.broadcast %mul3A_1672 : i32 to vector<16xi32>
    %mul3A_1674 = arith.muli %add3A_1668, %mul3A_1673 : vector<16xi32>
    %add3A_1675 = arith.constant 0 : i32
    %add3A_1676 = vector.broadcast %add3A_1675 : i32 to vector<16xi32>
    %add3A_1677 = arith.addi %mul3A_1674, %add3A_1676 : vector<16xi32>
    %gather3A_1678 = tpu.vector_load_idx %arg12[%add3A_1677] : memref<2560xi32, #tpu.memory_space<vmem>>[vector<16xi32>], vector<16xi32>,
    %add3A_1679 = arith.addi %mul3A_1671, %gather3A_1678 : vector<16xi32>
    tpu.vector_store_idx %arg15[%add3A_1679], %broadcast_in_dim3A_903 {add = true} : memref<4096xf32, #tpu.memory_space<vmem>>[vector<16xi32>], vector<16xf32>,
    %add3A_1680 = arith.constant 1 : i32
    %add3A_1681 = vector.broadcast %add3A_1680 : i32 to vector<16xi32>
    %add3A_1682 = arith.addi %mul3A_1674, %add3A_1681 : vector<16xi32>
    %gather3A_1683 = tpu.vector_load_idx %arg12[%add3A_1682] : memref<2560xi32, #tpu.memory_space<vmem>>[vector<16xi32>], vector<16xi32>,
    %add3A_1684 = arith.addi %mul3A_1671, %gather3A_1683 : vector<16xi32>
    tpu.vector_store_idx %arg15[%add3A_1684], %broadcast_in_dim3A_903 {add = true} : memref<4096xf32, #tpu.memory_space<vmem>>[vector<16xi32>], vector<16xf32>,
    %add3A_1685 = arith.constant 2 : i32
    %add3A_1686 = vector.broadcast %add3A_1685 : i32 to vector<16xi32>
    %add3A_1687 = arith.addi %mul3A_1674, %add3A_1686 : vector<16xi32>
    %gather3A_1688 = tpu.vector_load_idx %arg12[%add3A_1687] : memref<2560xi32, #tpu.memory_space<vmem>>[vector<16xi32>], vector<16xi32>,
    %add3A_1689 = arith.addi %mul3A_1671, %gather3A_1688 : vector<16xi32>
    tpu.vector_store_idx %arg15[%add3A_1689], %broadcast_in_dim3A_903 {add = true} : memref<4096xf32, #tpu.memory_space<vmem>>[vector<16xi32>], vector<16xf32>,
    %add3A_1690 = arith.constant 3 : i32
    %add3A_1691 = vector.broadcast %add3A_1690 : i32 to vector<16xi32>
    %add3A_1692 = arith.addi %mul3A_1674, %add3A_1691 : vector<16xi32>
    %gather3A_1693 = tpu.vector_load_idx %arg12[%add3A_1692] : memref<2560xi32, #tpu.memory_space<vmem>>[vector<16xi32>], vector<16xi32>,
    %add3A_1694 = arith.addi %mul3A_1671, %gather3A_1693 : vector<16xi32>
    tpu.vector_store_idx %arg15[%add3A_1694], %broadcast_in_dim3A_903 {add = true} : memref<4096xf32, #tpu.memory_space<vmem>>[vector<16xi32>], vector<16xf32>,
    %add3A_1695 = arith.constant 4 : i32
    %add3A_1696 = vector.broadcast %add3A_1695 : i32 to vector<16xi32>
    %add3A_1697 = arith.addi %mul3A_1674, %add3A_1696 : vector<16xi32>
    %gather3A_1698 = tpu.vector_load_idx %arg12[%add3A_1697] : memref<2560xi32, #tpu.memory_space<vmem>>[vector<16xi32>], vector<16xi32>,
    %add3A_1699 = arith.addi %mul3A_1671, %gather3A_1698 : vector<16xi32>
    tpu.vector_store_idx %arg15[%add3A_1699], %broadcast_in_dim3A_903 {add = true} : memref<4096xf32, #tpu.memory_space<vmem>>[vector<16xi32>], vector<16xf32>,
    %add3A_1700 = arith.constant 5 : i32
    %add3A_1701 = vector.broadcast %add3A_1700 : i32 to vector<16xi32>
    %add3A_1702 = arith.addi %mul3A_1674, %add3A_1701 : vector<16xi32>
    %gather3A_1703 = tpu.vector_load_idx %arg12[%add3A_1702] : memref<2560xi32, #tpu.memory_space<vmem>>[vector<16xi32>], vector<16xi32>,
    %add3A_1704 = arith.addi %mul3A_1671, %gather3A_1703 : vector<16xi32>
    tpu.vector_store_idx %arg15[%add3A_1704], %broadcast_in_dim3A_903 {add = true} : memref<4096xf32, #tpu.memory_space<vmem>>[vector<16xi32>], vector<16xf32>,
    %add3A_1705 = arith.constant 6 : i32
    %add3A_1706 = vector.broadcast %add3A_1705 : i32 to vector<16xi32>
    %add3A_1707 = arith.addi %mul3A_1674, %add3A_1706 : vector<16xi32>
    %gather3A_1708 = tpu.vector_load_idx %arg12[%add3A_1707] : memref<2560xi32, #tpu.memory_space<vmem>>[vector<16xi32>], vector<16xi32>,
    %add3A_1709 = arith.addi %mul3A_1671, %gather3A_1708 : vector<16xi32>
    tpu.vector_store_idx %arg15[%add3A_1709], %broadcast_in_dim3A_903 {add = true} : memref<4096xf32, #tpu.memory_space<vmem>>[vector<16xi32>], vector<16xf32>,
    %add3A_1710 = arith.constant 7 : i32
    %add3A_1711 = vector.broadcast %add3A_1710 : i32 to vector<16xi32>
    %add3A_1712 = arith.addi %mul3A_1674, %add3A_1711 : vector<16xi32>
    %gather3A_1713 = tpu.vector_load_idx %arg12[%add3A_1712] : memref<2560xi32, #tpu.memory_space<vmem>>[vector<16xi32>], vector<16xi32>,
    %add3A_1714 = arith.addi %mul3A_1671, %gather3A_1713 : vector<16xi32>
    tpu.vector_store_idx %arg15[%add3A_1714], %broadcast_in_dim3A_903 {add = true} : memref<4096xf32, #tpu.memory_space<vmem>>[vector<16xi32>], vector<16xf32>,
    %add3A_1715 = arith.constant 8 : i32
    %add3A_1716 = vector.broadcast %add3A_1715 : i32 to vector<16xi32>
    %add3A_1717 = arith.addi %mul3A_1674, %add3A_1716 : vector<16xi32>
    %gather3A_1718 = tpu.vector_load_idx %arg12[%add3A_1717] : memref<2560xi32, #tpu.memory_space<vmem>>[vector<16xi32>], vector<16xi32>,
    %add3A_1719 = arith.addi %mul3A_1671, %gather3A_1718 : vector<16xi32>
    tpu.vector_store_idx %arg15[%add3A_1719], %broadcast_in_dim3A_903 {add = true} : memref<4096xf32, #tpu.memory_space<vmem>>[vector<16xi32>], vector<16xf32>,
    %add3A_1720 = arith.constant 9 : i32
    %add3A_1721 = vector.broadcast %add3A_1720 : i32 to vector<16xi32>
    %add3A_1722 = arith.addi %mul3A_1674, %add3A_1721 : vector<16xi32>
    %gather3A_1723 = tpu.vector_load_idx %arg12[%add3A_1722] : memref<2560xi32, #tpu.memory_space<vmem>>[vector<16xi32>], vector<16xi32>,
    %add3A_1724 = arith.addi %mul3A_1671, %gather3A_1723 : vector<16xi32>
    tpu.vector_store_idx %arg15[%add3A_1724], %broadcast_in_dim3A_903 {add = true} : memref<4096xf32, #tpu.memory_space<vmem>>[vector<16xi32>], vector<16xf32>,
    %add3A_1725 = arith.constant 10 : i32
    %add3A_1726 = vector.broadcast %add3A_1725 : i32 to vector<16xi32>
    %add3A_1727 = arith.addi %mul3A_1674, %add3A_1726 : vector<16xi32>
    %gather3A_1728 = tpu.vector_load_idx %arg12[%add3A_1727] : memref<2560xi32, #tpu.memory_space<vmem>>[vector<16xi32>], vector<16xi32>,
    %add3A_1729 = arith.addi %mul3A_1671, %gather3A_1728 : vector<16xi32>
    tpu.vector_store_idx %arg15[%add3A_1729], %broadcast_in_dim3A_903 {add = true} : memref<4096xf32, #tpu.memory_space<vmem>>[vector<16xi32>], vector<16xf32>,
    %add3A_1730 = arith.constant 11 : i32
    %add3A_1731 = vector.broadcast %add3A_1730 : i32 to vector<16xi32>
    %add3A_1732 = arith.addi %mul3A_1674, %add3A_1731 : vector<16xi32>
    %gather3A_1733 = tpu.vector_load_idx %arg12[%add3A_1732] : memref<2560xi32, #tpu.memory_space<vmem>>[vector<16xi32>], vector<16xi32>,
    %add3A_1734 = arith.addi %mul3A_1671, %gather3A_1733 : vector<16xi32>
    tpu.vector_store_idx %arg15[%add3A_1734], %broadcast_in_dim3A_903 {add = true} : memref<4096xf32, #tpu.memory_space<vmem>>[vector<16xi32>], vector<16xf32>,
    %add3A_1735 = arith.constant 12 : i32
    %add3A_1736 = vector.broadcast %add3A_1735 : i32 to vector<16xi32>
    %add3A_1737 = arith.addi %mul3A_1674, %add3A_1736 : vector<16xi32>
    %gather3A_1738 = tpu.vector_load_idx %arg12[%add3A_1737] : memref<2560xi32, #tpu.memory_space<vmem>>[vector<16xi32>], vector<16xi32>,
    %add3A_1739 = arith.addi %mul3A_1671, %gather3A_1738 : vector<16xi32>
    tpu.vector_store_idx %arg15[%add3A_1739], %broadcast_in_dim3A_903 {add = true} : memref<4096xf32, #tpu.memory_space<vmem>>[vector<16xi32>], vector<16xf32>,
    %add3A_1740 = arith.constant 13 : i32
    %add3A_1741 = vector.broadcast %add3A_1740 : i32 to vector<16xi32>
    %add3A_1742 = arith.addi %mul3A_1674, %add3A_1741 : vector<16xi32>
    %gather3A_1743 = tpu.vector_load_idx %arg12[%add3A_1742] : memref<2560xi32, #tpu.memory_space<vmem>>[vector<16xi32>], vector<16xi32>,
    %add3A_1744 = arith.addi %mul3A_1671, %gather3A_1743 : vector<16xi32>
    tpu.vector_store_idx %arg15[%add3A_1744], %broadcast_in_dim3A_903 {add = true} : memref<4096xf32, #tpu.memory_space<vmem>>[vector<16xi32>], vector<16xf32>,
    %add3A_1745 = arith.constant 14 : i32
    %add3A_1746 = vector.broadcast %add3A_1745 : i32 to vector<16xi32>
    %add3A_1747 = arith.addi %mul3A_1674, %add3A_1746 : vector<16xi32>
    %gather3A_1748 = tpu.vector_load_idx %arg12[%add3A_1747] : memref<2560xi32, #tpu.memory_space<vmem>>[vector<16xi32>], vector<16xi32>,
    %add3A_1749 = arith.addi %mul3A_1671, %gather3A_1748 : vector<16xi32>
    tpu.vector_store_idx %arg15[%add3A_1749], %broadcast_in_dim3A_903 {add = true} : memref<4096xf32, #tpu.memory_space<vmem>>[vector<16xi32>], vector<16xf32>,
    %add3A_1750 = arith.constant 15 : i32
    %add3A_1751 = vector.broadcast %add3A_1750 : i32 to vector<16xi32>
    %add3A_1752 = arith.addi %mul3A_1674, %add3A_1751 : vector<16xi32>
    %gather3A_1753 = tpu.vector_load_idx %arg12[%add3A_1752] : memref<2560xi32, #tpu.memory_space<vmem>>[vector<16xi32>], vector<16xi32>,
    %add3A_1754 = arith.addi %mul3A_1671, %gather3A_1753 : vector<16xi32>
    tpu.vector_store_idx %arg15[%add3A_1754], %broadcast_in_dim3A_903 {add = true} : memref<4096xf32, #tpu.memory_space<vmem>>[vector<16xi32>], vector<16xf32>,
    %add3A_1755 = arith.constant 16 : i32
    %add3A_1756 = vector.broadcast %add3A_1755 : i32 to vector<16xi32>
    %add3A_1757 = arith.addi %mul3A_1674, %add3A_1756 : vector<16xi32>
    %gather3A_1758 = tpu.vector_load_idx %arg12[%add3A_1757] : memref<2560xi32, #tpu.memory_space<vmem>>[vector<16xi32>], vector<16xi32>,
    %add3A_1759 = arith.addi %mul3A_1671, %gather3A_1758 : vector<16xi32>
    tpu.vector_store_idx %arg15[%add3A_1759], %broadcast_in_dim3A_903 {add = true} : memref<4096xf32, #tpu.memory_space<vmem>>[vector<16xi32>], vector<16xf32>,
    %add3A_1760 = arith.constant 17 : i32
    %add3A_1761 = vector.broadcast %add3A_1760 : i32 to vector<16xi32>
    %add3A_1762 = arith.addi %mul3A_1674, %add3A_1761 : vector<16xi32>
    %gather3A_1763 = tpu.vector_load_idx %arg12[%add3A_1762] : memref<2560xi32, #tpu.memory_space<vmem>>[vector<16xi32>], vector<16xi32>,
    %add3A_1764 = arith.addi %mul3A_1671, %gather3A_1763 : vector<16xi32>
    tpu.vector_store_idx %arg15[%add3A_1764], %broadcast_in_dim3A_903 {add = true} : memref<4096xf32, #tpu.memory_space<vmem>>[vector<16xi32>], vector<16xf32>,
    %add3A_1765 = arith.constant 18 : i32
    %add3A_1766 = vector.broadcast %add3A_1765 : i32 to vector<16xi32>
    %add3A_1767 = arith.addi %mul3A_1674, %add3A_1766 : vector<16xi32>
    %gather3A_1768 = tpu.vector_load_idx %arg12[%add3A_1767] : memref<2560xi32, #tpu.memory_space<vmem>>[vector<16xi32>], vector<16xi32>,
    %add3A_1769 = arith.addi %mul3A_1671, %gather3A_1768 : vector<16xi32>
    tpu.vector_store_idx %arg15[%add3A_1769], %broadcast_in_dim3A_903 {add = true} : memref<4096xf32, #tpu.memory_space<vmem>>[vector<16xi32>], vector<16xf32>,
    %add3A_1770 = arith.constant 19 : i32
    %add3A_1771 = vector.broadcast %add3A_1770 : i32 to vector<16xi32>
    %add3A_1772 = arith.addi %mul3A_1674, %add3A_1771 : vector<16xi32>
    %gather3A_1773 = tpu.vector_load_idx %arg12[%add3A_1772] : memref<2560xi32, #tpu.memory_space<vmem>>[vector<16xi32>], vector<16xi32>,
    %add3A_1774 = arith.addi %mul3A_1671, %gather3A_1773 : vector<16xi32>
    tpu.vector_store_idx %arg15[%add3A_1774], %broadcast_in_dim3A_903 {add = true} : memref<4096xf32, #tpu.memory_space<vmem>>[vector<16xi32>], vector<16xf32>,
    %mul3A_1775 = arith.constant 32 : i32
    %mul3A_1776 = arith.muli %mul3A_2, %mul3A_1775 : i32
    "tpu.region"() ({
      %run_scoped3A = tpu.sem_alloc : memref<!tpu.dma_semaphore, #tpu.memory_space<semaphore_mem>>
      %dma_start3A_1782 = tpu.memref_slice %arg9[%mul3A_1776] : memref<131072xf32, #tpu.memory_space<hbm>> -> memref<4096xf32, #tpu.memory_space<hbm>>
      %dma_start3A_1783 = tpu.memref_slice %arg9[%mul3A_1776] : memref<131072xf32, #tpu.memory_space<hbm>> -> memref<4096xf32, #tpu.memory_space<hbm>>
      tpu.enqueue_dma source(%arg15 : memref<4096xf32, #tpu.memory_space<vmem>>) target(%dma_start3A_1783 : memref<4096xf32, #tpu.memory_space<hbm>>) target_semaphore(%run_scoped3A : memref<!tpu.dma_semaphore, #tpu.memory_space<semaphore_mem>>)
      %dma_wait3A_1784 = tpu.memref_slice %arg9[%mul3A_1776] : memref<131072xf32, #tpu.memory_space<hbm>> -> memref<4096xf32, #tpu.memory_space<hbm>>
      %dma_wait3A_1785 = tpu.memref_slice %arg9[%mul3A_1776] : memref<131072xf32, #tpu.memory_space<hbm>> -> memref<4096xf32, #tpu.memory_space<hbm>>
      tpu.wait_dma2 semaphore(%run_scoped3A : memref<!tpu.dma_semaphore, #tpu.memory_space<semaphore_mem>>) src(%arg15 : memref<4096xf32, #tpu.memory_space<vmem>>) dst(%dma_wait3A_1785 : memref<4096xf32, #tpu.memory_space<hbm>>)
      tpu.yield
    }) : () -> ()
    %dma_wait3A = arith.constant 0 : i32
    %dma_wait3A_1777 = arith.constant 0 : i32
    %dma_wait3A_1778 = tpu.memref_slice %arg2[%dma_wait3A, %dma_wait3A_1777] : memref<106496x64xf32, #tpu.memory_space<hbm>> -> memref<106496x64xf32, #tpu.memory_space<hbm>>
    tpu.wait_indirect_dma semaphore(%arg16 : memref<!tpu.dma_semaphore, #tpu.memory_space<semaphore_mem>>) src(%dma_wait3A_1778 : memref<106496x64xf32, #tpu.memory_space<hbm>>) dst(%arg13 : memref<128x64xf32, #tpu.memory_space<vmem>>)
    "tpu.region"() ({
      %run_scoped3A = tpu.sem_alloc : memref<!tpu.dma_semaphore, #tpu.memory_space<semaphore_mem>>
      %dma_start3A_1782 = arith.constant 0 : i32
      %dma_start3A_1783 = tpu.memref_slice %arg7[%mul3A_2, %dma_start3A_1782] : memref<4096x64xf32, #tpu.memory_space<hbm>> -> memref<128x64xf32, #tpu.memory_space<hbm>>
      %dma_start3A_1784 = arith.constant 0 : i32
      %dma_start3A_1785 = tpu.memref_slice %arg7[%mul3A_2, %dma_start3A_1784] : memref<4096x64xf32, #tpu.memory_space<hbm>> -> memref<128x64xf32, #tpu.memory_space<hbm>>
      tpu.enqueue_dma source(%arg13 : memref<128x64xf32, #tpu.memory_space<vmem>>) target(%dma_start3A_1785 : memref<128x64xf32, #tpu.memory_space<hbm>>) target_semaphore(%run_scoped3A : memref<!tpu.dma_semaphore, #tpu.memory_space<semaphore_mem>>)
      %dma_wait3A_1786 = arith.constant 0 : i32
      %dma_wait3A_1787 = tpu.memref_slice %arg7[%mul3A_2, %dma_wait3A_1786] : memref<4096x64xf32, #tpu.memory_space<hbm>> -> memref<128x64xf32, #tpu.memory_space<hbm>>
      %dma_wait3A_1788 = arith.constant 0 : i32
      %dma_wait3A_1789 = tpu.memref_slice %arg7[%mul3A_2, %dma_wait3A_1788] : memref<4096x64xf32, #tpu.memory_space<hbm>> -> memref<128x64xf32, #tpu.memory_space<hbm>>
      tpu.wait_dma2 semaphore(%run_scoped3A : memref<!tpu.dma_semaphore, #tpu.memory_space<semaphore_mem>>) src(%arg13 : memref<128x64xf32, #tpu.memory_space<vmem>>) dst(%dma_wait3A_1789 : memref<128x64xf32, #tpu.memory_space<hbm>>)
      tpu.yield
    }) : () -> ()
    %dma_wait3A_1779 = arith.constant 0 : i32
    %dma_wait3A_1780 = arith.constant 0 : i32
    %dma_wait3A_1781 = tpu.memref_slice %arg3[%dma_wait3A_1779, %dma_wait3A_1780] : memref<106496x64xf32, #tpu.memory_space<hbm>> -> memref<106496x64xf32, #tpu.memory_space<hbm>>
    tpu.wait_indirect_dma semaphore(%arg17 : memref<!tpu.dma_semaphore, #tpu.memory_space<semaphore_mem>>) src(%dma_wait3A_1781 : memref<106496x64xf32, #tpu.memory_space<hbm>>) dst(%arg14 : memref<128x64xf32, #tpu.memory_space<vmem>>)
    "tpu.region"() ({
      %run_scoped3A = tpu.sem_alloc : memref<!tpu.dma_semaphore, #tpu.memory_space<semaphore_mem>>
      %dma_start3A_1782 = arith.constant 0 : i32
      %dma_start3A_1783 = tpu.memref_slice %arg8[%mul3A_2, %dma_start3A_1782] : memref<4096x64xf32, #tpu.memory_space<hbm>> -> memref<128x64xf32, #tpu.memory_space<hbm>>
      %dma_start3A_1784 = arith.constant 0 : i32
      %dma_start3A_1785 = tpu.memref_slice %arg8[%mul3A_2, %dma_start3A_1784] : memref<4096x64xf32, #tpu.memory_space<hbm>> -> memref<128x64xf32, #tpu.memory_space<hbm>>
      tpu.enqueue_dma source(%arg14 : memref<128x64xf32, #tpu.memory_space<vmem>>) target(%dma_start3A_1785 : memref<128x64xf32, #tpu.memory_space<hbm>>) target_semaphore(%run_scoped3A : memref<!tpu.dma_semaphore, #tpu.memory_space<semaphore_mem>>)
      %dma_wait3A_1786 = arith.constant 0 : i32
      %dma_wait3A_1787 = tpu.memref_slice %arg8[%mul3A_2, %dma_wait3A_1786] : memref<4096x64xf32, #tpu.memory_space<hbm>> -> memref<128x64xf32, #tpu.memory_space<hbm>>
      %dma_wait3A_1788 = arith.constant 0 : i32
      %dma_wait3A_1789 = tpu.memref_slice %arg8[%mul3A_2, %dma_wait3A_1788] : memref<4096x64xf32, #tpu.memory_space<hbm>> -> memref<128x64xf32, #tpu.memory_space<hbm>>
      tpu.wait_dma2 semaphore(%run_scoped3A : memref<!tpu.dma_semaphore, #tpu.memory_space<semaphore_mem>>) src(%arg14 : memref<128x64xf32, #tpu.memory_space<vmem>>) dst(%dma_wait3A_1789 : memref<128x64xf32, #tpu.memory_space<hbm>>)
      tpu.yield
    }) : () -> ()
    return
  }
}

module attributes {stable_mosaic.version = 14 : i64} {
  func.func @_repack_body(%arg0: i32, %arg1: memref<64x8192xf32, #tpu.memory_space<vmem>>, %arg2: memref<64x8192xf32, #tpu.memory_space<vmem>>, %arg3: memref<4096x128xf32, #tpu.memory_space<vmem>>, %arg4: memref<4096x128xf32, #tpu.memory_space<vmem>>) attributes {dimension_semantics = [#tpu.dimension_semantics<arbitrary>], iteration_bounds = array<i64: 13>, scalar_prefetch = 0 : i64, scratch_operands = 0 : i64, tpu.core_type = #tpu.core_type<tc>, window_params = [{transform_indices = @transform_0, window_bounds = array<i64: 64, 8192>}, {transform_indices = @transform_1, window_bounds = array<i64: 64, 8192>}, {transform_indices = @transform_2, window_bounds = array<i64: 4096, 128>}, {transform_indices = @transform_3, window_bounds = array<i64: 4096, 128>}]} {
    %get3A = arith.constant 0 : index
    %get3A_0 = arith.constant 0 : index
    %get3A_1 = vector.load %arg1[%get3A, %get3A_0] : memref<64x8192xf32, #tpu.memory_space<vmem>>, vector<64x8192xf32>
    %transpose3A = tpu.transpose %get3A_1, [1, 0] : vector<64x8192xf32> -> vector<8192x64xf32>
    %reshape3A = vector.shape_cast %transpose3A : vector<8192x64xf32> to vector<64x128x64xf32>
    %slice3A = vector.extract_strided_slice %reshape3A {offsets = [0, 0, 0], sizes = [64, 64, 64], strides = [1, 1, 1]} : vector<64x128x64xf32> to vector<64x64x64xf32>
    %reshape3A_2 = vector.shape_cast %slice3A : vector<64x64x64xf32> to vector<4096x64xf32>
    %swap3A = arith.constant 0 : index
    %swap3A_3 = arith.constant 0 : index
    %swap3A_4 = vector.load %arg3[%swap3A, %swap3A_3] : memref<4096x128xf32, #tpu.memory_space<vmem>>, vector<4096x64xf32>
    tpu.vector_store %arg3[%swap3A, %swap3A_3], %reshape3A_2 {strides = array<i32>} : memref<4096x128xf32, #tpu.memory_space<vmem>>, vector<4096x64xf32>,
    %slice3A_5 = vector.extract_strided_slice %reshape3A {offsets = [0, 64, 0], sizes = [64, 64, 64], strides = [1, 1, 1]} : vector<64x128x64xf32> to vector<64x64x64xf32>
    %reshape3A_6 = vector.shape_cast %slice3A_5 : vector<64x64x64xf32> to vector<4096x64xf32>
    %swap3A_7 = arith.constant 0 : index
    %swap3A_8 = arith.constant 64 : index
    %swap3A_9 = vector.load %arg3[%swap3A_7, %swap3A_8] : memref<4096x128xf32, #tpu.memory_space<vmem>>, vector<4096x64xf32>
    tpu.vector_store %arg3[%swap3A_7, %swap3A_8], %reshape3A_6 {strides = array<i32>} : memref<4096x128xf32, #tpu.memory_space<vmem>>, vector<4096x64xf32>,
    %get3A_10 = arith.constant 0 : index
    %get3A_11 = arith.constant 0 : index
    %get3A_12 = vector.load %arg2[%get3A_10, %get3A_11] : memref<64x8192xf32, #tpu.memory_space<vmem>>, vector<64x8192xf32>
    %transpose3A_13 = tpu.transpose %get3A_12, [1, 0] : vector<64x8192xf32> -> vector<8192x64xf32>
    %reshape3A_14 = vector.shape_cast %transpose3A_13 : vector<8192x64xf32> to vector<64x128x64xf32>
    %slice3A_15 = vector.extract_strided_slice %reshape3A_14 {offsets = [0, 0, 0], sizes = [64, 64, 64], strides = [1, 1, 1]} : vector<64x128x64xf32> to vector<64x64x64xf32>
    %reshape3A_16 = vector.shape_cast %slice3A_15 : vector<64x64x64xf32> to vector<4096x64xf32>
    %swap3A_17 = arith.constant 0 : index
    %swap3A_18 = arith.constant 0 : index
    %swap3A_19 = vector.load %arg4[%swap3A_17, %swap3A_18] : memref<4096x128xf32, #tpu.memory_space<vmem>>, vector<4096x64xf32>
    tpu.vector_store %arg4[%swap3A_17, %swap3A_18], %reshape3A_16 {strides = array<i32>} : memref<4096x128xf32, #tpu.memory_space<vmem>>, vector<4096x64xf32>,
    %slice3A_20 = vector.extract_strided_slice %reshape3A_14 {offsets = [0, 64, 0], sizes = [64, 64, 64], strides = [1, 1, 1]} : vector<64x128x64xf32> to vector<64x64x64xf32>
    %reshape3A_21 = vector.shape_cast %slice3A_20 : vector<64x64x64xf32> to vector<4096x64xf32>
    %swap3A_22 = arith.constant 0 : index
    %swap3A_23 = arith.constant 64 : index
    %swap3A_24 = vector.load %arg4[%swap3A_22, %swap3A_23] : memref<4096x128xf32, #tpu.memory_space<vmem>>, vector<4096x64xf32>
    tpu.vector_store %arg4[%swap3A_22, %swap3A_23], %reshape3A_21 {strides = array<i32>} : memref<4096x128xf32, #tpu.memory_space<vmem>>, vector<4096x64xf32>,
    return
  }
  func.func @transform_0(%arg0: i32) -> (i32, i32) {
    %c0_i32 = arith.constant 0 : i32
    %c0_i32_0 = arith.constant 0 : i32
    return %c0_i32, %arg0 : i32, i32
  }
  func.func @transform_1(%arg0: i32) -> (i32, i32) {
    %c0_i32 = arith.constant 0 : i32
    %c0_i32_0 = arith.constant 0 : i32
    return %c0_i32, %arg0 : i32, i32
  }
  func.func @transform_2(%arg0: i32) -> (i32, i32) {
    %c0_i32 = arith.constant 0 : i32
    %c0_i32_0 = arith.constant 0 : i32
    return %arg0, %c0_i32 : i32, i32
  }
  func.func @transform_3(%arg0: i32) -> (i32, i32) {
    %c0_i32 = arith.constant 0 : i32
    %c0_i32_0 = arith.constant 0 : i32
    return %arg0, %c0_i32 : i32, i32
  }
}

module attributes {stable_mosaic.version = 14 : i64} {
  func.func @_mlp_body(%arg0: i32, %arg1: memref<4096x64xf32, #tpu.memory_space<vmem>>, %arg2: memref<4096x64xf32, #tpu.memory_space<vmem>>, %arg3: memref<4096x32xf32, #tpu.memory_space<vmem>>, %arg4: memref<4096x1xf32, #tpu.memory_space<vmem>>, %arg5: memref<32x64xf32, #tpu.memory_space<vmem>>, %arg6: memref<193x128xf32, #tpu.memory_space<vmem>>, %arg7: memref<1x128xf32, #tpu.memory_space<vmem>>, %arg8: memref<1x128xf32, #tpu.memory_space<vmem>>, %arg9: memref<1x128xf32, #tpu.memory_space<vmem>>, %arg10: memref<128x64xf32, #tpu.memory_space<vmem>>, %arg11: memref<1x64xf32, #tpu.memory_space<vmem>>, %arg12: memref<64x1xf32, #tpu.memory_space<vmem>>, %arg13: memref<1x1xf32, #tpu.memory_space<vmem>>, %arg14: memref<4096x1xf32, #tpu.memory_space<vmem>>) attributes {dimension_semantics = [#tpu.dimension_semantics<arbitrary>], iteration_bounds = array<i64: 1>, scalar_prefetch = 0 : i64, scratch_operands = 0 : i64, tpu.core_type = #tpu.core_type<tc>, window_params = [{transform_indices = @transform_0, window_bounds = array<i64: 4096, 64>}, {transform_indices = @transform_1, window_bounds = array<i64: 4096, 64>}, {transform_indices = @transform_2, window_bounds = array<i64: 4096, 32>}, {transform_indices = @transform_3, window_bounds = array<i64: 4096, 1>}, {pipeline_mode = #tpu.pipeline_mode<synchronous>, transform_indices = @transform_4, window_bounds = array<i64: 32, 64>}, {pipeline_mode = #tpu.pipeline_mode<synchronous>, transform_indices = @transform_5, window_bounds = array<i64: 193, 128>}, {pipeline_mode = #tpu.pipeline_mode<synchronous>, transform_indices = @transform_6, window_bounds = array<i64: 1, 128>}, {pipeline_mode = #tpu.pipeline_mode<synchronous>, transform_indices = @transform_7, window_bounds = array<i64: 1, 128>}, {pipeline_mode = #tpu.pipeline_mode<synchronous>, transform_indices = @transform_8, window_bounds = array<i64: 1, 128>}, {pipeline_mode = #tpu.pipeline_mode<synchronous>, transform_indices = @transform_9, window_bounds = array<i64: 128, 64>}, {pipeline_mode = #tpu.pipeline_mode<synchronous>, transform_indices = @transform_10, window_bounds = array<i64: 1, 64>}, {pipeline_mode = #tpu.pipeline_mode<synchronous>, transform_indices = @transform_11, window_bounds = array<i64: 64, 1>}, {pipeline_mode = #tpu.pipeline_mode<synchronous>, transform_indices = @transform_12, window_bounds = array<i64: 1, 1>}, {transform_indices = @transform_13, window_bounds = array<i64: 4096, 1>}]} {
    %get3A = arith.constant 0 : index
    %get3A_0 = arith.constant 0 : index
    %get3A_1 = vector.load %arg3[%get3A, %get3A_0] : memref<4096x32xf32, #tpu.memory_space<vmem>>, vector<4096x32xf32>
    %get3A_2 = arith.constant 0 : index
    %get3A_3 = arith.constant 0 : index
    %get3A_4 = vector.load %arg5[%get3A_2, %get3A_3] : memref<32x64xf32, #tpu.memory_space<vmem>>, vector<32x64xf32>
    %dot_general3A = arith.constant dense<0.000000e+00> : vector<4096x64xf32>
    %dot_general3A_5 = tpu.matmul %get3A_1, %get3A_4, %dot_general3A {dimension_numbers = #tpu.dot_dimension_numbers<[1], [0], [0], [1], [0, 0, 1, 1], [], []>, precision = #tpu.contract_precision<fp32>, transpose_lhs_hint = false} : vector<4096x32xf32>, vector<32x64xf32>, vector<4096x64xf32> -> vector<4096x64xf32>
    %mul3A = arith.constant 5.000000e-02 : f32
    %mul3A_6 = vector.broadcast %mul3A : f32 to vector<4096x64xf32>
    %mul3A_7 = arith.mulf %dot_general3A_5, %mul3A_6 : vector<4096x64xf32>
    %get3A_8 = arith.constant 0 : index
    %get3A_9 = arith.constant 0 : index
    %get3A_10 = vector.load %arg1[%get3A_8, %get3A_9] : memref<4096x64xf32, #tpu.memory_space<vmem>>, vector<4096x64xf32>
    %get3A_11 = arith.constant 0 : index
    %get3A_12 = arith.constant 0 : index
    %get3A_13 = vector.load %arg2[%get3A_11, %get3A_12] : memref<4096x64xf32, #tpu.memory_space<vmem>>, vector<4096x64xf32>
    %get3A_14 = arith.constant 0 : index
    %get3A_15 = arith.constant 0 : index
    %get3A_16 = vector.load %arg4[%get3A_14, %get3A_15] : memref<4096x1xf32, #tpu.memory_space<vmem>>, vector<4096x1xf32>
    %concatenate3A = tpu.concatenate %get3A_10, %get3A_13, %mul3A_7, %get3A_16 in 1 : vector<4096x64xf32>, vector<4096x64xf32>, vector<4096x64xf32>, vector<4096x1xf32> -> vector<4096x193xf32>
    %get3A_17 = arith.constant 0 : index
    %get3A_18 = arith.constant 0 : index
    %get3A_19 = vector.load %arg6[%get3A_17, %get3A_18] : memref<193x128xf32, #tpu.memory_space<vmem>>, vector<193x128xf32>
    %dot_general3A_20 = arith.constant dense<0.000000e+00> : vector<4096x128xf32>
    %dot_general3A_21 = tpu.matmul %concatenate3A, %get3A_19, %dot_general3A_20 {dimension_numbers = #tpu.dot_dimension_numbers<[1], [0], [0], [1], [0, 0, 1, 1], [], []>, transpose_lhs_hint = false} : vector<4096x193xf32>, vector<193x128xf32>, vector<4096x128xf32> -> vector<4096x128xf32>
    %get3A_22 = arith.constant 0 : index
    %get3A_23 = arith.constant 0 : index
    %get3A_24 = vector.load %arg7[%get3A_22, %get3A_23] : memref<1x128xf32, #tpu.memory_space<vmem>>, vector<1x128xf32>
    %add3A = vector.broadcast %get3A_24 : vector<1x128xf32> to vector<4096x128xf32>
    %add3A_25 = arith.addf %dot_general3A_21, %add3A : vector<4096x128xf32>
    %sqrt3A = arith.constant 1.000010e+00 : f32
    %sqrt3A_26 = math.sqrt %sqrt3A : f32
    %div3A = vector.broadcast %sqrt3A_26 : f32 to vector<4096x128xf32>
    %div3A_27 = arith.divf %add3A_25, %div3A : vector<4096x128xf32>
    %get3A_28 = arith.constant 0 : index
    %get3A_29 = arith.constant 0 : index
    %get3A_30 = vector.load %arg8[%get3A_28, %get3A_29] : memref<1x128xf32, #tpu.memory_space<vmem>>, vector<1x128xf32>
    %mul3A_31 = vector.broadcast %get3A_30 : vector<1x128xf32> to vector<4096x128xf32>
    %mul3A_32 = arith.mulf %div3A_27, %mul3A_31 : vector<4096x128xf32>
    %get3A_33 = arith.constant 0 : index
    %get3A_34 = arith.constant 0 : index
    %get3A_35 = vector.load %arg9[%get3A_33, %get3A_34] : memref<1x128xf32, #tpu.memory_space<vmem>>, vector<1x128xf32>
    %add3A_36 = vector.broadcast %get3A_35 : vector<1x128xf32> to vector<4096x128xf32>
    %add3A_37 = arith.addf %mul3A_32, %add3A_36 : vector<4096x128xf32>
    %max3A = arith.constant 0.000000e+00 : f32
    %max3A_38 = vector.broadcast %max3A : f32 to vector<4096x128xf32>
    %max3A_39 = arith.maximumf %add3A_37, %max3A_38 : vector<4096x128xf32>
    %get3A_40 = arith.constant 0 : index
    %get3A_41 = arith.constant 0 : index
    %get3A_42 = vector.load %arg10[%get3A_40, %get3A_41] : memref<128x64xf32, #tpu.memory_space<vmem>>, vector<128x64xf32>
    %dot_general3A_43 = arith.constant dense<0.000000e+00> : vector<4096x64xf32>
    %dot_general3A_44 = tpu.matmul %max3A_39, %get3A_42, %dot_general3A_43 {dimension_numbers = #tpu.dot_dimension_numbers<[1], [0], [0], [1], [0, 0, 1, 1], [], []>, transpose_lhs_hint = false} : vector<4096x128xf32>, vector<128x64xf32>, vector<4096x64xf32> -> vector<4096x64xf32>
    %get3A_45 = arith.constant 0 : index
    %get3A_46 = arith.constant 0 : index
    %get3A_47 = vector.load %arg11[%get3A_45, %get3A_46] : memref<1x64xf32, #tpu.memory_space<vmem>>, vector<1x64xf32>
    %add3A_48 = vector.broadcast %get3A_47 : vector<1x64xf32> to vector<4096x64xf32>
    %add3A_49 = arith.addf %dot_general3A_44, %add3A_48 : vector<4096x64xf32>
    %max3A_50 = arith.constant 0.000000e+00 : f32
    %max3A_51 = vector.broadcast %max3A_50 : f32 to vector<4096x64xf32>
    %max3A_52 = arith.maximumf %add3A_49, %max3A_51 : vector<4096x64xf32>
    %get3A_53 = arith.constant 0 : index
    %get3A_54 = arith.constant 0 : index
    %get3A_55 = vector.load %arg12[%get3A_53, %get3A_54] : memref<64x1xf32, #tpu.memory_space<vmem>>, vector<64x1xf32>
    %dot_general3A_56 = arith.constant dense<0.000000e+00> : vector<4096x1xf32>
    %dot_general3A_57 = tpu.matmul %max3A_52, %get3A_55, %dot_general3A_56 {dimension_numbers = #tpu.dot_dimension_numbers<[1], [0], [0], [1], [0, 0, 1, 1], [], []>, transpose_lhs_hint = false} : vector<4096x64xf32>, vector<64x1xf32>, vector<4096x1xf32> -> vector<4096x1xf32>
    %get3A_58 = arith.constant 0 : index
    %get3A_59 = arith.constant 0 : index
    %get3A_60 = vector.load %arg13[%get3A_58, %get3A_59] : memref<1x1xf32, #tpu.memory_space<vmem>>, vector<1x1xf32>
    %add3A_61 = vector.broadcast %get3A_60 : vector<1x1xf32> to vector<4096x1xf32>
    %add3A_62 = arith.addf %dot_general3A_57, %add3A_61 : vector<4096x1xf32>
    %swap3A = arith.constant 0 : index
    %swap3A_63 = arith.constant 0 : index
    %swap3A_64 = vector.load %arg14[%swap3A, %swap3A_63] : memref<4096x1xf32, #tpu.memory_space<vmem>>, vector<4096x1xf32>
    tpu.vector_store %arg14[%swap3A, %swap3A_63], %add3A_62 {strides = array<i32>} : memref<4096x1xf32, #tpu.memory_space<vmem>>, vector<4096x1xf32>,
    return
  }
  func.func @transform_0(%arg0: i32) -> (i32, i32) {
    %c0_i32 = arith.constant 0 : i32
    %c0_i32_0 = arith.constant 0 : i32
    return %arg0, %c0_i32 : i32, i32
  }
  func.func @transform_1(%arg0: i32) -> (i32, i32) {
    %c0_i32 = arith.constant 0 : i32
    %c0_i32_0 = arith.constant 0 : i32
    return %arg0, %c0_i32 : i32, i32
  }
  func.func @transform_2(%arg0: i32) -> (i32, i32) {
    %c0_i32 = arith.constant 0 : i32
    %c0_i32_0 = arith.constant 0 : i32
    return %arg0, %c0_i32 : i32, i32
  }
  func.func @transform_3(%arg0: i32) -> (i32, i32) {
    %c0_i32 = arith.constant 0 : i32
    %c0_i32_0 = arith.constant 0 : i32
    return %arg0, %c0_i32 : i32, i32
  }
  func.func @transform_4(%arg0: i32) -> (i32, i32) {
    %c0_i32 = arith.constant 0 : i32
    %c0_i32_0 = arith.constant 0 : i32
    %c0_i32_1 = arith.constant 0 : i32
    return %c0_i32, %c0_i32_0 : i32, i32
  }
  func.func @transform_5(%arg0: i32) -> (i32, i32) {
    %c0_i32 = arith.constant 0 : i32
    %c0_i32_0 = arith.constant 0 : i32
    %c0_i32_1 = arith.constant 0 : i32
    return %c0_i32, %c0_i32_0 : i32, i32
  }
  func.func @transform_6(%arg0: i32) -> (i32, i32) {
    %c0_i32 = arith.constant 0 : i32
    %c0_i32_0 = arith.constant 0 : i32
    %c0_i32_1 = arith.constant 0 : i32
    return %c0_i32, %c0_i32_0 : i32, i32
  }
  func.func @transform_7(%arg0: i32) -> (i32, i32) {
    %c0_i32 = arith.constant 0 : i32
    %c0_i32_0 = arith.constant 0 : i32
    %c0_i32_1 = arith.constant 0 : i32
    return %c0_i32, %c0_i32_0 : i32, i32
  }
  func.func @transform_8(%arg0: i32) -> (i32, i32) {
    %c0_i32 = arith.constant 0 : i32
    %c0_i32_0 = arith.constant 0 : i32
    %c0_i32_1 = arith.constant 0 : i32
    return %c0_i32, %c0_i32_0 : i32, i32
  }
  func.func @transform_9(%arg0: i32) -> (i32, i32) {
    %c0_i32 = arith.constant 0 : i32
    %c0_i32_0 = arith.constant 0 : i32
    %c0_i32_1 = arith.constant 0 : i32
    return %c0_i32, %c0_i32_0 : i32, i32
  }
  func.func @transform_10(%arg0: i32) -> (i32, i32) {
    %c0_i32 = arith.constant 0 : i32
    %c0_i32_0 = arith.constant 0 : i32
    %c0_i32_1 = arith.constant 0 : i32
    return %c0_i32, %c0_i32_0 : i32, i32
  }
  func.func @transform_11(%arg0: i32) -> (i32, i32) {
    %c0_i32 = arith.constant 0 : i32
    %c0_i32_0 = arith.constant 0 : i32
    %c0_i32_1 = arith.constant 0 : i32
    return %c0_i32, %c0_i32_0 : i32, i32
  }
  func.func @transform_12(%arg0: i32) -> (i32, i32) {
    %c0_i32 = arith.constant 0 : i32
    %c0_i32_0 = arith.constant 0 : i32
    %c0_i32_1 = arith.constant 0 : i32
    return %c0_i32, %c0_i32_0 : i32, i32
  }
  func.func @transform_13(%arg0: i32) -> (i32, i32) {
    %c0_i32 = arith.constant 0 : i32
    %c0_i32_0 = arith.constant 0 : i32
    return %arg0, %c0_i32 : i32, i32
  }
}

</mosaic_0001>

<sc_bundles>
// kernel: kernel.5.cloned.1.call-start
scs
__scs_entry_jumppad:
0x0: {  	(pc) =	sbr.rel $0x88, $3  }
0x1: {  	(tag) =	ssettag $0x0;
	lr =	simm.s32 $0x1  }
0x2: {  	[smem:$0x3F92] =	sst lr;
	_ =	strace $0xD0000000  }
0x3: {  	_ = 	snop  }
0x4: {  	_ = 	snop  }
0x5: {  	_ = 	snop  }
0x6: {  	_ = 	snop  }
0x7: {  	_ = 	snop  }
__scs_overlays_trampoline_lowered:
0x8: {  	[smem:$0x3FA1] =	sst s0  }
0x9: {  	[smem:$0x3FA2] =	sst s1  }
0xa: {  	[smem:$0x3FA3] =	sst s2  }
0xb: {  	[smem:$0x3FA4] =	sst s3  }
0xc: {  	[smem:$0x3FA5] =	sst s4  }
0xd: {  	[smem:$0x3FA6] =	sst s5  }
0xe: {  	[smem:$0x3FA7] =	sst s6  }
0xf: {  	[smem:$0x3FA8] =	sst s7  }
0x10: {  	[smem:$0x3FA9] =	sst s8  }
0x11: {  	[smem:$0x3FAA] =	sst s9;
	s0 =	simm.s32 @!p0 $0x0  }
0x12: {  	s1 =	sld [smem:$0x3F90];
	s0 =	simm.s32 @p0 $0x1  }
0x13: {  	[smem:$0x3FAB] =	sst s0;
	s0 =	simm.s32 @!p1 $0x0  }
0x14: {  	s2 =	sld [smem:$0x3F8F];
	s0 =	simm.s32 @p1 $0x1  }
0x15: {  	[smem:$0x3FAC] =	sst s0;
	s0 =	simm.s32 @!p2 $0x0  }
0x16: {  	s3 =	sld [smem:$0x3FDB];
	s0 =	simm.s32 @p2 $0x1  }
0x17: {  	s4 =	simm.s32 $0x1BF5;
	[smem:$0x3FAE] =	sst s0  }
0x18: {  	s0 =	sld [smem:$0x3F91];
	_ =	swait.ge [sflag:s4], $0x0  }
0x19: {  	s7 =	sld [smem:$0x3F92]  }
0x1a: {  	s8 =	sadd.s32 $0xFFFFE003, lr  }
0x1b: {  	s9 =	sadd.s32 $0xFFFFFEF7, lr;
	s5 =	simm.s32 $0xFFFFFFFF;
	p2 =	slt.u32 s8, $0xFFFFF086  }
0x1c: {  	p1 =	slt.u32 s9, $0xF7A;
	s5 =	simm.s32 @!p2 $0x0  }
0x1d: {  	s5 =	simm.s32 @p1 $0x1;
	p0 =	seq.s32 s7, s2  }
0x1e: {  	s7 =	smul.u32 @!p0 $0xF7A, s2;
	p2 =	seq.s32 @!p0 s5, $0x0  }
0x1f: {  	s9 =	smul.u32 $0xF7A, s1;
	s8 =	simm.s32 @!p0 $0x1BF5;
	p2 =	por !p2, p0  }
0x20: {  	[sflag:s8] =	ssyncset.s32 @!p0 $0xFFFFF086;
	s6 =	sadd.s32 @!p0 s3, s7;
	s7 =	simm.s32 @!p0 $0x108  }
0x21: {  	s3 =	sadd.s32 s3, s9;
	s6 =	sadd.s32 @!p0 $0x88, s6;
	s7 =	simm.s32 @p2 $0x1082  }
0x22: {  	[simem:s7], [sflag:s8] =	dma.local @!p0 [hbm:s6], $0xF7A  }
0x23: {  	s9 =	sor.u32 $0xD0000000, s2;
	s6 =	simm.s32 $0x108;
	_ =	swait.ge @!p0 [sflag:s8], $0x0  }
0x24: {  	s3 =	sadd.s32 $0x88, s3;
	s6 =	simm.s32 @!p1 $0x1082;
	[sflag:s4] =	ssyncset.s32 $0xFFFFF086  }
0x25: {  	[simem:s6], [sflag:s4] =	dma.local [hbm:s3], $0xF7A  }
0x26: {  	[smem:$0x3F92] =	sst s1;
	(tag) =	ssettag s2;
	_ =	strace s9  }
0x27: {  	s1 =	sld [smem:$0x3FA2]  }
0x28: {  	s2 =	sld [smem:$0x3FA3]  }
0x29: {  	s4 =	sld [smem:$0x3FA5]  }
0x2a: {  	p0 =	seq.s32 s5, $0x0;
	s5 =	sld [smem:$0x3FA6]  }
0x2b: {  	s6 =	sld [smem:$0x3FA7]  }
0x2c: {  	s7 =	sld [smem:$0x3FA8]  }
0x2d: {  	s3 =	simm.s32 $0x108;
	s8 =	sld [smem:$0x3FA9]  }
0x2e: {  	s3 =	simm.s32 @!p0 $0x1082;
	s9 =	sld [smem:$0x3FAA]  }
0x2f: {  	lr =	sadd.s32 s0, s3;
	s0 =	sld [smem:$0x3FA1]  }
0x30: {  	s3 =	sld [smem:$0x3FA4]  }
0x31: {  	[smem:$0x3FAD] =	sst s10  }
0x32: {  	s10 =	sld [smem:$0x3FAB];
	_ =	sdelay $0x3  }
0x33: {  	p0 =	seq.s32 s10, $0x1;
	s10 =	sld [smem:$0x3FAD];
	_ =	sdelay $0x3  }
0x34: {  	[smem:$0x3FAD] =	sst s10  }
0x35: {  	s10 =	sld [smem:$0x3FAC];
	_ =	sdelay $0x3  }
0x36: {  	p1 =	seq.s32 s10, $0x1;
	s10 =	sld [smem:$0x3FAD];
	_ =	sdelay $0x3  }
0x37: {  	[smem:$0x3FAD] =	sst s10  }
0x38: {  	s10 =	sld [smem:$0x3FAE]  }
0x39: {  	_ = 	snop;
	(pc) =	sbr.ind lr, $3  }
0x3a: {  	_ = 	snop  }
0x3b: {  	_ = 	snop  }
0x3c: {  	p2 =	seq.s32 s10, $0x1;
	s10 =	sld [smem:$0x3FAD]  }
0x3d: {  	_ =	shalt  }
0x3e: {  	_ =	shalt  }
0x3f: {  	_ =	shalt  }
0x40: {  	_ =	shalt  }
0x41: {  	_ =	shalt  }
0x42: {  	_ =	shalt  }
0x43: {  	_ =	shalt  }
0x44: {  	_ =	shalt  }
0x45: {  	_ =	shalt  }
0x46: {  	_ =	shalt  }
0x47: {  	_ =	shalt  }
0x48: {  	_ =	shalt  }
0x49: {  	_ =	shalt  }
0x4a: {  	_ =	shalt  }
0x4b: {  	_ =	shalt  }
0x4c: {  	_ =	shalt  }
0x4d: {  	_ =	shalt  }
0x4e: {  	_ =	shalt  }
0x4f: {  	_ =	shalt  }
0x50: {  	_ =	shalt  }
0x51: {  	_ =	shalt  }
0x52: {  	_ =	shalt  }
0x53: {  	_ =	shalt  }
0x54: {  	_ =	shalt  }
0x55: {  	_ =	shalt  }
0x56: {  	_ =	shalt  }
0x57: {  	_ =	shalt  }
0x58: {  	_ =	shalt  }
0x59: {  	_ =	shalt  }
0x5a: {  	_ =	shalt  }
0x5b: {  	_ =	shalt  }
0x5c: {  	_ =	shalt  }
0x5d: {  	_ =	shalt  }
0x5e: {  	_ =	shalt  }
0x5f: {  	_ =	shalt  }
0x60: {  	_ =	shalt  }
0x61: {  	_ =	shalt  }
0x62: {  	_ =	shalt  }
0x63: {  	_ =	shalt  }
0x64: {  	_ =	shalt  }
0x65: {  	_ =	shalt  }
0x66: {  	_ =	shalt  }
0x67: {  	_ =	shalt  }
0x68: {  	_ =	shalt  }
0x69: {  	_ =	shalt  }
0x6a: {  	_ =	shalt  }
0x6b: {  	_ =	shalt  }
0x6c: {  	_ =	shalt  }
0x6d: {  	_ =	shalt  }
0x6e: {  	_ =	shalt  }
0x6f: {  	_ =	shalt  }
0x70: {  	_ =	shalt  }
0x71: {  	_ =	shalt  }
0x72: {  	_ =	shalt  }
0x73: {  	_ =	shalt  }
0x74: {  	_ =	shalt  }
0x75: {  	_ =	shalt  }
0x76: {  	_ =	shalt  }
0x77: {  	_ =	shalt  }
0x78: {  	_ =	shalt  }
0x79: {  	_ =	shalt  }
0x7a: {  	_ =	shalt  }
0x7b: {  	_ =	shalt  }
0x7c: {  	_ =	shalt  }
0x7d: {  	_ =	shalt  }
0x7e: {  	_ =	shalt  }
0x7f: {  	_ =	shalt  }
0x80: {  	_ =	shalt  }
0x81: {  	_ =	shalt  }
0x82: {  	_ =	shalt  }
0x83: {  	_ =	shalt  }
0x84: {  	_ =	shalt  }
0x85: {  	_ =	shalt  }
0x86: {  	_ =	shalt  }
0x87: {  	_ =	shalt  }
.Lfunc_end0:
.L_simem_size_0:
called_computation_lowered:
.L_overlay_start_0:
0x88: {  	s2 =	sld [smem:$0x3FD9]  }
0x89: {  	s3 =	sld [smem:$0x3FFE];
	_ =	sdelay $0x1  }
0x8a: {  	s1 =	srdreg.scid  }
0x8b: {  	s0 =	sand.u32 $0x1, s1  }
0x8c: {  	s17 =	sshll.u32 s0, $0xA;
	s2 =	sadd.s32 s3, s2  }
0x8d: {  	s2 =	sadd.s32 s2, s17  }
0x8e: {  	[smem:$0x3FB9] =	sst s2  }
0x8f: {  	_ = 	snop  }
0x90: {  	s2 =	sld [smem:$0x3FC9]  }
0x91: {  	s18 =	sld [smem:$0x3FC8];
	(tm) =	ssettm $0x1  }
0x92: {  	s4 =	sld [smem:$0x3FFB];
	_ =	sdelay $0x3  }
0x93: {  	_ =	strace s4  }
0x94: {  	s4 =	sld [smem:$0x3FFC];
	_ =	sdelay $0x3  }
0x95: {  	_ =	strace s4  }
0x96: {  	s4 =	sld [smem:$0x3FFD];
	_ =	sdelay $0x3  }
0x97: {  	_ =	strace s4  }
0x98: {  	_ =	strace $0x8FFFFFFF  }
0x99: {  	s19 =	sld [smem:$0x3FDB];
	_ =	sdelay $0x1  }
0x9a: {  	s5 =	simm.s32 $_scs_section_size  }
0x9b: {  	s6 =	simm.s32 $_size__tile_overlayer_lowered;
	s7 =	simm.s32 $_tile_overlayer_lowered  }
0x9c: {  	s22 =	simm.s32 $0x1BFF;
	s21 =	sshll.u32 s7, $0x1;
	s4 =	sadd.s32 s5, s19  }
0x9d: {  	s8 =	simm.s32 $0x0;
	s20 =	sshll.u32 s6, $0x1;
	s6 =	sadd.s32 s21, s4  }
0x9e: {  	[timem:s8], [sflag:s22] =	dma.local [hbm:s6], s20  }
0x9f: {  	_ =	swait.ge [sflag:s22], s20  }
0xa0: {  	s5 =	ssub.s32 $0x0, s20;
	[sflag:s22] =	ssyncset.done $0x0  }
0xa1: {  	[sflag:s22] =	ssyncadd.s32 s5;
	_ =	sdelay $0x1  }
0xa2: {  	s23 =	simm.s32 $0x1B8B  }
0xa3: {  	_ =	swait.ge [sflag:s23], $0x1  }
0xa4: {  	[sflag:s23] =	ssyncset.done $0x0  }
0xa5: {  	s25 =	simm.s32 $0x1B8E;
	s24 =	sld [smem:$0x3FFE];
	[sflag:s23] =	ssyncadd.s32 $0xFFFFFFFF  }
0xa6: {  	s26 =	simm.s32 $execute0_lowered;
	[smem:$0x3FD2] =	sst s25  }
0xa7: {  	s6 =	sshll.u32 s26, $0x1;
	_ =	strace $0x80000046;
	[dreg:$0x1] =	wrdreg $0xFFFFFFFF  }
0xa8: {  	s28 =	simm.s32 $_size_execute0_lowered;
	s4 =	sadd.s32 s4, s6;
	[dreg:$0x0] =	wrdreg $0x0  }
0xa9: {  	s6 =	sshll.u32 s28, $0x1;
	[dreg:$0x2] =	wrdreg s4  }
0xaa: {  	[dreg:$0x3] =	wrdreg s6  }
0xab: {  	[dreg:$0x4] =	wrdreg $0xC0  }
0xac: {  	_ =	task [dreg:s8], $0x5FFFF  }
0xad: {  	[dreg:$0x1] =	wrdreg $0xFFFFFFFF  }
0xae: {  	[dreg:$0x0] =	wrdreg $0x60  }
0xaf: {  	[dreg:$0x2] =	wrdreg s24  }
0xb0: {  	[dreg:$0x3] =	wrdreg s2  }
0xb1: {  	[dreg:$0x4] =	wrdreg s18  }
0xb2: {  	[dreg:$0x5] =	wrdreg $0x9  }
0xb3: {  	_ =	task.clear_ibuf [dreg:s8], $0x6FFFF;
	_ =	strace $0x90000046  }
0xb4: {  	s29 =	simm.s32 $0x9;
	_ =	strace $0x80000048  }
0xb5: {  	_ =	swait.ge [sflag:s29], $0x1  }
0xb6: {  	[sflag:s29] =	ssyncadd.s32 $0xFFFFFFFF  }
0xb7: {  	_ =	strace $0x90000048  }
0xb8: {  	_ =	sfence  }
0xb9: {  	s30 =	sld [smem:$0x0];
	_ =	sdelay $0x2  }
0xba: {  	s31 =	sshll.u32 s1, $0xD;
	s1 =	sshrl.u32 s1, $0x2  }
0xbb: {  	s3 =	sand.u32 $0x4000, s31;
	s1 =	sadd.s32 s1, s30  }
0xbc: {  	s0 =	sor.u32 s3, s0;
	s1 =	sshll.u32 s1, $0x11  }
0xbd: {  	s0 =	sor.u32 s1, s0  }
0xbe: {  	s0 =	sadd.s32 $0x8F2B, s0  }
0xbf: {  	[sflag:s0] =	ssyncadd.remote.s32 $0x1  }
0xc0: {  	_ =	sfence.sel $0xFFFF  }
0xc1: {  	[dreg:$0x0] =	wrdreg $0xFFFFFFFF;
	(pc) =	sbr.abs _section_cstart, $3  }
0xc2: {  	[dreg:$0x1] =	wrdreg $0xFFFFFFFF  }
0xc3: {  	_ =	task.clear_ibuf [dreg:s8], $0x2FFFF;
	_ =	strace $0x9FFFFFFF  }
0xc4: {  	(tm) =	ssettm $0x7FFFFFFF  }
0xc5: {  	_ =	shalt  }
tec
execute0_lowered:
.L_overlay_start_1:
0x0: {  	(tag) =	ssettag $0x1  }
0x1: {  	v2 =	vlaneseq.u32  }
0x2: {  	v0 =	vmul.u32 $0x14, v2;
	_ =	sdelay $0x1  }
0x3: {  	v2 =	vmul.u32 $0x20, v2;
	v4 =	vor.u32 $0x1, v0  }
0x4: {  	v18 =	vadd.s32 $0xF, v0;
	v19 =	vadd.s32 $0x10, v0;
	v20 =	vadd.s32 $0x11, v0  }
0x5: {  	v21 =	vadd.s32 $0x12, v0;
	v22 =	vadd.s32 $0x13, v0;
	v23 =	vadd.s32 $0x140, v0  }
0x6: {  	v24 =	vor.u32 $0x200, v2;
	v25 =	vadd.s32 $0x141, v0;
	v26 =	vadd.s32 $0x142, v0  }
0x7: {  	v27 =	vadd.s32 $0x143, v0;
	v28 =	vadd.s32 $0x144, v0;
	v29 =	vadd.s32 $0x145, v0  }
0x8: {  	s5 =	rddreg [dreg:$0x0];
	v30 =	vadd.s32 $0x146, v0;
	v31 =	vadd.s32 $0x147, v0;
	v32 =	vadd.s32 $0x148, v0  }
0x9: {  	s6 =	rddreg [dreg:$0x1];
	v33 =	vadd.s32 $0x149, v0;
	v34 =	vadd.s32 $0x14A, v0;
	[tilespmem:$0x1FF20] =	vst v4;
	v4 =	vor.u32 $0x2, v0  }
0xa: {  	s8 =	rddreg [dreg:$0x2];
	v35 =	vadd.s32 $0x14B, v0;
	v36 =	vadd.s32 $0x14C, v0;
	[tilespmem:$0x1FF30] =	vst v4;
	v4 =	vor.u32 $0x3, v0  }
0xb: {  	s0 =	rddreg [dreg:$0x3];
	v37 =	vadd.s32 $0x14D, v0;
	v38 =	vadd.s32 $0x14E, v0;
	[tilespmem:$0x1FF40] =	vst v4;
	v4 =	vadd.s32 $0x4, v0  }
0xc: {  	s3 =	srdreg.scid;
	s1 =	stileid.u32;
	v39 =	vadd.s32 $0x14F, v0;
	v40 =	vadd.s32 $0x150, v0;
	[tilespmem:$0x1FF50] =	vst v4;
	v4 =	vadd.s32 $0x5, v0  }
0xd: {  	s2 =	simm.s32 $0x0;
	s13 =	simm.s32 $0x80;
	s14 =	simm.s32 $0xB00;
	v41 =	vadd.s32 $0x151, v0;
	v42 =	vadd.s32 $0x152, v0;
	[tilespmem:$0x1FF60] =	vst v4;
	v4 =	vadd.s32 $0x6, v0  }
0xe: {  	s15 =	simm.s32 $0x2B00;
	s16 =	simm.s32 $0x100;
	s17 =	simm.s32 $0x4B00;
	v43 =	vadd.s32 $0x153, v0;
	v44 =	vadd.s32 $0x280, v0;
	[tilespmem:$0x1FF70] =	vst v4;
	v4 =	vadd.s32 $0x7, v0  }
0xf: {  	s18 =	simm.s32 $0x1;
	s7 =	sand.u32 $0x1, s3;
	s30 =	sshll.u32 s1, $0x1;
	v46 =	vadd.s32 $0x281, v0;
	v47 =	vadd.s32 $0x282, v0;
	[tilespmem:$0x1FF80] =	vst v4;
	v4 =	vadd.s32 $0x8, v0  }
0x10: {  	[smem:$0x7FF] =	sst s2;
	s3 =	sadd.s32 $0x4400, s5;
	s9 =	sor.u32 s7, s30;
	v48 =	vadd.s32 $0x283, v0;
	v49 =	vadd.s32 $0x284, v0;
	[tilespmem:$0x1FF90] =	vst v4;
	v4 =	vadd.s32 $0x9, v0  }
0x11: {  	s19 =	simm.s32 $0x2;
	s4 =	sadd.s32 $0xD4400, s5;
	s10 =	smul.u32 $0x140, s9;
	v50 =	vadd.s32 $0x285, v0;
	v51 =	vadd.s32 $0x286, v0;
	[tilespmem:$0x1FFA0] =	vst v4;
	v4 =	vadd.s32 $0xA, v0  }
0x12: {  	s7 =	ssub.s32 $0x2, s7;
	s11 =	sshll.u32 s9, $0xA;
	s12 =	sshll.u32 s9, $0x9;
	v52 =	vadd.s32 $0x287, v0;
	v53 =	vadd.s32 $0x288, v0;
	[tilespmem:$0x1FFB0] =	vst v4;
	v4 =	vadd.s32 $0xB, v0  }
0x13: {  	s31 =	sshrl.u32 s7, $0x1;
	s9 =	sshll.u32 s9, $0x4;
	v54 =	vadd.s32 $0x289, v0;
	v55 =	vadd.s32 $0x28A, v0;
	s11 =	sadd.s32 s11, s5;
	[tilespmem:$0x1FFC0] =	vst v4;
	v4 =	vadd.s32 $0xC, v0  }
0x14: {  	v56 =	vadd.s32 $0x28B, v0;
	v57 =	vadd.s32 $0x28C, v0;
	s6 =	sadd.s32 s6, s9;
	s10 =	sadd.s32 s10, s5;
	s5 =	sadd.s32 s12, s5;
	[tilespmem:$0x1FFD0] =	vst v4;
	v4 =	vadd.s32 $0xD, v0  }
0x15: {  	v1 =	vimm.f32 $0.0e+00;
	v45 =	vor.u32 $0x400, v2;
	s12 =	ssub.s32 s7, s31;
	s7 =	sadd.s32 $0x1B0400, s11;
	s5 =	sadd.s32 $0x1A4400, s5;
	[tilespmem:$0x1FFE0] =	vst v4;
	v4 =	vadd.s32 $0xE, v0  }
0x16: {  	v3 =	vimm.f32 $1.000000000e+00;
	v58 =	vadd.s32 $0x28D, v0;
	v59 =	vadd.s32 $0x28E, v0;
	s8 =	sadd.s32 s8, s9;
	s9 =	sadd.s32 $0x1C00, s10;
	s10 =	sadd.s32 $0x1A8400, s11;
	[tilespmem:$0x1FFF0] =	vst v4  }
0x17: {  	v60 =	vadd.s32 $0x28F, v0;
	v61 =	vadd.s32 $0x290, v0;
	v62 =	vadd.s32 $0x291, v0;
	s11 =	smax.u32 s12, $0x1;
	s12 =	simm.s32 $0x3;
	_ =	strace $0x80000047  }
.LBB2_1:
0x18: {  	[tilespmem:s2], [sflag:$0x3] =	stream.linear.gather [hbm4b:s6+s2], $0x80, $0x38;
	[tilespmem:$0x5B00] =	vst v63  }
0x19: {  	_ =	swait.ge [sflag:s12], $0x80  }
0x1a: {  	[sflag:s12] =	ssyncset.done $0x0  }
0x1b: {  	[sflag:s12] =	ssyncadd.s32 $0xFFFFFF80  }
0x1c: {  	[tilespmem:s13], [sflag:$0x3] =	stream.linear.gather [hbm4b:s8+s2], $0x80, $0x38;
	[tilespmem:$0x5B00] =	vst v63  }
0x1d: {  	_ =	swait.ge [sflag:s12], $0x80  }
0x1e: {  	[sflag:s12] =	ssyncset.done $0x0  }
0x1f: {  	[sflag:s12] =	ssyncadd.s32 $0xFFFFFF80  }
0x20: {  	v63 =	vld [tilespmem:$0x0]  }
0x21: {  	v4 =	vld [tilespmem:$0x80]  }
0x22: {  	v6 =	vld [tilespmem:$0x10]  }
0x23: {  	v9 =	vld [tilespmem:$0x90];
	_ =	sdelay $0x2  }
0x24: {  	v5 =	vshrl.u32 v63, $0x6;
	v7 =	vshll.u32 v63, $0x1  }
0x25: {  	v63 =	vand.u32 $0xFFFFFF80, v63;
	v8 =	vshll.u32 v4, $0x1;
	v10 =	vshrl.u32 v4, $0x6  }
0x26: {  	v4 =	vand.u32 $0xFFFFFF80, v4;
	v15 =	vshll.u32 v6, $0x1;
	v12 =	vshrl.u32 v9, $0x6  }
0x27: {  	v5 =	vand.u32 $0x1, v5;
	v7 =	vand.u32 $0x7E, v7;
	v8 =	vand.u32 $0x7E, v8  }
0x28: {  	v10 =	vand.u32 $0x1, v10;
	v7 =	vor.u32 v63, v7;
	v4 =	vor.u32 v4, v8;
	v8 =	vld [tilespmem:$0x20]  }
0x29: {  	v63 =	vshrl.u32 v6, $0x6;
	v6 =	vand.u32 $0xFFFFFF80, v6;
	v5 =	vor.u32 v5, v7  }
0x2a: {  	v4 =	vor.u32 v10, v4;
	v7 =	vand.u32 $0x7E, v15;
	v10 =	vand.u32 $0x1, v63;
	v63 =	vld [tilespmem:$0xA0]  }
0x2b: {  	v13 =	vshll.u32 v9, $0x1;
	v9 =	vand.u32 $0xFFFFFF80, v9;
	v6 =	vor.u32 v6, v7  }
0x2c: {  	v7 =	vand.u32 $0x1, v12;
	v12 =	vld [tilespmem:$0x30];
	v6 =	vor.u32 v10, v6;
	v10 =	vand.u32 $0x7E, v13  }
0x2d: {  	v9 =	vor.u32 v9, v10;
	v11 =	vshll.u32 v8, $0x1;
	v13 =	vshrl.u32 v8, $0x6  }
0x2e: {  	v8 =	vand.u32 $0xFFFFFF80, v8;
	v7 =	vor.u32 v7, v9;
	v11 =	vand.u32 $0x7E, v11  }
0x2f: {  	v14 =	vand.u32 $0x1, v13;
	v15 =	vshll.u32 v63, $0x1;
	v10 =	vshrl.u32 v63, $0x6  }
0x30: {  	v63 =	vand.u32 $0xFFFFFF80, v63;
	v8 =	vor.u32 v8, v11;
	v11 =	vld [tilespmem:$0xB0];
	v9 =	vand.u32 $0x7E, v15  }
0x31: {  	v10 =	vand.u32 $0x1, v10;
	v13 =	vshrl.u32 v12, $0x6;
	v9 =	vor.u32 v63, v9  }
0x32: {  	v63 =	vld [tilespmem:$0x40];
	v9 =	vor.u32 v10, v9;
	v10 =	vand.u32 $0x1, v13;
	v13 =	vshll.u32 v12, $0x1  }
0x33: {  	v12 =	vand.u32 $0xFFFFFF80, v12;
	v13 =	vand.u32 $0x7E, v13  }
0x34: {  	v15 =	vld [tilespmem:$0xC0];
	v8 =	vor.u32 v14, v8;
	v12 =	vor.u32 v12, v13  }
0x35: {  	v14 =	vshll.u32 v11, $0x1;
	v16 =	vshrl.u32 v11, $0x6;
	v11 =	vand.u32 $0xFFFFFF80, v11  }
0x36: {  	v17 =	vld [tilespmem:$0x60];
	v10 =	vor.u32 v10, v12;
	v14 =	vand.u32 $0x7E, v14;
	v13 =	vand.u32 $0x1, v16  }
0x37: {  	v12 =	vshll.u32 v63, $0x1;
	v16 =	vand.u32 $0xFFFFFF80, v63;
	v11 =	vor.u32 v11, v14;
	v14 =	vld [tilespmem:$0x50]  }
0x38: {  	v12 =	vand.u32 $0x7E, v12;
	v11 =	vor.u32 v13, v11;
	v13 =	vshrl.u32 v63, $0x6  }
0x39: {  	v12 =	vor.u32 v16, v12;
	v16 =	vshll.u32 v15, $0x1;
	v13 =	vand.u32 $0x1, v13  }
0x3a: {  	[tilespmem:$0x0] =	vst v5;
	v63 =	vld [tilespmem:$0xD0];
	v12 =	vor.u32 v13, v12;
	v13 =	vand.u32 $0x7E, v16;
	v16 =	vand.u32 $0xFFFFFF80, v15  }
0x3b: {  	[tilespmem:$0xA0] =	vst v9;
	v9 =	vshrl.u32 v17, $0x6;
	v15 =	vshrl.u32 v15, $0x6;
	v13 =	vor.u32 v16, v13  }
0x3c: {  	[tilespmem:$0x80] =	vst v4;
	v4 =	vand.u32 $0x1, v15;
	v15 =	vld [tilespmem:$0xE0];
	v16 =	vshll.u32 v14, $0x1;
	v5 =	vshrl.u32 v14, $0x6  }
0x3d: {  	[tilespmem:$0x10] =	vst v6;
	v14 =	vand.u32 $0xFFFFFF80, v14;
	v4 =	vor.u32 v4, v13;
	v13 =	vld [tilespmem:$0x70];
	v16 =	vand.u32 $0x7E, v16  }
0x3e: {  	[tilespmem:$0x90] =	vst v7;
	v9 =	vand.u32 $0x1, v9;
	v5 =	vand.u32 $0x1, v5;
	v14 =	vor.u32 v14, v16  }
0x3f: {  	[tilespmem:$0x30] =	vst v10;
	v7 =	vshrl.u32 v63, $0x6;
	v5 =	vor.u32 v5, v14;
	v14 =	vshll.u32 v63, $0x1  }
0x40: {  	[tilespmem:$0xB0] =	vst v11;
	v7 =	vand.u32 $0x1, v7;
	v63 =	vand.u32 $0xFFFFFF80, v63;
	v6 =	vand.u32 $0x7E, v14  }
0x41: {  	v10 =	vld [tilespmem:$0xF0];
	[tilespmem:$0x40] =	vst v12;
	v11 =	vshrl.u32 v15, $0x6;
	v6 =	vor.u32 v63, v6;
	v63 =	vshll.u32 v17, $0x1  }
0x42: {  	[tilespmem:$0x50] =	vst v5;
	v11 =	vand.u32 $0x1, v11;
	v12 =	vshll.u32 v13, $0x1;
	v5 =	vshrl.u32 v13, $0x6  }
0x43: {  	v13 =	vand.u32 $0xFFFFFF80, v13;
	v14 =	vand.u32 $0x7E, v63;
	v63 =	vand.u32 $0xFFFFFF80, v17  }
0x44: {  	v6 =	vor.u32 v7, v6;
	v7 =	vor.u32 v63, v14;
	v14 =	vshll.u32 v15, $0x1  }
0x45: {  	[tilespmem:$0x20] =	vst v8;
	v5 =	vand.u32 $0x1, v5;
	v63 =	vand.u32 $0xFFFFFF80, v15;
	v8 =	vand.u32 $0x7E, v14  }
0x46: {  	[tilespmem:$0xC0] =	vst v4;
	v15 =	vshll.u32 v10, $0x1;
	v4 =	vor.u32 v9, v7;
	v8 =	vor.u32 v63, v8  }
0x47: {  	[tilespmem:$0x60] =	vst v4;
	v4 =	vshrl.u32 v10, $0x6;
	v7 =	vor.u32 v11, v8;
	v8 =	vand.u32 $0x7E, v12  }
0x48: {  	[tilespmem:$0xD0] =	vst v6;
	v63 =	vand.u32 $0xFFFFFF80, v10;
	v14 =	vor.u32 v13, v8;
	v8 =	vand.u32 $0x7E, v15  }
0x49: {  	v4 =	vand.u32 $0x1, v4;
	[tilespmem:$0xE0] =	vst v7;
	v5 =	vor.u32 v5, v14;
	v9 =	vor.u32 v63, v8  }
0x4a: {  	[tilespmem:$0x70] =	vst v5;
	v4 =	vor.u32 v4, v9  }
0x4b: {  	[tilespmem:$0xF0] =	vst v4  }
0x4c: {  	[tilespmem:s14], [sflag:$0x1] =	stream.indirect.gather [hbm4b:s3+s13], $0x40, s2, s13, $0xb8;
	[tilespmem:$0x5B00] =	vst v63  }
0x4d: {  	_ = 	snop  }
0x4e: {  	[tilespmem:s15], [sflag:$0x2] =	stream.indirect.gather [hbm4b:s4+s13], $0x40, s13, s13, $0xb8;
	[tilespmem:$0x5B00] =	vst v63  }
0x4f: {  	_ = 	snop  }
0x50: {  	[tilespmem:s16], [sflag:$0x3] =	stream.linear.gather [hbm4b:s9+s2], $0xA00, $0x38;
	[tilespmem:$0x5B00] =	vst v63  }
0x51: {  	_ =	swait.ge [sflag:s12], $0xA00  }
0x52: {  	[sflag:s12] =	ssyncset.done $0x0  }
0x53: {  	[sflag:s12] =	ssyncadd.s32 $0xFFFFF600  }
0x54: {  	[tilespmem:$0x4B00] =	vst v1  }
0x55: {  	[tilespmem:$0x4B10] =	vst v1  }
0x56: {  	[tilespmem:$0x4B20] =	vst v1  }
0x57: {  	[tilespmem:$0x4B30] =	vst v1  }
0x58: {  	[tilespmem:$0x4B40] =	vst v1  }
0x59: {  	[tilespmem:$0x4B50] =	vst v1  }
0x5a: {  	[tilespmem:$0x4B60] =	vst v1  }
0x5b: {  	[tilespmem:$0x4B70] =	vst v1  }
0x5c: {  	[tilespmem:$0x4B80] =	vst v1  }
0x5d: {  	[tilespmem:$0x4B90] =	vst v1  }
0x5e: {  	[tilespmem:$0x4BA0] =	vst v1  }
0x5f: {  	[tilespmem:$0x4BB0] =	vst v1  }
0x60: {  	[tilespmem:$0x4BC0] =	vst v1  }
0x61: {  	[tilespmem:$0x4BD0] =	vst v1  }
0x62: {  	[tilespmem:$0x4BE0] =	vst v1  }
0x63: {  	[tilespmem:$0x4BF0] =	vst v1  }
0x64: {  	[tilespmem:$0x4C00] =	vst v1  }
0x65: {  	[tilespmem:$0x4C10] =	vst v1  }
0x66: {  	[tilespmem:$0x4C20] =	vst v1  }
0x67: {  	[tilespmem:$0x4C30] =	vst v1  }
0x68: {  	[tilespmem:$0x4C40] =	vst v1  }
0x69: {  	[tilespmem:$0x4C50] =	vst v1  }
0x6a: {  	[tilespmem:$0x4C60] =	vst v1  }
0x6b: {  	[tilespmem:$0x4C70] =	vst v1  }
0x6c: {  	[tilespmem:$0x4C80] =	vst v1  }
0x6d: {  	[tilespmem:$0x4C90] =	vst v1  }
0x6e: {  	[tilespmem:$0x4CA0] =	vst v1  }
0x6f: {  	[tilespmem:$0x4CB0] =	vst v1  }
0x70: {  	[tilespmem:$0x4CC0] =	vst v1  }
0x71: {  	[tilespmem:$0x4CD0] =	vst v1  }
0x72: {  	[tilespmem:$0x4CE0] =	vst v1  }
0x73: {  	[tilespmem:$0x4CF0] =	vst v1  }
0x74: {  	[tilespmem:$0x4D00] =	vst v1  }
0x75: {  	[tilespmem:$0x4D10] =	vst v1  }
0x76: {  	[tilespmem:$0x4D20] =	vst v1  }
0x77: {  	[tilespmem:$0x4D30] =	vst v1  }
0x78: {  	[tilespmem:$0x4D40] =	vst v1  }
0x79: {  	[tilespmem:$0x4D50] =	vst v1  }
0x7a: {  	[tilespmem:$0x4D60] =	vst v1  }
0x7b: {  	[tilespmem:$0x4D70] =	vst v1  }
0x7c: {  	[tilespmem:$0x4D80] =	vst v1  }
0x7d: {  	[tilespmem:$0x4D90] =	vst v1  }
0x7e: {  	[tilespmem:$0x4DA0] =	vst v1  }
0x7f: {  	[tilespmem:$0x4DB0] =	vst v1  }
0x80: {  	[tilespmem:$0x4DC0] =	vst v1  }
0x81: {  	[tilespmem:$0x4DD0] =	vst v1  }
0x82: {  	[tilespmem:$0x4DE0] =	vst v1  }
0x83: {  	[tilespmem:$0x4DF0] =	vst v1  }
0x84: {  	[tilespmem:$0x4E00] =	vst v1  }
0x85: {  	[tilespmem:$0x4E10] =	vst v1  }
0x86: {  	[tilespmem:$0x4E20] =	vst v1  }
0x87: {  	[tilespmem:$0x4E30] =	vst v1  }
0x88: {  	[tilespmem:$0x4E40] =	vst v1  }
0x89: {  	[tilespmem:$0x4E50] =	vst v1  }
0x8a: {  	[tilespmem:$0x4E60] =	vst v1  }
0x8b: {  	[tilespmem:$0x4E70] =	vst v1  }
0x8c: {  	[tilespmem:$0x4E80] =	vst v1  }
0x8d: {  	[tilespmem:$0x4E90] =	vst v1  }
0x8e: {  	[tilespmem:$0x4EA0] =	vst v1  }
0x8f: {  	[tilespmem:$0x4EB0] =	vst v1  }
0x90: {  	[tilespmem:$0x4EC0] =	vst v1  }
0x91: {  	[tilespmem:$0x4ED0] =	vst v1  }
0x92: {  	[tilespmem:$0x4EE0] =	vst v1  }
0x93: {  	[tilespmem:$0x4EF0] =	vst v1  }
0x94: {  	[tilespmem:$0x4F00] =	vst v1  }
0x95: {  	[tilespmem:$0x4F10] =	vst v1  }
0x96: {  	[tilespmem:$0x4F20] =	vst v1  }
0x97: {  	[tilespmem:$0x4F30] =	vst v1  }
0x98: {  	[tilespmem:$0x4F40] =	vst v1  }
0x99: {  	[tilespmem:$0x4F50] =	vst v1  }
0x9a: {  	[tilespmem:$0x4F60] =	vst v1  }
0x9b: {  	[tilespmem:$0x4F70] =	vst v1  }
0x9c: {  	[tilespmem:$0x4F80] =	vst v1  }
0x9d: {  	[tilespmem:$0x4F90] =	vst v1  }
0x9e: {  	[tilespmem:$0x4FA0] =	vst v1  }
0x9f: {  	[tilespmem:$0x4FB0] =	vst v1  }
0xa0: {  	[tilespmem:$0x4FC0] =	vst v1  }
0xa1: {  	[tilespmem:$0x4FD0] =	vst v1  }
0xa2: {  	[tilespmem:$0x4FE0] =	vst v1  }
0xa3: {  	[tilespmem:$0x4FF0] =	vst v1  }
0xa4: {  	[tilespmem:$0x5000] =	vst v1  }
0xa5: {  	[tilespmem:$0x5010] =	vst v1  }
0xa6: {  	[tilespmem:$0x5020] =	vst v1  }
0xa7: {  	[tilespmem:$0x5030] =	vst v1  }
0xa8: {  	[tilespmem:$0x5040] =	vst v1  }
0xa9: {  	[tilespmem:$0x5050] =	vst v1  }
0xaa: {  	[tilespmem:$0x5060] =	vst v1  }
0xab: {  	[tilespmem:$0x5070] =	vst v1  }
0xac: {  	[tilespmem:$0x5080] =	vst v1  }
0xad: {  	[tilespmem:$0x5090] =	vst v1  }
0xae: {  	[tilespmem:$0x50A0] =	vst v1  }
0xaf: {  	[tilespmem:$0x50B0] =	vst v1  }
0xb0: {  	[tilespmem:$0x50C0] =	vst v1  }
0xb1: {  	[tilespmem:$0x50D0] =	vst v1  }
0xb2: {  	[tilespmem:$0x50E0] =	vst v1  }
0xb3: {  	[tilespmem:$0x50F0] =	vst v1  }
0xb4: {  	[tilespmem:$0x5100] =	vst v1  }
0xb5: {  	[tilespmem:$0x5110] =	vst v1  }
0xb6: {  	[tilespmem:$0x5120] =	vst v1  }
0xb7: {  	[tilespmem:$0x5130] =	vst v1  }
0xb8: {  	[tilespmem:$0x5140] =	vst v1  }
0xb9: {  	[tilespmem:$0x5150] =	vst v1  }
0xba: {  	[tilespmem:$0x5160] =	vst v1  }
0xbb: {  	[tilespmem:$0x5170] =	vst v1  }
0xbc: {  	[tilespmem:$0x5180] =	vst v1  }
0xbd: {  	[tilespmem:$0x5190] =	vst v1  }
0xbe: {  	[tilespmem:$0x51A0] =	vst v1  }
0xbf: {  	[tilespmem:$0x51B0] =	vst v1  }
0xc0: {  	[tilespmem:$0x51C0] =	vst v1  }
0xc1: {  	[tilespmem:$0x51D0] =	vst v1  }
0xc2: {  	[tilespmem:$0x51E0] =	vst v1  }
0xc3: {  	[tilespmem:$0x51F0] =	vst v1  }
0xc4: {  	[tilespmem:$0x5200] =	vst v1  }
0xc5: {  	[tilespmem:$0x5210] =	vst v1  }
0xc6: {  	[tilespmem:$0x5220] =	vst v1  }
0xc7: {  	[tilespmem:$0x5230] =	vst v1  }
0xc8: {  	[tilespmem:$0x5240] =	vst v1  }
0xc9: {  	[tilespmem:$0x5250] =	vst v1  }
0xca: {  	[tilespmem:$0x5260] =	vst v1  }
0xcb: {  	[tilespmem:$0x5270] =	vst v1  }
0xcc: {  	[tilespmem:$0x5280] =	vst v1  }
0xcd: {  	[tilespmem:$0x5290] =	vst v1  }
0xce: {  	[tilespmem:$0x52A0] =	vst v1  }
0xcf: {  	[tilespmem:$0x52B0] =	vst v1  }
0xd0: {  	[tilespmem:$0x52C0] =	vst v1  }
0xd1: {  	[tilespmem:$0x52D0] =	vst v1  }
0xd2: {  	[tilespmem:$0x52E0] =	vst v1  }
0xd3: {  	[tilespmem:$0x52F0] =	vst v1  }
0xd4: {  	[tilespmem:$0x5300] =	vst v1  }
0xd5: {  	[tilespmem:$0x5310] =	vst v1  }
0xd6: {  	[tilespmem:$0x5320] =	vst v1  }
0xd7: {  	[tilespmem:$0x5330] =	vst v1  }
0xd8: {  	[tilespmem:$0x5340] =	vst v1  }
0xd9: {  	[tilespmem:$0x5350] =	vst v1  }
0xda: {  	[tilespmem:$0x5360] =	vst v1  }
0xdb: {  	[tilespmem:$0x5370] =	vst v1  }
0xdc: {  	[tilespmem:$0x5380] =	vst v1  }
0xdd: {  	[tilespmem:$0x5390] =	vst v1  }
0xde: {  	[tilespmem:$0x53A0] =	vst v1  }
0xdf: {  	[tilespmem:$0x53B0] =	vst v1  }
0xe0: {  	[tilespmem:$0x53C0] =	vst v1  }
0xe1: {  	[tilespmem:$0x53D0] =	vst v1  }
0xe2: {  	[tilespmem:$0x53E0] =	vst v1  }
0xe3: {  	[tilespmem:$0x53F0] =	vst v1  }
0xe4: {  	[tilespmem:$0x5400] =	vst v1  }
0xe5: {  	[tilespmem:$0x5410] =	vst v1  }
0xe6: {  	[tilespmem:$0x5420] =	vst v1  }
0xe7: {  	[tilespmem:$0x5430] =	vst v1  }
0xe8: {  	[tilespmem:$0x5440] =	vst v1  }
0xe9: {  	[tilespmem:$0x5450] =	vst v1  }
0xea: {  	[tilespmem:$0x5460] =	vst v1  }
0xeb: {  	[tilespmem:$0x5470] =	vst v1  }
0xec: {  	[tilespmem:$0x5480] =	vst v1  }
0xed: {  	[tilespmem:$0x5490] =	vst v1  }
0xee: {  	[tilespmem:$0x54A0] =	vst v1  }
0xef: {  	[tilespmem:$0x54B0] =	vst v1  }
0xf0: {  	[tilespmem:$0x54C0] =	vst v1  }
0xf1: {  	[tilespmem:$0x54D0] =	vst v1  }
0xf2: {  	[tilespmem:$0x54E0] =	vst v1  }
0xf3: {  	[tilespmem:$0x54F0] =	vst v1  }
0xf4: {  	[tilespmem:$0x5500] =	vst v1  }
0xf5: {  	[tilespmem:$0x5510] =	vst v1  }
0xf6: {  	[tilespmem:$0x5520] =	vst v1  }
0xf7: {  	[tilespmem:$0x5530] =	vst v1  }
0xf8: {  	[tilespmem:$0x5540] =	vst v1  }
0xf9: {  	[tilespmem:$0x5550] =	vst v1  }
0xfa: {  	[tilespmem:$0x5560] =	vst v1  }
0xfb: {  	[tilespmem:$0x5570] =	vst v1  }
0xfc: {  	[tilespmem:$0x5580] =	vst v1  }
0xfd: {  	[tilespmem:$0x5590] =	vst v1  }
0xfe: {  	[tilespmem:$0x55A0] =	vst v1  }
0xff: {  	[tilespmem:$0x55B0] =	vst v1  }
0x100: {  	[tilespmem:$0x55C0] =	vst v1  }
0x101: {  	[tilespmem:$0x55D0] =	vst v1  }
0x102: {  	[tilespmem:$0x55E0] =	vst v1  }
0x103: {  	[tilespmem:$0x55F0] =	vst v1  }
0x104: {  	[tilespmem:$0x5600] =	vst v1  }
0x105: {  	[tilespmem:$0x5610] =	vst v1  }
0x106: {  	[tilespmem:$0x5620] =	vst v1  }
0x107: {  	[tilespmem:$0x5630] =	vst v1  }
0x108: {  	[tilespmem:$0x5640] =	vst v1  }
0x109: {  	[tilespmem:$0x5650] =	vst v1  }
0x10a: {  	[tilespmem:$0x5660] =	vst v1  }
0x10b: {  	[tilespmem:$0x5670] =	vst v1  }
0x10c: {  	[tilespmem:$0x5680] =	vst v1  }
0x10d: {  	[tilespmem:$0x5690] =	vst v1  }
0x10e: {  	[tilespmem:$0x56A0] =	vst v1  }
0x10f: {  	[tilespmem:$0x56B0] =	vst v1  }
0x110: {  	[tilespmem:$0x56C0] =	vst v1  }
0x111: {  	[tilespmem:$0x56D0] =	vst v1  }
0x112: {  	[tilespmem:$0x56E0] =	vst v1  }
0x113: {  	[tilespmem:$0x56F0] =	vst v1  }
0x114: {  	[tilespmem:$0x5700] =	vst v1  }
0x115: {  	[tilespmem:$0x5710] =	vst v1  }
0x116: {  	[tilespmem:$0x5720] =	vst v1  }
0x117: {  	[tilespmem:$0x5730] =	vst v1  }
0x118: {  	[tilespmem:$0x5740] =	vst v1  }
0x119: {  	[tilespmem:$0x5750] =	vst v1  }
0x11a: {  	[tilespmem:$0x5760] =	vst v1  }
0x11b: {  	[tilespmem:$0x5770] =	vst v1  }
0x11c: {  	[tilespmem:$0x5780] =	vst v1  }
0x11d: {  	[tilespmem:$0x5790] =	vst v1  }
0x11e: {  	[tilespmem:$0x57A0] =	vst v1  }
0x11f: {  	[tilespmem:$0x57B0] =	vst v1  }
0x120: {  	[tilespmem:$0x57C0] =	vst v1  }
0x121: {  	[tilespmem:$0x57D0] =	vst v1  }
0x122: {  	[tilespmem:$0x57E0] =	vst v1  }
0x123: {  	[tilespmem:$0x57F0] =	vst v1  }
0x124: {  	[tilespmem:$0x5800] =	vst v1  }
0x125: {  	[tilespmem:$0x5810] =	vst v1  }
0x126: {  	[tilespmem:$0x5820] =	vst v1  }
0x127: {  	[tilespmem:$0x5830] =	vst v1  }
0x128: {  	[tilespmem:$0x5840] =	vst v1  }
0x129: {  	[tilespmem:$0x5850] =	vst v1  }
0x12a: {  	[tilespmem:$0x5860] =	vst v1  }
0x12b: {  	[tilespmem:$0x5870] =	vst v1  }
0x12c: {  	[tilespmem:$0x5880] =	vst v1  }
0x12d: {  	[tilespmem:$0x5890] =	vst v1  }
0x12e: {  	[tilespmem:$0x58A0] =	vst v1  }
0x12f: {  	[tilespmem:$0x58B0] =	vst v1  }
0x130: {  	[tilespmem:$0x58C0] =	vst v1  }
0x131: {  	[tilespmem:$0x58D0] =	vst v1  }
0x132: {  	[tilespmem:$0x58E0] =	vst v1  }
0x133: {  	[tilespmem:$0x58F0] =	vst v1  }
0x134: {  	[tilespmem:$0x5900] =	vst v1  }
0x135: {  	[tilespmem:$0x5910] =	vst v1  }
0x136: {  	[tilespmem:$0x5920] =	vst v1  }
0x137: {  	[tilespmem:$0x5930] =	vst v1  }
0x138: {  	[tilespmem:$0x5940] =	vst v1  }
0x139: {  	[tilespmem:$0x5950] =	vst v1  }
0x13a: {  	[tilespmem:$0x5960] =	vst v1  }
0x13b: {  	[tilespmem:$0x5970] =	vst v1  }
0x13c: {  	[tilespmem:$0x5980] =	vst v1  }
0x13d: {  	[tilespmem:$0x5990] =	vst v1  }
0x13e: {  	[tilespmem:$0x59A0] =	vst v1  }
0x13f: {  	[tilespmem:$0x59B0] =	vst v1  }
0x140: {  	[tilespmem:$0x59C0] =	vst v1  }
0x141: {  	[tilespmem:$0x59D0] =	vst v1  }
0x142: {  	[tilespmem:$0x59E0] =	vst v1  }
0x143: {  	[tilespmem:$0x59F0] =	vst v1  }
0x144: {  	[tilespmem:$0x5A00] =	vst v1  }
0x145: {  	[tilespmem:$0x5A10] =	vst v1  }
0x146: {  	[tilespmem:$0x5A20] =	vst v1  }
0x147: {  	[tilespmem:$0x5A30] =	vst v1  }
0x148: {  	[tilespmem:$0x5A40] =	vst v1  }
0x149: {  	[tilespmem:$0x5A50] =	vst v1  }
0x14a: {  	[tilespmem:$0x5A60] =	vst v1  }
0x14b: {  	[tilespmem:$0x5A70] =	vst v1  }
0x14c: {  	[tilespmem:$0x5A80] =	vst v1  }
0x14d: {  	[tilespmem:$0x5A90] =	vst v1  }
0x14e: {  	[tilespmem:$0x5AA0] =	vst v1  }
0x14f: {  	[tilespmem:$0x5AB0] =	vst v1  }
0x150: {  	[tilespmem:$0x5AC0] =	vst v1  }
0x151: {  	[tilespmem:$0x5AD0] =	vst v1  }
0x152: {  	[tilespmem:$0x5AE0] =	vst v1  }
0x153: {  	[tilespmem:$0x5AF0] =	vst v1  }
0x154: {  	v4 =	vld.idx.msk [tilespmem:v0+s16+$0x0], $0xffff;
	_ =	sdelay $0x4  }
0x155: {  	v4 =	vadd.s32 v2, v4;
	_ =	sdelay $0x4  }
0x156: {  	[tilespmem:v4+s17+$0x0] =	vst.idx.add.f32.msk $0xffff, v3  }
0x157: {  	v4 =	vld [tilespmem:$0x1FF20];
	_ =	sdelay $0x7  }
0x158: {  	v4 =	vld.idx.msk [tilespmem:v4+s16+$0x0], $0xffff;
	_ =	sdelay $0x4  }
0x159: {  	v4 =	vadd.s32 v2, v4;
	_ =	sdelay $0x4  }
0x15a: {  	[tilespmem:v4+s17+$0x0] =	vst.idx.add.f32.msk $0xffff, v3  }
0x15b: {  	v4 =	vld [tilespmem:$0x1FF30];
	_ =	sdelay $0x7  }
0x15c: {  	v4 =	vld.idx.msk [tilespmem:v4+s16+$0x0], $0xffff;
	_ =	sdelay $0x4  }
0x15d: {  	v4 =	vadd.s32 v2, v4;
	_ =	sdelay $0x4  }
0x15e: {  	[tilespmem:v4+s17+$0x0] =	vst.idx.add.f32.msk $0xffff, v3  }
0x15f: {  	v4 =	vld [tilespmem:$0x1FF40];
	_ =	sdelay $0x7  }
0x160: {  	v4 =	vld.idx.msk [tilespmem:v4+s16+$0x0], $0xffff;
	_ =	sdelay $0x4  }
0x161: {  	v4 =	vadd.s32 v2, v4;
	_ =	sdelay $0x4  }
0x162: {  	[tilespmem:v4+s17+$0x0] =	vst.idx.add.f32.msk $0xffff, v3  }
0x163: {  	v4 =	vld [tilespmem:$0x1FF50];
	_ =	sdelay $0x7  }
0x164: {  	v4 =	vld.idx.msk [tilespmem:v4+s16+$0x0], $0xffff;
	_ =	sdelay $0x4  }
0x165: {  	v4 =	vadd.s32 v2, v4;
	_ =	sdelay $0x4  }
0x166: {  	[tilespmem:v4+s17+$0x0] =	vst.idx.add.f32.msk $0xffff, v3  }
0x167: {  	v4 =	vld [tilespmem:$0x1FF60];
	_ =	sdelay $0x7  }
0x168: {  	v4 =	vld.idx.msk [tilespmem:v4+s16+$0x0], $0xffff;
	_ =	sdelay $0x4  }
0x169: {  	v4 =	vadd.s32 v2, v4;
	_ =	sdelay $0x4  }
0x16a: {  	[tilespmem:v4+s17+$0x0] =	vst.idx.add.f32.msk $0xffff, v3  }
0x16b: {  	v4 =	vld [tilespmem:$0x1FF70];
	_ =	sdelay $0x7  }
0x16c: {  	v4 =	vld.idx.msk [tilespmem:v4+s16+$0x0], $0xffff;
	_ =	sdelay $0x4  }
0x16d: {  	v4 =	vadd.s32 v2, v4;
	_ =	sdelay $0x4  }
0x16e: {  	[tilespmem:v4+s17+$0x0] =	vst.idx.add.f32.msk $0xffff, v3  }
0x16f: {  	v4 =	vld [tilespmem:$0x1FF80];
	_ =	sdelay $0x7  }
0x170: {  	v4 =	vld.idx.msk [tilespmem:v4+s16+$0x0], $0xffff;
	_ =	sdelay $0x4  }
0x171: {  	v4 =	vadd.s32 v2, v4;
	_ =	sdelay $0x4  }
0x172: {  	[tilespmem:v4+s17+$0x0] =	vst.idx.add.f32.msk $0xffff, v3  }
0x173: {  	v4 =	vld [tilespmem:$0x1FF90];
	_ =	sdelay $0x7  }
0x174: {  	v4 =	vld.idx.msk [tilespmem:v4+s16+$0x0], $0xffff;
	_ =	sdelay $0x4  }
0x175: {  	v4 =	vadd.s32 v2, v4;
	_ =	sdelay $0x4  }
0x176: {  	[tilespmem:v4+s17+$0x0] =	vst.idx.add.f32.msk $0xffff, v3  }
0x177: {  	v4 =	vld [tilespmem:$0x1FFA0];
	_ =	sdelay $0x7  }
0x178: {  	v4 =	vld.idx.msk [tilespmem:v4+s16+$0x0], $0xffff;
	_ =	sdelay $0x4  }
0x179: {  	v4 =	vadd.s32 v2, v4;
	_ =	sdelay $0x4  }
0x17a: {  	[tilespmem:v4+s17+$0x0] =	vst.idx.add.f32.msk $0xffff, v3  }
0x17b: {  	v4 =	vld [tilespmem:$0x1FFB0];
	_ =	sdelay $0x7  }
0x17c: {  	v4 =	vld.idx.msk [tilespmem:v4+s16+$0x0], $0xffff;
	_ =	sdelay $0x4  }
0x17d: {  	v4 =	vadd.s32 v2, v4;
	_ =	sdelay $0x4  }
0x17e: {  	[tilespmem:v4+s17+$0x0] =	vst.idx.add.f32.msk $0xffff, v3  }
0x17f: {  	v4 =	vld [tilespmem:$0x1FFC0];
	_ =	sdelay $0x7  }
0x180: {  	v4 =	vld.idx.msk [tilespmem:v4+s16+$0x0], $0xffff;
	_ =	sdelay $0x4  }
0x181: {  	v4 =	vadd.s32 v2, v4;
	_ =	sdelay $0x4  }
0x182: {  	[tilespmem:v4+s17+$0x0] =	vst.idx.add.f32.msk $0xffff, v3  }
0x183: {  	v4 =	vld [tilespmem:$0x1FFD0];
	_ =	sdelay $0x7  }
0x184: {  	v4 =	vld.idx.msk [tilespmem:v4+s16+$0x0], $0xffff;
	_ =	sdelay $0x4  }
0x185: {  	v4 =	vadd.s32 v2, v4;
	_ =	sdelay $0x4  }
0x186: {  	[tilespmem:v4+s17+$0x0] =	vst.idx.add.f32.msk $0xffff, v3  }
0x187: {  	v4 =	vld [tilespmem:$0x1FFE0];
	_ =	sdelay $0x7  }
0x188: {  	v4 =	vld.idx.msk [tilespmem:v4+s16+$0x0], $0xffff;
	_ =	sdelay $0x4  }
0x189: {  	v4 =	vadd.s32 v2, v4;
	_ =	sdelay $0x4  }
0x18a: {  	[tilespmem:v4+s17+$0x0] =	vst.idx.add.f32.msk $0xffff, v3  }
0x18b: {  	v4 =	vld [tilespmem:$0x1FFF0];
	_ =	sdelay $0x7  }
0x18c: {  	v4 =	vld.idx.msk [tilespmem:v4+s16+$0x0], $0xffff;
	_ =	sdelay $0x4  }
0x18d: {  	v4 =	vadd.s32 v2, v4;
	_ =	sdelay $0x4  }
0x18e: {  	[tilespmem:v4+s17+$0x0] =	vst.idx.add.f32.msk $0xffff, v3  }
0x18f: {  	v4 =	vld.idx.msk [tilespmem:v18+s16+$0x0], $0xffff;
	_ =	sdelay $0x4  }
0x190: {  	v4 =	vadd.s32 v2, v4;
	_ =	sdelay $0x4  }
0x191: {  	[tilespmem:v4+s17+$0x0] =	vst.idx.add.f32.msk $0xffff, v3  }
0x192: {  	v4 =	vld.idx.msk [tilespmem:v19+s16+$0x0], $0xffff;
	_ =	sdelay $0x4  }
0x193: {  	v4 =	vadd.s32 v2, v4;
	_ =	sdelay $0x4  }
0x194: {  	[tilespmem:v4+s17+$0x0] =	vst.idx.add.f32.msk $0xffff, v3  }
0x195: {  	v4 =	vld.idx.msk [tilespmem:v20+s16+$0x0], $0xffff;
	_ =	sdelay $0x4  }
0x196: {  	v4 =	vadd.s32 v2, v4;
	_ =	sdelay $0x4  }
0x197: {  	[tilespmem:v4+s17+$0x0] =	vst.idx.add.f32.msk $0xffff, v3  }
0x198: {  	v4 =	vld.idx.msk [tilespmem:v21+s16+$0x0], $0xffff;
	_ =	sdelay $0x4  }
0x199: {  	v4 =	vadd.s32 v2, v4;
	_ =	sdelay $0x4  }
0x19a: {  	[tilespmem:v4+s17+$0x0] =	vst.idx.add.f32.msk $0xffff, v3  }
0x19b: {  	v4 =	vld.idx.msk [tilespmem:v22+s16+$0x0], $0xffff;
	_ =	sdelay $0x4  }
0x19c: {  	v4 =	vadd.s32 v2, v4;
	_ =	sdelay $0x4  }
0x19d: {  	[tilespmem:v4+s17+$0x0] =	vst.idx.add.f32.msk $0xffff, v3  }
0x19e: {  	v4 =	vld.idx.msk [tilespmem:v23+s16+$0x0], $0xffff;
	_ =	sdelay $0x4  }
0x19f: {  	v4 =	vadd.s32 v24, v4;
	_ =	sdelay $0x4  }
0x1a0: {  	[tilespmem:v4+s17+$0x0] =	vst.idx.add.f32.msk $0xffff, v3  }
0x1a1: {  	v4 =	vld.idx.msk [tilespmem:v25+s16+$0x0], $0xffff;
	_ =	sdelay $0x4  }
0x1a2: {  	v4 =	vadd.s32 v24, v4;
	_ =	sdelay $0x4  }
0x1a3: {  	[tilespmem:v4+s17+$0x0] =	vst.idx.add.f32.msk $0xffff, v3  }
0x1a4: {  	v4 =	vld.idx.msk [tilespmem:v26+s16+$0x0], $0xffff;
	_ =	sdelay $0x4  }
0x1a5: {  	v4 =	vadd.s32 v24, v4;
	_ =	sdelay $0x4  }
0x1a6: {  	[tilespmem:v4+s17+$0x0] =	vst.idx.add.f32.msk $0xffff, v3  }
0x1a7: {  	v4 =	vld.idx.msk [tilespmem:v27+s16+$0x0], $0xffff;
	_ =	sdelay $0x4  }
0x1a8: {  	v4 =	vadd.s32 v24, v4;
	_ =	sdelay $0x4  }
0x1a9: {  	[tilespmem:v4+s17+$0x0] =	vst.idx.add.f32.msk $0xffff, v3  }
0x1aa: {  	v4 =	vld.idx.msk [tilespmem:v28+s16+$0x0], $0xffff;
	_ =	sdelay $0x4  }
0x1ab: {  	v4 =	vadd.s32 v24, v4;
	_ =	sdelay $0x4  }
0x1ac: {  	[tilespmem:v4+s17+$0x0] =	vst.idx.add.f32.msk $0xffff, v3  }
0x1ad: {  	v4 =	vld.idx.msk [tilespmem:v29+s16+$0x0], $0xffff;
	_ =	sdelay $0x4  }
0x1ae: {  	v4 =	vadd.s32 v24, v4;
	_ =	sdelay $0x4  }
0x1af: {  	[tilespmem:v4+s17+$0x0] =	vst.idx.add.f32.msk $0xffff, v3  }
0x1b0: {  	v4 =	vld.idx.msk [tilespmem:v30+s16+$0x0], $0xffff;
	_ =	sdelay $0x4  }
0x1b1: {  	v4 =	vadd.s32 v24, v4;
	_ =	sdelay $0x4  }
0x1b2: {  	[tilespmem:v4+s17+$0x0] =	vst.idx.add.f32.msk $0xffff, v3  }
0x1b3: {  	v4 =	vld.idx.msk [tilespmem:v31+s16+$0x0], $0xffff;
	_ =	sdelay $0x4  }
0x1b4: {  	v4 =	vadd.s32 v24, v4;
	_ =	sdelay $0x4  }
0x1b5: {  	[tilespmem:v4+s17+$0x0] =	vst.idx.add.f32.msk $0xffff, v3  }
0x1b6: {  	v4 =	vld.idx.msk [tilespmem:v32+s16+$0x0], $0xffff;
	_ =	sdelay $0x4  }
0x1b7: {  	v4 =	vadd.s32 v24, v4;
	_ =	sdelay $0x4  }
0x1b8: {  	[tilespmem:v4+s17+$0x0] =	vst.idx.add.f32.msk $0xffff, v3  }
0x1b9: {  	v4 =	vld.idx.msk [tilespmem:v33+s16+$0x0], $0xffff;
	_ =	sdelay $0x4  }
0x1ba: {  	v4 =	vadd.s32 v24, v4;
	_ =	sdelay $0x4  }
0x1bb: {  	[tilespmem:v4+s17+$0x0] =	vst.idx.add.f32.msk $0xffff, v3  }
0x1bc: {  	v4 =	vld.idx.msk [tilespmem:v34+s16+$0x0], $0xffff;
	_ =	sdelay $0x4  }
0x1bd: {  	v4 =	vadd.s32 v24, v4;
	_ =	sdelay $0x4  }
0x1be: {  	[tilespmem:v4+s17+$0x0] =	vst.idx.add.f32.msk $0xffff, v3  }
0x1bf: {  	v4 =	vld.idx.msk [tilespmem:v35+s16+$0x0], $0xffff;
	_ =	sdelay $0x4  }
0x1c0: {  	v4 =	vadd.s32 v24, v4;
	_ =	sdelay $0x4  }
0x1c1: {  	[tilespmem:v4+s17+$0x0] =	vst.idx.add.f32.msk $0xffff, v3  }
0x1c2: {  	v4 =	vld.idx.msk [tilespmem:v36+s16+$0x0], $0xffff;
	_ =	sdelay $0x4  }
0x1c3: {  	v4 =	vadd.s32 v24, v4;
	_ =	sdelay $0x4  }
0x1c4: {  	[tilespmem:v4+s17+$0x0] =	vst.idx.add.f32.msk $0xffff, v3  }
0x1c5: {  	v4 =	vld.idx.msk [tilespmem:v37+s16+$0x0], $0xffff;
	_ =	sdelay $0x4  }
0x1c6: {  	v4 =	vadd.s32 v24, v4;
	_ =	sdelay $0x4  }
0x1c7: {  	[tilespmem:v4+s17+$0x0] =	vst.idx.add.f32.msk $0xffff, v3  }
0x1c8: {  	v4 =	vld.idx.msk [tilespmem:v38+s16+$0x0], $0xffff;
	_ =	sdelay $0x4  }
0x1c9: {  	v4 =	vadd.s32 v24, v4;
	_ =	sdelay $0x4  }
0x1ca: {  	[tilespmem:v4+s17+$0x0] =	vst.idx.add.f32.msk $0xffff, v3  }
0x1cb: {  	v4 =	vld.idx.msk [tilespmem:v39+s16+$0x0], $0xffff;
	_ =	sdelay $0x4  }
0x1cc: {  	v4 =	vadd.s32 v24, v4;
	_ =	sdelay $0x4  }
0x1cd: {  	[tilespmem:v4+s17+$0x0] =	vst.idx.add.f32.msk $0xffff, v3  }
0x1ce: {  	v4 =	vld.idx.msk [tilespmem:v40+s16+$0x0], $0xffff;
	_ =	sdelay $0x4  }
0x1cf: {  	v4 =	vadd.s32 v24, v4;
	_ =	sdelay $0x4  }
0x1d0: {  	[tilespmem:v4+s17+$0x0] =	vst.idx.add.f32.msk $0xffff, v3  }
0x1d1: {  	v4 =	vld.idx.msk [tilespmem:v41+s16+$0x0], $0xffff;
	_ =	sdelay $0x4  }
0x1d2: {  	v4 =	vadd.s32 v24, v4;
	_ =	sdelay $0x4  }
0x1d3: {  	[tilespmem:v4+s17+$0x0] =	vst.idx.add.f32.msk $0xffff, v3  }
0x1d4: {  	v4 =	vld.idx.msk [tilespmem:v42+s16+$0x0], $0xffff;
	_ =	sdelay $0x4  }
0x1d5: {  	v4 =	vadd.s32 v24, v4;
	_ =	sdelay $0x4  }
0x1d6: {  	[tilespmem:v4+s17+$0x0] =	vst.idx.add.f32.msk $0xffff, v3  }
0x1d7: {  	v4 =	vld.idx.msk [tilespmem:v43+s16+$0x0], $0xffff;
	_ =	sdelay $0x4  }
0x1d8: {  	v4 =	vadd.s32 v24, v4;
	_ =	sdelay $0x4  }
0x1d9: {  	[tilespmem:v4+s17+$0x0] =	vst.idx.add.f32.msk $0xffff, v3  }
0x1da: {  	v4 =	vld.idx.msk [tilespmem:v44+s16+$0x0], $0xffff;
	_ =	sdelay $0x4  }
0x1db: {  	v4 =	vadd.s32 v45, v4;
	_ =	sdelay $0x4  }
0x1dc: {  	[tilespmem:v4+s17+$0x0] =	vst.idx.add.f32.msk $0xffff, v3  }
0x1dd: {  	v4 =	vld.idx.msk [tilespmem:v46+s16+$0x0], $0xffff;
	_ =	sdelay $0x4  }
0x1de: {  	v4 =	vadd.s32 v45, v4;
	_ =	sdelay $0x4  }
0x1df: {  	[tilespmem:v4+s17+$0x0] =	vst.idx.add.f32.msk $0xffff, v3  }
0x1e0: {  	v4 =	vld.idx.msk [tilespmem:v47+s16+$0x0], $0xffff;
	_ =	sdelay $0x4  }
0x1e1: {  	v4 =	vadd.s32 v45, v4;
	_ =	sdelay $0x4  }
0x1e2: {  	[tilespmem:v4+s17+$0x0] =	vst.idx.add.f32.msk $0xffff, v3  }
0x1e3: {  	v4 =	vld.idx.msk [tilespmem:v48+s16+$0x0], $0xffff;
	_ =	sdelay $0x4  }
0x1e4: {  	v4 =	vadd.s32 v45, v4;
	_ =	sdelay $0x4  }
0x1e5: {  	[tilespmem:v4+s17+$0x0] =	vst.idx.add.f32.msk $0xffff, v3  }
0x1e6: {  	v4 =	vld.idx.msk [tilespmem:v49+s16+$0x0], $0xffff;
	_ =	sdelay $0x4  }
0x1e7: {  	v4 =	vadd.s32 v45, v4;
	_ =	sdelay $0x4  }
0x1e8: {  	[tilespmem:v4+s17+$0x0] =	vst.idx.add.f32.msk $0xffff, v3  }
0x1e9: {  	v4 =	vld.idx.msk [tilespmem:v50+s16+$0x0], $0xffff;
	_ =	sdelay $0x4  }
0x1ea: {  	v4 =	vadd.s32 v45, v4;
	_ =	sdelay $0x4  }
0x1eb: {  	[tilespmem:v4+s17+$0x0] =	vst.idx.add.f32.msk $0xffff, v3  }
0x1ec: {  	v4 =	vld.idx.msk [tilespmem:v51+s16+$0x0], $0xffff;
	_ =	sdelay $0x4  }
0x1ed: {  	v4 =	vadd.s32 v45, v4;
	_ =	sdelay $0x4  }
0x1ee: {  	[tilespmem:v4+s17+$0x0] =	vst.idx.add.f32.msk $0xffff, v3  }
0x1ef: {  	v4 =	vld.idx.msk [tilespmem:v52+s16+$0x0], $0xffff;
	_ =	sdelay $0x4  }
0x1f0: {  	v4 =	vadd.s32 v45, v4;
	_ =	sdelay $0x4  }
0x1f1: {  	[tilespmem:v4+s17+$0x0] =	vst.idx.add.f32.msk $0xffff, v3  }
0x1f2: {  	v4 =	vld.idx.msk [tilespmem:v53+s16+$0x0], $0xffff;
	_ =	sdelay $0x4  }
0x1f3: {  	v4 =	vadd.s32 v45, v4;
	_ =	sdelay $0x4  }
0x1f4: {  	[tilespmem:v4+s17+$0x0] =	vst.idx.add.f32.msk $0xffff, v3  }
0x1f5: {  	v4 =	vld.idx.msk [tilespmem:v54+s16+$0x0], $0xffff;
	_ =	sdelay $0x4  }
0x1f6: {  	v4 =	vadd.s32 v45, v4;
	_ =	sdelay $0x4  }
0x1f7: {  	[tilespmem:v4+s17+$0x0] =	vst.idx.add.f32.msk $0xffff, v3  }
0x1f8: {  	v4 =	vld.idx.msk [tilespmem:v55+s16+$0x0], $0xffff;
	_ =	sdelay $0x4  }
0x1f9: {  	v4 =	vadd.s32 v45, v4;
	_ =	sdelay $0x4  }
0x1fa: {  	[tilespmem:v4+s17+$0x0] =	vst.idx.add.f32.msk $0xffff, v3  }
0x1fb: {  	v4 =	vld.idx.msk [tilespmem:v56+s16+$0x0], $0xffff;
	_ =	sdelay $0x4  }
0x1fc: {  	v4 =	vadd.s32 v45, v4;
	_ =	sdelay $0x4  }
0x1fd: {  	[tilespmem:v4+s17+$0x0] =	vst.idx.add.f32.msk $0xffff, v3  }
0x1fe: {  	v4 =	vld.idx.msk [tilespmem:v57+s16+$0x0], $0xffff;
	_ =	sdelay $0x4  }
0x1ff: {  	v4 =	vadd.s32 v45, v4;
	_ =	sdelay $0x4  }
0x200: {  	[tilespmem:v4+s17+$0x0] =	vst.idx.add.f32.msk $0xffff, v3  }
0x201: {  	v4 =	vld.idx.msk [tilespmem:v58+s16+$0x0], $0xffff;
	_ =	sdelay $0x4  }
0x202: {  	v4 =	vadd.s32 v45, v4;
	_ =	sdelay $0x4  }
0x203: {  	[tilespmem:v4+s17+$0x0] =	vst.idx.add.f32.msk $0xffff, v3  }
0x204: {  	v4 =	vld.idx.msk [tilespmem:v59+s16+$0x0], $0xffff;
	_ =	sdelay $0x4  }
0x205: {  	v4 =	vadd.s32 v45, v4;
	_ =	sdelay $0x4  }
0x206: {  	[tilespmem:v4+s17+$0x0] =	vst.idx.add.f32.msk $0xffff, v3  }
0x207: {  	v4 =	vld.idx.msk [tilespmem:v60+s16+$0x0], $0xffff;
	_ =	sdelay $0x4  }
0x208: {  	v4 =	vadd.s32 v45, v4;
	_ =	sdelay $0x4  }
0x209: {  	[tilespmem:v4+s17+$0x0] =	vst.idx.add.f32.msk $0xffff, v3  }
0x20a: {  	v4 =	vld.idx.msk [tilespmem:v61+s16+$0x0], $0xffff;
	_ =	sdelay $0x4  }
0x20b: {  	v4 =	vadd.s32 v45, v4;
	_ =	sdelay $0x4  }
0x20c: {  	[tilespmem:v4+s17+$0x0] =	vst.idx.add.f32.msk $0xffff, v3  }
0x20d: {  	v4 =	vld.idx.msk [tilespmem:v62+s16+$0x0], $0xffff;
	_ =	sdelay $0x4  }
0x20e: {  	v4 =	vadd.s32 v45, v4  }
0x20f: {  	v5 =	vadd.s32 $0x292, v0;
	_ =	sdelay $0x3  }
0x210: {  	[tilespmem:v4+s17+$0x0] =	vst.idx.add.f32.msk $0xffff, v3  }
0x211: {  	v4 =	vld.idx.msk [tilespmem:v5+s16+$0x0], $0xffff;
	_ =	sdelay $0x4  }
0x212: {  	v4 =	vadd.s32 v45, v4  }
0x213: {  	v5 =	vadd.s32 $0x293, v0;
	_ =	sdelay $0x3  }
0x214: {  	[tilespmem:v4+s17+$0x0] =	vst.idx.add.f32.msk $0xffff, v3  }
0x215: {  	v4 =	vld.idx.msk [tilespmem:v5+s16+$0x0], $0xffff;
	_ =	sdelay $0x4  }
0x216: {  	v4 =	vadd.s32 v45, v4  }
0x217: {  	v5 =	vadd.s32 $0x3C0, v0;
	_ =	sdelay $0x3  }
0x218: {  	[tilespmem:v4+s17+$0x0] =	vst.idx.add.f32.msk $0xffff, v3  }
0x219: {  	v4 =	vld.idx.msk [tilespmem:v5+s16+$0x0], $0xffff;
	_ =	sdelay $0x3  }
0x21a: {  	v5 =	vor.u32 $0x600, v2  }
0x21b: {  	v4 =	vadd.s32 v5, v4  }
0x21c: {  	v10 =	vadd.s32 $0x3C1, v0;
	_ =	sdelay $0x3  }
0x21d: {  	[tilespmem:v4+s17+$0x0] =	vst.idx.add.f32.msk $0xffff, v3  }
0x21e: {  	v4 =	vld.idx.msk [tilespmem:v10+s16+$0x0], $0xffff;
	_ =	sdelay $0x4  }
0x21f: {  	v4 =	vadd.s32 v5, v4  }
0x220: {  	v11 =	vadd.s32 $0x3C2, v0;
	_ =	sdelay $0x3  }
0x221: {  	[tilespmem:v4+s17+$0x0] =	vst.idx.add.f32.msk $0xffff, v3  }
0x222: {  	v4 =	vld.idx.msk [tilespmem:v11+s16+$0x0], $0xffff;
	_ =	sdelay $0x4  }
0x223: {  	v4 =	vadd.s32 v5, v4  }
0x224: {  	v12 =	vadd.s32 $0x3C3, v0;
	_ =	sdelay $0x3  }
0x225: {  	[tilespmem:v4+s17+$0x0] =	vst.idx.add.f32.msk $0xffff, v3  }
0x226: {  	v4 =	vld.idx.msk [tilespmem:v12+s16+$0x0], $0xffff;
	_ =	sdelay $0x4  }
0x227: {  	v4 =	vadd.s32 v5, v4  }
0x228: {  	v13 =	vadd.s32 $0x3C4, v0;
	_ =	sdelay $0x3  }
0x229: {  	[tilespmem:v4+s17+$0x0] =	vst.idx.add.f32.msk $0xffff, v3  }
0x22a: {  	v4 =	vld.idx.msk [tilespmem:v13+s16+$0x0], $0xffff;
	_ =	sdelay $0x4  }
0x22b: {  	v4 =	vadd.s32 v5, v4  }
0x22c: {  	v14 =	vadd.s32 $0x3C5, v0;
	_ =	sdelay $0x3  }
0x22d: {  	[tilespmem:v4+s17+$0x0] =	vst.idx.add.f32.msk $0xffff, v3  }
0x22e: {  	v4 =	vld.idx.msk [tilespmem:v14+s16+$0x0], $0xffff;
	_ =	sdelay $0x4  }
0x22f: {  	v4 =	vadd.s32 v5, v4  }
0x230: {  	v15 =	vadd.s32 $0x3C6, v0;
	_ =	sdelay $0x3  }
0x231: {  	[tilespmem:v4+s17+$0x0] =	vst.idx.add.f32.msk $0xffff, v3  }
0x232: {  	v4 =	vld.idx.msk [tilespmem:v15+s16+$0x0], $0xffff;
	_ =	sdelay $0x4  }
0x233: {  	v4 =	vadd.s32 v5, v4  }
0x234: {  	v63 =	vadd.s32 $0x3C7, v0;
	_ =	sdelay $0x3  }
0x235: {  	[tilespmem:v4+s17+$0x0] =	vst.idx.add.f32.msk $0xffff, v3  }
0x236: {  	v4 =	vld.idx.msk [tilespmem:v63+s16+$0x0], $0xffff;
	_ =	sdelay $0x4  }
0x237: {  	v4 =	vadd.s32 v5, v4  }
0x238: {  	v9 =	vadd.s32 $0x3C8, v0;
	_ =	sdelay $0x3  }
0x239: {  	[tilespmem:v4+s17+$0x0] =	vst.idx.add.f32.msk $0xffff, v3  }
0x23a: {  	v4 =	vld.idx.msk [tilespmem:v9+s16+$0x0], $0xffff;
	_ =	sdelay $0x4  }
0x23b: {  	v4 =	vadd.s32 v5, v4  }
0x23c: {  	v10 =	vadd.s32 $0x3C9, v0;
	_ =	sdelay $0x3  }
0x23d: {  	[tilespmem:v4+s17+$0x0] =	vst.idx.add.f32.msk $0xffff, v3  }
0x23e: {  	v4 =	vld.idx.msk [tilespmem:v10+s16+$0x0], $0xffff;
	_ =	sdelay $0x4  }
0x23f: {  	v4 =	vadd.s32 v5, v4  }
0x240: {  	v11 =	vadd.s32 $0x3CA, v0;
	_ =	sdelay $0x3  }
0x241: {  	[tilespmem:v4+s17+$0x0] =	vst.idx.add.f32.msk $0xffff, v3  }
0x242: {  	v4 =	vld.idx.msk [tilespmem:v11+s16+$0x0], $0xffff;
	_ =	sdelay $0x4  }
0x243: {  	v4 =	vadd.s32 v5, v4  }
0x244: {  	v12 =	vadd.s32 $0x3CB, v0;
	_ =	sdelay $0x3  }
0x245: {  	[tilespmem:v4+s17+$0x0] =	vst.idx.add.f32.msk $0xffff, v3  }
0x246: {  	v4 =	vld.idx.msk [tilespmem:v12+s16+$0x0], $0xffff;
	_ =	sdelay $0x4  }
0x247: {  	v4 =	vadd.s32 v5, v4  }
0x248: {  	v13 =	vadd.s32 $0x3CC, v0;
	_ =	sdelay $0x3  }
0x249: {  	[tilespmem:v4+s17+$0x0] =	vst.idx.add.f32.msk $0xffff, v3  }
0x24a: {  	v4 =	vld.idx.msk [tilespmem:v13+s16+$0x0], $0xffff;
	_ =	sdelay $0x4  }
0x24b: {  	v4 =	vadd.s32 v5, v4  }
0x24c: {  	v14 =	vadd.s32 $0x3CD, v0;
	_ =	sdelay $0x3  }
0x24d: {  	[tilespmem:v4+s17+$0x0] =	vst.idx.add.f32.msk $0xffff, v3  }
0x24e: {  	v4 =	vld.idx.msk [tilespmem:v14+s16+$0x0], $0xffff;
	_ =	sdelay $0x4  }
0x24f: {  	v4 =	vadd.s32 v5, v4  }
0x250: {  	v15 =	vadd.s32 $0x3CE, v0;
	_ =	sdelay $0x3  }
0x251: {  	[tilespmem:v4+s17+$0x0] =	vst.idx.add.f32.msk $0xffff, v3  }
0x252: {  	v4 =	vld.idx.msk [tilespmem:v15+s16+$0x0], $0xffff;
	_ =	sdelay $0x4  }
0x253: {  	v4 =	vadd.s32 v5, v4  }
0x254: {  	v63 =	vadd.s32 $0x3CF, v0;
	_ =	sdelay $0x3  }
0x255: {  	[tilespmem:v4+s17+$0x0] =	vst.idx.add.f32.msk $0xffff, v3  }
0x256: {  	v4 =	vld.idx.msk [tilespmem:v63+s16+$0x0], $0xffff;
	_ =	sdelay $0x4  }
0x257: {  	v4 =	vadd.s32 v5, v4  }
0x258: {  	v9 =	vadd.s32 $0x3D0, v0;
	_ =	sdelay $0x3  }
0x259: {  	[tilespmem:v4+s17+$0x0] =	vst.idx.add.f32.msk $0xffff, v3  }
0x25a: {  	v4 =	vld.idx.msk [tilespmem:v9+s16+$0x0], $0xffff;
	_ =	sdelay $0x4  }
0x25b: {  	v4 =	vadd.s32 v5, v4  }
0x25c: {  	v10 =	vadd.s32 $0x3D1, v0;
	_ =	sdelay $0x3  }
0x25d: {  	[tilespmem:v4+s17+$0x0] =	vst.idx.add.f32.msk $0xffff, v3  }
0x25e: {  	v4 =	vld.idx.msk [tilespmem:v10+s16+$0x0], $0xffff;
	_ =	sdelay $0x4  }
0x25f: {  	v4 =	vadd.s32 v5, v4  }
0x260: {  	v11 =	vadd.s32 $0x3D2, v0;
	_ =	sdelay $0x3  }
0x261: {  	[tilespmem:v4+s17+$0x0] =	vst.idx.add.f32.msk $0xffff, v3  }
0x262: {  	v4 =	vld.idx.msk [tilespmem:v11+s16+$0x0], $0xffff;
	_ =	sdelay $0x4  }
0x263: {  	v4 =	vadd.s32 v5, v4  }
0x264: {  	v12 =	vadd.s32 $0x3D3, v0;
	_ =	sdelay $0x3  }
0x265: {  	[tilespmem:v4+s17+$0x0] =	vst.idx.add.f32.msk $0xffff, v3  }
0x266: {  	v4 =	vld.idx.msk [tilespmem:v12+s16+$0x0], $0xffff;
	_ =	sdelay $0x4  }
0x267: {  	v4 =	vadd.s32 v5, v4  }
0x268: {  	v5 =	vadd.s32 $0x500, v0;
	_ =	sdelay $0x3  }
0x269: {  	[tilespmem:v4+s17+$0x0] =	vst.idx.add.f32.msk $0xffff, v3  }
0x26a: {  	v4 =	vld.idx.msk [tilespmem:v5+s16+$0x0], $0xffff;
	_ =	sdelay $0x3  }
0x26b: {  	v5 =	vor.u32 $0x800, v2  }
0x26c: {  	v4 =	vadd.s32 v5, v4  }
0x26d: {  	v13 =	vadd.s32 $0x501, v0;
	_ =	sdelay $0x3  }
0x26e: {  	[tilespmem:v4+s17+$0x0] =	vst.idx.add.f32.msk $0xffff, v3  }
0x26f: {  	v4 =	vld.idx.msk [tilespmem:v13+s16+$0x0], $0xffff;
	_ =	sdelay $0x4  }
0x270: {  	v4 =	vadd.s32 v5, v4  }
0x271: {  	v14 =	vadd.s32 $0x502, v0;
	_ =	sdelay $0x3  }
0x272: {  	[tilespmem:v4+s17+$0x0] =	vst.idx.add.f32.msk $0xffff, v3  }
0x273: {  	v4 =	vld.idx.msk [tilespmem:v14+s16+$0x0], $0xffff;
	_ =	sdelay $0x4  }
0x274: {  	v4 =	vadd.s32 v5, v4  }
0x275: {  	v15 =	vadd.s32 $0x503, v0;
	_ =	sdelay $0x3  }
0x276: {  	[tilespmem:v4+s17+$0x0] =	vst.idx.add.f32.msk $0xffff, v3  }
0x277: {  	v4 =	vld.idx.msk [tilespmem:v15+s16+$0x0], $0xffff;
	_ =	sdelay $0x4  }
0x278: {  	v4 =	vadd.s32 v5, v4  }
0x279: {  	v63 =	vadd.s32 $0x504, v0;
	_ =	sdelay $0x3  }
0x27a: {  	[tilespmem:v4+s17+$0x0] =	vst.idx.add.f32.msk $0xffff, v3  }
0x27b: {  	v4 =	vld.idx.msk [tilespmem:v63+s16+$0x0], $0xffff;
	_ =	sdelay $0x4  }
0x27c: {  	v4 =	vadd.s32 v5, v4  }
0x27d: {  	v9 =	vadd.s32 $0x505, v0;
	_ =	sdelay $0x3  }
0x27e: {  	[tilespmem:v4+s17+$0x0] =	vst.idx.add.f32.msk $0xffff, v3  }
0x27f: {  	v4 =	vld.idx.msk [tilespmem:v9+s16+$0x0], $0xffff;
	_ =	sdelay $0x4  }
0x280: {  	v4 =	vadd.s32 v5, v4  }
0x281: {  	v10 =	vadd.s32 $0x506, v0;
	_ =	sdelay $0x3  }
0x282: {  	[tilespmem:v4+s17+$0x0] =	vst.idx.add.f32.msk $0xffff, v3  }
0x283: {  	v4 =	vld.idx.msk [tilespmem:v10+s16+$0x0], $0xffff;
	_ =	sdelay $0x4  }
0x284: {  	v4 =	vadd.s32 v5, v4  }
0x285: {  	v11 =	vadd.s32 $0x507, v0;
	_ =	sdelay $0x3  }
0x286: {  	[tilespmem:v4+s17+$0x0] =	vst.idx.add.f32.msk $0xffff, v3  }
0x287: {  	v4 =	vld.idx.msk [tilespmem:v11+s16+$0x0], $0xffff;
	_ =	sdelay $0x4  }
0x288: {  	v4 =	vadd.s32 v5, v4  }
0x289: {  	v12 =	vadd.s32 $0x508, v0;
	_ =	sdelay $0x3  }
0x28a: {  	[tilespmem:v4+s17+$0x0] =	vst.idx.add.f32.msk $0xffff, v3  }
0x28b: {  	v4 =	vld.idx.msk [tilespmem:v12+s16+$0x0], $0xffff;
	_ =	sdelay $0x4  }
0x28c: {  	v4 =	vadd.s32 v5, v4  }
0x28d: {  	v13 =	vadd.s32 $0x509, v0;
	_ =	sdelay $0x3  }
0x28e: {  	[tilespmem:v4+s17+$0x0] =	vst.idx.add.f32.msk $0xffff, v3  }
0x28f: {  	v4 =	vld.idx.msk [tilespmem:v13+s16+$0x0], $0xffff;
	_ =	sdelay $0x4  }
0x290: {  	v4 =	vadd.s32 v5, v4  }
0x291: {  	v14 =	vadd.s32 $0x50A, v0;
	_ =	sdelay $0x3  }
0x292: {  	[tilespmem:v4+s17+$0x0] =	vst.idx.add.f32.msk $0xffff, v3  }
0x293: {  	v4 =	vld.idx.msk [tilespmem:v14+s16+$0x0], $0xffff;
	_ =	sdelay $0x4  }
0x294: {  	v4 =	vadd.s32 v5, v4  }
0x295: {  	v15 =	vadd.s32 $0x50B, v0;
	_ =	sdelay $0x3  }
0x296: {  	[tilespmem:v4+s17+$0x0] =	vst.idx.add.f32.msk $0xffff, v3  }
0x297: {  	v4 =	vld.idx.msk [tilespmem:v15+s16+$0x0], $0xffff;
	_ =	sdelay $0x4  }
0x298: {  	v4 =	vadd.s32 v5, v4  }
0x299: {  	v63 =	vadd.s32 $0x50C, v0;
	_ =	sdelay $0x3  }
0x29a: {  	[tilespmem:v4+s17+$0x0] =	vst.idx.add.f32.msk $0xffff, v3  }
0x29b: {  	v4 =	vld.idx.msk [tilespmem:v63+s16+$0x0], $0xffff;
	_ =	sdelay $0x4  }
0x29c: {  	v4 =	vadd.s32 v5, v4  }
0x29d: {  	v9 =	vadd.s32 $0x50D, v0;
	_ =	sdelay $0x3  }
0x29e: {  	[tilespmem:v4+s17+$0x0] =	vst.idx.add.f32.msk $0xffff, v3  }
0x29f: {  	v4 =	vld.idx.msk [tilespmem:v9+s16+$0x0], $0xffff;
	_ =	sdelay $0x4  }
0x2a0: {  	v4 =	vadd.s32 v5, v4  }
0x2a1: {  	v10 =	vadd.s32 $0x50E, v0;
	_ =	sdelay $0x3  }
0x2a2: {  	[tilespmem:v4+s17+$0x0] =	vst.idx.add.f32.msk $0xffff, v3  }
0x2a3: {  	v4 =	vld.idx.msk [tilespmem:v10+s16+$0x0], $0xffff;
	_ =	sdelay $0x4  }
0x2a4: {  	v4 =	vadd.s32 v5, v4  }
0x2a5: {  	v11 =	vadd.s32 $0x50F, v0;
	_ =	sdelay $0x3  }
0x2a6: {  	[tilespmem:v4+s17+$0x0] =	vst.idx.add.f32.msk $0xffff, v3  }
0x2a7: {  	v4 =	vld.idx.msk [tilespmem:v11+s16+$0x0], $0xffff;
	_ =	sdelay $0x4  }
0x2a8: {  	v4 =	vadd.s32 v5, v4  }
0x2a9: {  	v12 =	vadd.s32 $0x510, v0;
	_ =	sdelay $0x3  }
0x2aa: {  	[tilespmem:v4+s17+$0x0] =	vst.idx.add.f32.msk $0xffff, v3  }
0x2ab: {  	v4 =	vld.idx.msk [tilespmem:v12+s16+$0x0], $0xffff;
	_ =	sdelay $0x4  }
0x2ac: {  	v4 =	vadd.s32 v5, v4  }
0x2ad: {  	v13 =	vadd.s32 $0x511, v0;
	_ =	sdelay $0x3  }
0x2ae: {  	[tilespmem:v4+s17+$0x0] =	vst.idx.add.f32.msk $0xffff, v3  }
0x2af: {  	v4 =	vld.idx.msk [tilespmem:v13+s16+$0x0], $0xffff;
	_ =	sdelay $0x4  }
0x2b0: {  	v4 =	vadd.s32 v5, v4  }
0x2b1: {  	v14 =	vadd.s32 $0x512, v0;
	_ =	sdelay $0x3  }
0x2b2: {  	[tilespmem:v4+s17+$0x0] =	vst.idx.add.f32.msk $0xffff, v3  }
0x2b3: {  	v4 =	vld.idx.msk [tilespmem:v14+s16+$0x0], $0xffff;
	_ =	sdelay $0x4  }
0x2b4: {  	v4 =	vadd.s32 v5, v4  }
0x2b5: {  	v15 =	vadd.s32 $0x513, v0;
	_ =	sdelay $0x3  }
0x2b6: {  	[tilespmem:v4+s17+$0x0] =	vst.idx.add.f32.msk $0xffff, v3  }
0x2b7: {  	v4 =	vld.idx.msk [tilespmem:v15+s16+$0x0], $0xffff;
	_ =	sdelay $0x4  }
0x2b8: {  	v4 =	vadd.s32 v5, v4  }
0x2b9: {  	v5 =	vadd.s32 $0x640, v0;
	_ =	sdelay $0x3  }
0x2ba: {  	[tilespmem:v4+s17+$0x0] =	vst.idx.add.f32.msk $0xffff, v3  }
0x2bb: {  	v4 =	vld.idx.msk [tilespmem:v5+s16+$0x0], $0xffff;
	_ =	sdelay $0x3  }
0x2bc: {  	v5 =	vor.u32 $0xA00, v2  }
0x2bd: {  	v4 =	vadd.s32 v5, v4  }
0x2be: {  	v63 =	vadd.s32 $0x641, v0;
	_ =	sdelay $0x3  }
0x2bf: {  	[tilespmem:v4+s17+$0x0] =	vst.idx.add.f32.msk $0xffff, v3  }
0x2c0: {  	v4 =	vld.idx.msk [tilespmem:v63+s16+$0x0], $0xffff;
	_ =	sdelay $0x4  }
0x2c1: {  	v4 =	vadd.s32 v5, v4  }
0x2c2: {  	v9 =	vadd.s32 $0x642, v0;
	_ =	sdelay $0x3  }
0x2c3: {  	[tilespmem:v4+s17+$0x0] =	vst.idx.add.f32.msk $0xffff, v3  }
0x2c4: {  	v4 =	vld.idx.msk [tilespmem:v9+s16+$0x0], $0xffff;
	_ =	sdelay $0x4  }
0x2c5: {  	v4 =	vadd.s32 v5, v4  }
0x2c6: {  	v10 =	vadd.s32 $0x643, v0;
	_ =	sdelay $0x3  }
0x2c7: {  	[tilespmem:v4+s17+$0x0] =	vst.idx.add.f32.msk $0xffff, v3  }
0x2c8: {  	v4 =	vld.idx.msk [tilespmem:v10+s16+$0x0], $0xffff;
	_ =	sdelay $0x4  }
0x2c9: {  	v4 =	vadd.s32 v5, v4  }
0x2ca: {  	v11 =	vadd.s32 $0x644, v0;
	_ =	sdelay $0x3  }
0x2cb: {  	[tilespmem:v4+s17+$0x0] =	vst.idx.add.f32.msk $0xffff, v3  }
0x2cc: {  	v4 =	vld.idx.msk [tilespmem:v11+s16+$0x0], $0xffff;
	_ =	sdelay $0x4  }
0x2cd: {  	v4 =	vadd.s32 v5, v4  }
0x2ce: {  	v12 =	vadd.s32 $0x645, v0;
	_ =	sdelay $0x3  }
0x2cf: {  	[tilespmem:v4+s17+$0x0] =	vst.idx.add.f32.msk $0xffff, v3  }
0x2d0: {  	v4 =	vld.idx.msk [tilespmem:v12+s16+$0x0], $0xffff;
	_ =	sdelay $0x4  }
0x2d1: {  	v4 =	vadd.s32 v5, v4  }
0x2d2: {  	v13 =	vadd.s32 $0x646, v0;
	_ =	sdelay $0x3  }
0x2d3: {  	[tilespmem:v4+s17+$0x0] =	vst.idx.add.f32.msk $0xffff, v3  }
0x2d4: {  	v4 =	vld.idx.msk [tilespmem:v13+s16+$0x0], $0xffff;
	_ =	sdelay $0x4  }
0x2d5: {  	v4 =	vadd.s32 v5, v4  }
0x2d6: {  	v14 =	vadd.s32 $0x647, v0;
	_ =	sdelay $0x3  }
0x2d7: {  	[tilespmem:v4+s17+$0x0] =	vst.idx.add.f32.msk $0xffff, v3  }
0x2d8: {  	v4 =	vld.idx.msk [tilespmem:v14+s16+$0x0], $0xffff;
	_ =	sdelay $0x4  }
0x2d9: {  	v4 =	vadd.s32 v5, v4  }
0x2da: {  	v15 =	vadd.s32 $0x648, v0;
	_ =	sdelay $0x3  }
0x2db: {  	[tilespmem:v4+s17+$0x0] =	vst.idx.add.f32.msk $0xffff, v3  }
0x2dc: {  	v4 =	vld.idx.msk [tilespmem:v15+s16+$0x0], $0xffff;
	_ =	sdelay $0x4  }
0x2dd: {  	v4 =	vadd.s32 v5, v4  }
0x2de: {  	v63 =	vadd.s32 $0x649, v0;
	_ =	sdelay $0x3  }
0x2df: {  	[tilespmem:v4+s17+$0x0] =	vst.idx.add.f32.msk $0xffff, v3  }
0x2e0: {  	v4 =	vld.idx.msk [tilespmem:v63+s16+$0x0], $0xffff;
	_ =	sdelay $0x4  }
0x2e1: {  	v4 =	vadd.s32 v5, v4  }
0x2e2: {  	v9 =	vadd.s32 $0x64A, v0;
	_ =	sdelay $0x3  }
0x2e3: {  	[tilespmem:v4+s17+$0x0] =	vst.idx.add.f32.msk $0xffff, v3  }
0x2e4: {  	v4 =	vld.idx.msk [tilespmem:v9+s16+$0x0], $0xffff;
	_ =	sdelay $0x4  }
0x2e5: {  	v4 =	vadd.s32 v5, v4  }
0x2e6: {  	v10 =	vadd.s32 $0x64B, v0;
	_ =	sdelay $0x3  }
0x2e7: {  	[tilespmem:v4+s17+$0x0] =	vst.idx.add.f32.msk $0xffff, v3  }
0x2e8: {  	v4 =	vld.idx.msk [tilespmem:v10+s16+$0x0], $0xffff;
	_ =	sdelay $0x4  }
0x2e9: {  	v4 =	vadd.s32 v5, v4  }
0x2ea: {  	v11 =	vadd.s32 $0x64C, v0;
	_ =	sdelay $0x3  }
0x2eb: {  	[tilespmem:v4+s17+$0x0] =	vst.idx.add.f32.msk $0xffff, v3  }
0x2ec: {  	v4 =	vld.idx.msk [tilespmem:v11+s16+$0x0], $0xffff;
	_ =	sdelay $0x4  }
0x2ed: {  	v4 =	vadd.s32 v5, v4  }
0x2ee: {  	v12 =	vadd.s32 $0x64D, v0;
	_ =	sdelay $0x3  }
0x2ef: {  	[tilespmem:v4+s17+$0x0] =	vst.idx.add.f32.msk $0xffff, v3  }
0x2f0: {  	v4 =	vld.idx.msk [tilespmem:v12+s16+$0x0], $0xffff;
	_ =	sdelay $0x4  }
0x2f1: {  	v4 =	vadd.s32 v5, v4  }
0x2f2: {  	v13 =	vadd.s32 $0x64E, v0;
	_ =	sdelay $0x3  }
0x2f3: {  	[tilespmem:v4+s17+$0x0] =	vst.idx.add.f32.msk $0xffff, v3  }
0x2f4: {  	v4 =	vld.idx.msk [tilespmem:v13+s16+$0x0], $0xffff;
	_ =	sdelay $0x4  }
0x2f5: {  	v4 =	vadd.s32 v5, v4  }
0x2f6: {  	v14 =	vadd.s32 $0x64F, v0;
	_ =	sdelay $0x3  }
0x2f7: {  	[tilespmem:v4+s17+$0x0] =	vst.idx.add.f32.msk $0xffff, v3  }
0x2f8: {  	v4 =	vld.idx.msk [tilespmem:v14+s16+$0x0], $0xffff;
	_ =	sdelay $0x4  }
0x2f9: {  	v4 =	vadd.s32 v5, v4  }
0x2fa: {  	v15 =	vadd.s32 $0x650, v0;
	_ =	sdelay $0x3  }
0x2fb: {  	[tilespmem:v4+s17+$0x0] =	vst.idx.add.f32.msk $0xffff, v3  }
0x2fc: {  	v4 =	vld.idx.msk [tilespmem:v15+s16+$0x0], $0xffff;
	_ =	sdelay $0x4  }
0x2fd: {  	v4 =	vadd.s32 v5, v4  }
0x2fe: {  	v63 =	vadd.s32 $0x651, v0;
	_ =	sdelay $0x3  }
0x2ff: {  	[tilespmem:v4+s17+$0x0] =	vst.idx.add.f32.msk $0xffff, v3  }
0x300: {  	v4 =	vld.idx.msk [tilespmem:v63+s16+$0x0], $0xffff;
	_ =	sdelay $0x4  }
0x301: {  	v4 =	vadd.s32 v5, v4  }
0x302: {  	v9 =	vadd.s32 $0x652, v0;
	_ =	sdelay $0x3  }
0x303: {  	[tilespmem:v4+s17+$0x0] =	vst.idx.add.f32.msk $0xffff, v3  }
0x304: {  	v4 =	vld.idx.msk [tilespmem:v9+s16+$0x0], $0xffff;
	_ =	sdelay $0x4  }
0x305: {  	v4 =	vadd.s32 v5, v4  }
0x306: {  	v10 =	vadd.s32 $0x653, v0;
	_ =	sdelay $0x3  }
0x307: {  	[tilespmem:v4+s17+$0x0] =	vst.idx.add.f32.msk $0xffff, v3  }
0x308: {  	v4 =	vld.idx.msk [tilespmem:v10+s16+$0x0], $0xffff;
	_ =	sdelay $0x4  }
0x309: {  	v4 =	vadd.s32 v5, v4  }
0x30a: {  	v5 =	vadd.s32 $0x780, v0;
	_ =	sdelay $0x3  }
0x30b: {  	[tilespmem:v4+s17+$0x0] =	vst.idx.add.f32.msk $0xffff, v3  }
0x30c: {  	v4 =	vld.idx.msk [tilespmem:v5+s16+$0x0], $0xffff;
	_ =	sdelay $0x3  }
0x30d: {  	v5 =	vor.u32 $0xC00, v2  }
0x30e: {  	v4 =	vadd.s32 v5, v4  }
0x30f: {  	v11 =	vadd.s32 $0x781, v0;
	_ =	sdelay $0x3  }
0x310: {  	[tilespmem:v4+s17+$0x0] =	vst.idx.add.f32.msk $0xffff, v3  }
0x311: {  	v4 =	vld.idx.msk [tilespmem:v11+s16+$0x0], $0xffff;
	_ =	sdelay $0x4  }
0x312: {  	v4 =	vadd.s32 v5, v4  }
0x313: {  	v12 =	vadd.s32 $0x782, v0;
	_ =	sdelay $0x3  }
0x314: {  	[tilespmem:v4+s17+$0x0] =	vst.idx.add.f32.msk $0xffff, v3  }
0x315: {  	v4 =	vld.idx.msk [tilespmem:v12+s16+$0x0], $0xffff;
	_ =	sdelay $0x4  }
0x316: {  	v4 =	vadd.s32 v5, v4  }
0x317: {  	v13 =	vadd.s32 $0x783, v0;
	_ =	sdelay $0x3  }
0x318: {  	[tilespmem:v4+s17+$0x0] =	vst.idx.add.f32.msk $0xffff, v3  }
0x319: {  	v4 =	vld.idx.msk [tilespmem:v13+s16+$0x0], $0xffff;
	_ =	sdelay $0x4  }
0x31a: {  	v4 =	vadd.s32 v5, v4  }
0x31b: {  	v14 =	vadd.s32 $0x784, v0;
	_ =	sdelay $0x3  }
0x31c: {  	[tilespmem:v4+s17+$0x0] =	vst.idx.add.f32.msk $0xffff, v3  }
0x31d: {  	v4 =	vld.idx.msk [tilespmem:v14+s16+$0x0], $0xffff;
	_ =	sdelay $0x4  }
0x31e: {  	v4 =	vadd.s32 v5, v4  }
0x31f: {  	v15 =	vadd.s32 $0x785, v0;
	_ =	sdelay $0x3  }
0x320: {  	[tilespmem:v4+s17+$0x0] =	vst.idx.add.f32.msk $0xffff, v3  }
0x321: {  	v4 =	vld.idx.msk [tilespmem:v15+s16+$0x0], $0xffff;
	_ =	sdelay $0x4  }
0x322: {  	v4 =	vadd.s32 v5, v4  }
0x323: {  	v63 =	vadd.s32 $0x786, v0;
	_ =	sdelay $0x3  }
0x324: {  	[tilespmem:v4+s17+$0x0] =	vst.idx.add.f32.msk $0xffff, v3  }
0x325: {  	v4 =	vld.idx.msk [tilespmem:v63+s16+$0x0], $0xffff;
	_ =	sdelay $0x4  }
0x326: {  	v4 =	vadd.s32 v5, v4  }
0x327: {  	v9 =	vadd.s32 $0x787, v0;
	_ =	sdelay $0x3  }
0x328: {  	[tilespmem:v4+s17+$0x0] =	vst.idx.add.f32.msk $0xffff, v3  }
0x329: {  	v4 =	vld.idx.msk [tilespmem:v9+s16+$0x0], $0xffff;
	_ =	sdelay $0x4  }
0x32a: {  	v4 =	vadd.s32 v5, v4  }
0x32b: {  	v10 =	vadd.s32 $0x788, v0;
	_ =	sdelay $0x3  }
0x32c: {  	[tilespmem:v4+s17+$0x0] =	vst.idx.add.f32.msk $0xffff, v3  }
0x32d: {  	v4 =	vld.idx.msk [tilespmem:v10+s16+$0x0], $0xffff;
	_ =	sdelay $0x4  }
0x32e: {  	v4 =	vadd.s32 v5, v4  }
0x32f: {  	v11 =	vadd.s32 $0x789, v0;
	_ =	sdelay $0x3  }
0x330: {  	[tilespmem:v4+s17+$0x0] =	vst.idx.add.f32.msk $0xffff, v3  }
0x331: {  	v4 =	vld.idx.msk [tilespmem:v11+s16+$0x0], $0xffff;
	_ =	sdelay $0x4  }
0x332: {  	v4 =	vadd.s32 v5, v4  }
0x333: {  	v12 =	vadd.s32 $0x78A, v0;
	_ =	sdelay $0x3  }
0x334: {  	[tilespmem:v4+s17+$0x0] =	vst.idx.add.f32.msk $0xffff, v3  }
0x335: {  	v4 =	vld.idx.msk [tilespmem:v12+s16+$0x0], $0xffff;
	_ =	sdelay $0x4  }
0x336: {  	v4 =	vadd.s32 v5, v4  }
0x337: {  	v13 =	vadd.s32 $0x78B, v0;
	_ =	sdelay $0x3  }
0x338: {  	[tilespmem:v4+s17+$0x0] =	vst.idx.add.f32.msk $0xffff, v3  }
0x339: {  	v4 =	vld.idx.msk [tilespmem:v13+s16+$0x0], $0xffff;
	_ =	sdelay $0x4  }
0x33a: {  	v4 =	vadd.s32 v5, v4  }
0x33b: {  	v14 =	vadd.s32 $0x78C, v0;
	_ =	sdelay $0x3  }
0x33c: {  	[tilespmem:v4+s17+$0x0] =	vst.idx.add.f32.msk $0xffff, v3  }
0x33d: {  	v4 =	vld.idx.msk [tilespmem:v14+s16+$0x0], $0xffff;
	_ =	sdelay $0x4  }
0x33e: {  	v4 =	vadd.s32 v5, v4  }
0x33f: {  	v15 =	vadd.s32 $0x78D, v0;
	_ =	sdelay $0x3  }
0x340: {  	[tilespmem:v4+s17+$0x0] =	vst.idx.add.f32.msk $0xffff, v3  }
0x341: {  	v4 =	vld.idx.msk [tilespmem:v15+s16+$0x0], $0xffff;
	_ =	sdelay $0x4  }
0x342: {  	v4 =	vadd.s32 v5, v4  }
0x343: {  	v63 =	vadd.s32 $0x78E, v0;
	_ =	sdelay $0x3  }
0x344: {  	[tilespmem:v4+s17+$0x0] =	vst.idx.add.f32.msk $0xffff, v3  }
0x345: {  	v4 =	vld.idx.msk [tilespmem:v63+s16+$0x0], $0xffff;
	_ =	sdelay $0x4  }
0x346: {  	v4 =	vadd.s32 v5, v4  }
0x347: {  	v9 =	vadd.s32 $0x78F, v0;
	_ =	sdelay $0x3  }
0x348: {  	[tilespmem:v4+s17+$0x0] =	vst.idx.add.f32.msk $0xffff, v3  }
0x349: {  	v4 =	vld.idx.msk [tilespmem:v9+s16+$0x0], $0xffff;
	_ =	sdelay $0x4  }
0x34a: {  	v4 =	vadd.s32 v5, v4  }
0x34b: {  	v10 =	vadd.s32 $0x790, v0;
	_ =	sdelay $0x3  }
0x34c: {  	[tilespmem:v4+s17+$0x0] =	vst.idx.add.f32.msk $0xffff, v3  }
0x34d: {  	v4 =	vld.idx.msk [tilespmem:v10+s16+$0x0], $0xffff;
	_ =	sdelay $0x4  }
0x34e: {  	v4 =	vadd.s32 v5, v4  }
0x34f: {  	v11 =	vadd.s32 $0x791, v0;
	_ =	sdelay $0x3  }
0x350: {  	[tilespmem:v4+s17+$0x0] =	vst.idx.add.f32.msk $0xffff, v3  }
0x351: {  	v4 =	vld.idx.msk [tilespmem:v11+s16+$0x0], $0xffff;
	_ =	sdelay $0x4  }
0x352: {  	v4 =	vadd.s32 v5, v4  }
0x353: {  	v12 =	vadd.s32 $0x792, v0;
	_ =	sdelay $0x3  }
0x354: {  	[tilespmem:v4+s17+$0x0] =	vst.idx.add.f32.msk $0xffff, v3  }
0x355: {  	v4 =	vld.idx.msk [tilespmem:v12+s16+$0x0], $0xffff;
	_ =	sdelay $0x4  }
0x356: {  	v4 =	vadd.s32 v5, v4  }
0x357: {  	v13 =	vadd.s32 $0x793, v0;
	_ =	sdelay $0x3  }
0x358: {  	[tilespmem:v4+s17+$0x0] =	vst.idx.add.f32.msk $0xffff, v3  }
0x359: {  	v4 =	vld.idx.msk [tilespmem:v13+s16+$0x0], $0xffff;
	_ =	sdelay $0x4  }
0x35a: {  	v4 =	vadd.s32 v5, v4  }
0x35b: {  	v5 =	vadd.s32 $0x8C0, v0;
	_ =	sdelay $0x3  }
0x35c: {  	[tilespmem:v4+s17+$0x0] =	vst.idx.add.f32.msk $0xffff, v3  }
0x35d: {  	v4 =	vld.idx.msk [tilespmem:v5+s16+$0x0], $0xffff;
	_ =	sdelay $0x3  }
0x35e: {  	v5 =	vor.u32 $0xE00, v2  }
0x35f: {  	v4 =	vadd.s32 v5, v4  }
0x360: {  	v14 =	vadd.s32 $0x8C1, v0;
	_ =	sdelay $0x3  }
0x361: {  	[tilespmem:v4+s17+$0x0] =	vst.idx.add.f32.msk $0xffff, v3  }
0x362: {  	v4 =	vld.idx.msk [tilespmem:v14+s16+$0x0], $0xffff;
	_ =	sdelay $0x4  }
0x363: {  	v4 =	vadd.s32 v5, v4  }
0x364: {  	v15 =	vadd.s32 $0x8C2, v0;
	_ =	sdelay $0x3  }
0x365: {  	[tilespmem:v4+s17+$0x0] =	vst.idx.add.f32.msk $0xffff, v3  }
0x366: {  	v4 =	vld.idx.msk [tilespmem:v15+s16+$0x0], $0xffff;
	_ =	sdelay $0x4  }
0x367: {  	v4 =	vadd.s32 v5, v4  }
0x368: {  	v63 =	vadd.s32 $0x8C3, v0;
	_ =	sdelay $0x3  }
0x369: {  	[tilespmem:v4+s17+$0x0] =	vst.idx.add.f32.msk $0xffff, v3  }
0x36a: {  	v4 =	vld.idx.msk [tilespmem:v63+s16+$0x0], $0xffff;
	_ =	sdelay $0x4  }
0x36b: {  	v4 =	vadd.s32 v5, v4  }
0x36c: {  	v9 =	vadd.s32 $0x8C4, v0;
	_ =	sdelay $0x3  }
0x36d: {  	[tilespmem:v4+s17+$0x0] =	vst.idx.add.f32.msk $0xffff, v3  }
0x36e: {  	v4 =	vld.idx.msk [tilespmem:v9+s16+$0x0], $0xffff;
	_ =	sdelay $0x4  }
0x36f: {  	v4 =	vadd.s32 v5, v4  }
0x370: {  	v10 =	vadd.s32 $0x8C5, v0;
	_ =	sdelay $0x3  }
0x371: {  	[tilespmem:v4+s17+$0x0] =	vst.idx.add.f32.msk $0xffff, v3  }
0x372: {  	v4 =	vld.idx.msk [tilespmem:v10+s16+$0x0], $0xffff;
	_ =	sdelay $0x4  }
0x373: {  	v4 =	vadd.s32 v5, v4  }
0x374: {  	v11 =	vadd.s32 $0x8C6, v0;
	_ =	sdelay $0x3  }
0x375: {  	[tilespmem:v4+s17+$0x0] =	vst.idx.add.f32.msk $0xffff, v3  }
0x376: {  	v4 =	vld.idx.msk [tilespmem:v11+s16+$0x0], $0xffff;
	_ =	sdelay $0x4  }
0x377: {  	v4 =	vadd.s32 v5, v4  }
0x378: {  	v12 =	vadd.s32 $0x8C7, v0;
	_ =	sdelay $0x3  }
0x379: {  	[tilespmem:v4+s17+$0x0] =	vst.idx.add.f32.msk $0xffff, v3  }
0x37a: {  	v4 =	vld.idx.msk [tilespmem:v12+s16+$0x0], $0xffff;
	_ =	sdelay $0x4  }
0x37b: {  	v4 =	vadd.s32 v5, v4  }
0x37c: {  	v13 =	vadd.s32 $0x8C8, v0;
	_ =	sdelay $0x3  }
0x37d: {  	[tilespmem:v4+s17+$0x0] =	vst.idx.add.f32.msk $0xffff, v3  }
0x37e: {  	v4 =	vld.idx.msk [tilespmem:v13+s16+$0x0], $0xffff;
	_ =	sdelay $0x4  }
0x37f: {  	v4 =	vadd.s32 v5, v4  }
0x380: {  	v14 =	vadd.s32 $0x8C9, v0;
	_ =	sdelay $0x3  }
0x381: {  	[tilespmem:v4+s17+$0x0] =	vst.idx.add.f32.msk $0xffff, v3  }
0x382: {  	v4 =	vld.idx.msk [tilespmem:v14+s16+$0x0], $0xffff;
	_ =	sdelay $0x4  }
0x383: {  	v4 =	vadd.s32 v5, v4  }
0x384: {  	v15 =	vadd.s32 $0x8CA, v0;
	_ =	sdelay $0x3  }
0x385: {  	[tilespmem:v4+s17+$0x0] =	vst.idx.add.f32.msk $0xffff, v3  }
0x386: {  	v4 =	vld.idx.msk [tilespmem:v15+s16+$0x0], $0xffff;
	_ =	sdelay $0x4  }
0x387: {  	v4 =	vadd.s32 v5, v4  }
0x388: {  	v63 =	vadd.s32 $0x8CB, v0;
	_ =	sdelay $0x3  }
0x389: {  	[tilespmem:v4+s17+$0x0] =	vst.idx.add.f32.msk $0xffff, v3  }
0x38a: {  	v4 =	vld.idx.msk [tilespmem:v63+s16+$0x0], $0xffff;
	_ =	sdelay $0x4  }
0x38b: {  	v4 =	vadd.s32 v5, v4  }
0x38c: {  	v9 =	vadd.s32 $0x8CC, v0;
	_ =	sdelay $0x3  }
0x38d: {  	[tilespmem:v4+s17+$0x0] =	vst.idx.add.f32.msk $0xffff, v3  }
0x38e: {  	v4 =	vld.idx.msk [tilespmem:v9+s16+$0x0], $0xffff;
	_ =	sdelay $0x4  }
0x38f: {  	v4 =	vadd.s32 v5, v4  }
0x390: {  	v10 =	vadd.s32 $0x8CD, v0;
	_ =	sdelay $0x3  }
0x391: {  	[tilespmem:v4+s17+$0x0] =	vst.idx.add.f32.msk $0xffff, v3  }
0x392: {  	v4 =	vld.idx.msk [tilespmem:v10+s16+$0x0], $0xffff;
	_ =	sdelay $0x4  }
0x393: {  	v4 =	vadd.s32 v5, v4  }
0x394: {  	v11 =	vadd.s32 $0x8CE, v0;
	_ =	sdelay $0x3  }
0x395: {  	[tilespmem:v4+s17+$0x0] =	vst.idx.add.f32.msk $0xffff, v3  }
0x396: {  	v4 =	vld.idx.msk [tilespmem:v11+s16+$0x0], $0xffff;
	_ =	sdelay $0x4  }
0x397: {  	v4 =	vadd.s32 v5, v4  }
0x398: {  	v12 =	vadd.s32 $0x8CF, v0;
	_ =	sdelay $0x3  }
0x399: {  	[tilespmem:v4+s17+$0x0] =	vst.idx.add.f32.msk $0xffff, v3  }
0x39a: {  	v4 =	vld.idx.msk [tilespmem:v12+s16+$0x0], $0xffff;
	_ =	sdelay $0x4  }
0x39b: {  	v4 =	vadd.s32 v5, v4  }
0x39c: {  	v13 =	vadd.s32 $0x8D0, v0;
	_ =	sdelay $0x3  }
0x39d: {  	[tilespmem:v4+s17+$0x0] =	vst.idx.add.f32.msk $0xffff, v3  }
0x39e: {  	v4 =	vld.idx.msk [tilespmem:v13+s16+$0x0], $0xffff;
	_ =	sdelay $0x4  }
0x39f: {  	v4 =	vadd.s32 v5, v4  }
0x3a0: {  	v14 =	vadd.s32 $0x8D1, v0;
	_ =	sdelay $0x3  }
0x3a1: {  	[tilespmem:v4+s17+$0x0] =	vst.idx.add.f32.msk $0xffff, v3  }
0x3a2: {  	v4 =	vld.idx.msk [tilespmem:v14+s16+$0x0], $0xffff;
	_ =	sdelay $0x4  }
0x3a3: {  	v4 =	vadd.s32 v5, v4  }
0x3a4: {  	v15 =	vadd.s32 $0x8D2, v0;
	_ =	sdelay $0x3  }
0x3a5: {  	[tilespmem:v4+s17+$0x0] =	vst.idx.add.f32.msk $0xffff, v3  }
0x3a6: {  	v4 =	vld.idx.msk [tilespmem:v15+s16+$0x0], $0xffff;
	_ =	sdelay $0x4  }
0x3a7: {  	v4 =	vadd.s32 v5, v4  }
0x3a8: {  	v63 =	vadd.s32 $0x8D3, v0;
	_ =	sdelay $0x3  }
0x3a9: {  	[tilespmem:v4+s17+$0x0] =	vst.idx.add.f32.msk $0xffff, v3  }
0x3aa: {  	v4 =	vld.idx.msk [tilespmem:v63+s16+$0x0], $0xffff;
	_ =	sdelay $0x4  }
0x3ab: {  	v4 =	vadd.s32 v5, v4;
	_ =	sdelay $0x4  }
0x3ac: {  	[tilespmem:v4+s17+$0x0] =	vst.idx.add.f32.msk $0xffff, v3  }
0x3ad: {  	[hbm4b:s5+s2] =	stream.linear.scatter [tilespmem:s17], [sflag:$0x3], $0x1000, $0x38;
	[tilespmem:$0x5B00] =	vst v63  }
0x3ae: {  	_ =	swait.ge [sflag:s12], $0x1000  }
0x3af: {  	[sflag:s12] =	ssyncset.done $0x0  }
0x3b0: {  	[sflag:s12] =	ssyncadd.s32 $0xFFFFF000  }
0x3b1: {  	_ =	swait.ge [sflag:s18], $0x2000  }
0x3b2: {  	[sflag:s18] =	ssyncset.done $0x0  }
0x3b3: {  	[sflag:s18] =	ssyncadd.s32 $0xFFFFE000  }
0x3b4: {  	[hbm4b:s7+s2] =	stream.linear.scatter [tilespmem:s14], [sflag:$0x3], $0x2000, $0x38;
	[tilespmem:$0x5B00] =	vst v63  }
0x3b5: {  	_ =	swait.ge [sflag:s12], $0x2000  }
0x3b6: {  	[sflag:s12] =	ssyncset.done $0x0  }
0x3b7: {  	[sflag:s12] =	ssyncadd.s32 $0xFFFFE000  }
0x3b8: {  	_ =	swait.ge [sflag:s19], $0x2000  }
0x3b9: {  	p0 =	sne.s32 s11, $0x1;
	[sflag:s19] =	ssyncset.done $0x0  }
.Ltmp0:
0x3ba: {  	[sflag:s19] =	ssyncadd.s32 $0xFFFFE000;
	(pc) =	sbr.rel @p0 .LBB2_1-.Ltmp0, $4  }
0x3bb: {  	[hbm4b:s10+s2] =	stream.linear.scatter [tilespmem:s15], [sflag:$0x3], $0x2000, $0x38;
	[tilespmem:$0x5B00] =	vst v63  }
0x3bc: {  	_ =	swait.ge [sflag:s12], $0x2000  }
0x3bd: {  	[sflag:s12] =	ssyncset.done $0x0  }
0x3be: {  	s11 =	sadd.s32 $0xFFFFFFFF, s11;
	[sflag:s12] =	ssyncadd.s32 $0xFFFFE000  }
0x3bf: {  	_ =	sfence.sel $0x180000  }
0x3c0: {  	[bflag:$0x0] =	sbarrier.arrive $0xFFFF  }
0x3c1: {  	p0 =	sne.s32 s1, $0x0;
	_ =	strace $0x90000047  }
0x3c2: {  	s0 =	sadd.s32 @!p0 $0x100000, s0;
	[bflag:$0x2] =	sbarrier.arrive $0xFFFF  }
0x3c3: {  	[sflag:s0] =	ssyncadd.tile.s32 @!p0 $0x1;
	_ =	shalt  }
.Lfunc_end2:
_tile_overlayer_lowered:
.L_overlay_start_2:
0x3c4: {  	(tag) =	ssettag $0x2  }
0x3c5: {  	s0 =	rddreg [dreg:$0x0];
	s2 =	stileid.u32  }
0x3c6: {  	s1 =	rddreg [dreg:$0x1];
	p0 =	sne.s32 s2, $0x0  }
0x3c7: {  	s3 =	rddreg [dreg:$0x2];
	[bflag:$0x3] =	sbarrier.arrive $0xFFFF;
	s2 =	simm.s32 @!p0 $0x1C03  }
0x3c8: {  	[timem:s3], [sflag:s2] =	dma.local @!p0 [hbm:s0], s1  }
0x3c9: {  	s0 =	simm.s32 @!p0 $0x3  }
0x3ca: {  	_ =	swait.ge @!p0 [sflag:s0], s1  }
0x3cb: {  	s1 =	ssub.s32 @!p0 $0x0, s1;
	[sflag:s0] =	ssyncset.done @!p0 $0x0  }
0x3cc: {  	[sflag:s0] =	ssyncadd.s32 @!p0 s1  }
0x3cd: {  	[bflag:$0x3] =	sbarrier.arrive $0xFFFF  }
0x3ce: {  	_ =	shalt  }

</sc_bundles>
